<compile_context>
chip_gen: v7x
topology: tpu7x:2x2x1
jax: 0.10.2.dev20260603
libtpu: 0.0.44.dev20260713+nightly
codegen_flags: <defaults>
</compile_context>

<pallas_src>
import jax
import jax.numpy as jnp
from jax import lax
from jax.experimental import pallas as pl
from jax.experimental.pallas import tpu as pltpu
from jax.experimental.pallas import tpu_sc as plsc

B, L, D = 1024, 20, 64
HOURS = 24 * 7
NC, NS = 2, 16
NW = NC * NS
ROWS = B * L
RPW = ROWS // NW
GCHUNK = 128
NCHUNK = RPW // GCHUNK


def _sc_body(wt_hbm, wl_hbm, wu_hbm, traj_hbm, out_hbm,
             traj_v, uidx_v, lidx_v, tidx_v, acc_v, tmp_v, sem):
    wid = lax.axis_index("s") * NC + lax.axis_index("c")
    base = wid * RPW
    pltpu.sync_copy(traj_hbm.at[pl.ds(base * 3, RPW * 3)], traj_v)

    def split_idx(k, _):
        off = 48 * k + 3 * lax.iota(jnp.int32, 16)
        sl = pl.ds(k * 16, 16)
        uidx_v[sl] = plsc.load_gather(traj_v, [off])
        lidx_v[sl] = plsc.load_gather(traj_v, [off + 1])
        t = plsc.load_gather(traj_v, [off + 2])
        tidx_v[sl] = (t + (HOURS - 1)) % HOURS + 1
        return 0

    lax.fori_loop(0, RPW // 16, split_idx, 0, unroll=4)

    cps = []
    for idx_v, table, dst_v in ((uidx_v, wu_hbm, acc_v),
                                (lidx_v, wl_hbm, tmp_v)):
        for k in range(NCHUNK):
            cps.append(pltpu.async_copy(
                table.at[idx_v.at[pl.ds(k * GCHUNK, GCHUNK)]],
                dst_v.at[pl.ds(k * GCHUNK, GCHUNK), :], sem))
    for cp in cps:
        cp.wait()

    def addrow(r, _):
        for c in range(D // 16):
            sl = pl.ds(c * 16, 16)
            acc_v[r, sl] = acc_v[r, sl] + tmp_v[r, sl]
        return 0

    lax.fori_loop(0, RPW, addrow, 0, unroll=4)

    cps = []
    for k in range(NCHUNK):
        cps.append(pltpu.async_copy(
            wt_hbm.at[tidx_v.at[pl.ds(k * GCHUNK, GCHUNK)]],
            tmp_v.at[pl.ds(k * GCHUNK, GCHUNK), :], sem))
    for cp in cps:
        cp.wait()
    lax.fori_loop(0, RPW, addrow, 0, unroll=4)
    pltpu.sync_copy(acc_v, out_hbm.at[pl.ds(base, RPW)])


def _sc_joint(W_t, W_l, W_u, traj_flat):
    mesh = plsc.VectorSubcoreMesh(core_axis_name="c", subcore_axis_name="s")
    return pl.kernel(
        _sc_body,
        out_type=jax.ShapeDtypeStruct((ROWS, D), jnp.float32),
        mesh=mesh,
        scratch_types=[
            pltpu.VMEM((RPW * 3,), jnp.int32),
            pltpu.VMEM((RPW,), jnp.int32),
            pltpu.VMEM((RPW,), jnp.int32),
            pltpu.VMEM((RPW,), jnp.int32),
            pltpu.VMEM((RPW, D), jnp.float32),
            pltpu.VMEM((RPW, D), jnp.float32),
            pltpu.SemaphoreType.DMA,
        ],
        compiler_params=pltpu.CompilerParams(use_tc_tiling_on_sc=False,
                                             needs_layout_passes=False),
    )(W_t, W_l, W_u, traj_flat)


PB = 40
NB = 256


def _tc_delta_body(len_ref, x_ref, wsu_ref, wsl_ref, wtu_ref, wtl_ref,
                   out_ref):
    wsl = wsl_ref[:, :]
    wsu = wsu_ref[:, :]
    wtl = wtl_ref[:, :]
    wtu = wtu_ref[:, :]
    bas = wsl + wtl
    sv = wsu - wsl
    tv = wtu - wtl
    bas0 = jnp.broadcast_to(bas[:, 0:1], (D, NB))
    bas1 = jnp.broadcast_to(bas[:, 1:2], (D, NB))
    sv0 = jnp.broadcast_to(sv[:, 0:1], (D, NB))
    sv1 = jnp.broadcast_to(sv[:, 1:2], (D, NB))
    tv0 = jnp.broadcast_to(tv[:, 0:1], (D, NB))
    tv1 = jnp.broadcast_to(tv[:, 1:2], (D, NB))

    ln = len_ref[:, :]
    pid = pl.program_id(0)
    for pi in range(PB):
        pg = pid * PB + pi
        i = pg // L
        j = pg - i * L
        m = (i < ln) & (j < ln)
        ds = x_ref[2 * pi:2 * pi + 1, :]
        dt = x_ref[2 * pi + 1:2 * pi + 2, :]
        a = jnp.where(m, bas1, bas0)
        s = jnp.where(m, sv1, sv0)
        t = jnp.where(m, tv1, tv0)
        out_ref[pi, :, :] = a + ds * s + dt * t


def _tc_delta(len2, xt, wsuT, wslT, wtuT, wtlT):
    grid = (L * L // PB, B // NB)
    table_spec = pl.BlockSpec((D, 2), lambda p, b: (0, 0))
    return pl.pallas_call(
        _tc_delta_body,
        grid=grid,
        in_specs=[pl.BlockSpec((1, NB), lambda p, b: (0, b)),
                  pl.BlockSpec((2 * PB, NB), lambda p, b: (p, b)),
                  table_spec, table_spec, table_spec, table_spec],
        out_specs=pl.BlockSpec((PB, D, NB), lambda p, b: (p, 0, b)),
        out_shape=jax.ShapeDtypeStruct((L * L, D, B), jnp.float32),
        compiler_params=pltpu.CompilerParams(
            dimension_semantics=("arbitrary", "arbitrary")),
    )(len2, xt, wsuT, wslT, wtuT, wtlT)


def kernel(traj_input, mat_input, traj_length, W_t, W_l, W_u, W_su, W_sl,
           W_tu, W_tl):
    xt = jnp.transpose(mat_input, (1, 2, 3, 0)).reshape(L * L * 2, B)
    out_t = _tc_delta(traj_length.reshape(1, B), xt,
                      W_su.T, W_sl.T, W_tu.T, W_tl.T)
    delta = jnp.transpose(out_t.reshape(L, L, D, B), (3, 0, 1, 2))

    traj_flat = traj_input.reshape(ROWS * 3)
    joint = _sc_joint(W_t, W_l, W_u, traj_flat).reshape(B, L, D)
    return (joint, delta)

# --- scband reference (transcript-rebuilt; emitter-appended) ---
"""Pipeline reference for scband-ctrmulti-embedding-60696477827085 (READ-ONLY COPY).

The authoritative reference and input builder live on the scoring server;
editing this copy changes nothing except your own understanding.
"""

import jax, jax.numpy as jnp
import numpy as np

B, L, D = 1024, 20, 64
VOCAB = 100000
HOURS = 24 * 7
EX_SU, EX_SL, EX_TU, EX_TL = 1.0, 0.0, 1.0, 0.0


def setup_inputs(seed: int = 0):
    key = jax.random.key(seed)
    ks = jax.random.split(key, 12)
    traj_input = jax.random.randint(ks[0], (B, L, 3), 0, VOCAB)
    mat_input = jax.random.uniform(ks[1], (B, L, L, 2), dtype=jnp.float32)
    traj_length = jax.random.randint(ks[2], (B,), 1, L + 1)
    W_t = jax.random.normal(ks[3], (HOURS + 1, D), jnp.float32) * 0.02
    W_l = jax.random.normal(ks[4], (VOCAB, D), jnp.float32) * 0.02
    W_u = jax.random.normal(ks[5], (VOCAB, D), jnp.float32) * 0.02
    W_su = jax.random.normal(ks[6], (2, D), jnp.float32) * 0.02
    W_sl = jax.random.normal(ks[7], (2, D), jnp.float32) * 0.02
    W_tu = jax.random.normal(ks[8], (2, D), jnp.float32) * 0.02
    W_tl = jax.random.normal(ks[9], (2, D), jnp.float32) * 0.02
    return {"traj_input": traj_input, "mat_input": mat_input, "traj_length": traj_length,
            "W_t": W_t, "W_l": W_l, "W_u": W_u,
            "W_su": W_su, "W_sl": W_sl, "W_tu": W_tu, "W_tl": W_tl}


def reference(traj_input, mat_input, traj_length, W_t, W_l, W_u, W_su, W_sl, W_tu, W_tl):
    time_idx = (traj_input[:, :, 2] - 1) % HOURS + 1
    time_embedding = jnp.take(W_t, time_idx, axis=0)
    location_embedding = jnp.take(W_l, traj_input[:, :, 1], axis=0)
    user_embedding = jnp.take(W_u, traj_input[:, :, 0], axis=0)
    joint_embedding = time_embedding + location_embedding + user_embedding

    delta_spatial = mat_input[:, :, :, 0]
    delta_temporal = mat_input[:, :, :, 1]

    idx = jnp.arange(L)
    valid = idx[None, :] < traj_length[:, None]  # [B, L]
    mask = (valid[:, :, None] & valid[:, None, :]).astype(jnp.int32)  # [B, L, L]

    embedding_sl = jnp.take(W_sl, mask, axis=0)
    embedding_su = jnp.take(W_su, mask, axis=0)
    embedding_tl = jnp.take(W_tl, mask, axis=0)
    embedding_tu = jnp.take(W_tu, mask, axis=0)

    v_sl = (delta_spatial - EX_SL)[..., None]
    v_su = (EX_SU - delta_spatial)[..., None]
    v_tl = (delta_temporal - EX_TL)[..., None]
    v_tu = (EX_TU - delta_temporal)[..., None]

    spatial_interval = (embedding_sl * v_su + embedding_su * v_sl) / (EX_SU - EX_SL)
    temporal_interval = (embedding_tl * v_tu + embedding_tu * v_tl) / (EX_TU - EX_TL)
    delta_embedding = spatial_interval + temporal_interval
    return (joint_embedding, delta_embedding)

if __name__ == "__main__":
    import jax
    _d = setup_inputs()
    print(jax.jit(kernel)(*tuple(_d.values())))

</pallas_src>

<mosaic_0001>
#map = affine_map<(d0, d1) -> (0, 0)>
#map1 = affine_map<(d0, d1) -> (0)>
module attributes {stable_mosaic.version = 14 : i64} {
  func.func @_sc_body(%arg0: i32, %arg1: i32, %arg2: memref<169x64xf32, #tpu.memory_space<hbm>>, %arg3: memref<100000x64xf32, #tpu.memory_space<hbm>>, %arg4: memref<100000x64xf32, #tpu.memory_space<hbm>>, %arg5: memref<61440xi32, #tpu.memory_space<hbm>>, %arg6: memref<20480x64xf32, #tpu.memory_space<hbm>>, %arg7: memref<1920xi32, #tpu.memory_space<vmem>>, %arg8: memref<640xi32, #tpu.memory_space<vmem>>, %arg9: memref<640xi32, #tpu.memory_space<vmem>>, %arg10: memref<640xi32, #tpu.memory_space<vmem>>, %arg11: memref<640x64xf32, #tpu.memory_space<vmem>>, %arg12: memref<640x64xf32, #tpu.memory_space<vmem>>, %arg13: memref<!tpu.dma_semaphore, #tpu.memory_space<semaphore_mem>>) attributes {dimension_semantics = [#tpu.dimension_semantics<core_parallel>, #tpu.dimension_semantics<subcore_parallel>], iteration_bounds = array<i64: 2, 16>, scalar_prefetch = 0 : i64, scratch_operands = 7 : i64, tpu.core_type = #tpu.core_type<sc_vector_subcore>, window_params = [{transform_indices = #map}, {transform_indices = #map}, {transform_indices = #map}, {transform_indices = #map1}, {transform_indices = #map}]} {
    %mul3A = arith.constant 2 : i32
    %mul3A_0 = arith.muli %arg1, %mul3A : i32
    %add3A = arith.addi %mul3A_0, %arg0 : i32
    %mul3A_1 = arith.constant 640 : i32
    %mul3A_2 = arith.muli %add3A, %mul3A_1 : i32
    %mul3A_3 = arith.constant 3 : i32
    %mul3A_4 = arith.muli %mul3A_2, %mul3A_3 : i32
    "tpu.region"() ({
      %run_scoped3A = tpu.sem_alloc : memref<!tpu.dma_semaphore, #tpu.memory_space<semaphore_mem>>
      %dma_start3A_263 = tpu.memref_slice %arg5[%mul3A_4] : memref<61440xi32, #tpu.memory_space<hbm>> -> memref<1920xi32, #tpu.memory_space<hbm>>
      %dma_start3A_264 = tpu.memref_slice %arg5[%mul3A_4] : memref<61440xi32, #tpu.memory_space<hbm>> -> memref<1920xi32, #tpu.memory_space<hbm>>
      tpu.enqueue_dma source(%dma_start3A_264 : memref<1920xi32, #tpu.memory_space<hbm>>) target(%arg7 : memref<1920xi32, #tpu.memory_space<vmem>>) target_semaphore(%run_scoped3A : memref<!tpu.dma_semaphore, #tpu.memory_space<semaphore_mem>>)
      %dma_wait3A_265 = tpu.memref_slice %arg5[%mul3A_4] : memref<61440xi32, #tpu.memory_space<hbm>> -> memref<1920xi32, #tpu.memory_space<hbm>>
      %dma_wait3A_266 = tpu.memref_slice %arg5[%mul3A_4] : memref<61440xi32, #tpu.memory_space<hbm>> -> memref<1920xi32, #tpu.memory_space<hbm>>
      tpu.wait_dma2 semaphore(%run_scoped3A : memref<!tpu.dma_semaphore, #tpu.memory_space<semaphore_mem>>) src(%dma_wait3A_266 : memref<1920xi32, #tpu.memory_space<hbm>>) dst(%arg7 : memref<1920xi32, #tpu.memory_space<vmem>>)
      tpu.yield
    }) : () -> ()
    %scan3A = arith.constant 0 : i32
    %scan3A_5 = arith.constant 0 : i32
    %scan3A_6 = arith.constant 40 : i32
    %scan3A_7 = arith.addi %scan3A_5, %scan3A_6 : i32
    %scan3A_8 = arith.constant 4 : i32
    %scan3A_9 = scf.for %scan3A_263 = %scan3A_5 to %scan3A_7 step %scan3A_8 iter_args(%scan3A_264 = %scan3A) -> (i32)  : i32 {
      %mul3A_265 = arith.constant 48 : i32
      %mul3A_266 = arith.muli %mul3A_265, %scan3A_263 : i32
      %iota3A = tpu.iota {dimensions = array<i32: 0>} : vector<16xi32>
      %mul3A_267 = arith.constant 3 : i32
      %mul3A_268 = vector.broadcast %mul3A_267 : i32 to vector<16xi32>
      %mul3A_269 = arith.muli %mul3A_268, %iota3A : vector<16xi32>
      %add3A_270 = vector.broadcast %mul3A_266 : i32 to vector<16xi32>
      %add3A_271 = arith.addi %add3A_270, %mul3A_269 : vector<16xi32>
      %mul3A_272 = arith.constant 16 : i32
      %mul3A_273 = arith.muli %scan3A_263, %mul3A_272 : i32
      %gather3A = tpu.vector_load_idx %arg7[%add3A_271] : memref<1920xi32, #tpu.memory_space<vmem>>[vector<16xi32>], vector<16xi32>,
      %swap3A = arith.index_cast %mul3A_273 : i32 to index
      %swap3A_274 = tpu.vector_load %arg8[%swap3A] {strides = array<i32>} : memref<640xi32, #tpu.memory_space<vmem>>, vector<16xi32>,
      tpu.vector_store %arg8[%swap3A], %gather3A {strides = array<i32>} : memref<640xi32, #tpu.memory_space<vmem>>, vector<16xi32>,
      %add3A_275 = arith.constant 1 : i32
      %add3A_276 = vector.broadcast %add3A_275 : i32 to vector<16xi32>
      %add3A_277 = arith.addi %add3A_271, %add3A_276 : vector<16xi32>
      %gather3A_278 = tpu.vector_load_idx %arg7[%add3A_277] : memref<1920xi32, #tpu.memory_space<vmem>>[vector<16xi32>], vector<16xi32>,
      %swap3A_279 = arith.index_cast %mul3A_273 : i32 to index
      %swap3A_280 = tpu.vector_load %arg9[%swap3A_279] {strides = array<i32>} : memref<640xi32, #tpu.memory_space<vmem>>, vector<16xi32>,
      tpu.vector_store %arg9[%swap3A_279], %gather3A_278 {strides = array<i32>} : memref<640xi32, #tpu.memory_space<vmem>>, vector<16xi32>,
      %add3A_281 = arith.constant 2 : i32
      %add3A_282 = vector.broadcast %add3A_281 : i32 to vector<16xi32>
      %add3A_283 = arith.addi %add3A_271, %add3A_282 : vector<16xi32>
      %gather3A_284 = tpu.vector_load_idx %arg7[%add3A_283] : memref<1920xi32, #tpu.memory_space<vmem>>[vector<16xi32>], vector<16xi32>,
      %add3A_285 = arith.constant 167 : i32
      %add3A_286 = vector.broadcast %add3A_285 : i32 to vector<16xi32>
      %add3A_287 = arith.addi %gather3A_284, %add3A_286 : vector<16xi32>
      %jit3A = arith.constant 168 : i32
      %eq3A = arith.constant 0 : i32
      %eq3A_288 = arith.cmpi eq, %jit3A, %eq3A : i32
      %jit3A_289 = arith.constant 1 : i32
      %select_n3A = arith.select %eq3A_288, %jit3A_289, %jit3A : i32
      %rem3A = vector.broadcast %select_n3A : i32 to vector<16xi32>
      %rem3A_290 = arith.remsi %add3A_287, %rem3A : vector<16xi32>
      %ne3A = arith.constant 0 : i32
      %ne3A_291 = vector.broadcast %ne3A : i32 to vector<16xi32>
      %ne3A_292 = arith.cmpi ne, %rem3A_290, %ne3A_291 : vector<16xi32>
      %lt3A = arith.constant 0 : i32
      %lt3A_293 = vector.broadcast %lt3A : i32 to vector<16xi32>
      %lt3A_294 = arith.cmpi slt, %rem3A_290, %lt3A_293 : vector<16xi32>
      %lt3A_295 = arith.constant 0 : i32
      %lt3A_296 = arith.cmpi slt, %select_n3A, %lt3A_295 : i32
      %ne3A_297 = vector.broadcast %lt3A_296 : i1 to vector<16xi1>
      %ne3A_298 = vector.broadcast %ne3A_297 : vector<16xi1> to vector<16xi1>
      %ne3A_299 = arith.xori %lt3A_294, %ne3A_298 : vector<16xi1>
      %and3A = arith.andi %ne3A_299, %ne3A_292 : vector<16xi1>
      %add3A_300 = vector.broadcast %select_n3A : i32 to vector<16xi32>
      %add3A_301 = arith.addi %rem3A_290, %add3A_300 : vector<16xi32>
      %select_n3A_302 = arith.select %and3A, %add3A_301, %rem3A_290 : vector<16xi1>, vector<16xi32>
      %add3A_303 = arith.constant 1 : i32
      %add3A_304 = vector.broadcast %add3A_303 : i32 to vector<16xi32>
      %add3A_305 = arith.addi %select_n3A_302, %add3A_304 : vector<16xi32>
      %swap3A_306 = arith.index_cast %mul3A_273 : i32 to index
      %swap3A_307 = tpu.vector_load %arg10[%swap3A_306] {strides = array<i32>} : memref<640xi32, #tpu.memory_space<vmem>>, vector<16xi32>,
      tpu.vector_store %arg10[%swap3A_306], %add3A_305 {strides = array<i32>} : memref<640xi32, #tpu.memory_space<vmem>>, vector<16xi32>,
      %scan3A_308 = arith.constant 0 : i32
      %scan3A_309 = arith.constant 1 : i32
      %scan3A_310 = arith.addi %scan3A_263, %scan3A_309 : i32
      %mul3A_311 = arith.constant 48 : i32
      %mul3A_312 = arith.muli %mul3A_311, %scan3A_310 : i32
      %iota3A_313 = tpu.iota {dimensions = array<i32: 0>} : vector<16xi32>
      %mul3A_314 = arith.constant 3 : i32
      %mul3A_315 = vector.broadcast %mul3A_314 : i32 to vector<16xi32>
      %mul3A_316 = arith.muli %mul3A_315, %iota3A_313 : vector<16xi32>
      %add3A_317 = vector.broadcast %mul3A_312 : i32 to vector<16xi32>
      %add3A_318 = arith.addi %add3A_317, %mul3A_316 : vector<16xi32>
      %mul3A_319 = arith.constant 16 : i32
      %mul3A_320 = arith.muli %scan3A_310, %mul3A_319 : i32
      %gather3A_321 = tpu.vector_load_idx %arg7[%add3A_318] : memref<1920xi32, #tpu.memory_space<vmem>>[vector<16xi32>], vector<16xi32>,
      %swap3A_322 = arith.index_cast %mul3A_320 : i32 to index
      %swap3A_323 = tpu.vector_load %arg8[%swap3A_322] {strides = array<i32>} : memref<640xi32, #tpu.memory_space<vmem>>, vector<16xi32>,
      tpu.vector_store %arg8[%swap3A_322], %gather3A_321 {strides = array<i32>} : memref<640xi32, #tpu.memory_space<vmem>>, vector<16xi32>,
      %add3A_324 = arith.constant 1 : i32
      %add3A_325 = vector.broadcast %add3A_324 : i32 to vector<16xi32>
      %add3A_326 = arith.addi %add3A_318, %add3A_325 : vector<16xi32>
      %gather3A_327 = tpu.vector_load_idx %arg7[%add3A_326] : memref<1920xi32, #tpu.memory_space<vmem>>[vector<16xi32>], vector<16xi32>,
      %swap3A_328 = arith.index_cast %mul3A_320 : i32 to index
      %swap3A_329 = tpu.vector_load %arg9[%swap3A_328] {strides = array<i32>} : memref<640xi32, #tpu.memory_space<vmem>>, vector<16xi32>,
      tpu.vector_store %arg9[%swap3A_328], %gather3A_327 {strides = array<i32>} : memref<640xi32, #tpu.memory_space<vmem>>, vector<16xi32>,
      %add3A_330 = arith.constant 2 : i32
      %add3A_331 = vector.broadcast %add3A_330 : i32 to vector<16xi32>
      %add3A_332 = arith.addi %add3A_318, %add3A_331 : vector<16xi32>
      %gather3A_333 = tpu.vector_load_idx %arg7[%add3A_332] : memref<1920xi32, #tpu.memory_space<vmem>>[vector<16xi32>], vector<16xi32>,
      %add3A_334 = arith.constant 167 : i32
      %add3A_335 = vector.broadcast %add3A_334 : i32 to vector<16xi32>
      %add3A_336 = arith.addi %gather3A_333, %add3A_335 : vector<16xi32>
      %jit3A_337 = arith.constant 168 : i32
      %eq3A_338 = arith.constant 0 : i32
      %eq3A_339 = arith.cmpi eq, %jit3A_337, %eq3A_338 : i32
      %jit3A_340 = arith.constant 1 : i32
      %select_n3A_341 = arith.select %eq3A_339, %jit3A_340, %jit3A_337 : i32
      %rem3A_342 = vector.broadcast %select_n3A_341 : i32 to vector<16xi32>
      %rem3A_343 = arith.remsi %add3A_336, %rem3A_342 : vector<16xi32>
      %ne3A_344 = arith.constant 0 : i32
      %ne3A_345 = vector.broadcast %ne3A_344 : i32 to vector<16xi32>
      %ne3A_346 = arith.cmpi ne, %rem3A_343, %ne3A_345 : vector<16xi32>
      %lt3A_347 = arith.constant 0 : i32
      %lt3A_348 = vector.broadcast %lt3A_347 : i32 to vector<16xi32>
      %lt3A_349 = arith.cmpi slt, %rem3A_343, %lt3A_348 : vector<16xi32>
      %lt3A_350 = arith.constant 0 : i32
      %lt3A_351 = arith.cmpi slt, %select_n3A_341, %lt3A_350 : i32
      %ne3A_352 = vector.broadcast %lt3A_351 : i1 to vector<16xi1>
      %ne3A_353 = vector.broadcast %ne3A_352 : vector<16xi1> to vector<16xi1>
      %ne3A_354 = arith.xori %lt3A_349, %ne3A_353 : vector<16xi1>
      %and3A_355 = arith.andi %ne3A_354, %ne3A_346 : vector<16xi1>
      %add3A_356 = vector.broadcast %select_n3A_341 : i32 to vector<16xi32>
      %add3A_357 = arith.addi %rem3A_343, %add3A_356 : vector<16xi32>
      %select_n3A_358 = arith.select %and3A_355, %add3A_357, %rem3A_343 : vector<16xi1>, vector<16xi32>
      %add3A_359 = arith.constant 1 : i32
      %add3A_360 = vector.broadcast %add3A_359 : i32 to vector<16xi32>
      %add3A_361 = arith.addi %select_n3A_358, %add3A_360 : vector<16xi32>
      %swap3A_362 = arith.index_cast %mul3A_320 : i32 to index
      %swap3A_363 = tpu.vector_load %arg10[%swap3A_362] {strides = array<i32>} : memref<640xi32, #tpu.memory_space<vmem>>, vector<16xi32>,
      tpu.vector_store %arg10[%swap3A_362], %add3A_361 {strides = array<i32>} : memref<640xi32, #tpu.memory_space<vmem>>, vector<16xi32>,
      %scan3A_364 = arith.constant 0 : i32
      %scan3A_365 = arith.constant 2 : i32
      %scan3A_366 = arith.addi %scan3A_263, %scan3A_365 : i32
      %mul3A_367 = arith.constant 48 : i32
      %mul3A_368 = arith.muli %mul3A_367, %scan3A_366 : i32
      %iota3A_369 = tpu.iota {dimensions = array<i32: 0>} : vector<16xi32>
      %mul3A_370 = arith.constant 3 : i32
      %mul3A_371 = vector.broadcast %mul3A_370 : i32 to vector<16xi32>
      %mul3A_372 = arith.muli %mul3A_371, %iota3A_369 : vector<16xi32>
      %add3A_373 = vector.broadcast %mul3A_368 : i32 to vector<16xi32>
      %add3A_374 = arith.addi %add3A_373, %mul3A_372 : vector<16xi32>
      %mul3A_375 = arith.constant 16 : i32
      %mul3A_376 = arith.muli %scan3A_366, %mul3A_375 : i32
      %gather3A_377 = tpu.vector_load_idx %arg7[%add3A_374] : memref<1920xi32, #tpu.memory_space<vmem>>[vector<16xi32>], vector<16xi32>,
      %swap3A_378 = arith.index_cast %mul3A_376 : i32 to index
      %swap3A_379 = tpu.vector_load %arg8[%swap3A_378] {strides = array<i32>} : memref<640xi32, #tpu.memory_space<vmem>>, vector<16xi32>,
      tpu.vector_store %arg8[%swap3A_378], %gather3A_377 {strides = array<i32>} : memref<640xi32, #tpu.memory_space<vmem>>, vector<16xi32>,
      %add3A_380 = arith.constant 1 : i32
      %add3A_381 = vector.broadcast %add3A_380 : i32 to vector<16xi32>
      %add3A_382 = arith.addi %add3A_374, %add3A_381 : vector<16xi32>
      %gather3A_383 = tpu.vector_load_idx %arg7[%add3A_382] : memref<1920xi32, #tpu.memory_space<vmem>>[vector<16xi32>], vector<16xi32>,
      %swap3A_384 = arith.index_cast %mul3A_376 : i32 to index
      %swap3A_385 = tpu.vector_load %arg9[%swap3A_384] {strides = array<i32>} : memref<640xi32, #tpu.memory_space<vmem>>, vector<16xi32>,
      tpu.vector_store %arg9[%swap3A_384], %gather3A_383 {strides = array<i32>} : memref<640xi32, #tpu.memory_space<vmem>>, vector<16xi32>,
      %add3A_386 = arith.constant 2 : i32
      %add3A_387 = vector.broadcast %add3A_386 : i32 to vector<16xi32>
      %add3A_388 = arith.addi %add3A_374, %add3A_387 : vector<16xi32>
      %gather3A_389 = tpu.vector_load_idx %arg7[%add3A_388] : memref<1920xi32, #tpu.memory_space<vmem>>[vector<16xi32>], vector<16xi32>,
      %add3A_390 = arith.constant 167 : i32
      %add3A_391 = vector.broadcast %add3A_390 : i32 to vector<16xi32>
      %add3A_392 = arith.addi %gather3A_389, %add3A_391 : vector<16xi32>
      %jit3A_393 = arith.constant 168 : i32
      %eq3A_394 = arith.constant 0 : i32
      %eq3A_395 = arith.cmpi eq, %jit3A_393, %eq3A_394 : i32
      %jit3A_396 = arith.constant 1 : i32
      %select_n3A_397 = arith.select %eq3A_395, %jit3A_396, %jit3A_393 : i32
      %rem3A_398 = vector.broadcast %select_n3A_397 : i32 to vector<16xi32>
      %rem3A_399 = arith.remsi %add3A_392, %rem3A_398 : vector<16xi32>
      %ne3A_400 = arith.constant 0 : i32
      %ne3A_401 = vector.broadcast %ne3A_400 : i32 to vector<16xi32>
      %ne3A_402 = arith.cmpi ne, %rem3A_399, %ne3A_401 : vector<16xi32>
      %lt3A_403 = arith.constant 0 : i32
      %lt3A_404 = vector.broadcast %lt3A_403 : i32 to vector<16xi32>
      %lt3A_405 = arith.cmpi slt, %rem3A_399, %lt3A_404 : vector<16xi32>
      %lt3A_406 = arith.constant 0 : i32
      %lt3A_407 = arith.cmpi slt, %select_n3A_397, %lt3A_406 : i32
      %ne3A_408 = vector.broadcast %lt3A_407 : i1 to vector<16xi1>
      %ne3A_409 = vector.broadcast %ne3A_408 : vector<16xi1> to vector<16xi1>
      %ne3A_410 = arith.xori %lt3A_405, %ne3A_409 : vector<16xi1>
      %and3A_411 = arith.andi %ne3A_410, %ne3A_402 : vector<16xi1>
      %add3A_412 = vector.broadcast %select_n3A_397 : i32 to vector<16xi32>
      %add3A_413 = arith.addi %rem3A_399, %add3A_412 : vector<16xi32>
      %select_n3A_414 = arith.select %and3A_411, %add3A_413, %rem3A_399 : vector<16xi1>, vector<16xi32>
      %add3A_415 = arith.constant 1 : i32
      %add3A_416 = vector.broadcast %add3A_415 : i32 to vector<16xi32>
      %add3A_417 = arith.addi %select_n3A_414, %add3A_416 : vector<16xi32>
      %swap3A_418 = arith.index_cast %mul3A_376 : i32 to index
      %swap3A_419 = tpu.vector_load %arg10[%swap3A_418] {strides = array<i32>} : memref<640xi32, #tpu.memory_space<vmem>>, vector<16xi32>,
      tpu.vector_store %arg10[%swap3A_418], %add3A_417 {strides = array<i32>} : memref<640xi32, #tpu.memory_space<vmem>>, vector<16xi32>,
      %scan3A_420 = arith.constant 0 : i32
      %scan3A_421 = arith.constant 3 : i32
      %scan3A_422 = arith.addi %scan3A_263, %scan3A_421 : i32
      %mul3A_423 = arith.constant 48 : i32
      %mul3A_424 = arith.muli %mul3A_423, %scan3A_422 : i32
      %iota3A_425 = tpu.iota {dimensions = array<i32: 0>} : vector<16xi32>
      %mul3A_426 = arith.constant 3 : i32
      %mul3A_427 = vector.broadcast %mul3A_426 : i32 to vector<16xi32>
      %mul3A_428 = arith.muli %mul3A_427, %iota3A_425 : vector<16xi32>
      %add3A_429 = vector.broadcast %mul3A_424 : i32 to vector<16xi32>
      %add3A_430 = arith.addi %add3A_429, %mul3A_428 : vector<16xi32>
      %mul3A_431 = arith.constant 16 : i32
      %mul3A_432 = arith.muli %scan3A_422, %mul3A_431 : i32
      %gather3A_433 = tpu.vector_load_idx %arg7[%add3A_430] : memref<1920xi32, #tpu.memory_space<vmem>>[vector<16xi32>], vector<16xi32>,
      %swap3A_434 = arith.index_cast %mul3A_432 : i32 to index
      %swap3A_435 = tpu.vector_load %arg8[%swap3A_434] {strides = array<i32>} : memref<640xi32, #tpu.memory_space<vmem>>, vector<16xi32>,
      tpu.vector_store %arg8[%swap3A_434], %gather3A_433 {strides = array<i32>} : memref<640xi32, #tpu.memory_space<vmem>>, vector<16xi32>,
      %add3A_436 = arith.constant 1 : i32
      %add3A_437 = vector.broadcast %add3A_436 : i32 to vector<16xi32>
      %add3A_438 = arith.addi %add3A_430, %add3A_437 : vector<16xi32>
      %gather3A_439 = tpu.vector_load_idx %arg7[%add3A_438] : memref<1920xi32, #tpu.memory_space<vmem>>[vector<16xi32>], vector<16xi32>,
      %swap3A_440 = arith.index_cast %mul3A_432 : i32 to index
      %swap3A_441 = tpu.vector_load %arg9[%swap3A_440] {strides = array<i32>} : memref<640xi32, #tpu.memory_space<vmem>>, vector<16xi32>,
      tpu.vector_store %arg9[%swap3A_440], %gather3A_439 {strides = array<i32>} : memref<640xi32, #tpu.memory_space<vmem>>, vector<16xi32>,
      %add3A_442 = arith.constant 2 : i32
      %add3A_443 = vector.broadcast %add3A_442 : i32 to vector<16xi32>
      %add3A_444 = arith.addi %add3A_430, %add3A_443 : vector<16xi32>
      %gather3A_445 = tpu.vector_load_idx %arg7[%add3A_444] : memref<1920xi32, #tpu.memory_space<vmem>>[vector<16xi32>], vector<16xi32>,
      %add3A_446 = arith.constant 167 : i32
      %add3A_447 = vector.broadcast %add3A_446 : i32 to vector<16xi32>
      %add3A_448 = arith.addi %gather3A_445, %add3A_447 : vector<16xi32>
      %jit3A_449 = arith.constant 168 : i32
      %eq3A_450 = arith.constant 0 : i32
      %eq3A_451 = arith.cmpi eq, %jit3A_449, %eq3A_450 : i32
      %jit3A_452 = arith.constant 1 : i32
      %select_n3A_453 = arith.select %eq3A_451, %jit3A_452, %jit3A_449 : i32
      %rem3A_454 = vector.broadcast %select_n3A_453 : i32 to vector<16xi32>
      %rem3A_455 = arith.remsi %add3A_448, %rem3A_454 : vector<16xi32>
      %ne3A_456 = arith.constant 0 : i32
      %ne3A_457 = vector.broadcast %ne3A_456 : i32 to vector<16xi32>
      %ne3A_458 = arith.cmpi ne, %rem3A_455, %ne3A_457 : vector<16xi32>
      %lt3A_459 = arith.constant 0 : i32
      %lt3A_460 = vector.broadcast %lt3A_459 : i32 to vector<16xi32>
      %lt3A_461 = arith.cmpi slt, %rem3A_455, %lt3A_460 : vector<16xi32>
      %lt3A_462 = arith.constant 0 : i32
      %lt3A_463 = arith.cmpi slt, %select_n3A_453, %lt3A_462 : i32
      %ne3A_464 = vector.broadcast %lt3A_463 : i1 to vector<16xi1>
      %ne3A_465 = vector.broadcast %ne3A_464 : vector<16xi1> to vector<16xi1>
      %ne3A_466 = arith.xori %lt3A_461, %ne3A_465 : vector<16xi1>
      %and3A_467 = arith.andi %ne3A_466, %ne3A_458 : vector<16xi1>
      %add3A_468 = vector.broadcast %select_n3A_453 : i32 to vector<16xi32>
      %add3A_469 = arith.addi %rem3A_455, %add3A_468 : vector<16xi32>
      %select_n3A_470 = arith.select %and3A_467, %add3A_469, %rem3A_455 : vector<16xi1>, vector<16xi32>
      %add3A_471 = arith.constant 1 : i32
      %add3A_472 = vector.broadcast %add3A_471 : i32 to vector<16xi32>
      %add3A_473 = arith.addi %select_n3A_470, %add3A_472 : vector<16xi32>
      %swap3A_474 = arith.index_cast %mul3A_432 : i32 to index
      %swap3A_475 = tpu.vector_load %arg10[%swap3A_474] {strides = array<i32>} : memref<640xi32, #tpu.memory_space<vmem>>, vector<16xi32>,
      tpu.vector_store %arg10[%swap3A_474], %add3A_473 {strides = array<i32>} : memref<640xi32, #tpu.memory_space<vmem>>, vector<16xi32>,
      %scan3A_476 = arith.constant 0 : i32
      scf.yield %scan3A_476 : i32
    }
    %scan3A_10 = arith.constant 40 : i32
    %dma_start3A = arith.constant 0 : i32
    %dma_start3A_11 = arith.constant 0 : i32
    %dma_start3A_12 = tpu.memref_slice %arg11[%dma_start3A, %dma_start3A_11] : memref<640x64xf32, #tpu.memory_space<vmem>> -> memref<128x64xf32, #tpu.memory_space<vmem>>
    %dma_start3A_13 = arith.constant 0 : i32
    %dma_start3A_14 = tpu.memref_slice %arg8[%dma_start3A_13] : memref<640xi32, #tpu.memory_space<vmem>> -> memref<128xi32, #tpu.memory_space<vmem>>
    %dma_start3A_15 = arith.constant 0 : i32
    %dma_start3A_16 = arith.constant 0 : i32
    %dma_start3A_17 = tpu.memref_slice %arg4[%dma_start3A_15, %dma_start3A_16] : memref<100000x64xf32, #tpu.memory_space<hbm>> -> memref<100000x64xf32, #tpu.memory_space<hbm>>
    tpu.enqueue_indirect_dma source(%dma_start3A_17 : memref<100000x64xf32, #tpu.memory_space<hbm>>) target(%dma_start3A_12 : memref<128x64xf32, #tpu.memory_space<vmem>>) offsets(%dma_start3A_14 : memref<128xi32, #tpu.memory_space<vmem>>) semaphore(%arg13 : memref<!tpu.dma_semaphore, #tpu.memory_space<semaphore_mem>>)
    %dma_start3A_18 = arith.constant 128 : i32
    %dma_start3A_19 = arith.constant 0 : i32
    %dma_start3A_20 = tpu.memref_slice %arg11[%dma_start3A_18, %dma_start3A_19] : memref<640x64xf32, #tpu.memory_space<vmem>> -> memref<128x64xf32, #tpu.memory_space<vmem>>
    %dma_start3A_21 = arith.constant 128 : i32
    %dma_start3A_22 = tpu.memref_slice %arg8[%dma_start3A_21] : memref<640xi32, #tpu.memory_space<vmem>> -> memref<128xi32, #tpu.memory_space<vmem>>
    %dma_start3A_23 = arith.constant 0 : i32
    %dma_start3A_24 = arith.constant 0 : i32
    %dma_start3A_25 = tpu.memref_slice %arg4[%dma_start3A_23, %dma_start3A_24] : memref<100000x64xf32, #tpu.memory_space<hbm>> -> memref<100000x64xf32, #tpu.memory_space<hbm>>
    tpu.enqueue_indirect_dma source(%dma_start3A_25 : memref<100000x64xf32, #tpu.memory_space<hbm>>) target(%dma_start3A_20 : memref<128x64xf32, #tpu.memory_space<vmem>>) offsets(%dma_start3A_22 : memref<128xi32, #tpu.memory_space<vmem>>) semaphore(%arg13 : memref<!tpu.dma_semaphore, #tpu.memory_space<semaphore_mem>>)
    %dma_start3A_26 = arith.constant 256 : i32
    %dma_start3A_27 = arith.constant 0 : i32
    %dma_start3A_28 = tpu.memref_slice %arg11[%dma_start3A_26, %dma_start3A_27] : memref<640x64xf32, #tpu.memory_space<vmem>> -> memref<128x64xf32, #tpu.memory_space<vmem>>
    %dma_start3A_29 = arith.constant 256 : i32
    %dma_start3A_30 = tpu.memref_slice %arg8[%dma_start3A_29] : memref<640xi32, #tpu.memory_space<vmem>> -> memref<128xi32, #tpu.memory_space<vmem>>
    %dma_start3A_31 = arith.constant 0 : i32
    %dma_start3A_32 = arith.constant 0 : i32
    %dma_start3A_33 = tpu.memref_slice %arg4[%dma_start3A_31, %dma_start3A_32] : memref<100000x64xf32, #tpu.memory_space<hbm>> -> memref<100000x64xf32, #tpu.memory_space<hbm>>
    tpu.enqueue_indirect_dma source(%dma_start3A_33 : memref<100000x64xf32, #tpu.memory_space<hbm>>) target(%dma_start3A_28 : memref<128x64xf32, #tpu.memory_space<vmem>>) offsets(%dma_start3A_30 : memref<128xi32, #tpu.memory_space<vmem>>) semaphore(%arg13 : memref<!tpu.dma_semaphore, #tpu.memory_space<semaphore_mem>>)
    %dma_start3A_34 = arith.constant 384 : i32
    %dma_start3A_35 = arith.constant 0 : i32
    %dma_start3A_36 = tpu.memref_slice %arg11[%dma_start3A_34, %dma_start3A_35] : memref<640x64xf32, #tpu.memory_space<vmem>> -> memref<128x64xf32, #tpu.memory_space<vmem>>
    %dma_start3A_37 = arith.constant 384 : i32
    %dma_start3A_38 = tpu.memref_slice %arg8[%dma_start3A_37] : memref<640xi32, #tpu.memory_space<vmem>> -> memref<128xi32, #tpu.memory_space<vmem>>
    %dma_start3A_39 = arith.constant 0 : i32
    %dma_start3A_40 = arith.constant 0 : i32
    %dma_start3A_41 = tpu.memref_slice %arg4[%dma_start3A_39, %dma_start3A_40] : memref<100000x64xf32, #tpu.memory_space<hbm>> -> memref<100000x64xf32, #tpu.memory_space<hbm>>
    tpu.enqueue_indirect_dma source(%dma_start3A_41 : memref<100000x64xf32, #tpu.memory_space<hbm>>) target(%dma_start3A_36 : memref<128x64xf32, #tpu.memory_space<vmem>>) offsets(%dma_start3A_38 : memref<128xi32, #tpu.memory_space<vmem>>) semaphore(%arg13 : memref<!tpu.dma_semaphore, #tpu.memory_space<semaphore_mem>>)
    %dma_start3A_42 = arith.constant 512 : i32
    %dma_start3A_43 = arith.constant 0 : i32
    %dma_start3A_44 = tpu.memref_slice %arg11[%dma_start3A_42, %dma_start3A_43] : memref<640x64xf32, #tpu.memory_space<vmem>> -> memref<128x64xf32, #tpu.memory_space<vmem>>
    %dma_start3A_45 = arith.constant 512 : i32
    %dma_start3A_46 = tpu.memref_slice %arg8[%dma_start3A_45] : memref<640xi32, #tpu.memory_space<vmem>> -> memref<128xi32, #tpu.memory_space<vmem>>
    %dma_start3A_47 = arith.constant 0 : i32
    %dma_start3A_48 = arith.constant 0 : i32
    %dma_start3A_49 = tpu.memref_slice %arg4[%dma_start3A_47, %dma_start3A_48] : memref<100000x64xf32, #tpu.memory_space<hbm>> -> memref<100000x64xf32, #tpu.memory_space<hbm>>
    tpu.enqueue_indirect_dma source(%dma_start3A_49 : memref<100000x64xf32, #tpu.memory_space<hbm>>) target(%dma_start3A_44 : memref<128x64xf32, #tpu.memory_space<vmem>>) offsets(%dma_start3A_46 : memref<128xi32, #tpu.memory_space<vmem>>) semaphore(%arg13 : memref<!tpu.dma_semaphore, #tpu.memory_space<semaphore_mem>>)
    %dma_start3A_50 = arith.constant 0 : i32
    %dma_start3A_51 = arith.constant 0 : i32
    %dma_start3A_52 = tpu.memref_slice %arg12[%dma_start3A_50, %dma_start3A_51] : memref<640x64xf32, #tpu.memory_space<vmem>> -> memref<128x64xf32, #tpu.memory_space<vmem>>
    %dma_start3A_53 = arith.constant 0 : i32
    %dma_start3A_54 = tpu.memref_slice %arg9[%dma_start3A_53] : memref<640xi32, #tpu.memory_space<vmem>> -> memref<128xi32, #tpu.memory_space<vmem>>
    %dma_start3A_55 = arith.constant 0 : i32
    %dma_start3A_56 = arith.constant 0 : i32
    %dma_start3A_57 = tpu.memref_slice %arg3[%dma_start3A_55, %dma_start3A_56] : memref<100000x64xf32, #tpu.memory_space<hbm>> -> memref<100000x64xf32, #tpu.memory_space<hbm>>
    tpu.enqueue_indirect_dma source(%dma_start3A_57 : memref<100000x64xf32, #tpu.memory_space<hbm>>) target(%dma_start3A_52 : memref<128x64xf32, #tpu.memory_space<vmem>>) offsets(%dma_start3A_54 : memref<128xi32, #tpu.memory_space<vmem>>) semaphore(%arg13 : memref<!tpu.dma_semaphore, #tpu.memory_space<semaphore_mem>>)
    %dma_start3A_58 = arith.constant 128 : i32
    %dma_start3A_59 = arith.constant 0 : i32
    %dma_start3A_60 = tpu.memref_slice %arg12[%dma_start3A_58, %dma_start3A_59] : memref<640x64xf32, #tpu.memory_space<vmem>> -> memref<128x64xf32, #tpu.memory_space<vmem>>
    %dma_start3A_61 = arith.constant 128 : i32
    %dma_start3A_62 = tpu.memref_slice %arg9[%dma_start3A_61] : memref<640xi32, #tpu.memory_space<vmem>> -> memref<128xi32, #tpu.memory_space<vmem>>
    %dma_start3A_63 = arith.constant 0 : i32
    %dma_start3A_64 = arith.constant 0 : i32
    %dma_start3A_65 = tpu.memref_slice %arg3[%dma_start3A_63, %dma_start3A_64] : memref<100000x64xf32, #tpu.memory_space<hbm>> -> memref<100000x64xf32, #tpu.memory_space<hbm>>
    tpu.enqueue_indirect_dma source(%dma_start3A_65 : memref<100000x64xf32, #tpu.memory_space<hbm>>) target(%dma_start3A_60 : memref<128x64xf32, #tpu.memory_space<vmem>>) offsets(%dma_start3A_62 : memref<128xi32, #tpu.memory_space<vmem>>) semaphore(%arg13 : memref<!tpu.dma_semaphore, #tpu.memory_space<semaphore_mem>>)
    %dma_start3A_66 = arith.constant 256 : i32
    %dma_start3A_67 = arith.constant 0 : i32
    %dma_start3A_68 = tpu.memref_slice %arg12[%dma_start3A_66, %dma_start3A_67] : memref<640x64xf32, #tpu.memory_space<vmem>> -> memref<128x64xf32, #tpu.memory_space<vmem>>
    %dma_start3A_69 = arith.constant 256 : i32
    %dma_start3A_70 = tpu.memref_slice %arg9[%dma_start3A_69] : memref<640xi32, #tpu.memory_space<vmem>> -> memref<128xi32, #tpu.memory_space<vmem>>
    %dma_start3A_71 = arith.constant 0 : i32
    %dma_start3A_72 = arith.constant 0 : i32
    %dma_start3A_73 = tpu.memref_slice %arg3[%dma_start3A_71, %dma_start3A_72] : memref<100000x64xf32, #tpu.memory_space<hbm>> -> memref<100000x64xf32, #tpu.memory_space<hbm>>
    tpu.enqueue_indirect_dma source(%dma_start3A_73 : memref<100000x64xf32, #tpu.memory_space<hbm>>) target(%dma_start3A_68 : memref<128x64xf32, #tpu.memory_space<vmem>>) offsets(%dma_start3A_70 : memref<128xi32, #tpu.memory_space<vmem>>) semaphore(%arg13 : memref<!tpu.dma_semaphore, #tpu.memory_space<semaphore_mem>>)
    %dma_start3A_74 = arith.constant 384 : i32
    %dma_start3A_75 = arith.constant 0 : i32
    %dma_start3A_76 = tpu.memref_slice %arg12[%dma_start3A_74, %dma_start3A_75] : memref<640x64xf32, #tpu.memory_space<vmem>> -> memref<128x64xf32, #tpu.memory_space<vmem>>
    %dma_start3A_77 = arith.constant 384 : i32
    %dma_start3A_78 = tpu.memref_slice %arg9[%dma_start3A_77] : memref<640xi32, #tpu.memory_space<vmem>> -> memref<128xi32, #tpu.memory_space<vmem>>
    %dma_start3A_79 = arith.constant 0 : i32
    %dma_start3A_80 = arith.constant 0 : i32
    %dma_start3A_81 = tpu.memref_slice %arg3[%dma_start3A_79, %dma_start3A_80] : memref<100000x64xf32, #tpu.memory_space<hbm>> -> memref<100000x64xf32, #tpu.memory_space<hbm>>
    tpu.enqueue_indirect_dma source(%dma_start3A_81 : memref<100000x64xf32, #tpu.memory_space<hbm>>) target(%dma_start3A_76 : memref<128x64xf32, #tpu.memory_space<vmem>>) offsets(%dma_start3A_78 : memref<128xi32, #tpu.memory_space<vmem>>) semaphore(%arg13 : memref<!tpu.dma_semaphore, #tpu.memory_space<semaphore_mem>>)
    %dma_start3A_82 = arith.constant 512 : i32
    %dma_start3A_83 = arith.constant 0 : i32
    %dma_start3A_84 = tpu.memref_slice %arg12[%dma_start3A_82, %dma_start3A_83] : memref<640x64xf32, #tpu.memory_space<vmem>> -> memref<128x64xf32, #tpu.memory_space<vmem>>
    %dma_start3A_85 = arith.constant 512 : i32
    %dma_start3A_86 = tpu.memref_slice %arg9[%dma_start3A_85] : memref<640xi32, #tpu.memory_space<vmem>> -> memref<128xi32, #tpu.memory_space<vmem>>
    %dma_start3A_87 = arith.constant 0 : i32
    %dma_start3A_88 = arith.constant 0 : i32
    %dma_start3A_89 = tpu.memref_slice %arg3[%dma_start3A_87, %dma_start3A_88] : memref<100000x64xf32, #tpu.memory_space<hbm>> -> memref<100000x64xf32, #tpu.memory_space<hbm>>
    tpu.enqueue_indirect_dma source(%dma_start3A_89 : memref<100000x64xf32, #tpu.memory_space<hbm>>) target(%dma_start3A_84 : memref<128x64xf32, #tpu.memory_space<vmem>>) offsets(%dma_start3A_86 : memref<128xi32, #tpu.memory_space<vmem>>) semaphore(%arg13 : memref<!tpu.dma_semaphore, #tpu.memory_space<semaphore_mem>>)
    %dma_wait3A = arith.constant 0 : i32
    %dma_wait3A_90 = arith.constant 0 : i32
    %dma_wait3A_91 = tpu.memref_slice %arg11[%dma_wait3A, %dma_wait3A_90] : memref<640x64xf32, #tpu.memory_space<vmem>> -> memref<128x64xf32, #tpu.memory_space<vmem>>
    %dma_wait3A_92 = arith.constant 0 : i32
    %dma_wait3A_93 = tpu.memref_slice %arg8[%dma_wait3A_92] : memref<640xi32, #tpu.memory_space<vmem>> -> memref<128xi32, #tpu.memory_space<vmem>>
    %dma_wait3A_94 = arith.constant 0 : i32
    %dma_wait3A_95 = arith.constant 0 : i32
    %dma_wait3A_96 = tpu.memref_slice %arg4[%dma_wait3A_94, %dma_wait3A_95] : memref<100000x64xf32, #tpu.memory_space<hbm>> -> memref<100000x64xf32, #tpu.memory_space<hbm>>
    tpu.wait_indirect_dma semaphore(%arg13 : memref<!tpu.dma_semaphore, #tpu.memory_space<semaphore_mem>>) src(%dma_wait3A_96 : memref<100000x64xf32, #tpu.memory_space<hbm>>) dst(%dma_wait3A_91 : memref<128x64xf32, #tpu.memory_space<vmem>>)
    %dma_wait3A_97 = arith.constant 128 : i32
    %dma_wait3A_98 = arith.constant 0 : i32
    %dma_wait3A_99 = tpu.memref_slice %arg11[%dma_wait3A_97, %dma_wait3A_98] : memref<640x64xf32, #tpu.memory_space<vmem>> -> memref<128x64xf32, #tpu.memory_space<vmem>>
    %dma_wait3A_100 = arith.constant 128 : i32
    %dma_wait3A_101 = tpu.memref_slice %arg8[%dma_wait3A_100] : memref<640xi32, #tpu.memory_space<vmem>> -> memref<128xi32, #tpu.memory_space<vmem>>
    %dma_wait3A_102 = arith.constant 0 : i32
    %dma_wait3A_103 = arith.constant 0 : i32
    %dma_wait3A_104 = tpu.memref_slice %arg4[%dma_wait3A_102, %dma_wait3A_103] : memref<100000x64xf32, #tpu.memory_space<hbm>> -> memref<100000x64xf32, #tpu.memory_space<hbm>>
    tpu.wait_indirect_dma semaphore(%arg13 : memref<!tpu.dma_semaphore, #tpu.memory_space<semaphore_mem>>) src(%dma_wait3A_104 : memref<100000x64xf32, #tpu.memory_space<hbm>>) dst(%dma_wait3A_99 : memref<128x64xf32, #tpu.memory_space<vmem>>)
    %dma_wait3A_105 = arith.constant 256 : i32
    %dma_wait3A_106 = arith.constant 0 : i32
    %dma_wait3A_107 = tpu.memref_slice %arg11[%dma_wait3A_105, %dma_wait3A_106] : memref<640x64xf32, #tpu.memory_space<vmem>> -> memref<128x64xf32, #tpu.memory_space<vmem>>
    %dma_wait3A_108 = arith.constant 256 : i32
    %dma_wait3A_109 = tpu.memref_slice %arg8[%dma_wait3A_108] : memref<640xi32, #tpu.memory_space<vmem>> -> memref<128xi32, #tpu.memory_space<vmem>>
    %dma_wait3A_110 = arith.constant 0 : i32
    %dma_wait3A_111 = arith.constant 0 : i32
    %dma_wait3A_112 = tpu.memref_slice %arg4[%dma_wait3A_110, %dma_wait3A_111] : memref<100000x64xf32, #tpu.memory_space<hbm>> -> memref<100000x64xf32, #tpu.memory_space<hbm>>
    tpu.wait_indirect_dma semaphore(%arg13 : memref<!tpu.dma_semaphore, #tpu.memory_space<semaphore_mem>>) src(%dma_wait3A_112 : memref<100000x64xf32, #tpu.memory_space<hbm>>) dst(%dma_wait3A_107 : memref<128x64xf32, #tpu.memory_space<vmem>>)
    %dma_wait3A_113 = arith.constant 384 : i32
    %dma_wait3A_114 = arith.constant 0 : i32
    %dma_wait3A_115 = tpu.memref_slice %arg11[%dma_wait3A_113, %dma_wait3A_114] : memref<640x64xf32, #tpu.memory_space<vmem>> -> memref<128x64xf32, #tpu.memory_space<vmem>>
    %dma_wait3A_116 = arith.constant 384 : i32
    %dma_wait3A_117 = tpu.memref_slice %arg8[%dma_wait3A_116] : memref<640xi32, #tpu.memory_space<vmem>> -> memref<128xi32, #tpu.memory_space<vmem>>
    %dma_wait3A_118 = arith.constant 0 : i32
    %dma_wait3A_119 = arith.constant 0 : i32
    %dma_wait3A_120 = tpu.memref_slice %arg4[%dma_wait3A_118, %dma_wait3A_119] : memref<100000x64xf32, #tpu.memory_space<hbm>> -> memref<100000x64xf32, #tpu.memory_space<hbm>>
    tpu.wait_indirect_dma semaphore(%arg13 : memref<!tpu.dma_semaphore, #tpu.memory_space<semaphore_mem>>) src(%dma_wait3A_120 : memref<100000x64xf32, #tpu.memory_space<hbm>>) dst(%dma_wait3A_115 : memref<128x64xf32, #tpu.memory_space<vmem>>)
    %dma_wait3A_121 = arith.constant 512 : i32
    %dma_wait3A_122 = arith.constant 0 : i32
    %dma_wait3A_123 = tpu.memref_slice %arg11[%dma_wait3A_121, %dma_wait3A_122] : memref<640x64xf32, #tpu.memory_space<vmem>> -> memref<128x64xf32, #tpu.memory_space<vmem>>
    %dma_wait3A_124 = arith.constant 512 : i32
    %dma_wait3A_125 = tpu.memref_slice %arg8[%dma_wait3A_124] : memref<640xi32, #tpu.memory_space<vmem>> -> memref<128xi32, #tpu.memory_space<vmem>>
    %dma_wait3A_126 = arith.constant 0 : i32
    %dma_wait3A_127 = arith.constant 0 : i32
    %dma_wait3A_128 = tpu.memref_slice %arg4[%dma_wait3A_126, %dma_wait3A_127] : memref<100000x64xf32, #tpu.memory_space<hbm>> -> memref<100000x64xf32, #tpu.memory_space<hbm>>
    tpu.wait_indirect_dma semaphore(%arg13 : memref<!tpu.dma_semaphore, #tpu.memory_space<semaphore_mem>>) src(%dma_wait3A_128 : memref<100000x64xf32, #tpu.memory_space<hbm>>) dst(%dma_wait3A_123 : memref<128x64xf32, #tpu.memory_space<vmem>>)
    %dma_wait3A_129 = arith.constant 0 : i32
    %dma_wait3A_130 = arith.constant 0 : i32
    %dma_wait3A_131 = tpu.memref_slice %arg12[%dma_wait3A_129, %dma_wait3A_130] : memref<640x64xf32, #tpu.memory_space<vmem>> -> memref<128x64xf32, #tpu.memory_space<vmem>>
    %dma_wait3A_132 = arith.constant 0 : i32
    %dma_wait3A_133 = tpu.memref_slice %arg9[%dma_wait3A_132] : memref<640xi32, #tpu.memory_space<vmem>> -> memref<128xi32, #tpu.memory_space<vmem>>
    %dma_wait3A_134 = arith.constant 0 : i32
    %dma_wait3A_135 = arith.constant 0 : i32
    %dma_wait3A_136 = tpu.memref_slice %arg3[%dma_wait3A_134, %dma_wait3A_135] : memref<100000x64xf32, #tpu.memory_space<hbm>> -> memref<100000x64xf32, #tpu.memory_space<hbm>>
    tpu.wait_indirect_dma semaphore(%arg13 : memref<!tpu.dma_semaphore, #tpu.memory_space<semaphore_mem>>) src(%dma_wait3A_136 : memref<100000x64xf32, #tpu.memory_space<hbm>>) dst(%dma_wait3A_131 : memref<128x64xf32, #tpu.memory_space<vmem>>)
    %dma_wait3A_137 = arith.constant 128 : i32
    %dma_wait3A_138 = arith.constant 0 : i32
    %dma_wait3A_139 = tpu.memref_slice %arg12[%dma_wait3A_137, %dma_wait3A_138] : memref<640x64xf32, #tpu.memory_space<vmem>> -> memref<128x64xf32, #tpu.memory_space<vmem>>
    %dma_wait3A_140 = arith.constant 128 : i32
    %dma_wait3A_141 = tpu.memref_slice %arg9[%dma_wait3A_140] : memref<640xi32, #tpu.memory_space<vmem>> -> memref<128xi32, #tpu.memory_space<vmem>>
    %dma_wait3A_142 = arith.constant 0 : i32
    %dma_wait3A_143 = arith.constant 0 : i32
    %dma_wait3A_144 = tpu.memref_slice %arg3[%dma_wait3A_142, %dma_wait3A_143] : memref<100000x64xf32, #tpu.memory_space<hbm>> -> memref<100000x64xf32, #tpu.memory_space<hbm>>
    tpu.wait_indirect_dma semaphore(%arg13 : memref<!tpu.dma_semaphore, #tpu.memory_space<semaphore_mem>>) src(%dma_wait3A_144 : memref<100000x64xf32, #tpu.memory_space<hbm>>) dst(%dma_wait3A_139 : memref<128x64xf32, #tpu.memory_space<vmem>>)
    %dma_wait3A_145 = arith.constant 256 : i32
    %dma_wait3A_146 = arith.constant 0 : i32
    %dma_wait3A_147 = tpu.memref_slice %arg12[%dma_wait3A_145, %dma_wait3A_146] : memref<640x64xf32, #tpu.memory_space<vmem>> -> memref<128x64xf32, #tpu.memory_space<vmem>>
    %dma_wait3A_148 = arith.constant 256 : i32
    %dma_wait3A_149 = tpu.memref_slice %arg9[%dma_wait3A_148] : memref<640xi32, #tpu.memory_space<vmem>> -> memref<128xi32, #tpu.memory_space<vmem>>
    %dma_wait3A_150 = arith.constant 0 : i32
    %dma_wait3A_151 = arith.constant 0 : i32
    %dma_wait3A_152 = tpu.memref_slice %arg3[%dma_wait3A_150, %dma_wait3A_151] : memref<100000x64xf32, #tpu.memory_space<hbm>> -> memref<100000x64xf32, #tpu.memory_space<hbm>>
    tpu.wait_indirect_dma semaphore(%arg13 : memref<!tpu.dma_semaphore, #tpu.memory_space<semaphore_mem>>) src(%dma_wait3A_152 : memref<100000x64xf32, #tpu.memory_space<hbm>>) dst(%dma_wait3A_147 : memref<128x64xf32, #tpu.memory_space<vmem>>)
    %dma_wait3A_153 = arith.constant 384 : i32
    %dma_wait3A_154 = arith.constant 0 : i32
    %dma_wait3A_155 = tpu.memref_slice %arg12[%dma_wait3A_153, %dma_wait3A_154] : memref<640x64xf32, #tpu.memory_space<vmem>> -> memref<128x64xf32, #tpu.memory_space<vmem>>
    %dma_wait3A_156 = arith.constant 384 : i32
    %dma_wait3A_157 = tpu.memref_slice %arg9[%dma_wait3A_156] : memref<640xi32, #tpu.memory_space<vmem>> -> memref<128xi32, #tpu.memory_space<vmem>>
    %dma_wait3A_158 = arith.constant 0 : i32
    %dma_wait3A_159 = arith.constant 0 : i32
    %dma_wait3A_160 = tpu.memref_slice %arg3[%dma_wait3A_158, %dma_wait3A_159] : memref<100000x64xf32, #tpu.memory_space<hbm>> -> memref<100000x64xf32, #tpu.memory_space<hbm>>
    tpu.wait_indirect_dma semaphore(%arg13 : memref<!tpu.dma_semaphore, #tpu.memory_space<semaphore_mem>>) src(%dma_wait3A_160 : memref<100000x64xf32, #tpu.memory_space<hbm>>) dst(%dma_wait3A_155 : memref<128x64xf32, #tpu.memory_space<vmem>>)
    %dma_wait3A_161 = arith.constant 512 : i32
    %dma_wait3A_162 = arith.constant 0 : i32
    %dma_wait3A_163 = tpu.memref_slice %arg12[%dma_wait3A_161, %dma_wait3A_162] : memref<640x64xf32, #tpu.memory_space<vmem>> -> memref<128x64xf32, #tpu.memory_space<vmem>>
    %dma_wait3A_164 = arith.constant 512 : i32
    %dma_wait3A_165 = tpu.memref_slice %arg9[%dma_wait3A_164] : memref<640xi32, #tpu.memory_space<vmem>> -> memref<128xi32, #tpu.memory_space<vmem>>
    %dma_wait3A_166 = arith.constant 0 : i32
    %dma_wait3A_167 = arith.constant 0 : i32
    %dma_wait3A_168 = tpu.memref_slice %arg3[%dma_wait3A_166, %dma_wait3A_167] : memref<100000x64xf32, #tpu.memory_space<hbm>> -> memref<100000x64xf32, #tpu.memory_space<hbm>>
    tpu.wait_indirect_dma semaphore(%arg13 : memref<!tpu.dma_semaphore, #tpu.memory_space<semaphore_mem>>) src(%dma_wait3A_168 : memref<100000x64xf32, #tpu.memory_space<hbm>>) dst(%dma_wait3A_163 : memref<128x64xf32, #tpu.memory_space<vmem>>)
    %scan3A_169 = arith.constant 0 : i32
    %scan3A_170 = arith.constant 0 : i32
    %scan3A_171 = arith.constant 640 : i32
    %scan3A_172 = arith.addi %scan3A_170, %scan3A_171 : i32
    %scan3A_173 = arith.constant 4 : i32
    %scan3A_174 = scf.for %scan3A_263 = %scan3A_170 to %scan3A_172 step %scan3A_173 iter_args(%scan3A_264 = %scan3A_169) -> (i32)  : i32 {
      %get3A = arith.index_cast %scan3A_263 : i32 to index
      %get3A_265 = arith.constant 0 : index
      %get3A_266 = tpu.vector_load %arg11[%get3A, %get3A_265] {strides = array<i32>} : memref<640x64xf32, #tpu.memory_space<vmem>>, vector<16xf32>,
      %get3A_267 = arith.index_cast %scan3A_263 : i32 to index
      %get3A_268 = arith.constant 0 : index
      %get3A_269 = tpu.vector_load %arg12[%get3A_267, %get3A_268] {strides = array<i32>} : memref<640x64xf32, #tpu.memory_space<vmem>>, vector<16xf32>,
      %add3A_270 = arith.addf %get3A_266, %get3A_269 : vector<16xf32>
      %swap3A = arith.index_cast %scan3A_263 : i32 to index
      %swap3A_271 = arith.constant 0 : index
      %swap3A_272 = tpu.vector_load %arg11[%swap3A, %swap3A_271] {strides = array<i32>} : memref<640x64xf32, #tpu.memory_space<vmem>>, vector<16xf32>,
      tpu.vector_store %arg11[%swap3A, %swap3A_271], %add3A_270 {strides = array<i32>} : memref<640x64xf32, #tpu.memory_space<vmem>>, vector<16xf32>,
      %get3A_273 = arith.index_cast %scan3A_263 : i32 to index
      %get3A_274 = arith.constant 16 : index
      %get3A_275 = tpu.vector_load %arg11[%get3A_273, %get3A_274] {strides = array<i32>} : memref<640x64xf32, #tpu.memory_space<vmem>>, vector<16xf32>,
      %get3A_276 = arith.index_cast %scan3A_263 : i32 to index
      %get3A_277 = arith.constant 16 : index
      %get3A_278 = tpu.vector_load %arg12[%get3A_276, %get3A_277] {strides = array<i32>} : memref<640x64xf32, #tpu.memory_space<vmem>>, vector<16xf32>,
      %add3A_279 = arith.addf %get3A_275, %get3A_278 : vector<16xf32>
      %swap3A_280 = arith.index_cast %scan3A_263 : i32 to index
      %swap3A_281 = arith.constant 16 : index
      %swap3A_282 = tpu.vector_load %arg11[%swap3A_280, %swap3A_281] {strides = array<i32>} : memref<640x64xf32, #tpu.memory_space<vmem>>, vector<16xf32>,
      tpu.vector_store %arg11[%swap3A_280, %swap3A_281], %add3A_279 {strides = array<i32>} : memref<640x64xf32, #tpu.memory_space<vmem>>, vector<16xf32>,
      %get3A_283 = arith.index_cast %scan3A_263 : i32 to index
      %get3A_284 = arith.constant 32 : index
      %get3A_285 = tpu.vector_load %arg11[%get3A_283, %get3A_284] {strides = array<i32>} : memref<640x64xf32, #tpu.memory_space<vmem>>, vector<16xf32>,
      %get3A_286 = arith.index_cast %scan3A_263 : i32 to index
      %get3A_287 = arith.constant 32 : index
      %get3A_288 = tpu.vector_load %arg12[%get3A_286, %get3A_287] {strides = array<i32>} : memref<640x64xf32, #tpu.memory_space<vmem>>, vector<16xf32>,
      %add3A_289 = arith.addf %get3A_285, %get3A_288 : vector<16xf32>
      %swap3A_290 = arith.index_cast %scan3A_263 : i32 to index
      %swap3A_291 = arith.constant 32 : index
      %swap3A_292 = tpu.vector_load %arg11[%swap3A_290, %swap3A_291] {strides = array<i32>} : memref<640x64xf32, #tpu.memory_space<vmem>>, vector<16xf32>,
      tpu.vector_store %arg11[%swap3A_290, %swap3A_291], %add3A_289 {strides = array<i32>} : memref<640x64xf32, #tpu.memory_space<vmem>>, vector<16xf32>,
      %get3A_293 = arith.index_cast %scan3A_263 : i32 to index
      %get3A_294 = arith.constant 48 : index
      %get3A_295 = tpu.vector_load %arg11[%get3A_293, %get3A_294] {strides = array<i32>} : memref<640x64xf32, #tpu.memory_space<vmem>>, vector<16xf32>,
      %get3A_296 = arith.index_cast %scan3A_263 : i32 to index
      %get3A_297 = arith.constant 48 : index
      %get3A_298 = tpu.vector_load %arg12[%get3A_296, %get3A_297] {strides = array<i32>} : memref<640x64xf32, #tpu.memory_space<vmem>>, vector<16xf32>,
      %add3A_299 = arith.addf %get3A_295, %get3A_298 : vector<16xf32>
      %swap3A_300 = arith.index_cast %scan3A_263 : i32 to index
      %swap3A_301 = arith.constant 48 : index
      %swap3A_302 = tpu.vector_load %arg11[%swap3A_300, %swap3A_301] {strides = array<i32>} : memref<640x64xf32, #tpu.memory_space<vmem>>, vector<16xf32>,
      tpu.vector_store %arg11[%swap3A_300, %swap3A_301], %add3A_299 {strides = array<i32>} : memref<640x64xf32, #tpu.memory_space<vmem>>, vector<16xf32>,
      %scan3A_303 = arith.constant 0 : i32
      %scan3A_304 = arith.constant 1 : i32
      %scan3A_305 = arith.addi %scan3A_263, %scan3A_304 : i32
      %get3A_306 = arith.index_cast %scan3A_305 : i32 to index
      %get3A_307 = arith.constant 0 : index
      %get3A_308 = tpu.vector_load %arg11[%get3A_306, %get3A_307] {strides = array<i32>} : memref<640x64xf32, #tpu.memory_space<vmem>>, vector<16xf32>,
      %get3A_309 = arith.index_cast %scan3A_305 : i32 to index
      %get3A_310 = arith.constant 0 : index
      %get3A_311 = tpu.vector_load %arg12[%get3A_309, %get3A_310] {strides = array<i32>} : memref<640x64xf32, #tpu.memory_space<vmem>>, vector<16xf32>,
      %add3A_312 = arith.addf %get3A_308, %get3A_311 : vector<16xf32>
      %swap3A_313 = arith.index_cast %scan3A_305 : i32 to index
      %swap3A_314 = arith.constant 0 : index
      %swap3A_315 = tpu.vector_load %arg11[%swap3A_313, %swap3A_314] {strides = array<i32>} : memref<640x64xf32, #tpu.memory_space<vmem>>, vector<16xf32>,
      tpu.vector_store %arg11[%swap3A_313, %swap3A_314], %add3A_312 {strides = array<i32>} : memref<640x64xf32, #tpu.memory_space<vmem>>, vector<16xf32>,
      %get3A_316 = arith.index_cast %scan3A_305 : i32 to index
      %get3A_317 = arith.constant 16 : index
      %get3A_318 = tpu.vector_load %arg11[%get3A_316, %get3A_317] {strides = array<i32>} : memref<640x64xf32, #tpu.memory_space<vmem>>, vector<16xf32>,
      %get3A_319 = arith.index_cast %scan3A_305 : i32 to index
      %get3A_320 = arith.constant 16 : index
      %get3A_321 = tpu.vector_load %arg12[%get3A_319, %get3A_320] {strides = array<i32>} : memref<640x64xf32, #tpu.memory_space<vmem>>, vector<16xf32>,
      %add3A_322 = arith.addf %get3A_318, %get3A_321 : vector<16xf32>
      %swap3A_323 = arith.index_cast %scan3A_305 : i32 to index
      %swap3A_324 = arith.constant 16 : index
      %swap3A_325 = tpu.vector_load %arg11[%swap3A_323, %swap3A_324] {strides = array<i32>} : memref<640x64xf32, #tpu.memory_space<vmem>>, vector<16xf32>,
      tpu.vector_store %arg11[%swap3A_323, %swap3A_324], %add3A_322 {strides = array<i32>} : memref<640x64xf32, #tpu.memory_space<vmem>>, vector<16xf32>,
      %get3A_326 = arith.index_cast %scan3A_305 : i32 to index
      %get3A_327 = arith.constant 32 : index
      %get3A_328 = tpu.vector_load %arg11[%get3A_326, %get3A_327] {strides = array<i32>} : memref<640x64xf32, #tpu.memory_space<vmem>>, vector<16xf32>,
      %get3A_329 = arith.index_cast %scan3A_305 : i32 to index
      %get3A_330 = arith.constant 32 : index
      %get3A_331 = tpu.vector_load %arg12[%get3A_329, %get3A_330] {strides = array<i32>} : memref<640x64xf32, #tpu.memory_space<vmem>>, vector<16xf32>,
      %add3A_332 = arith.addf %get3A_328, %get3A_331 : vector<16xf32>
      %swap3A_333 = arith.index_cast %scan3A_305 : i32 to index
      %swap3A_334 = arith.constant 32 : index
      %swap3A_335 = tpu.vector_load %arg11[%swap3A_333, %swap3A_334] {strides = array<i32>} : memref<640x64xf32, #tpu.memory_space<vmem>>, vector<16xf32>,
      tpu.vector_store %arg11[%swap3A_333, %swap3A_334], %add3A_332 {strides = array<i32>} : memref<640x64xf32, #tpu.memory_space<vmem>>, vector<16xf32>,
      %get3A_336 = arith.index_cast %scan3A_305 : i32 to index
      %get3A_337 = arith.constant 48 : index
      %get3A_338 = tpu.vector_load %arg11[%get3A_336, %get3A_337] {strides = array<i32>} : memref<640x64xf32, #tpu.memory_space<vmem>>, vector<16xf32>,
      %get3A_339 = arith.index_cast %scan3A_305 : i32 to index
      %get3A_340 = arith.constant 48 : index
      %get3A_341 = tpu.vector_load %arg12[%get3A_339, %get3A_340] {strides = array<i32>} : memref<640x64xf32, #tpu.memory_space<vmem>>, vector<16xf32>,
      %add3A_342 = arith.addf %get3A_338, %get3A_341 : vector<16xf32>
      %swap3A_343 = arith.index_cast %scan3A_305 : i32 to index
      %swap3A_344 = arith.constant 48 : index
      %swap3A_345 = tpu.vector_load %arg11[%swap3A_343, %swap3A_344] {strides = array<i32>} : memref<640x64xf32, #tpu.memory_space<vmem>>, vector<16xf32>,
      tpu.vector_store %arg11[%swap3A_343, %swap3A_344], %add3A_342 {strides = array<i32>} : memref<640x64xf32, #tpu.memory_space<vmem>>, vector<16xf32>,
      %scan3A_346 = arith.constant 0 : i32
      %scan3A_347 = arith.constant 2 : i32
      %scan3A_348 = arith.addi %scan3A_263, %scan3A_347 : i32
      %get3A_349 = arith.index_cast %scan3A_348 : i32 to index
      %get3A_350 = arith.constant 0 : index
      %get3A_351 = tpu.vector_load %arg11[%get3A_349, %get3A_350] {strides = array<i32>} : memref<640x64xf32, #tpu.memory_space<vmem>>, vector<16xf32>,
      %get3A_352 = arith.index_cast %scan3A_348 : i32 to index
      %get3A_353 = arith.constant 0 : index
      %get3A_354 = tpu.vector_load %arg12[%get3A_352, %get3A_353] {strides = array<i32>} : memref<640x64xf32, #tpu.memory_space<vmem>>, vector<16xf32>,
      %add3A_355 = arith.addf %get3A_351, %get3A_354 : vector<16xf32>
      %swap3A_356 = arith.index_cast %scan3A_348 : i32 to index
      %swap3A_357 = arith.constant 0 : index
      %swap3A_358 = tpu.vector_load %arg11[%swap3A_356, %swap3A_357] {strides = array<i32>} : memref<640x64xf32, #tpu.memory_space<vmem>>, vector<16xf32>,
      tpu.vector_store %arg11[%swap3A_356, %swap3A_357], %add3A_355 {strides = array<i32>} : memref<640x64xf32, #tpu.memory_space<vmem>>, vector<16xf32>,
      %get3A_359 = arith.index_cast %scan3A_348 : i32 to index
      %get3A_360 = arith.constant 16 : index
      %get3A_361 = tpu.vector_load %arg11[%get3A_359, %get3A_360] {strides = array<i32>} : memref<640x64xf32, #tpu.memory_space<vmem>>, vector<16xf32>,
      %get3A_362 = arith.index_cast %scan3A_348 : i32 to index
      %get3A_363 = arith.constant 16 : index
      %get3A_364 = tpu.vector_load %arg12[%get3A_362, %get3A_363] {strides = array<i32>} : memref<640x64xf32, #tpu.memory_space<vmem>>, vector<16xf32>,
      %add3A_365 = arith.addf %get3A_361, %get3A_364 : vector<16xf32>
      %swap3A_366 = arith.index_cast %scan3A_348 : i32 to index
      %swap3A_367 = arith.constant 16 : index
      %swap3A_368 = tpu.vector_load %arg11[%swap3A_366, %swap3A_367] {strides = array<i32>} : memref<640x64xf32, #tpu.memory_space<vmem>>, vector<16xf32>,
      tpu.vector_store %arg11[%swap3A_366, %swap3A_367], %add3A_365 {strides = array<i32>} : memref<640x64xf32, #tpu.memory_space<vmem>>, vector<16xf32>,
      %get3A_369 = arith.index_cast %scan3A_348 : i32 to index
      %get3A_370 = arith.constant 32 : index
      %get3A_371 = tpu.vector_load %arg11[%get3A_369, %get3A_370] {strides = array<i32>} : memref<640x64xf32, #tpu.memory_space<vmem>>, vector<16xf32>,
      %get3A_372 = arith.index_cast %scan3A_348 : i32 to index
      %get3A_373 = arith.constant 32 : index
      %get3A_374 = tpu.vector_load %arg12[%get3A_372, %get3A_373] {strides = array<i32>} : memref<640x64xf32, #tpu.memory_space<vmem>>, vector<16xf32>,
      %add3A_375 = arith.addf %get3A_371, %get3A_374 : vector<16xf32>
      %swap3A_376 = arith.index_cast %scan3A_348 : i32 to index
      %swap3A_377 = arith.constant 32 : index
      %swap3A_378 = tpu.vector_load %arg11[%swap3A_376, %swap3A_377] {strides = array<i32>} : memref<640x64xf32, #tpu.memory_space<vmem>>, vector<16xf32>,
      tpu.vector_store %arg11[%swap3A_376, %swap3A_377], %add3A_375 {strides = array<i32>} : memref<640x64xf32, #tpu.memory_space<vmem>>, vector<16xf32>,
      %get3A_379 = arith.index_cast %scan3A_348 : i32 to index
      %get3A_380 = arith.constant 48 : index
      %get3A_381 = tpu.vector_load %arg11[%get3A_379, %get3A_380] {strides = array<i32>} : memref<640x64xf32, #tpu.memory_space<vmem>>, vector<16xf32>,
      %get3A_382 = arith.index_cast %scan3A_348 : i32 to index
      %get3A_383 = arith.constant 48 : index
      %get3A_384 = tpu.vector_load %arg12[%get3A_382, %get3A_383] {strides = array<i32>} : memref<640x64xf32, #tpu.memory_space<vmem>>, vector<16xf32>,
      %add3A_385 = arith.addf %get3A_381, %get3A_384 : vector<16xf32>
      %swap3A_386 = arith.index_cast %scan3A_348 : i32 to index
      %swap3A_387 = arith.constant 48 : index
      %swap3A_388 = tpu.vector_load %arg11[%swap3A_386, %swap3A_387] {strides = array<i32>} : memref<640x64xf32, #tpu.memory_space<vmem>>, vector<16xf32>,
      tpu.vector_store %arg11[%swap3A_386, %swap3A_387], %add3A_385 {strides = array<i32>} : memref<640x64xf32, #tpu.memory_space<vmem>>, vector<16xf32>,
      %scan3A_389 = arith.constant 0 : i32
      %scan3A_390 = arith.constant 3 : i32
      %scan3A_391 = arith.addi %scan3A_263, %scan3A_390 : i32
      %get3A_392 = arith.index_cast %scan3A_391 : i32 to index
      %get3A_393 = arith.constant 0 : index
      %get3A_394 = tpu.vector_load %arg11[%get3A_392, %get3A_393] {strides = array<i32>} : memref<640x64xf32, #tpu.memory_space<vmem>>, vector<16xf32>,
      %get3A_395 = arith.index_cast %scan3A_391 : i32 to index
      %get3A_396 = arith.constant 0 : index
      %get3A_397 = tpu.vector_load %arg12[%get3A_395, %get3A_396] {strides = array<i32>} : memref<640x64xf32, #tpu.memory_space<vmem>>, vector<16xf32>,
      %add3A_398 = arith.addf %get3A_394, %get3A_397 : vector<16xf32>
      %swap3A_399 = arith.index_cast %scan3A_391 : i32 to index
      %swap3A_400 = arith.constant 0 : index
      %swap3A_401 = tpu.vector_load %arg11[%swap3A_399, %swap3A_400] {strides = array<i32>} : memref<640x64xf32, #tpu.memory_space<vmem>>, vector<16xf32>,
      tpu.vector_store %arg11[%swap3A_399, %swap3A_400], %add3A_398 {strides = array<i32>} : memref<640x64xf32, #tpu.memory_space<vmem>>, vector<16xf32>,
      %get3A_402 = arith.index_cast %scan3A_391 : i32 to index
      %get3A_403 = arith.constant 16 : index
      %get3A_404 = tpu.vector_load %arg11[%get3A_402, %get3A_403] {strides = array<i32>} : memref<640x64xf32, #tpu.memory_space<vmem>>, vector<16xf32>,
      %get3A_405 = arith.index_cast %scan3A_391 : i32 to index
      %get3A_406 = arith.constant 16 : index
      %get3A_407 = tpu.vector_load %arg12[%get3A_405, %get3A_406] {strides = array<i32>} : memref<640x64xf32, #tpu.memory_space<vmem>>, vector<16xf32>,
      %add3A_408 = arith.addf %get3A_404, %get3A_407 : vector<16xf32>
      %swap3A_409 = arith.index_cast %scan3A_391 : i32 to index
      %swap3A_410 = arith.constant 16 : index
      %swap3A_411 = tpu.vector_load %arg11[%swap3A_409, %swap3A_410] {strides = array<i32>} : memref<640x64xf32, #tpu.memory_space<vmem>>, vector<16xf32>,
      tpu.vector_store %arg11[%swap3A_409, %swap3A_410], %add3A_408 {strides = array<i32>} : memref<640x64xf32, #tpu.memory_space<vmem>>, vector<16xf32>,
      %get3A_412 = arith.index_cast %scan3A_391 : i32 to index
      %get3A_413 = arith.constant 32 : index
      %get3A_414 = tpu.vector_load %arg11[%get3A_412, %get3A_413] {strides = array<i32>} : memref<640x64xf32, #tpu.memory_space<vmem>>, vector<16xf32>,
      %get3A_415 = arith.index_cast %scan3A_391 : i32 to index
      %get3A_416 = arith.constant 32 : index
      %get3A_417 = tpu.vector_load %arg12[%get3A_415, %get3A_416] {strides = array<i32>} : memref<640x64xf32, #tpu.memory_space<vmem>>, vector<16xf32>,
      %add3A_418 = arith.addf %get3A_414, %get3A_417 : vector<16xf32>
      %swap3A_419 = arith.index_cast %scan3A_391 : i32 to index
      %swap3A_420 = arith.constant 32 : index
      %swap3A_421 = tpu.vector_load %arg11[%swap3A_419, %swap3A_420] {strides = array<i32>} : memref<640x64xf32, #tpu.memory_space<vmem>>, vector<16xf32>,
      tpu.vector_store %arg11[%swap3A_419, %swap3A_420], %add3A_418 {strides = array<i32>} : memref<640x64xf32, #tpu.memory_space<vmem>>, vector<16xf32>,
      %get3A_422 = arith.index_cast %scan3A_391 : i32 to index
      %get3A_423 = arith.constant 48 : index
      %get3A_424 = tpu.vector_load %arg11[%get3A_422, %get3A_423] {strides = array<i32>} : memref<640x64xf32, #tpu.memory_space<vmem>>, vector<16xf32>,
      %get3A_425 = arith.index_cast %scan3A_391 : i32 to index
      %get3A_426 = arith.constant 48 : index
      %get3A_427 = tpu.vector_load %arg12[%get3A_425, %get3A_426] {strides = array<i32>} : memref<640x64xf32, #tpu.memory_space<vmem>>, vector<16xf32>,
      %add3A_428 = arith.addf %get3A_424, %get3A_427 : vector<16xf32>
      %swap3A_429 = arith.index_cast %scan3A_391 : i32 to index
      %swap3A_430 = arith.constant 48 : index
      %swap3A_431 = tpu.vector_load %arg11[%swap3A_429, %swap3A_430] {strides = array<i32>} : memref<640x64xf32, #tpu.memory_space<vmem>>, vector<16xf32>,
      tpu.vector_store %arg11[%swap3A_429, %swap3A_430], %add3A_428 {strides = array<i32>} : memref<640x64xf32, #tpu.memory_space<vmem>>, vector<16xf32>,
      %scan3A_432 = arith.constant 0 : i32
      scf.yield %scan3A_432 : i32
    }
    %scan3A_175 = arith.constant 640 : i32
    %dma_start3A_176 = arith.constant 0 : i32
    %dma_start3A_177 = arith.constant 0 : i32
    %dma_start3A_178 = tpu.memref_slice %arg12[%dma_start3A_176, %dma_start3A_177] : memref<640x64xf32, #tpu.memory_space<vmem>> -> memref<128x64xf32, #tpu.memory_space<vmem>>
    %dma_start3A_179 = arith.constant 0 : i32
    %dma_start3A_180 = tpu.memref_slice %arg10[%dma_start3A_179] : memref<640xi32, #tpu.memory_space<vmem>> -> memref<128xi32, #tpu.memory_space<vmem>>
    %dma_start3A_181 = arith.constant 0 : i32
    %dma_start3A_182 = arith.constant 0 : i32
    %dma_start3A_183 = tpu.memref_slice %arg2[%dma_start3A_181, %dma_start3A_182] : memref<169x64xf32, #tpu.memory_space<hbm>> -> memref<169x64xf32, #tpu.memory_space<hbm>>
    tpu.enqueue_indirect_dma source(%dma_start3A_183 : memref<169x64xf32, #tpu.memory_space<hbm>>) target(%dma_start3A_178 : memref<128x64xf32, #tpu.memory_space<vmem>>) offsets(%dma_start3A_180 : memref<128xi32, #tpu.memory_space<vmem>>) semaphore(%arg13 : memref<!tpu.dma_semaphore, #tpu.memory_space<semaphore_mem>>)
    %dma_start3A_184 = arith.constant 128 : i32
    %dma_start3A_185 = arith.constant 0 : i32
    %dma_start3A_186 = tpu.memref_slice %arg12[%dma_start3A_184, %dma_start3A_185] : memref<640x64xf32, #tpu.memory_space<vmem>> -> memref<128x64xf32, #tpu.memory_space<vmem>>
    %dma_start3A_187 = arith.constant 128 : i32
    %dma_start3A_188 = tpu.memref_slice %arg10[%dma_start3A_187] : memref<640xi32, #tpu.memory_space<vmem>> -> memref<128xi32, #tpu.memory_space<vmem>>
    %dma_start3A_189 = arith.constant 0 : i32
    %dma_start3A_190 = arith.constant 0 : i32
    %dma_start3A_191 = tpu.memref_slice %arg2[%dma_start3A_189, %dma_start3A_190] : memref<169x64xf32, #tpu.memory_space<hbm>> -> memref<169x64xf32, #tpu.memory_space<hbm>>
    tpu.enqueue_indirect_dma source(%dma_start3A_191 : memref<169x64xf32, #tpu.memory_space<hbm>>) target(%dma_start3A_186 : memref<128x64xf32, #tpu.memory_space<vmem>>) offsets(%dma_start3A_188 : memref<128xi32, #tpu.memory_space<vmem>>) semaphore(%arg13 : memref<!tpu.dma_semaphore, #tpu.memory_space<semaphore_mem>>)
    %dma_start3A_192 = arith.constant 256 : i32
    %dma_start3A_193 = arith.constant 0 : i32
    %dma_start3A_194 = tpu.memref_slice %arg12[%dma_start3A_192, %dma_start3A_193] : memref<640x64xf32, #tpu.memory_space<vmem>> -> memref<128x64xf32, #tpu.memory_space<vmem>>
    %dma_start3A_195 = arith.constant 256 : i32
    %dma_start3A_196 = tpu.memref_slice %arg10[%dma_start3A_195] : memref<640xi32, #tpu.memory_space<vmem>> -> memref<128xi32, #tpu.memory_space<vmem>>
    %dma_start3A_197 = arith.constant 0 : i32
    %dma_start3A_198 = arith.constant 0 : i32
    %dma_start3A_199 = tpu.memref_slice %arg2[%dma_start3A_197, %dma_start3A_198] : memref<169x64xf32, #tpu.memory_space<hbm>> -> memref<169x64xf32, #tpu.memory_space<hbm>>
    tpu.enqueue_indirect_dma source(%dma_start3A_199 : memref<169x64xf32, #tpu.memory_space<hbm>>) target(%dma_start3A_194 : memref<128x64xf32, #tpu.memory_space<vmem>>) offsets(%dma_start3A_196 : memref<128xi32, #tpu.memory_space<vmem>>) semaphore(%arg13 : memref<!tpu.dma_semaphore, #tpu.memory_space<semaphore_mem>>)
    %dma_start3A_200 = arith.constant 384 : i32
    %dma_start3A_201 = arith.constant 0 : i32
    %dma_start3A_202 = tpu.memref_slice %arg12[%dma_start3A_200, %dma_start3A_201] : memref<640x64xf32, #tpu.memory_space<vmem>> -> memref<128x64xf32, #tpu.memory_space<vmem>>
    %dma_start3A_203 = arith.constant 384 : i32
    %dma_start3A_204 = tpu.memref_slice %arg10[%dma_start3A_203] : memref<640xi32, #tpu.memory_space<vmem>> -> memref<128xi32, #tpu.memory_space<vmem>>
    %dma_start3A_205 = arith.constant 0 : i32
    %dma_start3A_206 = arith.constant 0 : i32
    %dma_start3A_207 = tpu.memref_slice %arg2[%dma_start3A_205, %dma_start3A_206] : memref<169x64xf32, #tpu.memory_space<hbm>> -> memref<169x64xf32, #tpu.memory_space<hbm>>
    tpu.enqueue_indirect_dma source(%dma_start3A_207 : memref<169x64xf32, #tpu.memory_space<hbm>>) target(%dma_start3A_202 : memref<128x64xf32, #tpu.memory_space<vmem>>) offsets(%dma_start3A_204 : memref<128xi32, #tpu.memory_space<vmem>>) semaphore(%arg13 : memref<!tpu.dma_semaphore, #tpu.memory_space<semaphore_mem>>)
    %dma_start3A_208 = arith.constant 512 : i32
    %dma_start3A_209 = arith.constant 0 : i32
    %dma_start3A_210 = tpu.memref_slice %arg12[%dma_start3A_208, %dma_start3A_209] : memref<640x64xf32, #tpu.memory_space<vmem>> -> memref<128x64xf32, #tpu.memory_space<vmem>>
    %dma_start3A_211 = arith.constant 512 : i32
    %dma_start3A_212 = tpu.memref_slice %arg10[%dma_start3A_211] : memref<640xi32, #tpu.memory_space<vmem>> -> memref<128xi32, #tpu.memory_space<vmem>>
    %dma_start3A_213 = arith.constant 0 : i32
    %dma_start3A_214 = arith.constant 0 : i32
    %dma_start3A_215 = tpu.memref_slice %arg2[%dma_start3A_213, %dma_start3A_214] : memref<169x64xf32, #tpu.memory_space<hbm>> -> memref<169x64xf32, #tpu.memory_space<hbm>>
    tpu.enqueue_indirect_dma source(%dma_start3A_215 : memref<169x64xf32, #tpu.memory_space<hbm>>) target(%dma_start3A_210 : memref<128x64xf32, #tpu.memory_space<vmem>>) offsets(%dma_start3A_212 : memref<128xi32, #tpu.memory_space<vmem>>) semaphore(%arg13 : memref<!tpu.dma_semaphore, #tpu.memory_space<semaphore_mem>>)
    %dma_wait3A_216 = arith.constant 0 : i32
    %dma_wait3A_217 = arith.constant 0 : i32
    %dma_wait3A_218 = tpu.memref_slice %arg12[%dma_wait3A_216, %dma_wait3A_217] : memref<640x64xf32, #tpu.memory_space<vmem>> -> memref<128x64xf32, #tpu.memory_space<vmem>>
    %dma_wait3A_219 = arith.constant 0 : i32
    %dma_wait3A_220 = tpu.memref_slice %arg10[%dma_wait3A_219] : memref<640xi32, #tpu.memory_space<vmem>> -> memref<128xi32, #tpu.memory_space<vmem>>
    %dma_wait3A_221 = arith.constant 0 : i32
    %dma_wait3A_222 = arith.constant 0 : i32
    %dma_wait3A_223 = tpu.memref_slice %arg2[%dma_wait3A_221, %dma_wait3A_222] : memref<169x64xf32, #tpu.memory_space<hbm>> -> memref<169x64xf32, #tpu.memory_space<hbm>>
    tpu.wait_indirect_dma semaphore(%arg13 : memref<!tpu.dma_semaphore, #tpu.memory_space<semaphore_mem>>) src(%dma_wait3A_223 : memref<169x64xf32, #tpu.memory_space<hbm>>) dst(%dma_wait3A_218 : memref<128x64xf32, #tpu.memory_space<vmem>>)
    %dma_wait3A_224 = arith.constant 128 : i32
    %dma_wait3A_225 = arith.constant 0 : i32
    %dma_wait3A_226 = tpu.memref_slice %arg12[%dma_wait3A_224, %dma_wait3A_225] : memref<640x64xf32, #tpu.memory_space<vmem>> -> memref<128x64xf32, #tpu.memory_space<vmem>>
    %dma_wait3A_227 = arith.constant 128 : i32
    %dma_wait3A_228 = tpu.memref_slice %arg10[%dma_wait3A_227] : memref<640xi32, #tpu.memory_space<vmem>> -> memref<128xi32, #tpu.memory_space<vmem>>
    %dma_wait3A_229 = arith.constant 0 : i32
    %dma_wait3A_230 = arith.constant 0 : i32
    %dma_wait3A_231 = tpu.memref_slice %arg2[%dma_wait3A_229, %dma_wait3A_230] : memref<169x64xf32, #tpu.memory_space<hbm>> -> memref<169x64xf32, #tpu.memory_space<hbm>>
    tpu.wait_indirect_dma semaphore(%arg13 : memref<!tpu.dma_semaphore, #tpu.memory_space<semaphore_mem>>) src(%dma_wait3A_231 : memref<169x64xf32, #tpu.memory_space<hbm>>) dst(%dma_wait3A_226 : memref<128x64xf32, #tpu.memory_space<vmem>>)
    %dma_wait3A_232 = arith.constant 256 : i32
    %dma_wait3A_233 = arith.constant 0 : i32
    %dma_wait3A_234 = tpu.memref_slice %arg12[%dma_wait3A_232, %dma_wait3A_233] : memref<640x64xf32, #tpu.memory_space<vmem>> -> memref<128x64xf32, #tpu.memory_space<vmem>>
    %dma_wait3A_235 = arith.constant 256 : i32
    %dma_wait3A_236 = tpu.memref_slice %arg10[%dma_wait3A_235] : memref<640xi32, #tpu.memory_space<vmem>> -> memref<128xi32, #tpu.memory_space<vmem>>
    %dma_wait3A_237 = arith.constant 0 : i32
    %dma_wait3A_238 = arith.constant 0 : i32
    %dma_wait3A_239 = tpu.memref_slice %arg2[%dma_wait3A_237, %dma_wait3A_238] : memref<169x64xf32, #tpu.memory_space<hbm>> -> memref<169x64xf32, #tpu.memory_space<hbm>>
    tpu.wait_indirect_dma semaphore(%arg13 : memref<!tpu.dma_semaphore, #tpu.memory_space<semaphore_mem>>) src(%dma_wait3A_239 : memref<169x64xf32, #tpu.memory_space<hbm>>) dst(%dma_wait3A_234 : memref<128x64xf32, #tpu.memory_space<vmem>>)
    %dma_wait3A_240 = arith.constant 384 : i32
    %dma_wait3A_241 = arith.constant 0 : i32
    %dma_wait3A_242 = tpu.memref_slice %arg12[%dma_wait3A_240, %dma_wait3A_241] : memref<640x64xf32, #tpu.memory_space<vmem>> -> memref<128x64xf32, #tpu.memory_space<vmem>>
    %dma_wait3A_243 = arith.constant 384 : i32
    %dma_wait3A_244 = tpu.memref_slice %arg10[%dma_wait3A_243] : memref<640xi32, #tpu.memory_space<vmem>> -> memref<128xi32, #tpu.memory_space<vmem>>
    %dma_wait3A_245 = arith.constant 0 : i32
    %dma_wait3A_246 = arith.constant 0 : i32
    %dma_wait3A_247 = tpu.memref_slice %arg2[%dma_wait3A_245, %dma_wait3A_246] : memref<169x64xf32, #tpu.memory_space<hbm>> -> memref<169x64xf32, #tpu.memory_space<hbm>>
    tpu.wait_indirect_dma semaphore(%arg13 : memref<!tpu.dma_semaphore, #tpu.memory_space<semaphore_mem>>) src(%dma_wait3A_247 : memref<169x64xf32, #tpu.memory_space<hbm>>) dst(%dma_wait3A_242 : memref<128x64xf32, #tpu.memory_space<vmem>>)
    %dma_wait3A_248 = arith.constant 512 : i32
    %dma_wait3A_249 = arith.constant 0 : i32
    %dma_wait3A_250 = tpu.memref_slice %arg12[%dma_wait3A_248, %dma_wait3A_249] : memref<640x64xf32, #tpu.memory_space<vmem>> -> memref<128x64xf32, #tpu.memory_space<vmem>>
    %dma_wait3A_251 = arith.constant 512 : i32
    %dma_wait3A_252 = tpu.memref_slice %arg10[%dma_wait3A_251] : memref<640xi32, #tpu.memory_space<vmem>> -> memref<128xi32, #tpu.memory_space<vmem>>
    %dma_wait3A_253 = arith.constant 0 : i32
    %dma_wait3A_254 = arith.constant 0 : i32
    %dma_wait3A_255 = tpu.memref_slice %arg2[%dma_wait3A_253, %dma_wait3A_254] : memref<169x64xf32, #tpu.memory_space<hbm>> -> memref<169x64xf32, #tpu.memory_space<hbm>>
    tpu.wait_indirect_dma semaphore(%arg13 : memref<!tpu.dma_semaphore, #tpu.memory_space<semaphore_mem>>) src(%dma_wait3A_255 : memref<169x64xf32, #tpu.memory_space<hbm>>) dst(%dma_wait3A_250 : memref<128x64xf32, #tpu.memory_space<vmem>>)
    %scan3A_256 = arith.constant 0 : i32
    %scan3A_257 = arith.constant 0 : i32
    %scan3A_258 = arith.constant 640 : i32
    %scan3A_259 = arith.addi %scan3A_257, %scan3A_258 : i32
    %scan3A_260 = arith.constant 4 : i32
    %scan3A_261 = scf.for %scan3A_263 = %scan3A_257 to %scan3A_259 step %scan3A_260 iter_args(%scan3A_264 = %scan3A_256) -> (i32)  : i32 {
      %get3A = arith.index_cast %scan3A_263 : i32 to index
      %get3A_265 = arith.constant 0 : index
      %get3A_266 = tpu.vector_load %arg11[%get3A, %get3A_265] {strides = array<i32>} : memref<640x64xf32, #tpu.memory_space<vmem>>, vector<16xf32>,
      %get3A_267 = arith.index_cast %scan3A_263 : i32 to index
      %get3A_268 = arith.constant 0 : index
      %get3A_269 = tpu.vector_load %arg12[%get3A_267, %get3A_268] {strides = array<i32>} : memref<640x64xf32, #tpu.memory_space<vmem>>, vector<16xf32>,
      %add3A_270 = arith.addf %get3A_266, %get3A_269 : vector<16xf32>
      %swap3A = arith.index_cast %scan3A_263 : i32 to index
      %swap3A_271 = arith.constant 0 : index
      %swap3A_272 = tpu.vector_load %arg11[%swap3A, %swap3A_271] {strides = array<i32>} : memref<640x64xf32, #tpu.memory_space<vmem>>, vector<16xf32>,
      tpu.vector_store %arg11[%swap3A, %swap3A_271], %add3A_270 {strides = array<i32>} : memref<640x64xf32, #tpu.memory_space<vmem>>, vector<16xf32>,
      %get3A_273 = arith.index_cast %scan3A_263 : i32 to index
      %get3A_274 = arith.constant 16 : index
      %get3A_275 = tpu.vector_load %arg11[%get3A_273, %get3A_274] {strides = array<i32>} : memref<640x64xf32, #tpu.memory_space<vmem>>, vector<16xf32>,
      %get3A_276 = arith.index_cast %scan3A_263 : i32 to index
      %get3A_277 = arith.constant 16 : index
      %get3A_278 = tpu.vector_load %arg12[%get3A_276, %get3A_277] {strides = array<i32>} : memref<640x64xf32, #tpu.memory_space<vmem>>, vector<16xf32>,
      %add3A_279 = arith.addf %get3A_275, %get3A_278 : vector<16xf32>
      %swap3A_280 = arith.index_cast %scan3A_263 : i32 to index
      %swap3A_281 = arith.constant 16 : index
      %swap3A_282 = tpu.vector_load %arg11[%swap3A_280, %swap3A_281] {strides = array<i32>} : memref<640x64xf32, #tpu.memory_space<vmem>>, vector<16xf32>,
      tpu.vector_store %arg11[%swap3A_280, %swap3A_281], %add3A_279 {strides = array<i32>} : memref<640x64xf32, #tpu.memory_space<vmem>>, vector<16xf32>,
      %get3A_283 = arith.index_cast %scan3A_263 : i32 to index
      %get3A_284 = arith.constant 32 : index
      %get3A_285 = tpu.vector_load %arg11[%get3A_283, %get3A_284] {strides = array<i32>} : memref<640x64xf32, #tpu.memory_space<vmem>>, vector<16xf32>,
      %get3A_286 = arith.index_cast %scan3A_263 : i32 to index
      %get3A_287 = arith.constant 32 : index
      %get3A_288 = tpu.vector_load %arg12[%get3A_286, %get3A_287] {strides = array<i32>} : memref<640x64xf32, #tpu.memory_space<vmem>>, vector<16xf32>,
      %add3A_289 = arith.addf %get3A_285, %get3A_288 : vector<16xf32>
      %swap3A_290 = arith.index_cast %scan3A_263 : i32 to index
      %swap3A_291 = arith.constant 32 : index
      %swap3A_292 = tpu.vector_load %arg11[%swap3A_290, %swap3A_291] {strides = array<i32>} : memref<640x64xf32, #tpu.memory_space<vmem>>, vector<16xf32>,
      tpu.vector_store %arg11[%swap3A_290, %swap3A_291], %add3A_289 {strides = array<i32>} : memref<640x64xf32, #tpu.memory_space<vmem>>, vector<16xf32>,
      %get3A_293 = arith.index_cast %scan3A_263 : i32 to index
      %get3A_294 = arith.constant 48 : index
      %get3A_295 = tpu.vector_load %arg11[%get3A_293, %get3A_294] {strides = array<i32>} : memref<640x64xf32, #tpu.memory_space<vmem>>, vector<16xf32>,
      %get3A_296 = arith.index_cast %scan3A_263 : i32 to index
      %get3A_297 = arith.constant 48 : index
      %get3A_298 = tpu.vector_load %arg12[%get3A_296, %get3A_297] {strides = array<i32>} : memref<640x64xf32, #tpu.memory_space<vmem>>, vector<16xf32>,
      %add3A_299 = arith.addf %get3A_295, %get3A_298 : vector<16xf32>
      %swap3A_300 = arith.index_cast %scan3A_263 : i32 to index
      %swap3A_301 = arith.constant 48 : index
      %swap3A_302 = tpu.vector_load %arg11[%swap3A_300, %swap3A_301] {strides = array<i32>} : memref<640x64xf32, #tpu.memory_space<vmem>>, vector<16xf32>,
      tpu.vector_store %arg11[%swap3A_300, %swap3A_301], %add3A_299 {strides = array<i32>} : memref<640x64xf32, #tpu.memory_space<vmem>>, vector<16xf32>,
      %scan3A_303 = arith.constant 0 : i32
      %scan3A_304 = arith.constant 1 : i32
      %scan3A_305 = arith.addi %scan3A_263, %scan3A_304 : i32
      %get3A_306 = arith.index_cast %scan3A_305 : i32 to index
      %get3A_307 = arith.constant 0 : index
      %get3A_308 = tpu.vector_load %arg11[%get3A_306, %get3A_307] {strides = array<i32>} : memref<640x64xf32, #tpu.memory_space<vmem>>, vector<16xf32>,
      %get3A_309 = arith.index_cast %scan3A_305 : i32 to index
      %get3A_310 = arith.constant 0 : index
      %get3A_311 = tpu.vector_load %arg12[%get3A_309, %get3A_310] {strides = array<i32>} : memref<640x64xf32, #tpu.memory_space<vmem>>, vector<16xf32>,
      %add3A_312 = arith.addf %get3A_308, %get3A_311 : vector<16xf32>
      %swap3A_313 = arith.index_cast %scan3A_305 : i32 to index
      %swap3A_314 = arith.constant 0 : index
      %swap3A_315 = tpu.vector_load %arg11[%swap3A_313, %swap3A_314] {strides = array<i32>} : memref<640x64xf32, #tpu.memory_space<vmem>>, vector<16xf32>,
      tpu.vector_store %arg11[%swap3A_313, %swap3A_314], %add3A_312 {strides = array<i32>} : memref<640x64xf32, #tpu.memory_space<vmem>>, vector<16xf32>,
      %get3A_316 = arith.index_cast %scan3A_305 : i32 to index
      %get3A_317 = arith.constant 16 : index
      %get3A_318 = tpu.vector_load %arg11[%get3A_316, %get3A_317] {strides = array<i32>} : memref<640x64xf32, #tpu.memory_space<vmem>>, vector<16xf32>,
      %get3A_319 = arith.index_cast %scan3A_305 : i32 to index
      %get3A_320 = arith.constant 16 : index
      %get3A_321 = tpu.vector_load %arg12[%get3A_319, %get3A_320] {strides = array<i32>} : memref<640x64xf32, #tpu.memory_space<vmem>>, vector<16xf32>,
      %add3A_322 = arith.addf %get3A_318, %get3A_321 : vector<16xf32>
      %swap3A_323 = arith.index_cast %scan3A_305 : i32 to index
      %swap3A_324 = arith.constant 16 : index
      %swap3A_325 = tpu.vector_load %arg11[%swap3A_323, %swap3A_324] {strides = array<i32>} : memref<640x64xf32, #tpu.memory_space<vmem>>, vector<16xf32>,
      tpu.vector_store %arg11[%swap3A_323, %swap3A_324], %add3A_322 {strides = array<i32>} : memref<640x64xf32, #tpu.memory_space<vmem>>, vector<16xf32>,
      %get3A_326 = arith.index_cast %scan3A_305 : i32 to index
      %get3A_327 = arith.constant 32 : index
      %get3A_328 = tpu.vector_load %arg11[%get3A_326, %get3A_327] {strides = array<i32>} : memref<640x64xf32, #tpu.memory_space<vmem>>, vector<16xf32>,
      %get3A_329 = arith.index_cast %scan3A_305 : i32 to index
      %get3A_330 = arith.constant 32 : index
      %get3A_331 = tpu.vector_load %arg12[%get3A_329, %get3A_330] {strides = array<i32>} : memref<640x64xf32, #tpu.memory_space<vmem>>, vector<16xf32>,
      %add3A_332 = arith.addf %get3A_328, %get3A_331 : vector<16xf32>
      %swap3A_333 = arith.index_cast %scan3A_305 : i32 to index
      %swap3A_334 = arith.constant 32 : index
      %swap3A_335 = tpu.vector_load %arg11[%swap3A_333, %swap3A_334] {strides = array<i32>} : memref<640x64xf32, #tpu.memory_space<vmem>>, vector<16xf32>,
      tpu.vector_store %arg11[%swap3A_333, %swap3A_334], %add3A_332 {strides = array<i32>} : memref<640x64xf32, #tpu.memory_space<vmem>>, vector<16xf32>,
      %get3A_336 = arith.index_cast %scan3A_305 : i32 to index
      %get3A_337 = arith.constant 48 : index
      %get3A_338 = tpu.vector_load %arg11[%get3A_336, %get3A_337] {strides = array<i32>} : memref<640x64xf32, #tpu.memory_space<vmem>>, vector<16xf32>,
      %get3A_339 = arith.index_cast %scan3A_305 : i32 to index
      %get3A_340 = arith.constant 48 : index
      %get3A_341 = tpu.vector_load %arg12[%get3A_339, %get3A_340] {strides = array<i32>} : memref<640x64xf32, #tpu.memory_space<vmem>>, vector<16xf32>,
      %add3A_342 = arith.addf %get3A_338, %get3A_341 : vector<16xf32>
      %swap3A_343 = arith.index_cast %scan3A_305 : i32 to index
      %swap3A_344 = arith.constant 48 : index
      %swap3A_345 = tpu.vector_load %arg11[%swap3A_343, %swap3A_344] {strides = array<i32>} : memref<640x64xf32, #tpu.memory_space<vmem>>, vector<16xf32>,
      tpu.vector_store %arg11[%swap3A_343, %swap3A_344], %add3A_342 {strides = array<i32>} : memref<640x64xf32, #tpu.memory_space<vmem>>, vector<16xf32>,
      %scan3A_346 = arith.constant 0 : i32
      %scan3A_347 = arith.constant 2 : i32
      %scan3A_348 = arith.addi %scan3A_263, %scan3A_347 : i32
      %get3A_349 = arith.index_cast %scan3A_348 : i32 to index
      %get3A_350 = arith.constant 0 : index
      %get3A_351 = tpu.vector_load %arg11[%get3A_349, %get3A_350] {strides = array<i32>} : memref<640x64xf32, #tpu.memory_space<vmem>>, vector<16xf32>,
      %get3A_352 = arith.index_cast %scan3A_348 : i32 to index
      %get3A_353 = arith.constant 0 : index
      %get3A_354 = tpu.vector_load %arg12[%get3A_352, %get3A_353] {strides = array<i32>} : memref<640x64xf32, #tpu.memory_space<vmem>>, vector<16xf32>,
      %add3A_355 = arith.addf %get3A_351, %get3A_354 : vector<16xf32>
      %swap3A_356 = arith.index_cast %scan3A_348 : i32 to index
      %swap3A_357 = arith.constant 0 : index
      %swap3A_358 = tpu.vector_load %arg11[%swap3A_356, %swap3A_357] {strides = array<i32>} : memref<640x64xf32, #tpu.memory_space<vmem>>, vector<16xf32>,
      tpu.vector_store %arg11[%swap3A_356, %swap3A_357], %add3A_355 {strides = array<i32>} : memref<640x64xf32, #tpu.memory_space<vmem>>, vector<16xf32>,
      %get3A_359 = arith.index_cast %scan3A_348 : i32 to index
      %get3A_360 = arith.constant 16 : index
      %get3A_361 = tpu.vector_load %arg11[%get3A_359, %get3A_360] {strides = array<i32>} : memref<640x64xf32, #tpu.memory_space<vmem>>, vector<16xf32>,
      %get3A_362 = arith.index_cast %scan3A_348 : i32 to index
      %get3A_363 = arith.constant 16 : index
      %get3A_364 = tpu.vector_load %arg12[%get3A_362, %get3A_363] {strides = array<i32>} : memref<640x64xf32, #tpu.memory_space<vmem>>, vector<16xf32>,
      %add3A_365 = arith.addf %get3A_361, %get3A_364 : vector<16xf32>
      %swap3A_366 = arith.index_cast %scan3A_348 : i32 to index
      %swap3A_367 = arith.constant 16 : index
      %swap3A_368 = tpu.vector_load %arg11[%swap3A_366, %swap3A_367] {strides = array<i32>} : memref<640x64xf32, #tpu.memory_space<vmem>>, vector<16xf32>,
      tpu.vector_store %arg11[%swap3A_366, %swap3A_367], %add3A_365 {strides = array<i32>} : memref<640x64xf32, #tpu.memory_space<vmem>>, vector<16xf32>,
      %get3A_369 = arith.index_cast %scan3A_348 : i32 to index
      %get3A_370 = arith.constant 32 : index
      %get3A_371 = tpu.vector_load %arg11[%get3A_369, %get3A_370] {strides = array<i32>} : memref<640x64xf32, #tpu.memory_space<vmem>>, vector<16xf32>,
      %get3A_372 = arith.index_cast %scan3A_348 : i32 to index
      %get3A_373 = arith.constant 32 : index
      %get3A_374 = tpu.vector_load %arg12[%get3A_372, %get3A_373] {strides = array<i32>} : memref<640x64xf32, #tpu.memory_space<vmem>>, vector<16xf32>,
      %add3A_375 = arith.addf %get3A_371, %get3A_374 : vector<16xf32>
      %swap3A_376 = arith.index_cast %scan3A_348 : i32 to index
      %swap3A_377 = arith.constant 32 : index
      %swap3A_378 = tpu.vector_load %arg11[%swap3A_376, %swap3A_377] {strides = array<i32>} : memref<640x64xf32, #tpu.memory_space<vmem>>, vector<16xf32>,
      tpu.vector_store %arg11[%swap3A_376, %swap3A_377], %add3A_375 {strides = array<i32>} : memref<640x64xf32, #tpu.memory_space<vmem>>, vector<16xf32>,
      %get3A_379 = arith.index_cast %scan3A_348 : i32 to index
      %get3A_380 = arith.constant 48 : index
      %get3A_381 = tpu.vector_load %arg11[%get3A_379, %get3A_380] {strides = array<i32>} : memref<640x64xf32, #tpu.memory_space<vmem>>, vector<16xf32>,
      %get3A_382 = arith.index_cast %scan3A_348 : i32 to index
      %get3A_383 = arith.constant 48 : index
      %get3A_384 = tpu.vector_load %arg12[%get3A_382, %get3A_383] {strides = array<i32>} : memref<640x64xf32, #tpu.memory_space<vmem>>, vector<16xf32>,
      %add3A_385 = arith.addf %get3A_381, %get3A_384 : vector<16xf32>
      %swap3A_386 = arith.index_cast %scan3A_348 : i32 to index
      %swap3A_387 = arith.constant 48 : index
      %swap3A_388 = tpu.vector_load %arg11[%swap3A_386, %swap3A_387] {strides = array<i32>} : memref<640x64xf32, #tpu.memory_space<vmem>>, vector<16xf32>,
      tpu.vector_store %arg11[%swap3A_386, %swap3A_387], %add3A_385 {strides = array<i32>} : memref<640x64xf32, #tpu.memory_space<vmem>>, vector<16xf32>,
      %scan3A_389 = arith.constant 0 : i32
      %scan3A_390 = arith.constant 3 : i32
      %scan3A_391 = arith.addi %scan3A_263, %scan3A_390 : i32
      %get3A_392 = arith.index_cast %scan3A_391 : i32 to index
      %get3A_393 = arith.constant 0 : index
      %get3A_394 = tpu.vector_load %arg11[%get3A_392, %get3A_393] {strides = array<i32>} : memref<640x64xf32, #tpu.memory_space<vmem>>, vector<16xf32>,
      %get3A_395 = arith.index_cast %scan3A_391 : i32 to index
      %get3A_396 = arith.constant 0 : index
      %get3A_397 = tpu.vector_load %arg12[%get3A_395, %get3A_396] {strides = array<i32>} : memref<640x64xf32, #tpu.memory_space<vmem>>, vector<16xf32>,
      %add3A_398 = arith.addf %get3A_394, %get3A_397 : vector<16xf32>
      %swap3A_399 = arith.index_cast %scan3A_391 : i32 to index
      %swap3A_400 = arith.constant 0 : index
      %swap3A_401 = tpu.vector_load %arg11[%swap3A_399, %swap3A_400] {strides = array<i32>} : memref<640x64xf32, #tpu.memory_space<vmem>>, vector<16xf32>,
      tpu.vector_store %arg11[%swap3A_399, %swap3A_400], %add3A_398 {strides = array<i32>} : memref<640x64xf32, #tpu.memory_space<vmem>>, vector<16xf32>,
      %get3A_402 = arith.index_cast %scan3A_391 : i32 to index
      %get3A_403 = arith.constant 16 : index
      %get3A_404 = tpu.vector_load %arg11[%get3A_402, %get3A_403] {strides = array<i32>} : memref<640x64xf32, #tpu.memory_space<vmem>>, vector<16xf32>,
      %get3A_405 = arith.index_cast %scan3A_391 : i32 to index
      %get3A_406 = arith.constant 16 : index
      %get3A_407 = tpu.vector_load %arg12[%get3A_405, %get3A_406] {strides = array<i32>} : memref<640x64xf32, #tpu.memory_space<vmem>>, vector<16xf32>,
      %add3A_408 = arith.addf %get3A_404, %get3A_407 : vector<16xf32>
      %swap3A_409 = arith.index_cast %scan3A_391 : i32 to index
      %swap3A_410 = arith.constant 16 : index
      %swap3A_411 = tpu.vector_load %arg11[%swap3A_409, %swap3A_410] {strides = array<i32>} : memref<640x64xf32, #tpu.memory_space<vmem>>, vector<16xf32>,
      tpu.vector_store %arg11[%swap3A_409, %swap3A_410], %add3A_408 {strides = array<i32>} : memref<640x64xf32, #tpu.memory_space<vmem>>, vector<16xf32>,
      %get3A_412 = arith.index_cast %scan3A_391 : i32 to index
      %get3A_413 = arith.constant 32 : index
      %get3A_414 = tpu.vector_load %arg11[%get3A_412, %get3A_413] {strides = array<i32>} : memref<640x64xf32, #tpu.memory_space<vmem>>, vector<16xf32>,
      %get3A_415 = arith.index_cast %scan3A_391 : i32 to index
      %get3A_416 = arith.constant 32 : index
      %get3A_417 = tpu.vector_load %arg12[%get3A_415, %get3A_416] {strides = array<i32>} : memref<640x64xf32, #tpu.memory_space<vmem>>, vector<16xf32>,
      %add3A_418 = arith.addf %get3A_414, %get3A_417 : vector<16xf32>
      %swap3A_419 = arith.index_cast %scan3A_391 : i32 to index
      %swap3A_420 = arith.constant 32 : index
      %swap3A_421 = tpu.vector_load %arg11[%swap3A_419, %swap3A_420] {strides = array<i32>} : memref<640x64xf32, #tpu.memory_space<vmem>>, vector<16xf32>,
      tpu.vector_store %arg11[%swap3A_419, %swap3A_420], %add3A_418 {strides = array<i32>} : memref<640x64xf32, #tpu.memory_space<vmem>>, vector<16xf32>,
      %get3A_422 = arith.index_cast %scan3A_391 : i32 to index
      %get3A_423 = arith.constant 48 : index
      %get3A_424 = tpu.vector_load %arg11[%get3A_422, %get3A_423] {strides = array<i32>} : memref<640x64xf32, #tpu.memory_space<vmem>>, vector<16xf32>,
      %get3A_425 = arith.index_cast %scan3A_391 : i32 to index
      %get3A_426 = arith.constant 48 : index
      %get3A_427 = tpu.vector_load %arg12[%get3A_425, %get3A_426] {strides = array<i32>} : memref<640x64xf32, #tpu.memory_space<vmem>>, vector<16xf32>,
      %add3A_428 = arith.addf %get3A_424, %get3A_427 : vector<16xf32>
      %swap3A_429 = arith.index_cast %scan3A_391 : i32 to index
      %swap3A_430 = arith.constant 48 : index
      %swap3A_431 = tpu.vector_load %arg11[%swap3A_429, %swap3A_430] {strides = array<i32>} : memref<640x64xf32, #tpu.memory_space<vmem>>, vector<16xf32>,
      tpu.vector_store %arg11[%swap3A_429, %swap3A_430], %add3A_428 {strides = array<i32>} : memref<640x64xf32, #tpu.memory_space<vmem>>, vector<16xf32>,
      %scan3A_432 = arith.constant 0 : i32
      scf.yield %scan3A_432 : i32
    }
    %scan3A_262 = arith.constant 640 : i32
    "tpu.region"() ({
      %run_scoped3A = tpu.sem_alloc : memref<!tpu.dma_semaphore, #tpu.memory_space<semaphore_mem>>
      %dma_start3A_263 = arith.constant 0 : i32
      %dma_start3A_264 = tpu.memref_slice %arg6[%mul3A_2, %dma_start3A_263] : memref<20480x64xf32, #tpu.memory_space<hbm>> -> memref<640x64xf32, #tpu.memory_space<hbm>>
      %dma_start3A_265 = arith.constant 0 : i32
      %dma_start3A_266 = tpu.memref_slice %arg6[%mul3A_2, %dma_start3A_265] : memref<20480x64xf32, #tpu.memory_space<hbm>> -> memref<640x64xf32, #tpu.memory_space<hbm>>
      tpu.enqueue_dma source(%arg11 : memref<640x64xf32, #tpu.memory_space<vmem>>) target(%dma_start3A_266 : memref<640x64xf32, #tpu.memory_space<hbm>>) target_semaphore(%run_scoped3A : memref<!tpu.dma_semaphore, #tpu.memory_space<semaphore_mem>>)
      %dma_wait3A_267 = arith.constant 0 : i32
      %dma_wait3A_268 = tpu.memref_slice %arg6[%mul3A_2, %dma_wait3A_267] : memref<20480x64xf32, #tpu.memory_space<hbm>> -> memref<640x64xf32, #tpu.memory_space<hbm>>
      %dma_wait3A_269 = arith.constant 0 : i32
      %dma_wait3A_270 = tpu.memref_slice %arg6[%mul3A_2, %dma_wait3A_269] : memref<20480x64xf32, #tpu.memory_space<hbm>> -> memref<640x64xf32, #tpu.memory_space<hbm>>
      tpu.wait_dma2 semaphore(%run_scoped3A : memref<!tpu.dma_semaphore, #tpu.memory_space<semaphore_mem>>) src(%arg11 : memref<640x64xf32, #tpu.memory_space<vmem>>) dst(%dma_wait3A_270 : memref<640x64xf32, #tpu.memory_space<hbm>>)
      tpu.yield
    }) : () -> ()
    return
  }
}

module attributes {stable_mosaic.version = 14 : i64} {
  func.func @_tc_delta_body(%arg0: i32, %arg1: i32, %arg2: memref<1x256xi32, #tpu.memory_space<vmem>>, %arg3: memref<80x256xf32, #tpu.memory_space<vmem>>, %arg4: memref<64x2xf32, #tpu.memory_space<vmem>>, %arg5: memref<64x2xf32, #tpu.memory_space<vmem>>, %arg6: memref<64x2xf32, #tpu.memory_space<vmem>>, %arg7: memref<64x2xf32, #tpu.memory_space<vmem>>, %arg8: memref<40x64x256xf32, #tpu.memory_space<vmem>>) attributes {dimension_semantics = [#tpu.dimension_semantics<arbitrary>, #tpu.dimension_semantics<arbitrary>], iteration_bounds = array<i64: 10, 4>, scalar_prefetch = 0 : i64, scratch_operands = 0 : i64, tpu.core_type = #tpu.core_type<tc>, window_params = [{transform_indices = @transform_0, window_bounds = array<i64: 1, 256>}, {transform_indices = @transform_1, window_bounds = array<i64: 80, 256>}, {pipeline_mode = #tpu.pipeline_mode<synchronous>, transform_indices = @transform_2, window_bounds = array<i64: 64, 2>}, {pipeline_mode = #tpu.pipeline_mode<synchronous>, transform_indices = @transform_3, window_bounds = array<i64: 64, 2>}, {pipeline_mode = #tpu.pipeline_mode<synchronous>, transform_indices = @transform_4, window_bounds = array<i64: 64, 2>}, {pipeline_mode = #tpu.pipeline_mode<synchronous>, transform_indices = @transform_5, window_bounds = array<i64: 64, 2>}, {transform_indices = @transform_6, window_bounds = array<i64: 40, 64, 256>}]} {
    %get3A = arith.constant 0 : index
    %get3A_0 = arith.constant 0 : index
    %get3A_1 = vector.load %arg5[%get3A, %get3A_0] : memref<64x2xf32, #tpu.memory_space<vmem>>, vector<64x2xf32>
    %get3A_2 = arith.constant 0 : index
    %get3A_3 = arith.constant 0 : index
    %get3A_4 = vector.load %arg4[%get3A_2, %get3A_3] : memref<64x2xf32, #tpu.memory_space<vmem>>, vector<64x2xf32>
    %get3A_5 = arith.constant 0 : index
    %get3A_6 = arith.constant 0 : index
    %get3A_7 = vector.load %arg7[%get3A_5, %get3A_6] : memref<64x2xf32, #tpu.memory_space<vmem>>, vector<64x2xf32>
    %get3A_8 = arith.constant 0 : index
    %get3A_9 = arith.constant 0 : index
    %get3A_10 = vector.load %arg6[%get3A_8, %get3A_9] : memref<64x2xf32, #tpu.memory_space<vmem>>, vector<64x2xf32>
    %add3A = arith.addf %get3A_1, %get3A_7 : vector<64x2xf32>
    %sub3A = arith.subf %get3A_4, %get3A_1 : vector<64x2xf32>
    %sub3A_11 = arith.subf %get3A_10, %get3A_7 : vector<64x2xf32>
    %slice3A = vector.extract_strided_slice %add3A {offsets = [0, 0], sizes = [64, 1], strides = [1, 1]} : vector<64x2xf32> to vector<64x1xf32>
    %broadcast_in_dim3A = vector.shape_cast %slice3A : vector<64x1xf32> to vector<64x1xf32>
    %broadcast_in_dim3A_12 = vector.broadcast %broadcast_in_dim3A : vector<64x1xf32> to vector<64x256xf32>
    %slice3A_13 = vector.extract_strided_slice %add3A {offsets = [0, 1], sizes = [64, 1], strides = [1, 1]} : vector<64x2xf32> to vector<64x1xf32>
    %broadcast_in_dim3A_14 = vector.shape_cast %slice3A_13 : vector<64x1xf32> to vector<64x1xf32>
    %broadcast_in_dim3A_15 = vector.broadcast %broadcast_in_dim3A_14 : vector<64x1xf32> to vector<64x256xf32>
    %slice3A_16 = vector.extract_strided_slice %sub3A {offsets = [0, 0], sizes = [64, 1], strides = [1, 1]} : vector<64x2xf32> to vector<64x1xf32>
    %broadcast_in_dim3A_17 = vector.shape_cast %slice3A_16 : vector<64x1xf32> to vector<64x1xf32>
    %broadcast_in_dim3A_18 = vector.broadcast %broadcast_in_dim3A_17 : vector<64x1xf32> to vector<64x256xf32>
    %slice3A_19 = vector.extract_strided_slice %sub3A {offsets = [0, 1], sizes = [64, 1], strides = [1, 1]} : vector<64x2xf32> to vector<64x1xf32>
    %broadcast_in_dim3A_20 = vector.shape_cast %slice3A_19 : vector<64x1xf32> to vector<64x1xf32>
    %broadcast_in_dim3A_21 = vector.broadcast %broadcast_in_dim3A_20 : vector<64x1xf32> to vector<64x256xf32>
    %slice3A_22 = vector.extract_strided_slice %sub3A_11 {offsets = [0, 0], sizes = [64, 1], strides = [1, 1]} : vector<64x2xf32> to vector<64x1xf32>
    %broadcast_in_dim3A_23 = vector.shape_cast %slice3A_22 : vector<64x1xf32> to vector<64x1xf32>
    %broadcast_in_dim3A_24 = vector.broadcast %broadcast_in_dim3A_23 : vector<64x1xf32> to vector<64x256xf32>
    %slice3A_25 = vector.extract_strided_slice %sub3A_11 {offsets = [0, 1], sizes = [64, 1], strides = [1, 1]} : vector<64x2xf32> to vector<64x1xf32>
    %broadcast_in_dim3A_26 = vector.shape_cast %slice3A_25 : vector<64x1xf32> to vector<64x1xf32>
    %broadcast_in_dim3A_27 = vector.broadcast %broadcast_in_dim3A_26 : vector<64x1xf32> to vector<64x256xf32>
    %get3A_28 = arith.constant 0 : index
    %get3A_29 = arith.constant 0 : index
    %get3A_30 = vector.load %arg2[%get3A_28, %get3A_29] : memref<1x256xi32, #tpu.memory_space<vmem>>, vector<1x256xi32>
    %mul3A = arith.constant 40 : i32
    %mul3A_31 = arith.muli %arg0, %mul3A : i32
    %add3A_32 = arith.constant 0 : i32
    %add3A_33 = arith.addi %mul3A_31, %add3A_32 : i32
    %jit3A = arith.constant 20 : i32
    %div3A = arith.divsi %add3A_33, %jit3A : i32
    %sign3A = arith.constant 0 : i32
    %sign3A_34 = arith.cmpi sgt, %add3A_33, %sign3A : i32
    %sign3A_35 = arith.extui %sign3A_34 : i1 to i32
    %sign3A_36 = arith.constant 0 : i32
    %sign3A_37 = arith.cmpi slt, %add3A_33, %sign3A_36 : i32
    %sign3A_38 = arith.extui %sign3A_37 : i1 to i32
    %sign3A_39 = arith.subi %sign3A_35, %sign3A_38 : i32
    %sign3A_40 = arith.constant 0 : i32
    %sign3A_41 = arith.cmpi sgt, %jit3A, %sign3A_40 : i32
    %sign3A_42 = arith.extui %sign3A_41 : i1 to i32
    %sign3A_43 = arith.constant 0 : i32
    %sign3A_44 = arith.cmpi slt, %jit3A, %sign3A_43 : i32
    %sign3A_45 = arith.extui %sign3A_44 : i1 to i32
    %sign3A_46 = arith.subi %sign3A_42, %sign3A_45 : i32
    %ne3A = arith.cmpi ne, %sign3A_39, %sign3A_46 : i32
    %rem3A = arith.remsi %add3A_33, %jit3A : i32
    %ne3A_47 = arith.constant 0 : i32
    %ne3A_48 = arith.cmpi ne, %rem3A, %ne3A_47 : i32
    %and3A = arith.andi %ne3A, %ne3A_48 : i1
    %sub3A_49 = arith.constant 1 : i32
    %sub3A_50 = arith.subi %div3A, %sub3A_49 : i32
    %select_n3A = arith.select %and3A, %sub3A_50, %div3A : i32
    %mul3A_51 = arith.constant 20 : i32
    %mul3A_52 = arith.muli %select_n3A, %mul3A_51 : i32
    %sub3A_53 = arith.subi %add3A_33, %mul3A_52 : i32
    %lt3A = vector.broadcast %select_n3A : i32 to vector<1x256xi32>
    %lt3A_54 = arith.cmpi slt, %lt3A, %get3A_30 : vector<1x256xi32>
    %lt3A_55 = vector.broadcast %sub3A_53 : i32 to vector<1x256xi32>
    %lt3A_56 = arith.cmpi slt, %lt3A_55, %get3A_30 : vector<1x256xi32>
    %and3A_57 = arith.andi %lt3A_54, %lt3A_56 : vector<1x256xi1>
    %get3A_58 = arith.constant 0 : index
    %get3A_59 = arith.constant 0 : index
    %get3A_60 = vector.load %arg3[%get3A_58, %get3A_59] : memref<80x256xf32, #tpu.memory_space<vmem>>, vector<1x256xf32>
    %get3A_61 = arith.constant 1 : index
    %get3A_62 = arith.constant 0 : index
    %get3A_63 = vector.load %arg3[%get3A_61, %get3A_62] : memref<80x256xf32, #tpu.memory_space<vmem>>, vector<1x256xf32>
    %broadcast_in_dim3A_64 = vector.shape_cast %and3A_57 : vector<1x256xi1> to vector<1x256xi1>
    %broadcast_in_dim3A_65 = vector.broadcast %broadcast_in_dim3A_64 : vector<1x256xi1> to vector<64x256xi1>
    %select_n3A_66 = arith.select %broadcast_in_dim3A_65, %broadcast_in_dim3A_15, %broadcast_in_dim3A_12 : vector<64x256xi1>, vector<64x256xf32>
    %broadcast_in_dim3A_67 = vector.shape_cast %and3A_57 : vector<1x256xi1> to vector<1x256xi1>
    %broadcast_in_dim3A_68 = vector.broadcast %broadcast_in_dim3A_67 : vector<1x256xi1> to vector<64x256xi1>
    %select_n3A_69 = arith.select %broadcast_in_dim3A_68, %broadcast_in_dim3A_21, %broadcast_in_dim3A_18 : vector<64x256xi1>, vector<64x256xf32>
    %broadcast_in_dim3A_70 = vector.shape_cast %and3A_57 : vector<1x256xi1> to vector<1x256xi1>
    %broadcast_in_dim3A_71 = vector.broadcast %broadcast_in_dim3A_70 : vector<1x256xi1> to vector<64x256xi1>
    %select_n3A_72 = arith.select %broadcast_in_dim3A_71, %broadcast_in_dim3A_27, %broadcast_in_dim3A_24 : vector<64x256xi1>, vector<64x256xf32>
    %mul3A_73 = vector.broadcast %get3A_60 : vector<1x256xf32> to vector<64x256xf32>
    %mul3A_74 = arith.mulf %mul3A_73, %select_n3A_69 : vector<64x256xf32>
    %add3A_75 = arith.addf %select_n3A_66, %mul3A_74 : vector<64x256xf32>
    %mul3A_76 = vector.broadcast %get3A_63 : vector<1x256xf32> to vector<64x256xf32>
    %mul3A_77 = arith.mulf %mul3A_76, %select_n3A_72 : vector<64x256xf32>
    %add3A_78 = arith.addf %add3A_75, %mul3A_77 : vector<64x256xf32>
    %swap3A = arith.constant 0 : index
    %swap3A_79 = arith.constant 0 : index
    %swap3A_80 = arith.constant 0 : index
    %swap3A_81 = vector.load %arg8[%swap3A, %swap3A_79, %swap3A_80] : memref<40x64x256xf32, #tpu.memory_space<vmem>>, vector<1x64x256xf32>
    %swap3A_82 = vector.shape_cast %swap3A_81 : vector<1x64x256xf32> to vector<64x256xf32>
    %swap3A_83 = vector.shape_cast %add3A_78 : vector<64x256xf32> to vector<1x64x256xf32>
    tpu.vector_store %arg8[%swap3A, %swap3A_79, %swap3A_80], %swap3A_83 {strides = array<i32>} : memref<40x64x256xf32, #tpu.memory_space<vmem>>, vector<1x64x256xf32>,
    %mul3A_84 = arith.constant 40 : i32
    %mul3A_85 = arith.muli %arg0, %mul3A_84 : i32
    %add3A_86 = arith.constant 1 : i32
    %add3A_87 = arith.addi %mul3A_85, %add3A_86 : i32
    %jit3A_88 = arith.constant 20 : i32
    %div3A_89 = arith.divsi %add3A_87, %jit3A_88 : i32
    %sign3A_90 = arith.constant 0 : i32
    %sign3A_91 = arith.cmpi sgt, %add3A_87, %sign3A_90 : i32
    %sign3A_92 = arith.extui %sign3A_91 : i1 to i32
    %sign3A_93 = arith.constant 0 : i32
    %sign3A_94 = arith.cmpi slt, %add3A_87, %sign3A_93 : i32
    %sign3A_95 = arith.extui %sign3A_94 : i1 to i32
    %sign3A_96 = arith.subi %sign3A_92, %sign3A_95 : i32
    %sign3A_97 = arith.constant 0 : i32
    %sign3A_98 = arith.cmpi sgt, %jit3A_88, %sign3A_97 : i32
    %sign3A_99 = arith.extui %sign3A_98 : i1 to i32
    %sign3A_100 = arith.constant 0 : i32
    %sign3A_101 = arith.cmpi slt, %jit3A_88, %sign3A_100 : i32
    %sign3A_102 = arith.extui %sign3A_101 : i1 to i32
    %sign3A_103 = arith.subi %sign3A_99, %sign3A_102 : i32
    %ne3A_104 = arith.cmpi ne, %sign3A_96, %sign3A_103 : i32
    %rem3A_105 = arith.remsi %add3A_87, %jit3A_88 : i32
    %ne3A_106 = arith.constant 0 : i32
    %ne3A_107 = arith.cmpi ne, %rem3A_105, %ne3A_106 : i32
    %and3A_108 = arith.andi %ne3A_104, %ne3A_107 : i1
    %sub3A_109 = arith.constant 1 : i32
    %sub3A_110 = arith.subi %div3A_89, %sub3A_109 : i32
    %select_n3A_111 = arith.select %and3A_108, %sub3A_110, %div3A_89 : i32
    %mul3A_112 = arith.constant 20 : i32
    %mul3A_113 = arith.muli %select_n3A_111, %mul3A_112 : i32
    %sub3A_114 = arith.subi %add3A_87, %mul3A_113 : i32
    %lt3A_115 = vector.broadcast %select_n3A_111 : i32 to vector<1x256xi32>
    %lt3A_116 = arith.cmpi slt, %lt3A_115, %get3A_30 : vector<1x256xi32>
    %lt3A_117 = vector.broadcast %sub3A_114 : i32 to vector<1x256xi32>
    %lt3A_118 = arith.cmpi slt, %lt3A_117, %get3A_30 : vector<1x256xi32>
    %and3A_119 = arith.andi %lt3A_116, %lt3A_118 : vector<1x256xi1>
    %get3A_120 = arith.constant 2 : index
    %get3A_121 = arith.constant 0 : index
    %get3A_122 = vector.load %arg3[%get3A_120, %get3A_121] : memref<80x256xf32, #tpu.memory_space<vmem>>, vector<1x256xf32>
    %get3A_123 = arith.constant 3 : index
    %get3A_124 = arith.constant 0 : index
    %get3A_125 = vector.load %arg3[%get3A_123, %get3A_124] : memref<80x256xf32, #tpu.memory_space<vmem>>, vector<1x256xf32>
    %broadcast_in_dim3A_126 = vector.shape_cast %and3A_119 : vector<1x256xi1> to vector<1x256xi1>
    %broadcast_in_dim3A_127 = vector.broadcast %broadcast_in_dim3A_126 : vector<1x256xi1> to vector<64x256xi1>
    %select_n3A_128 = arith.select %broadcast_in_dim3A_127, %broadcast_in_dim3A_15, %broadcast_in_dim3A_12 : vector<64x256xi1>, vector<64x256xf32>
    %broadcast_in_dim3A_129 = vector.shape_cast %and3A_119 : vector<1x256xi1> to vector<1x256xi1>
    %broadcast_in_dim3A_130 = vector.broadcast %broadcast_in_dim3A_129 : vector<1x256xi1> to vector<64x256xi1>
    %select_n3A_131 = arith.select %broadcast_in_dim3A_130, %broadcast_in_dim3A_21, %broadcast_in_dim3A_18 : vector<64x256xi1>, vector<64x256xf32>
    %broadcast_in_dim3A_132 = vector.shape_cast %and3A_119 : vector<1x256xi1> to vector<1x256xi1>
    %broadcast_in_dim3A_133 = vector.broadcast %broadcast_in_dim3A_132 : vector<1x256xi1> to vector<64x256xi1>
    %select_n3A_134 = arith.select %broadcast_in_dim3A_133, %broadcast_in_dim3A_27, %broadcast_in_dim3A_24 : vector<64x256xi1>, vector<64x256xf32>
    %mul3A_135 = vector.broadcast %get3A_122 : vector<1x256xf32> to vector<64x256xf32>
    %mul3A_136 = arith.mulf %mul3A_135, %select_n3A_131 : vector<64x256xf32>
    %add3A_137 = arith.addf %select_n3A_128, %mul3A_136 : vector<64x256xf32>
    %mul3A_138 = vector.broadcast %get3A_125 : vector<1x256xf32> to vector<64x256xf32>
    %mul3A_139 = arith.mulf %mul3A_138, %select_n3A_134 : vector<64x256xf32>
    %add3A_140 = arith.addf %add3A_137, %mul3A_139 : vector<64x256xf32>
    %swap3A_141 = arith.constant 1 : index
    %swap3A_142 = arith.constant 0 : index
    %swap3A_143 = arith.constant 0 : index
    %swap3A_144 = vector.load %arg8[%swap3A_141, %swap3A_142, %swap3A_143] : memref<40x64x256xf32, #tpu.memory_space<vmem>>, vector<1x64x256xf32>
    %swap3A_145 = vector.shape_cast %swap3A_144 : vector<1x64x256xf32> to vector<64x256xf32>
    %swap3A_146 = vector.shape_cast %add3A_140 : vector<64x256xf32> to vector<1x64x256xf32>
    tpu.vector_store %arg8[%swap3A_141, %swap3A_142, %swap3A_143], %swap3A_146 {strides = array<i32>} : memref<40x64x256xf32, #tpu.memory_space<vmem>>, vector<1x64x256xf32>,
    %mul3A_147 = arith.constant 40 : i32
    %mul3A_148 = arith.muli %arg0, %mul3A_147 : i32
    %add3A_149 = arith.constant 2 : i32
    %add3A_150 = arith.addi %mul3A_148, %add3A_149 : i32
    %jit3A_151 = arith.constant 20 : i32
    %div3A_152 = arith.divsi %add3A_150, %jit3A_151 : i32
    %sign3A_153 = arith.constant 0 : i32
    %sign3A_154 = arith.cmpi sgt, %add3A_150, %sign3A_153 : i32
    %sign3A_155 = arith.extui %sign3A_154 : i1 to i32
    %sign3A_156 = arith.constant 0 : i32
    %sign3A_157 = arith.cmpi slt, %add3A_150, %sign3A_156 : i32
    %sign3A_158 = arith.extui %sign3A_157 : i1 to i32
    %sign3A_159 = arith.subi %sign3A_155, %sign3A_158 : i32
    %sign3A_160 = arith.constant 0 : i32
    %sign3A_161 = arith.cmpi sgt, %jit3A_151, %sign3A_160 : i32
    %sign3A_162 = arith.extui %sign3A_161 : i1 to i32
    %sign3A_163 = arith.constant 0 : i32
    %sign3A_164 = arith.cmpi slt, %jit3A_151, %sign3A_163 : i32
    %sign3A_165 = arith.extui %sign3A_164 : i1 to i32
    %sign3A_166 = arith.subi %sign3A_162, %sign3A_165 : i32
    %ne3A_167 = arith.cmpi ne, %sign3A_159, %sign3A_166 : i32
    %rem3A_168 = arith.remsi %add3A_150, %jit3A_151 : i32
    %ne3A_169 = arith.constant 0 : i32
    %ne3A_170 = arith.cmpi ne, %rem3A_168, %ne3A_169 : i32
    %and3A_171 = arith.andi %ne3A_167, %ne3A_170 : i1
    %sub3A_172 = arith.constant 1 : i32
    %sub3A_173 = arith.subi %div3A_152, %sub3A_172 : i32
    %select_n3A_174 = arith.select %and3A_171, %sub3A_173, %div3A_152 : i32
    %mul3A_175 = arith.constant 20 : i32
    %mul3A_176 = arith.muli %select_n3A_174, %mul3A_175 : i32
    %sub3A_177 = arith.subi %add3A_150, %mul3A_176 : i32
    %lt3A_178 = vector.broadcast %select_n3A_174 : i32 to vector<1x256xi32>
    %lt3A_179 = arith.cmpi slt, %lt3A_178, %get3A_30 : vector<1x256xi32>
    %lt3A_180 = vector.broadcast %sub3A_177 : i32 to vector<1x256xi32>
    %lt3A_181 = arith.cmpi slt, %lt3A_180, %get3A_30 : vector<1x256xi32>
    %and3A_182 = arith.andi %lt3A_179, %lt3A_181 : vector<1x256xi1>
    %get3A_183 = arith.constant 4 : index
    %get3A_184 = arith.constant 0 : index
    %get3A_185 = vector.load %arg3[%get3A_183, %get3A_184] : memref<80x256xf32, #tpu.memory_space<vmem>>, vector<1x256xf32>
    %get3A_186 = arith.constant 5 : index
    %get3A_187 = arith.constant 0 : index
    %get3A_188 = vector.load %arg3[%get3A_186, %get3A_187] : memref<80x256xf32, #tpu.memory_space<vmem>>, vector<1x256xf32>
    %broadcast_in_dim3A_189 = vector.shape_cast %and3A_182 : vector<1x256xi1> to vector<1x256xi1>
    %broadcast_in_dim3A_190 = vector.broadcast %broadcast_in_dim3A_189 : vector<1x256xi1> to vector<64x256xi1>
    %select_n3A_191 = arith.select %broadcast_in_dim3A_190, %broadcast_in_dim3A_15, %broadcast_in_dim3A_12 : vector<64x256xi1>, vector<64x256xf32>
    %broadcast_in_dim3A_192 = vector.shape_cast %and3A_182 : vector<1x256xi1> to vector<1x256xi1>
    %broadcast_in_dim3A_193 = vector.broadcast %broadcast_in_dim3A_192 : vector<1x256xi1> to vector<64x256xi1>
    %select_n3A_194 = arith.select %broadcast_in_dim3A_193, %broadcast_in_dim3A_21, %broadcast_in_dim3A_18 : vector<64x256xi1>, vector<64x256xf32>
    %broadcast_in_dim3A_195 = vector.shape_cast %and3A_182 : vector<1x256xi1> to vector<1x256xi1>
    %broadcast_in_dim3A_196 = vector.broadcast %broadcast_in_dim3A_195 : vector<1x256xi1> to vector<64x256xi1>
    %select_n3A_197 = arith.select %broadcast_in_dim3A_196, %broadcast_in_dim3A_27, %broadcast_in_dim3A_24 : vector<64x256xi1>, vector<64x256xf32>
    %mul3A_198 = vector.broadcast %get3A_185 : vector<1x256xf32> to vector<64x256xf32>
    %mul3A_199 = arith.mulf %mul3A_198, %select_n3A_194 : vector<64x256xf32>
    %add3A_200 = arith.addf %select_n3A_191, %mul3A_199 : vector<64x256xf32>
    %mul3A_201 = vector.broadcast %get3A_188 : vector<1x256xf32> to vector<64x256xf32>
    %mul3A_202 = arith.mulf %mul3A_201, %select_n3A_197 : vector<64x256xf32>
    %add3A_203 = arith.addf %add3A_200, %mul3A_202 : vector<64x256xf32>
    %swap3A_204 = arith.constant 2 : index
    %swap3A_205 = arith.constant 0 : index
    %swap3A_206 = arith.constant 0 : index
    %swap3A_207 = vector.load %arg8[%swap3A_204, %swap3A_205, %swap3A_206] : memref<40x64x256xf32, #tpu.memory_space<vmem>>, vector<1x64x256xf32>
    %swap3A_208 = vector.shape_cast %swap3A_207 : vector<1x64x256xf32> to vector<64x256xf32>
    %swap3A_209 = vector.shape_cast %add3A_203 : vector<64x256xf32> to vector<1x64x256xf32>
    tpu.vector_store %arg8[%swap3A_204, %swap3A_205, %swap3A_206], %swap3A_209 {strides = array<i32>} : memref<40x64x256xf32, #tpu.memory_space<vmem>>, vector<1x64x256xf32>,
    %mul3A_210 = arith.constant 40 : i32
    %mul3A_211 = arith.muli %arg0, %mul3A_210 : i32
    %add3A_212 = arith.constant 3 : i32
    %add3A_213 = arith.addi %mul3A_211, %add3A_212 : i32
    %jit3A_214 = arith.constant 20 : i32
    %div3A_215 = arith.divsi %add3A_213, %jit3A_214 : i32
    %sign3A_216 = arith.constant 0 : i32
    %sign3A_217 = arith.cmpi sgt, %add3A_213, %sign3A_216 : i32
    %sign3A_218 = arith.extui %sign3A_217 : i1 to i32
    %sign3A_219 = arith.constant 0 : i32
    %sign3A_220 = arith.cmpi slt, %add3A_213, %sign3A_219 : i32
    %sign3A_221 = arith.extui %sign3A_220 : i1 to i32
    %sign3A_222 = arith.subi %sign3A_218, %sign3A_221 : i32
    %sign3A_223 = arith.constant 0 : i32
    %sign3A_224 = arith.cmpi sgt, %jit3A_214, %sign3A_223 : i32
    %sign3A_225 = arith.extui %sign3A_224 : i1 to i32
    %sign3A_226 = arith.constant 0 : i32
    %sign3A_227 = arith.cmpi slt, %jit3A_214, %sign3A_226 : i32
    %sign3A_228 = arith.extui %sign3A_227 : i1 to i32
    %sign3A_229 = arith.subi %sign3A_225, %sign3A_228 : i32
    %ne3A_230 = arith.cmpi ne, %sign3A_222, %sign3A_229 : i32
    %rem3A_231 = arith.remsi %add3A_213, %jit3A_214 : i32
    %ne3A_232 = arith.constant 0 : i32
    %ne3A_233 = arith.cmpi ne, %rem3A_231, %ne3A_232 : i32
    %and3A_234 = arith.andi %ne3A_230, %ne3A_233 : i1
    %sub3A_235 = arith.constant 1 : i32
    %sub3A_236 = arith.subi %div3A_215, %sub3A_235 : i32
    %select_n3A_237 = arith.select %and3A_234, %sub3A_236, %div3A_215 : i32
    %mul3A_238 = arith.constant 20 : i32
    %mul3A_239 = arith.muli %select_n3A_237, %mul3A_238 : i32
    %sub3A_240 = arith.subi %add3A_213, %mul3A_239 : i32
    %lt3A_241 = vector.broadcast %select_n3A_237 : i32 to vector<1x256xi32>
    %lt3A_242 = arith.cmpi slt, %lt3A_241, %get3A_30 : vector<1x256xi32>
    %lt3A_243 = vector.broadcast %sub3A_240 : i32 to vector<1x256xi32>
    %lt3A_244 = arith.cmpi slt, %lt3A_243, %get3A_30 : vector<1x256xi32>
    %and3A_245 = arith.andi %lt3A_242, %lt3A_244 : vector<1x256xi1>
    %get3A_246 = arith.constant 6 : index
    %get3A_247 = arith.constant 0 : index
    %get3A_248 = vector.load %arg3[%get3A_246, %get3A_247] : memref<80x256xf32, #tpu.memory_space<vmem>>, vector<1x256xf32>
    %get3A_249 = arith.constant 7 : index
    %get3A_250 = arith.constant 0 : index
    %get3A_251 = vector.load %arg3[%get3A_249, %get3A_250] : memref<80x256xf32, #tpu.memory_space<vmem>>, vector<1x256xf32>
    %broadcast_in_dim3A_252 = vector.shape_cast %and3A_245 : vector<1x256xi1> to vector<1x256xi1>
    %broadcast_in_dim3A_253 = vector.broadcast %broadcast_in_dim3A_252 : vector<1x256xi1> to vector<64x256xi1>
    %select_n3A_254 = arith.select %broadcast_in_dim3A_253, %broadcast_in_dim3A_15, %broadcast_in_dim3A_12 : vector<64x256xi1>, vector<64x256xf32>
    %broadcast_in_dim3A_255 = vector.shape_cast %and3A_245 : vector<1x256xi1> to vector<1x256xi1>
    %broadcast_in_dim3A_256 = vector.broadcast %broadcast_in_dim3A_255 : vector<1x256xi1> to vector<64x256xi1>
    %select_n3A_257 = arith.select %broadcast_in_dim3A_256, %broadcast_in_dim3A_21, %broadcast_in_dim3A_18 : vector<64x256xi1>, vector<64x256xf32>
    %broadcast_in_dim3A_258 = vector.shape_cast %and3A_245 : vector<1x256xi1> to vector<1x256xi1>
    %broadcast_in_dim3A_259 = vector.broadcast %broadcast_in_dim3A_258 : vector<1x256xi1> to vector<64x256xi1>
    %select_n3A_260 = arith.select %broadcast_in_dim3A_259, %broadcast_in_dim3A_27, %broadcast_in_dim3A_24 : vector<64x256xi1>, vector<64x256xf32>
    %mul3A_261 = vector.broadcast %get3A_248 : vector<1x256xf32> to vector<64x256xf32>
    %mul3A_262 = arith.mulf %mul3A_261, %select_n3A_257 : vector<64x256xf32>
    %add3A_263 = arith.addf %select_n3A_254, %mul3A_262 : vector<64x256xf32>
    %mul3A_264 = vector.broadcast %get3A_251 : vector<1x256xf32> to vector<64x256xf32>
    %mul3A_265 = arith.mulf %mul3A_264, %select_n3A_260 : vector<64x256xf32>
    %add3A_266 = arith.addf %add3A_263, %mul3A_265 : vector<64x256xf32>
    %swap3A_267 = arith.constant 3 : index
    %swap3A_268 = arith.constant 0 : index
    %swap3A_269 = arith.constant 0 : index
    %swap3A_270 = vector.load %arg8[%swap3A_267, %swap3A_268, %swap3A_269] : memref<40x64x256xf32, #tpu.memory_space<vmem>>, vector<1x64x256xf32>
    %swap3A_271 = vector.shape_cast %swap3A_270 : vector<1x64x256xf32> to vector<64x256xf32>
    %swap3A_272 = vector.shape_cast %add3A_266 : vector<64x256xf32> to vector<1x64x256xf32>
    tpu.vector_store %arg8[%swap3A_267, %swap3A_268, %swap3A_269], %swap3A_272 {strides = array<i32>} : memref<40x64x256xf32, #tpu.memory_space<vmem>>, vector<1x64x256xf32>,
    %mul3A_273 = arith.constant 40 : i32
    %mul3A_274 = arith.muli %arg0, %mul3A_273 : i32
    %add3A_275 = arith.constant 4 : i32
    %add3A_276 = arith.addi %mul3A_274, %add3A_275 : i32
    %jit3A_277 = arith.constant 20 : i32
    %div3A_278 = arith.divsi %add3A_276, %jit3A_277 : i32
    %sign3A_279 = arith.constant 0 : i32
    %sign3A_280 = arith.cmpi sgt, %add3A_276, %sign3A_279 : i32
    %sign3A_281 = arith.extui %sign3A_280 : i1 to i32
    %sign3A_282 = arith.constant 0 : i32
    %sign3A_283 = arith.cmpi slt, %add3A_276, %sign3A_282 : i32
    %sign3A_284 = arith.extui %sign3A_283 : i1 to i32
    %sign3A_285 = arith.subi %sign3A_281, %sign3A_284 : i32
    %sign3A_286 = arith.constant 0 : i32
    %sign3A_287 = arith.cmpi sgt, %jit3A_277, %sign3A_286 : i32
    %sign3A_288 = arith.extui %sign3A_287 : i1 to i32
    %sign3A_289 = arith.constant 0 : i32
    %sign3A_290 = arith.cmpi slt, %jit3A_277, %sign3A_289 : i32
    %sign3A_291 = arith.extui %sign3A_290 : i1 to i32
    %sign3A_292 = arith.subi %sign3A_288, %sign3A_291 : i32
    %ne3A_293 = arith.cmpi ne, %sign3A_285, %sign3A_292 : i32
    %rem3A_294 = arith.remsi %add3A_276, %jit3A_277 : i32
    %ne3A_295 = arith.constant 0 : i32
    %ne3A_296 = arith.cmpi ne, %rem3A_294, %ne3A_295 : i32
    %and3A_297 = arith.andi %ne3A_293, %ne3A_296 : i1
    %sub3A_298 = arith.constant 1 : i32
    %sub3A_299 = arith.subi %div3A_278, %sub3A_298 : i32
    %select_n3A_300 = arith.select %and3A_297, %sub3A_299, %div3A_278 : i32
    %mul3A_301 = arith.constant 20 : i32
    %mul3A_302 = arith.muli %select_n3A_300, %mul3A_301 : i32
    %sub3A_303 = arith.subi %add3A_276, %mul3A_302 : i32
    %lt3A_304 = vector.broadcast %select_n3A_300 : i32 to vector<1x256xi32>
    %lt3A_305 = arith.cmpi slt, %lt3A_304, %get3A_30 : vector<1x256xi32>
    %lt3A_306 = vector.broadcast %sub3A_303 : i32 to vector<1x256xi32>
    %lt3A_307 = arith.cmpi slt, %lt3A_306, %get3A_30 : vector<1x256xi32>
    %and3A_308 = arith.andi %lt3A_305, %lt3A_307 : vector<1x256xi1>
    %get3A_309 = arith.constant 8 : index
    %get3A_310 = arith.constant 0 : index
    %get3A_311 = vector.load %arg3[%get3A_309, %get3A_310] : memref<80x256xf32, #tpu.memory_space<vmem>>, vector<1x256xf32>
    %get3A_312 = arith.constant 9 : index
    %get3A_313 = arith.constant 0 : index
    %get3A_314 = vector.load %arg3[%get3A_312, %get3A_313] : memref<80x256xf32, #tpu.memory_space<vmem>>, vector<1x256xf32>
    %broadcast_in_dim3A_315 = vector.shape_cast %and3A_308 : vector<1x256xi1> to vector<1x256xi1>
    %broadcast_in_dim3A_316 = vector.broadcast %broadcast_in_dim3A_315 : vector<1x256xi1> to vector<64x256xi1>
    %select_n3A_317 = arith.select %broadcast_in_dim3A_316, %broadcast_in_dim3A_15, %broadcast_in_dim3A_12 : vector<64x256xi1>, vector<64x256xf32>
    %broadcast_in_dim3A_318 = vector.shape_cast %and3A_308 : vector<1x256xi1> to vector<1x256xi1>
    %broadcast_in_dim3A_319 = vector.broadcast %broadcast_in_dim3A_318 : vector<1x256xi1> to vector<64x256xi1>
    %select_n3A_320 = arith.select %broadcast_in_dim3A_319, %broadcast_in_dim3A_21, %broadcast_in_dim3A_18 : vector<64x256xi1>, vector<64x256xf32>
    %broadcast_in_dim3A_321 = vector.shape_cast %and3A_308 : vector<1x256xi1> to vector<1x256xi1>
    %broadcast_in_dim3A_322 = vector.broadcast %broadcast_in_dim3A_321 : vector<1x256xi1> to vector<64x256xi1>
    %select_n3A_323 = arith.select %broadcast_in_dim3A_322, %broadcast_in_dim3A_27, %broadcast_in_dim3A_24 : vector<64x256xi1>, vector<64x256xf32>
    %mul3A_324 = vector.broadcast %get3A_311 : vector<1x256xf32> to vector<64x256xf32>
    %mul3A_325 = arith.mulf %mul3A_324, %select_n3A_320 : vector<64x256xf32>
    %add3A_326 = arith.addf %select_n3A_317, %mul3A_325 : vector<64x256xf32>
    %mul3A_327 = vector.broadcast %get3A_314 : vector<1x256xf32> to vector<64x256xf32>
    %mul3A_328 = arith.mulf %mul3A_327, %select_n3A_323 : vector<64x256xf32>
    %add3A_329 = arith.addf %add3A_326, %mul3A_328 : vector<64x256xf32>
    %swap3A_330 = arith.constant 4 : index
    %swap3A_331 = arith.constant 0 : index
    %swap3A_332 = arith.constant 0 : index
    %swap3A_333 = vector.load %arg8[%swap3A_330, %swap3A_331, %swap3A_332] : memref<40x64x256xf32, #tpu.memory_space<vmem>>, vector<1x64x256xf32>
    %swap3A_334 = vector.shape_cast %swap3A_333 : vector<1x64x256xf32> to vector<64x256xf32>
    %swap3A_335 = vector.shape_cast %add3A_329 : vector<64x256xf32> to vector<1x64x256xf32>
    tpu.vector_store %arg8[%swap3A_330, %swap3A_331, %swap3A_332], %swap3A_335 {strides = array<i32>} : memref<40x64x256xf32, #tpu.memory_space<vmem>>, vector<1x64x256xf32>,
    %mul3A_336 = arith.constant 40 : i32
    %mul3A_337 = arith.muli %arg0, %mul3A_336 : i32
    %add3A_338 = arith.constant 5 : i32
    %add3A_339 = arith.addi %mul3A_337, %add3A_338 : i32
    %jit3A_340 = arith.constant 20 : i32
    %div3A_341 = arith.divsi %add3A_339, %jit3A_340 : i32
    %sign3A_342 = arith.constant 0 : i32
    %sign3A_343 = arith.cmpi sgt, %add3A_339, %sign3A_342 : i32
    %sign3A_344 = arith.extui %sign3A_343 : i1 to i32
    %sign3A_345 = arith.constant 0 : i32
    %sign3A_346 = arith.cmpi slt, %add3A_339, %sign3A_345 : i32
    %sign3A_347 = arith.extui %sign3A_346 : i1 to i32
    %sign3A_348 = arith.subi %sign3A_344, %sign3A_347 : i32
    %sign3A_349 = arith.constant 0 : i32
    %sign3A_350 = arith.cmpi sgt, %jit3A_340, %sign3A_349 : i32
    %sign3A_351 = arith.extui %sign3A_350 : i1 to i32
    %sign3A_352 = arith.constant 0 : i32
    %sign3A_353 = arith.cmpi slt, %jit3A_340, %sign3A_352 : i32
    %sign3A_354 = arith.extui %sign3A_353 : i1 to i32
    %sign3A_355 = arith.subi %sign3A_351, %sign3A_354 : i32
    %ne3A_356 = arith.cmpi ne, %sign3A_348, %sign3A_355 : i32
    %rem3A_357 = arith.remsi %add3A_339, %jit3A_340 : i32
    %ne3A_358 = arith.constant 0 : i32
    %ne3A_359 = arith.cmpi ne, %rem3A_357, %ne3A_358 : i32
    %and3A_360 = arith.andi %ne3A_356, %ne3A_359 : i1
    %sub3A_361 = arith.constant 1 : i32
    %sub3A_362 = arith.subi %div3A_341, %sub3A_361 : i32
    %select_n3A_363 = arith.select %and3A_360, %sub3A_362, %div3A_341 : i32
    %mul3A_364 = arith.constant 20 : i32
    %mul3A_365 = arith.muli %select_n3A_363, %mul3A_364 : i32
    %sub3A_366 = arith.subi %add3A_339, %mul3A_365 : i32
    %lt3A_367 = vector.broadcast %select_n3A_363 : i32 to vector<1x256xi32>
    %lt3A_368 = arith.cmpi slt, %lt3A_367, %get3A_30 : vector<1x256xi32>
    %lt3A_369 = vector.broadcast %sub3A_366 : i32 to vector<1x256xi32>
    %lt3A_370 = arith.cmpi slt, %lt3A_369, %get3A_30 : vector<1x256xi32>
    %and3A_371 = arith.andi %lt3A_368, %lt3A_370 : vector<1x256xi1>
    %get3A_372 = arith.constant 10 : index
    %get3A_373 = arith.constant 0 : index
    %get3A_374 = vector.load %arg3[%get3A_372, %get3A_373] : memref<80x256xf32, #tpu.memory_space<vmem>>, vector<1x256xf32>
    %get3A_375 = arith.constant 11 : index
    %get3A_376 = arith.constant 0 : index
    %get3A_377 = vector.load %arg3[%get3A_375, %get3A_376] : memref<80x256xf32, #tpu.memory_space<vmem>>, vector<1x256xf32>
    %broadcast_in_dim3A_378 = vector.shape_cast %and3A_371 : vector<1x256xi1> to vector<1x256xi1>
    %broadcast_in_dim3A_379 = vector.broadcast %broadcast_in_dim3A_378 : vector<1x256xi1> to vector<64x256xi1>
    %select_n3A_380 = arith.select %broadcast_in_dim3A_379, %broadcast_in_dim3A_15, %broadcast_in_dim3A_12 : vector<64x256xi1>, vector<64x256xf32>
    %broadcast_in_dim3A_381 = vector.shape_cast %and3A_371 : vector<1x256xi1> to vector<1x256xi1>
    %broadcast_in_dim3A_382 = vector.broadcast %broadcast_in_dim3A_381 : vector<1x256xi1> to vector<64x256xi1>
    %select_n3A_383 = arith.select %broadcast_in_dim3A_382, %broadcast_in_dim3A_21, %broadcast_in_dim3A_18 : vector<64x256xi1>, vector<64x256xf32>
    %broadcast_in_dim3A_384 = vector.shape_cast %and3A_371 : vector<1x256xi1> to vector<1x256xi1>
    %broadcast_in_dim3A_385 = vector.broadcast %broadcast_in_dim3A_384 : vector<1x256xi1> to vector<64x256xi1>
    %select_n3A_386 = arith.select %broadcast_in_dim3A_385, %broadcast_in_dim3A_27, %broadcast_in_dim3A_24 : vector<64x256xi1>, vector<64x256xf32>
    %mul3A_387 = vector.broadcast %get3A_374 : vector<1x256xf32> to vector<64x256xf32>
    %mul3A_388 = arith.mulf %mul3A_387, %select_n3A_383 : vector<64x256xf32>
    %add3A_389 = arith.addf %select_n3A_380, %mul3A_388 : vector<64x256xf32>
    %mul3A_390 = vector.broadcast %get3A_377 : vector<1x256xf32> to vector<64x256xf32>
    %mul3A_391 = arith.mulf %mul3A_390, %select_n3A_386 : vector<64x256xf32>
    %add3A_392 = arith.addf %add3A_389, %mul3A_391 : vector<64x256xf32>
    %swap3A_393 = arith.constant 5 : index
    %swap3A_394 = arith.constant 0 : index
    %swap3A_395 = arith.constant 0 : index
    %swap3A_396 = vector.load %arg8[%swap3A_393, %swap3A_394, %swap3A_395] : memref<40x64x256xf32, #tpu.memory_space<vmem>>, vector<1x64x256xf32>
    %swap3A_397 = vector.shape_cast %swap3A_396 : vector<1x64x256xf32> to vector<64x256xf32>
    %swap3A_398 = vector.shape_cast %add3A_392 : vector<64x256xf32> to vector<1x64x256xf32>
    tpu.vector_store %arg8[%swap3A_393, %swap3A_394, %swap3A_395], %swap3A_398 {strides = array<i32>} : memref<40x64x256xf32, #tpu.memory_space<vmem>>, vector<1x64x256xf32>,
    %mul3A_399 = arith.constant 40 : i32
    %mul3A_400 = arith.muli %arg0, %mul3A_399 : i32
    %add3A_401 = arith.constant 6 : i32
    %add3A_402 = arith.addi %mul3A_400, %add3A_401 : i32
    %jit3A_403 = arith.constant 20 : i32
    %div3A_404 = arith.divsi %add3A_402, %jit3A_403 : i32
    %sign3A_405 = arith.constant 0 : i32
    %sign3A_406 = arith.cmpi sgt, %add3A_402, %sign3A_405 : i32
    %sign3A_407 = arith.extui %sign3A_406 : i1 to i32
    %sign3A_408 = arith.constant 0 : i32
    %sign3A_409 = arith.cmpi slt, %add3A_402, %sign3A_408 : i32
    %sign3A_410 = arith.extui %sign3A_409 : i1 to i32
    %sign3A_411 = arith.subi %sign3A_407, %sign3A_410 : i32
    %sign3A_412 = arith.constant 0 : i32
    %sign3A_413 = arith.cmpi sgt, %jit3A_403, %sign3A_412 : i32
    %sign3A_414 = arith.extui %sign3A_413 : i1 to i32
    %sign3A_415 = arith.constant 0 : i32
    %sign3A_416 = arith.cmpi slt, %jit3A_403, %sign3A_415 : i32
    %sign3A_417 = arith.extui %sign3A_416 : i1 to i32
    %sign3A_418 = arith.subi %sign3A_414, %sign3A_417 : i32
    %ne3A_419 = arith.cmpi ne, %sign3A_411, %sign3A_418 : i32
    %rem3A_420 = arith.remsi %add3A_402, %jit3A_403 : i32
    %ne3A_421 = arith.constant 0 : i32
    %ne3A_422 = arith.cmpi ne, %rem3A_420, %ne3A_421 : i32
    %and3A_423 = arith.andi %ne3A_419, %ne3A_422 : i1
    %sub3A_424 = arith.constant 1 : i32
    %sub3A_425 = arith.subi %div3A_404, %sub3A_424 : i32
    %select_n3A_426 = arith.select %and3A_423, %sub3A_425, %div3A_404 : i32
    %mul3A_427 = arith.constant 20 : i32
    %mul3A_428 = arith.muli %select_n3A_426, %mul3A_427 : i32
    %sub3A_429 = arith.subi %add3A_402, %mul3A_428 : i32
    %lt3A_430 = vector.broadcast %select_n3A_426 : i32 to vector<1x256xi32>
    %lt3A_431 = arith.cmpi slt, %lt3A_430, %get3A_30 : vector<1x256xi32>
    %lt3A_432 = vector.broadcast %sub3A_429 : i32 to vector<1x256xi32>
    %lt3A_433 = arith.cmpi slt, %lt3A_432, %get3A_30 : vector<1x256xi32>
    %and3A_434 = arith.andi %lt3A_431, %lt3A_433 : vector<1x256xi1>
    %get3A_435 = arith.constant 12 : index
    %get3A_436 = arith.constant 0 : index
    %get3A_437 = vector.load %arg3[%get3A_435, %get3A_436] : memref<80x256xf32, #tpu.memory_space<vmem>>, vector<1x256xf32>
    %get3A_438 = arith.constant 13 : index
    %get3A_439 = arith.constant 0 : index
    %get3A_440 = vector.load %arg3[%get3A_438, %get3A_439] : memref<80x256xf32, #tpu.memory_space<vmem>>, vector<1x256xf32>
    %broadcast_in_dim3A_441 = vector.shape_cast %and3A_434 : vector<1x256xi1> to vector<1x256xi1>
    %broadcast_in_dim3A_442 = vector.broadcast %broadcast_in_dim3A_441 : vector<1x256xi1> to vector<64x256xi1>
    %select_n3A_443 = arith.select %broadcast_in_dim3A_442, %broadcast_in_dim3A_15, %broadcast_in_dim3A_12 : vector<64x256xi1>, vector<64x256xf32>
    %broadcast_in_dim3A_444 = vector.shape_cast %and3A_434 : vector<1x256xi1> to vector<1x256xi1>
    %broadcast_in_dim3A_445 = vector.broadcast %broadcast_in_dim3A_444 : vector<1x256xi1> to vector<64x256xi1>
    %select_n3A_446 = arith.select %broadcast_in_dim3A_445, %broadcast_in_dim3A_21, %broadcast_in_dim3A_18 : vector<64x256xi1>, vector<64x256xf32>
    %broadcast_in_dim3A_447 = vector.shape_cast %and3A_434 : vector<1x256xi1> to vector<1x256xi1>
    %broadcast_in_dim3A_448 = vector.broadcast %broadcast_in_dim3A_447 : vector<1x256xi1> to vector<64x256xi1>
    %select_n3A_449 = arith.select %broadcast_in_dim3A_448, %broadcast_in_dim3A_27, %broadcast_in_dim3A_24 : vector<64x256xi1>, vector<64x256xf32>
    %mul3A_450 = vector.broadcast %get3A_437 : vector<1x256xf32> to vector<64x256xf32>
    %mul3A_451 = arith.mulf %mul3A_450, %select_n3A_446 : vector<64x256xf32>
    %add3A_452 = arith.addf %select_n3A_443, %mul3A_451 : vector<64x256xf32>
    %mul3A_453 = vector.broadcast %get3A_440 : vector<1x256xf32> to vector<64x256xf32>
    %mul3A_454 = arith.mulf %mul3A_453, %select_n3A_449 : vector<64x256xf32>
    %add3A_455 = arith.addf %add3A_452, %mul3A_454 : vector<64x256xf32>
    %swap3A_456 = arith.constant 6 : index
    %swap3A_457 = arith.constant 0 : index
    %swap3A_458 = arith.constant 0 : index
    %swap3A_459 = vector.load %arg8[%swap3A_456, %swap3A_457, %swap3A_458] : memref<40x64x256xf32, #tpu.memory_space<vmem>>, vector<1x64x256xf32>
    %swap3A_460 = vector.shape_cast %swap3A_459 : vector<1x64x256xf32> to vector<64x256xf32>
    %swap3A_461 = vector.shape_cast %add3A_455 : vector<64x256xf32> to vector<1x64x256xf32>
    tpu.vector_store %arg8[%swap3A_456, %swap3A_457, %swap3A_458], %swap3A_461 {strides = array<i32>} : memref<40x64x256xf32, #tpu.memory_space<vmem>>, vector<1x64x256xf32>,
    %mul3A_462 = arith.constant 40 : i32
    %mul3A_463 = arith.muli %arg0, %mul3A_462 : i32
    %add3A_464 = arith.constant 7 : i32
    %add3A_465 = arith.addi %mul3A_463, %add3A_464 : i32
    %jit3A_466 = arith.constant 20 : i32
    %div3A_467 = arith.divsi %add3A_465, %jit3A_466 : i32
    %sign3A_468 = arith.constant 0 : i32
    %sign3A_469 = arith.cmpi sgt, %add3A_465, %sign3A_468 : i32
    %sign3A_470 = arith.extui %sign3A_469 : i1 to i32
    %sign3A_471 = arith.constant 0 : i32
    %sign3A_472 = arith.cmpi slt, %add3A_465, %sign3A_471 : i32
    %sign3A_473 = arith.extui %sign3A_472 : i1 to i32
    %sign3A_474 = arith.subi %sign3A_470, %sign3A_473 : i32
    %sign3A_475 = arith.constant 0 : i32
    %sign3A_476 = arith.cmpi sgt, %jit3A_466, %sign3A_475 : i32
    %sign3A_477 = arith.extui %sign3A_476 : i1 to i32
    %sign3A_478 = arith.constant 0 : i32
    %sign3A_479 = arith.cmpi slt, %jit3A_466, %sign3A_478 : i32
    %sign3A_480 = arith.extui %sign3A_479 : i1 to i32
    %sign3A_481 = arith.subi %sign3A_477, %sign3A_480 : i32
    %ne3A_482 = arith.cmpi ne, %sign3A_474, %sign3A_481 : i32
    %rem3A_483 = arith.remsi %add3A_465, %jit3A_466 : i32
    %ne3A_484 = arith.constant 0 : i32
    %ne3A_485 = arith.cmpi ne, %rem3A_483, %ne3A_484 : i32
    %and3A_486 = arith.andi %ne3A_482, %ne3A_485 : i1
    %sub3A_487 = arith.constant 1 : i32
    %sub3A_488 = arith.subi %div3A_467, %sub3A_487 : i32
    %select_n3A_489 = arith.select %and3A_486, %sub3A_488, %div3A_467 : i32
    %mul3A_490 = arith.constant 20 : i32
    %mul3A_491 = arith.muli %select_n3A_489, %mul3A_490 : i32
    %sub3A_492 = arith.subi %add3A_465, %mul3A_491 : i32
    %lt3A_493 = vector.broadcast %select_n3A_489 : i32 to vector<1x256xi32>
    %lt3A_494 = arith.cmpi slt, %lt3A_493, %get3A_30 : vector<1x256xi32>
    %lt3A_495 = vector.broadcast %sub3A_492 : i32 to vector<1x256xi32>
    %lt3A_496 = arith.cmpi slt, %lt3A_495, %get3A_30 : vector<1x256xi32>
    %and3A_497 = arith.andi %lt3A_494, %lt3A_496 : vector<1x256xi1>
    %get3A_498 = arith.constant 14 : index
    %get3A_499 = arith.constant 0 : index
    %get3A_500 = vector.load %arg3[%get3A_498, %get3A_499] : memref<80x256xf32, #tpu.memory_space<vmem>>, vector<1x256xf32>
    %get3A_501 = arith.constant 15 : index
    %get3A_502 = arith.constant 0 : index
    %get3A_503 = vector.load %arg3[%get3A_501, %get3A_502] : memref<80x256xf32, #tpu.memory_space<vmem>>, vector<1x256xf32>
    %broadcast_in_dim3A_504 = vector.shape_cast %and3A_497 : vector<1x256xi1> to vector<1x256xi1>
    %broadcast_in_dim3A_505 = vector.broadcast %broadcast_in_dim3A_504 : vector<1x256xi1> to vector<64x256xi1>
    %select_n3A_506 = arith.select %broadcast_in_dim3A_505, %broadcast_in_dim3A_15, %broadcast_in_dim3A_12 : vector<64x256xi1>, vector<64x256xf32>
    %broadcast_in_dim3A_507 = vector.shape_cast %and3A_497 : vector<1x256xi1> to vector<1x256xi1>
    %broadcast_in_dim3A_508 = vector.broadcast %broadcast_in_dim3A_507 : vector<1x256xi1> to vector<64x256xi1>
    %select_n3A_509 = arith.select %broadcast_in_dim3A_508, %broadcast_in_dim3A_21, %broadcast_in_dim3A_18 : vector<64x256xi1>, vector<64x256xf32>
    %broadcast_in_dim3A_510 = vector.shape_cast %and3A_497 : vector<1x256xi1> to vector<1x256xi1>
    %broadcast_in_dim3A_511 = vector.broadcast %broadcast_in_dim3A_510 : vector<1x256xi1> to vector<64x256xi1>
    %select_n3A_512 = arith.select %broadcast_in_dim3A_511, %broadcast_in_dim3A_27, %broadcast_in_dim3A_24 : vector<64x256xi1>, vector<64x256xf32>
    %mul3A_513 = vector.broadcast %get3A_500 : vector<1x256xf32> to vector<64x256xf32>
    %mul3A_514 = arith.mulf %mul3A_513, %select_n3A_509 : vector<64x256xf32>
    %add3A_515 = arith.addf %select_n3A_506, %mul3A_514 : vector<64x256xf32>
    %mul3A_516 = vector.broadcast %get3A_503 : vector<1x256xf32> to vector<64x256xf32>
    %mul3A_517 = arith.mulf %mul3A_516, %select_n3A_512 : vector<64x256xf32>
    %add3A_518 = arith.addf %add3A_515, %mul3A_517 : vector<64x256xf32>
    %swap3A_519 = arith.constant 7 : index
    %swap3A_520 = arith.constant 0 : index
    %swap3A_521 = arith.constant 0 : index
    %swap3A_522 = vector.load %arg8[%swap3A_519, %swap3A_520, %swap3A_521] : memref<40x64x256xf32, #tpu.memory_space<vmem>>, vector<1x64x256xf32>
    %swap3A_523 = vector.shape_cast %swap3A_522 : vector<1x64x256xf32> to vector<64x256xf32>
    %swap3A_524 = vector.shape_cast %add3A_518 : vector<64x256xf32> to vector<1x64x256xf32>
    tpu.vector_store %arg8[%swap3A_519, %swap3A_520, %swap3A_521], %swap3A_524 {strides = array<i32>} : memref<40x64x256xf32, #tpu.memory_space<vmem>>, vector<1x64x256xf32>,
    %mul3A_525 = arith.constant 40 : i32
    %mul3A_526 = arith.muli %arg0, %mul3A_525 : i32
    %add3A_527 = arith.constant 8 : i32
    %add3A_528 = arith.addi %mul3A_526, %add3A_527 : i32
    %jit3A_529 = arith.constant 20 : i32
    %div3A_530 = arith.divsi %add3A_528, %jit3A_529 : i32
    %sign3A_531 = arith.constant 0 : i32
    %sign3A_532 = arith.cmpi sgt, %add3A_528, %sign3A_531 : i32
    %sign3A_533 = arith.extui %sign3A_532 : i1 to i32
    %sign3A_534 = arith.constant 0 : i32
    %sign3A_535 = arith.cmpi slt, %add3A_528, %sign3A_534 : i32
    %sign3A_536 = arith.extui %sign3A_535 : i1 to i32
    %sign3A_537 = arith.subi %sign3A_533, %sign3A_536 : i32
    %sign3A_538 = arith.constant 0 : i32
    %sign3A_539 = arith.cmpi sgt, %jit3A_529, %sign3A_538 : i32
    %sign3A_540 = arith.extui %sign3A_539 : i1 to i32
    %sign3A_541 = arith.constant 0 : i32
    %sign3A_542 = arith.cmpi slt, %jit3A_529, %sign3A_541 : i32
    %sign3A_543 = arith.extui %sign3A_542 : i1 to i32
    %sign3A_544 = arith.subi %sign3A_540, %sign3A_543 : i32
    %ne3A_545 = arith.cmpi ne, %sign3A_537, %sign3A_544 : i32
    %rem3A_546 = arith.remsi %add3A_528, %jit3A_529 : i32
    %ne3A_547 = arith.constant 0 : i32
    %ne3A_548 = arith.cmpi ne, %rem3A_546, %ne3A_547 : i32
    %and3A_549 = arith.andi %ne3A_545, %ne3A_548 : i1
    %sub3A_550 = arith.constant 1 : i32
    %sub3A_551 = arith.subi %div3A_530, %sub3A_550 : i32
    %select_n3A_552 = arith.select %and3A_549, %sub3A_551, %div3A_530 : i32
    %mul3A_553 = arith.constant 20 : i32
    %mul3A_554 = arith.muli %select_n3A_552, %mul3A_553 : i32
    %sub3A_555 = arith.subi %add3A_528, %mul3A_554 : i32
    %lt3A_556 = vector.broadcast %select_n3A_552 : i32 to vector<1x256xi32>
    %lt3A_557 = arith.cmpi slt, %lt3A_556, %get3A_30 : vector<1x256xi32>
    %lt3A_558 = vector.broadcast %sub3A_555 : i32 to vector<1x256xi32>
    %lt3A_559 = arith.cmpi slt, %lt3A_558, %get3A_30 : vector<1x256xi32>
    %and3A_560 = arith.andi %lt3A_557, %lt3A_559 : vector<1x256xi1>
    %get3A_561 = arith.constant 16 : index
    %get3A_562 = arith.constant 0 : index
    %get3A_563 = vector.load %arg3[%get3A_561, %get3A_562] : memref<80x256xf32, #tpu.memory_space<vmem>>, vector<1x256xf32>
    %get3A_564 = arith.constant 17 : index
    %get3A_565 = arith.constant 0 : index
    %get3A_566 = vector.load %arg3[%get3A_564, %get3A_565] : memref<80x256xf32, #tpu.memory_space<vmem>>, vector<1x256xf32>
    %broadcast_in_dim3A_567 = vector.shape_cast %and3A_560 : vector<1x256xi1> to vector<1x256xi1>
    %broadcast_in_dim3A_568 = vector.broadcast %broadcast_in_dim3A_567 : vector<1x256xi1> to vector<64x256xi1>
    %select_n3A_569 = arith.select %broadcast_in_dim3A_568, %broadcast_in_dim3A_15, %broadcast_in_dim3A_12 : vector<64x256xi1>, vector<64x256xf32>
    %broadcast_in_dim3A_570 = vector.shape_cast %and3A_560 : vector<1x256xi1> to vector<1x256xi1>
    %broadcast_in_dim3A_571 = vector.broadcast %broadcast_in_dim3A_570 : vector<1x256xi1> to vector<64x256xi1>
    %select_n3A_572 = arith.select %broadcast_in_dim3A_571, %broadcast_in_dim3A_21, %broadcast_in_dim3A_18 : vector<64x256xi1>, vector<64x256xf32>
    %broadcast_in_dim3A_573 = vector.shape_cast %and3A_560 : vector<1x256xi1> to vector<1x256xi1>
    %broadcast_in_dim3A_574 = vector.broadcast %broadcast_in_dim3A_573 : vector<1x256xi1> to vector<64x256xi1>
    %select_n3A_575 = arith.select %broadcast_in_dim3A_574, %broadcast_in_dim3A_27, %broadcast_in_dim3A_24 : vector<64x256xi1>, vector<64x256xf32>
    %mul3A_576 = vector.broadcast %get3A_563 : vector<1x256xf32> to vector<64x256xf32>
    %mul3A_577 = arith.mulf %mul3A_576, %select_n3A_572 : vector<64x256xf32>
    %add3A_578 = arith.addf %select_n3A_569, %mul3A_577 : vector<64x256xf32>
    %mul3A_579 = vector.broadcast %get3A_566 : vector<1x256xf32> to vector<64x256xf32>
    %mul3A_580 = arith.mulf %mul3A_579, %select_n3A_575 : vector<64x256xf32>
    %add3A_581 = arith.addf %add3A_578, %mul3A_580 : vector<64x256xf32>
    %swap3A_582 = arith.constant 8 : index
    %swap3A_583 = arith.constant 0 : index
    %swap3A_584 = arith.constant 0 : index
    %swap3A_585 = vector.load %arg8[%swap3A_582, %swap3A_583, %swap3A_584] : memref<40x64x256xf32, #tpu.memory_space<vmem>>, vector<1x64x256xf32>
    %swap3A_586 = vector.shape_cast %swap3A_585 : vector<1x64x256xf32> to vector<64x256xf32>
    %swap3A_587 = vector.shape_cast %add3A_581 : vector<64x256xf32> to vector<1x64x256xf32>
    tpu.vector_store %arg8[%swap3A_582, %swap3A_583, %swap3A_584], %swap3A_587 {strides = array<i32>} : memref<40x64x256xf32, #tpu.memory_space<vmem>>, vector<1x64x256xf32>,
    %mul3A_588 = arith.constant 40 : i32
    %mul3A_589 = arith.muli %arg0, %mul3A_588 : i32
    %add3A_590 = arith.constant 9 : i32
    %add3A_591 = arith.addi %mul3A_589, %add3A_590 : i32
    %jit3A_592 = arith.constant 20 : i32
    %div3A_593 = arith.divsi %add3A_591, %jit3A_592 : i32
    %sign3A_594 = arith.constant 0 : i32
    %sign3A_595 = arith.cmpi sgt, %add3A_591, %sign3A_594 : i32
    %sign3A_596 = arith.extui %sign3A_595 : i1 to i32
    %sign3A_597 = arith.constant 0 : i32
    %sign3A_598 = arith.cmpi slt, %add3A_591, %sign3A_597 : i32
    %sign3A_599 = arith.extui %sign3A_598 : i1 to i32
    %sign3A_600 = arith.subi %sign3A_596, %sign3A_599 : i32
    %sign3A_601 = arith.constant 0 : i32
    %sign3A_602 = arith.cmpi sgt, %jit3A_592, %sign3A_601 : i32
    %sign3A_603 = arith.extui %sign3A_602 : i1 to i32
    %sign3A_604 = arith.constant 0 : i32
    %sign3A_605 = arith.cmpi slt, %jit3A_592, %sign3A_604 : i32
    %sign3A_606 = arith.extui %sign3A_605 : i1 to i32
    %sign3A_607 = arith.subi %sign3A_603, %sign3A_606 : i32
    %ne3A_608 = arith.cmpi ne, %sign3A_600, %sign3A_607 : i32
    %rem3A_609 = arith.remsi %add3A_591, %jit3A_592 : i32
    %ne3A_610 = arith.constant 0 : i32
    %ne3A_611 = arith.cmpi ne, %rem3A_609, %ne3A_610 : i32
    %and3A_612 = arith.andi %ne3A_608, %ne3A_611 : i1
    %sub3A_613 = arith.constant 1 : i32
    %sub3A_614 = arith.subi %div3A_593, %sub3A_613 : i32
    %select_n3A_615 = arith.select %and3A_612, %sub3A_614, %div3A_593 : i32
    %mul3A_616 = arith.constant 20 : i32
    %mul3A_617 = arith.muli %select_n3A_615, %mul3A_616 : i32
    %sub3A_618 = arith.subi %add3A_591, %mul3A_617 : i32
    %lt3A_619 = vector.broadcast %select_n3A_615 : i32 to vector<1x256xi32>
    %lt3A_620 = arith.cmpi slt, %lt3A_619, %get3A_30 : vector<1x256xi32>
    %lt3A_621 = vector.broadcast %sub3A_618 : i32 to vector<1x256xi32>
    %lt3A_622 = arith.cmpi slt, %lt3A_621, %get3A_30 : vector<1x256xi32>
    %and3A_623 = arith.andi %lt3A_620, %lt3A_622 : vector<1x256xi1>
    %get3A_624 = arith.constant 18 : index
    %get3A_625 = arith.constant 0 : index
    %get3A_626 = vector.load %arg3[%get3A_624, %get3A_625] : memref<80x256xf32, #tpu.memory_space<vmem>>, vector<1x256xf32>
    %get3A_627 = arith.constant 19 : index
    %get3A_628 = arith.constant 0 : index
    %get3A_629 = vector.load %arg3[%get3A_627, %get3A_628] : memref<80x256xf32, #tpu.memory_space<vmem>>, vector<1x256xf32>
    %broadcast_in_dim3A_630 = vector.shape_cast %and3A_623 : vector<1x256xi1> to vector<1x256xi1>
    %broadcast_in_dim3A_631 = vector.broadcast %broadcast_in_dim3A_630 : vector<1x256xi1> to vector<64x256xi1>
    %select_n3A_632 = arith.select %broadcast_in_dim3A_631, %broadcast_in_dim3A_15, %broadcast_in_dim3A_12 : vector<64x256xi1>, vector<64x256xf32>
    %broadcast_in_dim3A_633 = vector.shape_cast %and3A_623 : vector<1x256xi1> to vector<1x256xi1>
    %broadcast_in_dim3A_634 = vector.broadcast %broadcast_in_dim3A_633 : vector<1x256xi1> to vector<64x256xi1>
    %select_n3A_635 = arith.select %broadcast_in_dim3A_634, %broadcast_in_dim3A_21, %broadcast_in_dim3A_18 : vector<64x256xi1>, vector<64x256xf32>
    %broadcast_in_dim3A_636 = vector.shape_cast %and3A_623 : vector<1x256xi1> to vector<1x256xi1>
    %broadcast_in_dim3A_637 = vector.broadcast %broadcast_in_dim3A_636 : vector<1x256xi1> to vector<64x256xi1>
    %select_n3A_638 = arith.select %broadcast_in_dim3A_637, %broadcast_in_dim3A_27, %broadcast_in_dim3A_24 : vector<64x256xi1>, vector<64x256xf32>
    %mul3A_639 = vector.broadcast %get3A_626 : vector<1x256xf32> to vector<64x256xf32>
    %mul3A_640 = arith.mulf %mul3A_639, %select_n3A_635 : vector<64x256xf32>
    %add3A_641 = arith.addf %select_n3A_632, %mul3A_640 : vector<64x256xf32>
    %mul3A_642 = vector.broadcast %get3A_629 : vector<1x256xf32> to vector<64x256xf32>
    %mul3A_643 = arith.mulf %mul3A_642, %select_n3A_638 : vector<64x256xf32>
    %add3A_644 = arith.addf %add3A_641, %mul3A_643 : vector<64x256xf32>
    %swap3A_645 = arith.constant 9 : index
    %swap3A_646 = arith.constant 0 : index
    %swap3A_647 = arith.constant 0 : index
    %swap3A_648 = vector.load %arg8[%swap3A_645, %swap3A_646, %swap3A_647] : memref<40x64x256xf32, #tpu.memory_space<vmem>>, vector<1x64x256xf32>
    %swap3A_649 = vector.shape_cast %swap3A_648 : vector<1x64x256xf32> to vector<64x256xf32>
    %swap3A_650 = vector.shape_cast %add3A_644 : vector<64x256xf32> to vector<1x64x256xf32>
    tpu.vector_store %arg8[%swap3A_645, %swap3A_646, %swap3A_647], %swap3A_650 {strides = array<i32>} : memref<40x64x256xf32, #tpu.memory_space<vmem>>, vector<1x64x256xf32>,
    %mul3A_651 = arith.constant 40 : i32
    %mul3A_652 = arith.muli %arg0, %mul3A_651 : i32
    %add3A_653 = arith.constant 10 : i32
    %add3A_654 = arith.addi %mul3A_652, %add3A_653 : i32
    %jit3A_655 = arith.constant 20 : i32
    %div3A_656 = arith.divsi %add3A_654, %jit3A_655 : i32
    %sign3A_657 = arith.constant 0 : i32
    %sign3A_658 = arith.cmpi sgt, %add3A_654, %sign3A_657 : i32
    %sign3A_659 = arith.extui %sign3A_658 : i1 to i32
    %sign3A_660 = arith.constant 0 : i32
    %sign3A_661 = arith.cmpi slt, %add3A_654, %sign3A_660 : i32
    %sign3A_662 = arith.extui %sign3A_661 : i1 to i32
    %sign3A_663 = arith.subi %sign3A_659, %sign3A_662 : i32
    %sign3A_664 = arith.constant 0 : i32
    %sign3A_665 = arith.cmpi sgt, %jit3A_655, %sign3A_664 : i32
    %sign3A_666 = arith.extui %sign3A_665 : i1 to i32
    %sign3A_667 = arith.constant 0 : i32
    %sign3A_668 = arith.cmpi slt, %jit3A_655, %sign3A_667 : i32
    %sign3A_669 = arith.extui %sign3A_668 : i1 to i32
    %sign3A_670 = arith.subi %sign3A_666, %sign3A_669 : i32
    %ne3A_671 = arith.cmpi ne, %sign3A_663, %sign3A_670 : i32
    %rem3A_672 = arith.remsi %add3A_654, %jit3A_655 : i32
    %ne3A_673 = arith.constant 0 : i32
    %ne3A_674 = arith.cmpi ne, %rem3A_672, %ne3A_673 : i32
    %and3A_675 = arith.andi %ne3A_671, %ne3A_674 : i1
    %sub3A_676 = arith.constant 1 : i32
    %sub3A_677 = arith.subi %div3A_656, %sub3A_676 : i32
    %select_n3A_678 = arith.select %and3A_675, %sub3A_677, %div3A_656 : i32
    %mul3A_679 = arith.constant 20 : i32
    %mul3A_680 = arith.muli %select_n3A_678, %mul3A_679 : i32
    %sub3A_681 = arith.subi %add3A_654, %mul3A_680 : i32
    %lt3A_682 = vector.broadcast %select_n3A_678 : i32 to vector<1x256xi32>
    %lt3A_683 = arith.cmpi slt, %lt3A_682, %get3A_30 : vector<1x256xi32>
    %lt3A_684 = vector.broadcast %sub3A_681 : i32 to vector<1x256xi32>
    %lt3A_685 = arith.cmpi slt, %lt3A_684, %get3A_30 : vector<1x256xi32>
    %and3A_686 = arith.andi %lt3A_683, %lt3A_685 : vector<1x256xi1>
    %get3A_687 = arith.constant 20 : index
    %get3A_688 = arith.constant 0 : index
    %get3A_689 = vector.load %arg3[%get3A_687, %get3A_688] : memref<80x256xf32, #tpu.memory_space<vmem>>, vector<1x256xf32>
    %get3A_690 = arith.constant 21 : index
    %get3A_691 = arith.constant 0 : index
    %get3A_692 = vector.load %arg3[%get3A_690, %get3A_691] : memref<80x256xf32, #tpu.memory_space<vmem>>, vector<1x256xf32>
    %broadcast_in_dim3A_693 = vector.shape_cast %and3A_686 : vector<1x256xi1> to vector<1x256xi1>
    %broadcast_in_dim3A_694 = vector.broadcast %broadcast_in_dim3A_693 : vector<1x256xi1> to vector<64x256xi1>
    %select_n3A_695 = arith.select %broadcast_in_dim3A_694, %broadcast_in_dim3A_15, %broadcast_in_dim3A_12 : vector<64x256xi1>, vector<64x256xf32>
    %broadcast_in_dim3A_696 = vector.shape_cast %and3A_686 : vector<1x256xi1> to vector<1x256xi1>
    %broadcast_in_dim3A_697 = vector.broadcast %broadcast_in_dim3A_696 : vector<1x256xi1> to vector<64x256xi1>
    %select_n3A_698 = arith.select %broadcast_in_dim3A_697, %broadcast_in_dim3A_21, %broadcast_in_dim3A_18 : vector<64x256xi1>, vector<64x256xf32>
    %broadcast_in_dim3A_699 = vector.shape_cast %and3A_686 : vector<1x256xi1> to vector<1x256xi1>
    %broadcast_in_dim3A_700 = vector.broadcast %broadcast_in_dim3A_699 : vector<1x256xi1> to vector<64x256xi1>
    %select_n3A_701 = arith.select %broadcast_in_dim3A_700, %broadcast_in_dim3A_27, %broadcast_in_dim3A_24 : vector<64x256xi1>, vector<64x256xf32>
    %mul3A_702 = vector.broadcast %get3A_689 : vector<1x256xf32> to vector<64x256xf32>
    %mul3A_703 = arith.mulf %mul3A_702, %select_n3A_698 : vector<64x256xf32>
    %add3A_704 = arith.addf %select_n3A_695, %mul3A_703 : vector<64x256xf32>
    %mul3A_705 = vector.broadcast %get3A_692 : vector<1x256xf32> to vector<64x256xf32>
    %mul3A_706 = arith.mulf %mul3A_705, %select_n3A_701 : vector<64x256xf32>
    %add3A_707 = arith.addf %add3A_704, %mul3A_706 : vector<64x256xf32>
    %swap3A_708 = arith.constant 10 : index
    %swap3A_709 = arith.constant 0 : index
    %swap3A_710 = arith.constant 0 : index
    %swap3A_711 = vector.load %arg8[%swap3A_708, %swap3A_709, %swap3A_710] : memref<40x64x256xf32, #tpu.memory_space<vmem>>, vector<1x64x256xf32>
    %swap3A_712 = vector.shape_cast %swap3A_711 : vector<1x64x256xf32> to vector<64x256xf32>
    %swap3A_713 = vector.shape_cast %add3A_707 : vector<64x256xf32> to vector<1x64x256xf32>
    tpu.vector_store %arg8[%swap3A_708, %swap3A_709, %swap3A_710], %swap3A_713 {strides = array<i32>} : memref<40x64x256xf32, #tpu.memory_space<vmem>>, vector<1x64x256xf32>,
    %mul3A_714 = arith.constant 40 : i32
    %mul3A_715 = arith.muli %arg0, %mul3A_714 : i32
    %add3A_716 = arith.constant 11 : i32
    %add3A_717 = arith.addi %mul3A_715, %add3A_716 : i32
    %jit3A_718 = arith.constant 20 : i32
    %div3A_719 = arith.divsi %add3A_717, %jit3A_718 : i32
    %sign3A_720 = arith.constant 0 : i32
    %sign3A_721 = arith.cmpi sgt, %add3A_717, %sign3A_720 : i32
    %sign3A_722 = arith.extui %sign3A_721 : i1 to i32
    %sign3A_723 = arith.constant 0 : i32
    %sign3A_724 = arith.cmpi slt, %add3A_717, %sign3A_723 : i32
    %sign3A_725 = arith.extui %sign3A_724 : i1 to i32
    %sign3A_726 = arith.subi %sign3A_722, %sign3A_725 : i32
    %sign3A_727 = arith.constant 0 : i32
    %sign3A_728 = arith.cmpi sgt, %jit3A_718, %sign3A_727 : i32
    %sign3A_729 = arith.extui %sign3A_728 : i1 to i32
    %sign3A_730 = arith.constant 0 : i32
    %sign3A_731 = arith.cmpi slt, %jit3A_718, %sign3A_730 : i32
    %sign3A_732 = arith.extui %sign3A_731 : i1 to i32
    %sign3A_733 = arith.subi %sign3A_729, %sign3A_732 : i32
    %ne3A_734 = arith.cmpi ne, %sign3A_726, %sign3A_733 : i32
    %rem3A_735 = arith.remsi %add3A_717, %jit3A_718 : i32
    %ne3A_736 = arith.constant 0 : i32
    %ne3A_737 = arith.cmpi ne, %rem3A_735, %ne3A_736 : i32
    %and3A_738 = arith.andi %ne3A_734, %ne3A_737 : i1
    %sub3A_739 = arith.constant 1 : i32
    %sub3A_740 = arith.subi %div3A_719, %sub3A_739 : i32
    %select_n3A_741 = arith.select %and3A_738, %sub3A_740, %div3A_719 : i32
    %mul3A_742 = arith.constant 20 : i32
    %mul3A_743 = arith.muli %select_n3A_741, %mul3A_742 : i32
    %sub3A_744 = arith.subi %add3A_717, %mul3A_743 : i32
    %lt3A_745 = vector.broadcast %select_n3A_741 : i32 to vector<1x256xi32>
    %lt3A_746 = arith.cmpi slt, %lt3A_745, %get3A_30 : vector<1x256xi32>
    %lt3A_747 = vector.broadcast %sub3A_744 : i32 to vector<1x256xi32>
    %lt3A_748 = arith.cmpi slt, %lt3A_747, %get3A_30 : vector<1x256xi32>
    %and3A_749 = arith.andi %lt3A_746, %lt3A_748 : vector<1x256xi1>
    %get3A_750 = arith.constant 22 : index
    %get3A_751 = arith.constant 0 : index
    %get3A_752 = vector.load %arg3[%get3A_750, %get3A_751] : memref<80x256xf32, #tpu.memory_space<vmem>>, vector<1x256xf32>
    %get3A_753 = arith.constant 23 : index
    %get3A_754 = arith.constant 0 : index
    %get3A_755 = vector.load %arg3[%get3A_753, %get3A_754] : memref<80x256xf32, #tpu.memory_space<vmem>>, vector<1x256xf32>
    %broadcast_in_dim3A_756 = vector.shape_cast %and3A_749 : vector<1x256xi1> to vector<1x256xi1>
    %broadcast_in_dim3A_757 = vector.broadcast %broadcast_in_dim3A_756 : vector<1x256xi1> to vector<64x256xi1>
    %select_n3A_758 = arith.select %broadcast_in_dim3A_757, %broadcast_in_dim3A_15, %broadcast_in_dim3A_12 : vector<64x256xi1>, vector<64x256xf32>
    %broadcast_in_dim3A_759 = vector.shape_cast %and3A_749 : vector<1x256xi1> to vector<1x256xi1>
    %broadcast_in_dim3A_760 = vector.broadcast %broadcast_in_dim3A_759 : vector<1x256xi1> to vector<64x256xi1>
    %select_n3A_761 = arith.select %broadcast_in_dim3A_760, %broadcast_in_dim3A_21, %broadcast_in_dim3A_18 : vector<64x256xi1>, vector<64x256xf32>
    %broadcast_in_dim3A_762 = vector.shape_cast %and3A_749 : vector<1x256xi1> to vector<1x256xi1>
    %broadcast_in_dim3A_763 = vector.broadcast %broadcast_in_dim3A_762 : vector<1x256xi1> to vector<64x256xi1>
    %select_n3A_764 = arith.select %broadcast_in_dim3A_763, %broadcast_in_dim3A_27, %broadcast_in_dim3A_24 : vector<64x256xi1>, vector<64x256xf32>
    %mul3A_765 = vector.broadcast %get3A_752 : vector<1x256xf32> to vector<64x256xf32>
    %mul3A_766 = arith.mulf %mul3A_765, %select_n3A_761 : vector<64x256xf32>
    %add3A_767 = arith.addf %select_n3A_758, %mul3A_766 : vector<64x256xf32>
    %mul3A_768 = vector.broadcast %get3A_755 : vector<1x256xf32> to vector<64x256xf32>
    %mul3A_769 = arith.mulf %mul3A_768, %select_n3A_764 : vector<64x256xf32>
    %add3A_770 = arith.addf %add3A_767, %mul3A_769 : vector<64x256xf32>
    %swap3A_771 = arith.constant 11 : index
    %swap3A_772 = arith.constant 0 : index
    %swap3A_773 = arith.constant 0 : index
    %swap3A_774 = vector.load %arg8[%swap3A_771, %swap3A_772, %swap3A_773] : memref<40x64x256xf32, #tpu.memory_space<vmem>>, vector<1x64x256xf32>
    %swap3A_775 = vector.shape_cast %swap3A_774 : vector<1x64x256xf32> to vector<64x256xf32>
    %swap3A_776 = vector.shape_cast %add3A_770 : vector<64x256xf32> to vector<1x64x256xf32>
    tpu.vector_store %arg8[%swap3A_771, %swap3A_772, %swap3A_773], %swap3A_776 {strides = array<i32>} : memref<40x64x256xf32, #tpu.memory_space<vmem>>, vector<1x64x256xf32>,
    %mul3A_777 = arith.constant 40 : i32
    %mul3A_778 = arith.muli %arg0, %mul3A_777 : i32
    %add3A_779 = arith.constant 12 : i32
    %add3A_780 = arith.addi %mul3A_778, %add3A_779 : i32
    %jit3A_781 = arith.constant 20 : i32
    %div3A_782 = arith.divsi %add3A_780, %jit3A_781 : i32
    %sign3A_783 = arith.constant 0 : i32
    %sign3A_784 = arith.cmpi sgt, %add3A_780, %sign3A_783 : i32
    %sign3A_785 = arith.extui %sign3A_784 : i1 to i32
    %sign3A_786 = arith.constant 0 : i32
    %sign3A_787 = arith.cmpi slt, %add3A_780, %sign3A_786 : i32
    %sign3A_788 = arith.extui %sign3A_787 : i1 to i32
    %sign3A_789 = arith.subi %sign3A_785, %sign3A_788 : i32
    %sign3A_790 = arith.constant 0 : i32
    %sign3A_791 = arith.cmpi sgt, %jit3A_781, %sign3A_790 : i32
    %sign3A_792 = arith.extui %sign3A_791 : i1 to i32
    %sign3A_793 = arith.constant 0 : i32
    %sign3A_794 = arith.cmpi slt, %jit3A_781, %sign3A_793 : i32
    %sign3A_795 = arith.extui %sign3A_794 : i1 to i32
    %sign3A_796 = arith.subi %sign3A_792, %sign3A_795 : i32
    %ne3A_797 = arith.cmpi ne, %sign3A_789, %sign3A_796 : i32
    %rem3A_798 = arith.remsi %add3A_780, %jit3A_781 : i32
    %ne3A_799 = arith.constant 0 : i32
    %ne3A_800 = arith.cmpi ne, %rem3A_798, %ne3A_799 : i32
    %and3A_801 = arith.andi %ne3A_797, %ne3A_800 : i1
    %sub3A_802 = arith.constant 1 : i32
    %sub3A_803 = arith.subi %div3A_782, %sub3A_802 : i32
    %select_n3A_804 = arith.select %and3A_801, %sub3A_803, %div3A_782 : i32
    %mul3A_805 = arith.constant 20 : i32
    %mul3A_806 = arith.muli %select_n3A_804, %mul3A_805 : i32
    %sub3A_807 = arith.subi %add3A_780, %mul3A_806 : i32
    %lt3A_808 = vector.broadcast %select_n3A_804 : i32 to vector<1x256xi32>
    %lt3A_809 = arith.cmpi slt, %lt3A_808, %get3A_30 : vector<1x256xi32>
    %lt3A_810 = vector.broadcast %sub3A_807 : i32 to vector<1x256xi32>
    %lt3A_811 = arith.cmpi slt, %lt3A_810, %get3A_30 : vector<1x256xi32>
    %and3A_812 = arith.andi %lt3A_809, %lt3A_811 : vector<1x256xi1>
    %get3A_813 = arith.constant 24 : index
    %get3A_814 = arith.constant 0 : index
    %get3A_815 = vector.load %arg3[%get3A_813, %get3A_814] : memref<80x256xf32, #tpu.memory_space<vmem>>, vector<1x256xf32>
    %get3A_816 = arith.constant 25 : index
    %get3A_817 = arith.constant 0 : index
    %get3A_818 = vector.load %arg3[%get3A_816, %get3A_817] : memref<80x256xf32, #tpu.memory_space<vmem>>, vector<1x256xf32>
    %broadcast_in_dim3A_819 = vector.shape_cast %and3A_812 : vector<1x256xi1> to vector<1x256xi1>
    %broadcast_in_dim3A_820 = vector.broadcast %broadcast_in_dim3A_819 : vector<1x256xi1> to vector<64x256xi1>
    %select_n3A_821 = arith.select %broadcast_in_dim3A_820, %broadcast_in_dim3A_15, %broadcast_in_dim3A_12 : vector<64x256xi1>, vector<64x256xf32>
    %broadcast_in_dim3A_822 = vector.shape_cast %and3A_812 : vector<1x256xi1> to vector<1x256xi1>
    %broadcast_in_dim3A_823 = vector.broadcast %broadcast_in_dim3A_822 : vector<1x256xi1> to vector<64x256xi1>
    %select_n3A_824 = arith.select %broadcast_in_dim3A_823, %broadcast_in_dim3A_21, %broadcast_in_dim3A_18 : vector<64x256xi1>, vector<64x256xf32>
    %broadcast_in_dim3A_825 = vector.shape_cast %and3A_812 : vector<1x256xi1> to vector<1x256xi1>
    %broadcast_in_dim3A_826 = vector.broadcast %broadcast_in_dim3A_825 : vector<1x256xi1> to vector<64x256xi1>
    %select_n3A_827 = arith.select %broadcast_in_dim3A_826, %broadcast_in_dim3A_27, %broadcast_in_dim3A_24 : vector<64x256xi1>, vector<64x256xf32>
    %mul3A_828 = vector.broadcast %get3A_815 : vector<1x256xf32> to vector<64x256xf32>
    %mul3A_829 = arith.mulf %mul3A_828, %select_n3A_824 : vector<64x256xf32>
    %add3A_830 = arith.addf %select_n3A_821, %mul3A_829 : vector<64x256xf32>
    %mul3A_831 = vector.broadcast %get3A_818 : vector<1x256xf32> to vector<64x256xf32>
    %mul3A_832 = arith.mulf %mul3A_831, %select_n3A_827 : vector<64x256xf32>
    %add3A_833 = arith.addf %add3A_830, %mul3A_832 : vector<64x256xf32>
    %swap3A_834 = arith.constant 12 : index
    %swap3A_835 = arith.constant 0 : index
    %swap3A_836 = arith.constant 0 : index
    %swap3A_837 = vector.load %arg8[%swap3A_834, %swap3A_835, %swap3A_836] : memref<40x64x256xf32, #tpu.memory_space<vmem>>, vector<1x64x256xf32>
    %swap3A_838 = vector.shape_cast %swap3A_837 : vector<1x64x256xf32> to vector<64x256xf32>
    %swap3A_839 = vector.shape_cast %add3A_833 : vector<64x256xf32> to vector<1x64x256xf32>
    tpu.vector_store %arg8[%swap3A_834, %swap3A_835, %swap3A_836], %swap3A_839 {strides = array<i32>} : memref<40x64x256xf32, #tpu.memory_space<vmem>>, vector<1x64x256xf32>,
    %mul3A_840 = arith.constant 40 : i32
    %mul3A_841 = arith.muli %arg0, %mul3A_840 : i32
    %add3A_842 = arith.constant 13 : i32
    %add3A_843 = arith.addi %mul3A_841, %add3A_842 : i32
    %jit3A_844 = arith.constant 20 : i32
    %div3A_845 = arith.divsi %add3A_843, %jit3A_844 : i32
    %sign3A_846 = arith.constant 0 : i32
    %sign3A_847 = arith.cmpi sgt, %add3A_843, %sign3A_846 : i32
    %sign3A_848 = arith.extui %sign3A_847 : i1 to i32
    %sign3A_849 = arith.constant 0 : i32
    %sign3A_850 = arith.cmpi slt, %add3A_843, %sign3A_849 : i32
    %sign3A_851 = arith.extui %sign3A_850 : i1 to i32
    %sign3A_852 = arith.subi %sign3A_848, %sign3A_851 : i32
    %sign3A_853 = arith.constant 0 : i32
    %sign3A_854 = arith.cmpi sgt, %jit3A_844, %sign3A_853 : i32
    %sign3A_855 = arith.extui %sign3A_854 : i1 to i32
    %sign3A_856 = arith.constant 0 : i32
    %sign3A_857 = arith.cmpi slt, %jit3A_844, %sign3A_856 : i32
    %sign3A_858 = arith.extui %sign3A_857 : i1 to i32
    %sign3A_859 = arith.subi %sign3A_855, %sign3A_858 : i32
    %ne3A_860 = arith.cmpi ne, %sign3A_852, %sign3A_859 : i32
    %rem3A_861 = arith.remsi %add3A_843, %jit3A_844 : i32
    %ne3A_862 = arith.constant 0 : i32
    %ne3A_863 = arith.cmpi ne, %rem3A_861, %ne3A_862 : i32
    %and3A_864 = arith.andi %ne3A_860, %ne3A_863 : i1
    %sub3A_865 = arith.constant 1 : i32
    %sub3A_866 = arith.subi %div3A_845, %sub3A_865 : i32
    %select_n3A_867 = arith.select %and3A_864, %sub3A_866, %div3A_845 : i32
    %mul3A_868 = arith.constant 20 : i32
    %mul3A_869 = arith.muli %select_n3A_867, %mul3A_868 : i32
    %sub3A_870 = arith.subi %add3A_843, %mul3A_869 : i32
    %lt3A_871 = vector.broadcast %select_n3A_867 : i32 to vector<1x256xi32>
    %lt3A_872 = arith.cmpi slt, %lt3A_871, %get3A_30 : vector<1x256xi32>
    %lt3A_873 = vector.broadcast %sub3A_870 : i32 to vector<1x256xi32>
    %lt3A_874 = arith.cmpi slt, %lt3A_873, %get3A_30 : vector<1x256xi32>
    %and3A_875 = arith.andi %lt3A_872, %lt3A_874 : vector<1x256xi1>
    %get3A_876 = arith.constant 26 : index
    %get3A_877 = arith.constant 0 : index
    %get3A_878 = vector.load %arg3[%get3A_876, %get3A_877] : memref<80x256xf32, #tpu.memory_space<vmem>>, vector<1x256xf32>
    %get3A_879 = arith.constant 27 : index
    %get3A_880 = arith.constant 0 : index
    %get3A_881 = vector.load %arg3[%get3A_879, %get3A_880] : memref<80x256xf32, #tpu.memory_space<vmem>>, vector<1x256xf32>
    %broadcast_in_dim3A_882 = vector.shape_cast %and3A_875 : vector<1x256xi1> to vector<1x256xi1>
    %broadcast_in_dim3A_883 = vector.broadcast %broadcast_in_dim3A_882 : vector<1x256xi1> to vector<64x256xi1>
    %select_n3A_884 = arith.select %broadcast_in_dim3A_883, %broadcast_in_dim3A_15, %broadcast_in_dim3A_12 : vector<64x256xi1>, vector<64x256xf32>
    %broadcast_in_dim3A_885 = vector.shape_cast %and3A_875 : vector<1x256xi1> to vector<1x256xi1>
    %broadcast_in_dim3A_886 = vector.broadcast %broadcast_in_dim3A_885 : vector<1x256xi1> to vector<64x256xi1>
    %select_n3A_887 = arith.select %broadcast_in_dim3A_886, %broadcast_in_dim3A_21, %broadcast_in_dim3A_18 : vector<64x256xi1>, vector<64x256xf32>
    %broadcast_in_dim3A_888 = vector.shape_cast %and3A_875 : vector<1x256xi1> to vector<1x256xi1>
    %broadcast_in_dim3A_889 = vector.broadcast %broadcast_in_dim3A_888 : vector<1x256xi1> to vector<64x256xi1>
    %select_n3A_890 = arith.select %broadcast_in_dim3A_889, %broadcast_in_dim3A_27, %broadcast_in_dim3A_24 : vector<64x256xi1>, vector<64x256xf32>
    %mul3A_891 = vector.broadcast %get3A_878 : vector<1x256xf32> to vector<64x256xf32>
    %mul3A_892 = arith.mulf %mul3A_891, %select_n3A_887 : vector<64x256xf32>
    %add3A_893 = arith.addf %select_n3A_884, %mul3A_892 : vector<64x256xf32>
    %mul3A_894 = vector.broadcast %get3A_881 : vector<1x256xf32> to vector<64x256xf32>
    %mul3A_895 = arith.mulf %mul3A_894, %select_n3A_890 : vector<64x256xf32>
    %add3A_896 = arith.addf %add3A_893, %mul3A_895 : vector<64x256xf32>
    %swap3A_897 = arith.constant 13 : index
    %swap3A_898 = arith.constant 0 : index
    %swap3A_899 = arith.constant 0 : index
    %swap3A_900 = vector.load %arg8[%swap3A_897, %swap3A_898, %swap3A_899] : memref<40x64x256xf32, #tpu.memory_space<vmem>>, vector<1x64x256xf32>
    %swap3A_901 = vector.shape_cast %swap3A_900 : vector<1x64x256xf32> to vector<64x256xf32>
    %swap3A_902 = vector.shape_cast %add3A_896 : vector<64x256xf32> to vector<1x64x256xf32>
    tpu.vector_store %arg8[%swap3A_897, %swap3A_898, %swap3A_899], %swap3A_902 {strides = array<i32>} : memref<40x64x256xf32, #tpu.memory_space<vmem>>, vector<1x64x256xf32>,
    %mul3A_903 = arith.constant 40 : i32
    %mul3A_904 = arith.muli %arg0, %mul3A_903 : i32
    %add3A_905 = arith.constant 14 : i32
    %add3A_906 = arith.addi %mul3A_904, %add3A_905 : i32
    %jit3A_907 = arith.constant 20 : i32
    %div3A_908 = arith.divsi %add3A_906, %jit3A_907 : i32
    %sign3A_909 = arith.constant 0 : i32
    %sign3A_910 = arith.cmpi sgt, %add3A_906, %sign3A_909 : i32
    %sign3A_911 = arith.extui %sign3A_910 : i1 to i32
    %sign3A_912 = arith.constant 0 : i32
    %sign3A_913 = arith.cmpi slt, %add3A_906, %sign3A_912 : i32
    %sign3A_914 = arith.extui %sign3A_913 : i1 to i32
    %sign3A_915 = arith.subi %sign3A_911, %sign3A_914 : i32
    %sign3A_916 = arith.constant 0 : i32
    %sign3A_917 = arith.cmpi sgt, %jit3A_907, %sign3A_916 : i32
    %sign3A_918 = arith.extui %sign3A_917 : i1 to i32
    %sign3A_919 = arith.constant 0 : i32
    %sign3A_920 = arith.cmpi slt, %jit3A_907, %sign3A_919 : i32
    %sign3A_921 = arith.extui %sign3A_920 : i1 to i32
    %sign3A_922 = arith.subi %sign3A_918, %sign3A_921 : i32
    %ne3A_923 = arith.cmpi ne, %sign3A_915, %sign3A_922 : i32
    %rem3A_924 = arith.remsi %add3A_906, %jit3A_907 : i32
    %ne3A_925 = arith.constant 0 : i32
    %ne3A_926 = arith.cmpi ne, %rem3A_924, %ne3A_925 : i32
    %and3A_927 = arith.andi %ne3A_923, %ne3A_926 : i1
    %sub3A_928 = arith.constant 1 : i32
    %sub3A_929 = arith.subi %div3A_908, %sub3A_928 : i32
    %select_n3A_930 = arith.select %and3A_927, %sub3A_929, %div3A_908 : i32
    %mul3A_931 = arith.constant 20 : i32
    %mul3A_932 = arith.muli %select_n3A_930, %mul3A_931 : i32
    %sub3A_933 = arith.subi %add3A_906, %mul3A_932 : i32
    %lt3A_934 = vector.broadcast %select_n3A_930 : i32 to vector<1x256xi32>
    %lt3A_935 = arith.cmpi slt, %lt3A_934, %get3A_30 : vector<1x256xi32>
    %lt3A_936 = vector.broadcast %sub3A_933 : i32 to vector<1x256xi32>
    %lt3A_937 = arith.cmpi slt, %lt3A_936, %get3A_30 : vector<1x256xi32>
    %and3A_938 = arith.andi %lt3A_935, %lt3A_937 : vector<1x256xi1>
    %get3A_939 = arith.constant 28 : index
    %get3A_940 = arith.constant 0 : index
    %get3A_941 = vector.load %arg3[%get3A_939, %get3A_940] : memref<80x256xf32, #tpu.memory_space<vmem>>, vector<1x256xf32>
    %get3A_942 = arith.constant 29 : index
    %get3A_943 = arith.constant 0 : index
    %get3A_944 = vector.load %arg3[%get3A_942, %get3A_943] : memref<80x256xf32, #tpu.memory_space<vmem>>, vector<1x256xf32>
    %broadcast_in_dim3A_945 = vector.shape_cast %and3A_938 : vector<1x256xi1> to vector<1x256xi1>
    %broadcast_in_dim3A_946 = vector.broadcast %broadcast_in_dim3A_945 : vector<1x256xi1> to vector<64x256xi1>
    %select_n3A_947 = arith.select %broadcast_in_dim3A_946, %broadcast_in_dim3A_15, %broadcast_in_dim3A_12 : vector<64x256xi1>, vector<64x256xf32>
    %broadcast_in_dim3A_948 = vector.shape_cast %and3A_938 : vector<1x256xi1> to vector<1x256xi1>
    %broadcast_in_dim3A_949 = vector.broadcast %broadcast_in_dim3A_948 : vector<1x256xi1> to vector<64x256xi1>
    %select_n3A_950 = arith.select %broadcast_in_dim3A_949, %broadcast_in_dim3A_21, %broadcast_in_dim3A_18 : vector<64x256xi1>, vector<64x256xf32>
    %broadcast_in_dim3A_951 = vector.shape_cast %and3A_938 : vector<1x256xi1> to vector<1x256xi1>
    %broadcast_in_dim3A_952 = vector.broadcast %broadcast_in_dim3A_951 : vector<1x256xi1> to vector<64x256xi1>
    %select_n3A_953 = arith.select %broadcast_in_dim3A_952, %broadcast_in_dim3A_27, %broadcast_in_dim3A_24 : vector<64x256xi1>, vector<64x256xf32>
    %mul3A_954 = vector.broadcast %get3A_941 : vector<1x256xf32> to vector<64x256xf32>
    %mul3A_955 = arith.mulf %mul3A_954, %select_n3A_950 : vector<64x256xf32>
    %add3A_956 = arith.addf %select_n3A_947, %mul3A_955 : vector<64x256xf32>
    %mul3A_957 = vector.broadcast %get3A_944 : vector<1x256xf32> to vector<64x256xf32>
    %mul3A_958 = arith.mulf %mul3A_957, %select_n3A_953 : vector<64x256xf32>
    %add3A_959 = arith.addf %add3A_956, %mul3A_958 : vector<64x256xf32>
    %swap3A_960 = arith.constant 14 : index
    %swap3A_961 = arith.constant 0 : index
    %swap3A_962 = arith.constant 0 : index
    %swap3A_963 = vector.load %arg8[%swap3A_960, %swap3A_961, %swap3A_962] : memref<40x64x256xf32, #tpu.memory_space<vmem>>, vector<1x64x256xf32>
    %swap3A_964 = vector.shape_cast %swap3A_963 : vector<1x64x256xf32> to vector<64x256xf32>
    %swap3A_965 = vector.shape_cast %add3A_959 : vector<64x256xf32> to vector<1x64x256xf32>
    tpu.vector_store %arg8[%swap3A_960, %swap3A_961, %swap3A_962], %swap3A_965 {strides = array<i32>} : memref<40x64x256xf32, #tpu.memory_space<vmem>>, vector<1x64x256xf32>,
    %mul3A_966 = arith.constant 40 : i32
    %mul3A_967 = arith.muli %arg0, %mul3A_966 : i32
    %add3A_968 = arith.constant 15 : i32
    %add3A_969 = arith.addi %mul3A_967, %add3A_968 : i32
    %jit3A_970 = arith.constant 20 : i32
    %div3A_971 = arith.divsi %add3A_969, %jit3A_970 : i32
    %sign3A_972 = arith.constant 0 : i32
    %sign3A_973 = arith.cmpi sgt, %add3A_969, %sign3A_972 : i32
    %sign3A_974 = arith.extui %sign3A_973 : i1 to i32
    %sign3A_975 = arith.constant 0 : i32
    %sign3A_976 = arith.cmpi slt, %add3A_969, %sign3A_975 : i32
    %sign3A_977 = arith.extui %sign3A_976 : i1 to i32
    %sign3A_978 = arith.subi %sign3A_974, %sign3A_977 : i32
    %sign3A_979 = arith.constant 0 : i32
    %sign3A_980 = arith.cmpi sgt, %jit3A_970, %sign3A_979 : i32
    %sign3A_981 = arith.extui %sign3A_980 : i1 to i32
    %sign3A_982 = arith.constant 0 : i32
    %sign3A_983 = arith.cmpi slt, %jit3A_970, %sign3A_982 : i32
    %sign3A_984 = arith.extui %sign3A_983 : i1 to i32
    %sign3A_985 = arith.subi %sign3A_981, %sign3A_984 : i32
    %ne3A_986 = arith.cmpi ne, %sign3A_978, %sign3A_985 : i32
    %rem3A_987 = arith.remsi %add3A_969, %jit3A_970 : i32
    %ne3A_988 = arith.constant 0 : i32
    %ne3A_989 = arith.cmpi ne, %rem3A_987, %ne3A_988 : i32
    %and3A_990 = arith.andi %ne3A_986, %ne3A_989 : i1
    %sub3A_991 = arith.constant 1 : i32
    %sub3A_992 = arith.subi %div3A_971, %sub3A_991 : i32
    %select_n3A_993 = arith.select %and3A_990, %sub3A_992, %div3A_971 : i32
    %mul3A_994 = arith.constant 20 : i32
    %mul3A_995 = arith.muli %select_n3A_993, %mul3A_994 : i32
    %sub3A_996 = arith.subi %add3A_969, %mul3A_995 : i32
    %lt3A_997 = vector.broadcast %select_n3A_993 : i32 to vector<1x256xi32>
    %lt3A_998 = arith.cmpi slt, %lt3A_997, %get3A_30 : vector<1x256xi32>
    %lt3A_999 = vector.broadcast %sub3A_996 : i32 to vector<1x256xi32>
    %lt3A_1000 = arith.cmpi slt, %lt3A_999, %get3A_30 : vector<1x256xi32>
    %and3A_1001 = arith.andi %lt3A_998, %lt3A_1000 : vector<1x256xi1>
    %get3A_1002 = arith.constant 30 : index
    %get3A_1003 = arith.constant 0 : index
    %get3A_1004 = vector.load %arg3[%get3A_1002, %get3A_1003] : memref<80x256xf32, #tpu.memory_space<vmem>>, vector<1x256xf32>
    %get3A_1005 = arith.constant 31 : index
    %get3A_1006 = arith.constant 0 : index
    %get3A_1007 = vector.load %arg3[%get3A_1005, %get3A_1006] : memref<80x256xf32, #tpu.memory_space<vmem>>, vector<1x256xf32>
    %broadcast_in_dim3A_1008 = vector.shape_cast %and3A_1001 : vector<1x256xi1> to vector<1x256xi1>
    %broadcast_in_dim3A_1009 = vector.broadcast %broadcast_in_dim3A_1008 : vector<1x256xi1> to vector<64x256xi1>
    %select_n3A_1010 = arith.select %broadcast_in_dim3A_1009, %broadcast_in_dim3A_15, %broadcast_in_dim3A_12 : vector<64x256xi1>, vector<64x256xf32>
    %broadcast_in_dim3A_1011 = vector.shape_cast %and3A_1001 : vector<1x256xi1> to vector<1x256xi1>
    %broadcast_in_dim3A_1012 = vector.broadcast %broadcast_in_dim3A_1011 : vector<1x256xi1> to vector<64x256xi1>
    %select_n3A_1013 = arith.select %broadcast_in_dim3A_1012, %broadcast_in_dim3A_21, %broadcast_in_dim3A_18 : vector<64x256xi1>, vector<64x256xf32>
    %broadcast_in_dim3A_1014 = vector.shape_cast %and3A_1001 : vector<1x256xi1> to vector<1x256xi1>
    %broadcast_in_dim3A_1015 = vector.broadcast %broadcast_in_dim3A_1014 : vector<1x256xi1> to vector<64x256xi1>
    %select_n3A_1016 = arith.select %broadcast_in_dim3A_1015, %broadcast_in_dim3A_27, %broadcast_in_dim3A_24 : vector<64x256xi1>, vector<64x256xf32>
    %mul3A_1017 = vector.broadcast %get3A_1004 : vector<1x256xf32> to vector<64x256xf32>
    %mul3A_1018 = arith.mulf %mul3A_1017, %select_n3A_1013 : vector<64x256xf32>
    %add3A_1019 = arith.addf %select_n3A_1010, %mul3A_1018 : vector<64x256xf32>
    %mul3A_1020 = vector.broadcast %get3A_1007 : vector<1x256xf32> to vector<64x256xf32>
    %mul3A_1021 = arith.mulf %mul3A_1020, %select_n3A_1016 : vector<64x256xf32>
    %add3A_1022 = arith.addf %add3A_1019, %mul3A_1021 : vector<64x256xf32>
    %swap3A_1023 = arith.constant 15 : index
    %swap3A_1024 = arith.constant 0 : index
    %swap3A_1025 = arith.constant 0 : index
    %swap3A_1026 = vector.load %arg8[%swap3A_1023, %swap3A_1024, %swap3A_1025] : memref<40x64x256xf32, #tpu.memory_space<vmem>>, vector<1x64x256xf32>
    %swap3A_1027 = vector.shape_cast %swap3A_1026 : vector<1x64x256xf32> to vector<64x256xf32>
    %swap3A_1028 = vector.shape_cast %add3A_1022 : vector<64x256xf32> to vector<1x64x256xf32>
    tpu.vector_store %arg8[%swap3A_1023, %swap3A_1024, %swap3A_1025], %swap3A_1028 {strides = array<i32>} : memref<40x64x256xf32, #tpu.memory_space<vmem>>, vector<1x64x256xf32>,
    %mul3A_1029 = arith.constant 40 : i32
    %mul3A_1030 = arith.muli %arg0, %mul3A_1029 : i32
    %add3A_1031 = arith.constant 16 : i32
    %add3A_1032 = arith.addi %mul3A_1030, %add3A_1031 : i32
    %jit3A_1033 = arith.constant 20 : i32
    %div3A_1034 = arith.divsi %add3A_1032, %jit3A_1033 : i32
    %sign3A_1035 = arith.constant 0 : i32
    %sign3A_1036 = arith.cmpi sgt, %add3A_1032, %sign3A_1035 : i32
    %sign3A_1037 = arith.extui %sign3A_1036 : i1 to i32
    %sign3A_1038 = arith.constant 0 : i32
    %sign3A_1039 = arith.cmpi slt, %add3A_1032, %sign3A_1038 : i32
    %sign3A_1040 = arith.extui %sign3A_1039 : i1 to i32
    %sign3A_1041 = arith.subi %sign3A_1037, %sign3A_1040 : i32
    %sign3A_1042 = arith.constant 0 : i32
    %sign3A_1043 = arith.cmpi sgt, %jit3A_1033, %sign3A_1042 : i32
    %sign3A_1044 = arith.extui %sign3A_1043 : i1 to i32
    %sign3A_1045 = arith.constant 0 : i32
    %sign3A_1046 = arith.cmpi slt, %jit3A_1033, %sign3A_1045 : i32
    %sign3A_1047 = arith.extui %sign3A_1046 : i1 to i32
    %sign3A_1048 = arith.subi %sign3A_1044, %sign3A_1047 : i32
    %ne3A_1049 = arith.cmpi ne, %sign3A_1041, %sign3A_1048 : i32
    %rem3A_1050 = arith.remsi %add3A_1032, %jit3A_1033 : i32
    %ne3A_1051 = arith.constant 0 : i32
    %ne3A_1052 = arith.cmpi ne, %rem3A_1050, %ne3A_1051 : i32
    %and3A_1053 = arith.andi %ne3A_1049, %ne3A_1052 : i1
    %sub3A_1054 = arith.constant 1 : i32
    %sub3A_1055 = arith.subi %div3A_1034, %sub3A_1054 : i32
    %select_n3A_1056 = arith.select %and3A_1053, %sub3A_1055, %div3A_1034 : i32
    %mul3A_1057 = arith.constant 20 : i32
    %mul3A_1058 = arith.muli %select_n3A_1056, %mul3A_1057 : i32
    %sub3A_1059 = arith.subi %add3A_1032, %mul3A_1058 : i32
    %lt3A_1060 = vector.broadcast %select_n3A_1056 : i32 to vector<1x256xi32>
    %lt3A_1061 = arith.cmpi slt, %lt3A_1060, %get3A_30 : vector<1x256xi32>
    %lt3A_1062 = vector.broadcast %sub3A_1059 : i32 to vector<1x256xi32>
    %lt3A_1063 = arith.cmpi slt, %lt3A_1062, %get3A_30 : vector<1x256xi32>
    %and3A_1064 = arith.andi %lt3A_1061, %lt3A_1063 : vector<1x256xi1>
    %get3A_1065 = arith.constant 32 : index
    %get3A_1066 = arith.constant 0 : index
    %get3A_1067 = vector.load %arg3[%get3A_1065, %get3A_1066] : memref<80x256xf32, #tpu.memory_space<vmem>>, vector<1x256xf32>
    %get3A_1068 = arith.constant 33 : index
    %get3A_1069 = arith.constant 0 : index
    %get3A_1070 = vector.load %arg3[%get3A_1068, %get3A_1069] : memref<80x256xf32, #tpu.memory_space<vmem>>, vector<1x256xf32>
    %broadcast_in_dim3A_1071 = vector.shape_cast %and3A_1064 : vector<1x256xi1> to vector<1x256xi1>
    %broadcast_in_dim3A_1072 = vector.broadcast %broadcast_in_dim3A_1071 : vector<1x256xi1> to vector<64x256xi1>
    %select_n3A_1073 = arith.select %broadcast_in_dim3A_1072, %broadcast_in_dim3A_15, %broadcast_in_dim3A_12 : vector<64x256xi1>, vector<64x256xf32>
    %broadcast_in_dim3A_1074 = vector.shape_cast %and3A_1064 : vector<1x256xi1> to vector<1x256xi1>
    %broadcast_in_dim3A_1075 = vector.broadcast %broadcast_in_dim3A_1074 : vector<1x256xi1> to vector<64x256xi1>
    %select_n3A_1076 = arith.select %broadcast_in_dim3A_1075, %broadcast_in_dim3A_21, %broadcast_in_dim3A_18 : vector<64x256xi1>, vector<64x256xf32>
    %broadcast_in_dim3A_1077 = vector.shape_cast %and3A_1064 : vector<1x256xi1> to vector<1x256xi1>
    %broadcast_in_dim3A_1078 = vector.broadcast %broadcast_in_dim3A_1077 : vector<1x256xi1> to vector<64x256xi1>
    %select_n3A_1079 = arith.select %broadcast_in_dim3A_1078, %broadcast_in_dim3A_27, %broadcast_in_dim3A_24 : vector<64x256xi1>, vector<64x256xf32>
    %mul3A_1080 = vector.broadcast %get3A_1067 : vector<1x256xf32> to vector<64x256xf32>
    %mul3A_1081 = arith.mulf %mul3A_1080, %select_n3A_1076 : vector<64x256xf32>
    %add3A_1082 = arith.addf %select_n3A_1073, %mul3A_1081 : vector<64x256xf32>
    %mul3A_1083 = vector.broadcast %get3A_1070 : vector<1x256xf32> to vector<64x256xf32>
    %mul3A_1084 = arith.mulf %mul3A_1083, %select_n3A_1079 : vector<64x256xf32>
    %add3A_1085 = arith.addf %add3A_1082, %mul3A_1084 : vector<64x256xf32>
    %swap3A_1086 = arith.constant 16 : index
    %swap3A_1087 = arith.constant 0 : index
    %swap3A_1088 = arith.constant 0 : index
    %swap3A_1089 = vector.load %arg8[%swap3A_1086, %swap3A_1087, %swap3A_1088] : memref<40x64x256xf32, #tpu.memory_space<vmem>>, vector<1x64x256xf32>
    %swap3A_1090 = vector.shape_cast %swap3A_1089 : vector<1x64x256xf32> to vector<64x256xf32>
    %swap3A_1091 = vector.shape_cast %add3A_1085 : vector<64x256xf32> to vector<1x64x256xf32>
    tpu.vector_store %arg8[%swap3A_1086, %swap3A_1087, %swap3A_1088], %swap3A_1091 {strides = array<i32>} : memref<40x64x256xf32, #tpu.memory_space<vmem>>, vector<1x64x256xf32>,
    %mul3A_1092 = arith.constant 40 : i32
    %mul3A_1093 = arith.muli %arg0, %mul3A_1092 : i32
    %add3A_1094 = arith.constant 17 : i32
    %add3A_1095 = arith.addi %mul3A_1093, %add3A_1094 : i32
    %jit3A_1096 = arith.constant 20 : i32
    %div3A_1097 = arith.divsi %add3A_1095, %jit3A_1096 : i32
    %sign3A_1098 = arith.constant 0 : i32
    %sign3A_1099 = arith.cmpi sgt, %add3A_1095, %sign3A_1098 : i32
    %sign3A_1100 = arith.extui %sign3A_1099 : i1 to i32
    %sign3A_1101 = arith.constant 0 : i32
    %sign3A_1102 = arith.cmpi slt, %add3A_1095, %sign3A_1101 : i32
    %sign3A_1103 = arith.extui %sign3A_1102 : i1 to i32
    %sign3A_1104 = arith.subi %sign3A_1100, %sign3A_1103 : i32
    %sign3A_1105 = arith.constant 0 : i32
    %sign3A_1106 = arith.cmpi sgt, %jit3A_1096, %sign3A_1105 : i32
    %sign3A_1107 = arith.extui %sign3A_1106 : i1 to i32
    %sign3A_1108 = arith.constant 0 : i32
    %sign3A_1109 = arith.cmpi slt, %jit3A_1096, %sign3A_1108 : i32
    %sign3A_1110 = arith.extui %sign3A_1109 : i1 to i32
    %sign3A_1111 = arith.subi %sign3A_1107, %sign3A_1110 : i32
    %ne3A_1112 = arith.cmpi ne, %sign3A_1104, %sign3A_1111 : i32
    %rem3A_1113 = arith.remsi %add3A_1095, %jit3A_1096 : i32
    %ne3A_1114 = arith.constant 0 : i32
    %ne3A_1115 = arith.cmpi ne, %rem3A_1113, %ne3A_1114 : i32
    %and3A_1116 = arith.andi %ne3A_1112, %ne3A_1115 : i1
    %sub3A_1117 = arith.constant 1 : i32
    %sub3A_1118 = arith.subi %div3A_1097, %sub3A_1117 : i32
    %select_n3A_1119 = arith.select %and3A_1116, %sub3A_1118, %div3A_1097 : i32
    %mul3A_1120 = arith.constant 20 : i32
    %mul3A_1121 = arith.muli %select_n3A_1119, %mul3A_1120 : i32
    %sub3A_1122 = arith.subi %add3A_1095, %mul3A_1121 : i32
    %lt3A_1123 = vector.broadcast %select_n3A_1119 : i32 to vector<1x256xi32>
    %lt3A_1124 = arith.cmpi slt, %lt3A_1123, %get3A_30 : vector<1x256xi32>
    %lt3A_1125 = vector.broadcast %sub3A_1122 : i32 to vector<1x256xi32>
    %lt3A_1126 = arith.cmpi slt, %lt3A_1125, %get3A_30 : vector<1x256xi32>
    %and3A_1127 = arith.andi %lt3A_1124, %lt3A_1126 : vector<1x256xi1>
    %get3A_1128 = arith.constant 34 : index
    %get3A_1129 = arith.constant 0 : index
    %get3A_1130 = vector.load %arg3[%get3A_1128, %get3A_1129] : memref<80x256xf32, #tpu.memory_space<vmem>>, vector<1x256xf32>
    %get3A_1131 = arith.constant 35 : index
    %get3A_1132 = arith.constant 0 : index
    %get3A_1133 = vector.load %arg3[%get3A_1131, %get3A_1132] : memref<80x256xf32, #tpu.memory_space<vmem>>, vector<1x256xf32>
    %broadcast_in_dim3A_1134 = vector.shape_cast %and3A_1127 : vector<1x256xi1> to vector<1x256xi1>
    %broadcast_in_dim3A_1135 = vector.broadcast %broadcast_in_dim3A_1134 : vector<1x256xi1> to vector<64x256xi1>
    %select_n3A_1136 = arith.select %broadcast_in_dim3A_1135, %broadcast_in_dim3A_15, %broadcast_in_dim3A_12 : vector<64x256xi1>, vector<64x256xf32>
    %broadcast_in_dim3A_1137 = vector.shape_cast %and3A_1127 : vector<1x256xi1> to vector<1x256xi1>
    %broadcast_in_dim3A_1138 = vector.broadcast %broadcast_in_dim3A_1137 : vector<1x256xi1> to vector<64x256xi1>
    %select_n3A_1139 = arith.select %broadcast_in_dim3A_1138, %broadcast_in_dim3A_21, %broadcast_in_dim3A_18 : vector<64x256xi1>, vector<64x256xf32>
    %broadcast_in_dim3A_1140 = vector.shape_cast %and3A_1127 : vector<1x256xi1> to vector<1x256xi1>
    %broadcast_in_dim3A_1141 = vector.broadcast %broadcast_in_dim3A_1140 : vector<1x256xi1> to vector<64x256xi1>
    %select_n3A_1142 = arith.select %broadcast_in_dim3A_1141, %broadcast_in_dim3A_27, %broadcast_in_dim3A_24 : vector<64x256xi1>, vector<64x256xf32>
    %mul3A_1143 = vector.broadcast %get3A_1130 : vector<1x256xf32> to vector<64x256xf32>
    %mul3A_1144 = arith.mulf %mul3A_1143, %select_n3A_1139 : vector<64x256xf32>
    %add3A_1145 = arith.addf %select_n3A_1136, %mul3A_1144 : vector<64x256xf32>
    %mul3A_1146 = vector.broadcast %get3A_1133 : vector<1x256xf32> to vector<64x256xf32>
    %mul3A_1147 = arith.mulf %mul3A_1146, %select_n3A_1142 : vector<64x256xf32>
    %add3A_1148 = arith.addf %add3A_1145, %mul3A_1147 : vector<64x256xf32>
    %swap3A_1149 = arith.constant 17 : index
    %swap3A_1150 = arith.constant 0 : index
    %swap3A_1151 = arith.constant 0 : index
    %swap3A_1152 = vector.load %arg8[%swap3A_1149, %swap3A_1150, %swap3A_1151] : memref<40x64x256xf32, #tpu.memory_space<vmem>>, vector<1x64x256xf32>
    %swap3A_1153 = vector.shape_cast %swap3A_1152 : vector<1x64x256xf32> to vector<64x256xf32>
    %swap3A_1154 = vector.shape_cast %add3A_1148 : vector<64x256xf32> to vector<1x64x256xf32>
    tpu.vector_store %arg8[%swap3A_1149, %swap3A_1150, %swap3A_1151], %swap3A_1154 {strides = array<i32>} : memref<40x64x256xf32, #tpu.memory_space<vmem>>, vector<1x64x256xf32>,
    %mul3A_1155 = arith.constant 40 : i32
    %mul3A_1156 = arith.muli %arg0, %mul3A_1155 : i32
    %add3A_1157 = arith.constant 18 : i32
    %add3A_1158 = arith.addi %mul3A_1156, %add3A_1157 : i32
    %jit3A_1159 = arith.constant 20 : i32
    %div3A_1160 = arith.divsi %add3A_1158, %jit3A_1159 : i32
    %sign3A_1161 = arith.constant 0 : i32
    %sign3A_1162 = arith.cmpi sgt, %add3A_1158, %sign3A_1161 : i32
    %sign3A_1163 = arith.extui %sign3A_1162 : i1 to i32
    %sign3A_1164 = arith.constant 0 : i32
    %sign3A_1165 = arith.cmpi slt, %add3A_1158, %sign3A_1164 : i32
    %sign3A_1166 = arith.extui %sign3A_1165 : i1 to i32
    %sign3A_1167 = arith.subi %sign3A_1163, %sign3A_1166 : i32
    %sign3A_1168 = arith.constant 0 : i32
    %sign3A_1169 = arith.cmpi sgt, %jit3A_1159, %sign3A_1168 : i32
    %sign3A_1170 = arith.extui %sign3A_1169 : i1 to i32
    %sign3A_1171 = arith.constant 0 : i32
    %sign3A_1172 = arith.cmpi slt, %jit3A_1159, %sign3A_1171 : i32
    %sign3A_1173 = arith.extui %sign3A_1172 : i1 to i32
    %sign3A_1174 = arith.subi %sign3A_1170, %sign3A_1173 : i32
    %ne3A_1175 = arith.cmpi ne, %sign3A_1167, %sign3A_1174 : i32
    %rem3A_1176 = arith.remsi %add3A_1158, %jit3A_1159 : i32
    %ne3A_1177 = arith.constant 0 : i32
    %ne3A_1178 = arith.cmpi ne, %rem3A_1176, %ne3A_1177 : i32
    %and3A_1179 = arith.andi %ne3A_1175, %ne3A_1178 : i1
    %sub3A_1180 = arith.constant 1 : i32
    %sub3A_1181 = arith.subi %div3A_1160, %sub3A_1180 : i32
    %select_n3A_1182 = arith.select %and3A_1179, %sub3A_1181, %div3A_1160 : i32
    %mul3A_1183 = arith.constant 20 : i32
    %mul3A_1184 = arith.muli %select_n3A_1182, %mul3A_1183 : i32
    %sub3A_1185 = arith.subi %add3A_1158, %mul3A_1184 : i32
    %lt3A_1186 = vector.broadcast %select_n3A_1182 : i32 to vector<1x256xi32>
    %lt3A_1187 = arith.cmpi slt, %lt3A_1186, %get3A_30 : vector<1x256xi32>
    %lt3A_1188 = vector.broadcast %sub3A_1185 : i32 to vector<1x256xi32>
    %lt3A_1189 = arith.cmpi slt, %lt3A_1188, %get3A_30 : vector<1x256xi32>
    %and3A_1190 = arith.andi %lt3A_1187, %lt3A_1189 : vector<1x256xi1>
    %get3A_1191 = arith.constant 36 : index
    %get3A_1192 = arith.constant 0 : index
    %get3A_1193 = vector.load %arg3[%get3A_1191, %get3A_1192] : memref<80x256xf32, #tpu.memory_space<vmem>>, vector<1x256xf32>
    %get3A_1194 = arith.constant 37 : index
    %get3A_1195 = arith.constant 0 : index
    %get3A_1196 = vector.load %arg3[%get3A_1194, %get3A_1195] : memref<80x256xf32, #tpu.memory_space<vmem>>, vector<1x256xf32>
    %broadcast_in_dim3A_1197 = vector.shape_cast %and3A_1190 : vector<1x256xi1> to vector<1x256xi1>
    %broadcast_in_dim3A_1198 = vector.broadcast %broadcast_in_dim3A_1197 : vector<1x256xi1> to vector<64x256xi1>
    %select_n3A_1199 = arith.select %broadcast_in_dim3A_1198, %broadcast_in_dim3A_15, %broadcast_in_dim3A_12 : vector<64x256xi1>, vector<64x256xf32>
    %broadcast_in_dim3A_1200 = vector.shape_cast %and3A_1190 : vector<1x256xi1> to vector<1x256xi1>
    %broadcast_in_dim3A_1201 = vector.broadcast %broadcast_in_dim3A_1200 : vector<1x256xi1> to vector<64x256xi1>
    %select_n3A_1202 = arith.select %broadcast_in_dim3A_1201, %broadcast_in_dim3A_21, %broadcast_in_dim3A_18 : vector<64x256xi1>, vector<64x256xf32>
    %broadcast_in_dim3A_1203 = vector.shape_cast %and3A_1190 : vector<1x256xi1> to vector<1x256xi1>
    %broadcast_in_dim3A_1204 = vector.broadcast %broadcast_in_dim3A_1203 : vector<1x256xi1> to vector<64x256xi1>
    %select_n3A_1205 = arith.select %broadcast_in_dim3A_1204, %broadcast_in_dim3A_27, %broadcast_in_dim3A_24 : vector<64x256xi1>, vector<64x256xf32>
    %mul3A_1206 = vector.broadcast %get3A_1193 : vector<1x256xf32> to vector<64x256xf32>
    %mul3A_1207 = arith.mulf %mul3A_1206, %select_n3A_1202 : vector<64x256xf32>
    %add3A_1208 = arith.addf %select_n3A_1199, %mul3A_1207 : vector<64x256xf32>
    %mul3A_1209 = vector.broadcast %get3A_1196 : vector<1x256xf32> to vector<64x256xf32>
    %mul3A_1210 = arith.mulf %mul3A_1209, %select_n3A_1205 : vector<64x256xf32>
    %add3A_1211 = arith.addf %add3A_1208, %mul3A_1210 : vector<64x256xf32>
    %swap3A_1212 = arith.constant 18 : index
    %swap3A_1213 = arith.constant 0 : index
    %swap3A_1214 = arith.constant 0 : index
    %swap3A_1215 = vector.load %arg8[%swap3A_1212, %swap3A_1213, %swap3A_1214] : memref<40x64x256xf32, #tpu.memory_space<vmem>>, vector<1x64x256xf32>
    %swap3A_1216 = vector.shape_cast %swap3A_1215 : vector<1x64x256xf32> to vector<64x256xf32>
    %swap3A_1217 = vector.shape_cast %add3A_1211 : vector<64x256xf32> to vector<1x64x256xf32>
    tpu.vector_store %arg8[%swap3A_1212, %swap3A_1213, %swap3A_1214], %swap3A_1217 {strides = array<i32>} : memref<40x64x256xf32, #tpu.memory_space<vmem>>, vector<1x64x256xf32>,
    %mul3A_1218 = arith.constant 40 : i32
    %mul3A_1219 = arith.muli %arg0, %mul3A_1218 : i32
    %add3A_1220 = arith.constant 19 : i32
    %add3A_1221 = arith.addi %mul3A_1219, %add3A_1220 : i32
    %jit3A_1222 = arith.constant 20 : i32
    %div3A_1223 = arith.divsi %add3A_1221, %jit3A_1222 : i32
    %sign3A_1224 = arith.constant 0 : i32
    %sign3A_1225 = arith.cmpi sgt, %add3A_1221, %sign3A_1224 : i32
    %sign3A_1226 = arith.extui %sign3A_1225 : i1 to i32
    %sign3A_1227 = arith.constant 0 : i32
    %sign3A_1228 = arith.cmpi slt, %add3A_1221, %sign3A_1227 : i32
    %sign3A_1229 = arith.extui %sign3A_1228 : i1 to i32
    %sign3A_1230 = arith.subi %sign3A_1226, %sign3A_1229 : i32
    %sign3A_1231 = arith.constant 0 : i32
    %sign3A_1232 = arith.cmpi sgt, %jit3A_1222, %sign3A_1231 : i32
    %sign3A_1233 = arith.extui %sign3A_1232 : i1 to i32
    %sign3A_1234 = arith.constant 0 : i32
    %sign3A_1235 = arith.cmpi slt, %jit3A_1222, %sign3A_1234 : i32
    %sign3A_1236 = arith.extui %sign3A_1235 : i1 to i32
    %sign3A_1237 = arith.subi %sign3A_1233, %sign3A_1236 : i32
    %ne3A_1238 = arith.cmpi ne, %sign3A_1230, %sign3A_1237 : i32
    %rem3A_1239 = arith.remsi %add3A_1221, %jit3A_1222 : i32
    %ne3A_1240 = arith.constant 0 : i32
    %ne3A_1241 = arith.cmpi ne, %rem3A_1239, %ne3A_1240 : i32
    %and3A_1242 = arith.andi %ne3A_1238, %ne3A_1241 : i1
    %sub3A_1243 = arith.constant 1 : i32
    %sub3A_1244 = arith.subi %div3A_1223, %sub3A_1243 : i32
    %select_n3A_1245 = arith.select %and3A_1242, %sub3A_1244, %div3A_1223 : i32
    %mul3A_1246 = arith.constant 20 : i32
    %mul3A_1247 = arith.muli %select_n3A_1245, %mul3A_1246 : i32
    %sub3A_1248 = arith.subi %add3A_1221, %mul3A_1247 : i32
    %lt3A_1249 = vector.broadcast %select_n3A_1245 : i32 to vector<1x256xi32>
    %lt3A_1250 = arith.cmpi slt, %lt3A_1249, %get3A_30 : vector<1x256xi32>
    %lt3A_1251 = vector.broadcast %sub3A_1248 : i32 to vector<1x256xi32>
    %lt3A_1252 = arith.cmpi slt, %lt3A_1251, %get3A_30 : vector<1x256xi32>
    %and3A_1253 = arith.andi %lt3A_1250, %lt3A_1252 : vector<1x256xi1>
    %get3A_1254 = arith.constant 38 : index
    %get3A_1255 = arith.constant 0 : index
    %get3A_1256 = vector.load %arg3[%get3A_1254, %get3A_1255] : memref<80x256xf32, #tpu.memory_space<vmem>>, vector<1x256xf32>
    %get3A_1257 = arith.constant 39 : index
    %get3A_1258 = arith.constant 0 : index
    %get3A_1259 = vector.load %arg3[%get3A_1257, %get3A_1258] : memref<80x256xf32, #tpu.memory_space<vmem>>, vector<1x256xf32>
    %broadcast_in_dim3A_1260 = vector.shape_cast %and3A_1253 : vector<1x256xi1> to vector<1x256xi1>
    %broadcast_in_dim3A_1261 = vector.broadcast %broadcast_in_dim3A_1260 : vector<1x256xi1> to vector<64x256xi1>
    %select_n3A_1262 = arith.select %broadcast_in_dim3A_1261, %broadcast_in_dim3A_15, %broadcast_in_dim3A_12 : vector<64x256xi1>, vector<64x256xf32>
    %broadcast_in_dim3A_1263 = vector.shape_cast %and3A_1253 : vector<1x256xi1> to vector<1x256xi1>
    %broadcast_in_dim3A_1264 = vector.broadcast %broadcast_in_dim3A_1263 : vector<1x256xi1> to vector<64x256xi1>
    %select_n3A_1265 = arith.select %broadcast_in_dim3A_1264, %broadcast_in_dim3A_21, %broadcast_in_dim3A_18 : vector<64x256xi1>, vector<64x256xf32>
    %broadcast_in_dim3A_1266 = vector.shape_cast %and3A_1253 : vector<1x256xi1> to vector<1x256xi1>
    %broadcast_in_dim3A_1267 = vector.broadcast %broadcast_in_dim3A_1266 : vector<1x256xi1> to vector<64x256xi1>
    %select_n3A_1268 = arith.select %broadcast_in_dim3A_1267, %broadcast_in_dim3A_27, %broadcast_in_dim3A_24 : vector<64x256xi1>, vector<64x256xf32>
    %mul3A_1269 = vector.broadcast %get3A_1256 : vector<1x256xf32> to vector<64x256xf32>
    %mul3A_1270 = arith.mulf %mul3A_1269, %select_n3A_1265 : vector<64x256xf32>
    %add3A_1271 = arith.addf %select_n3A_1262, %mul3A_1270 : vector<64x256xf32>
    %mul3A_1272 = vector.broadcast %get3A_1259 : vector<1x256xf32> to vector<64x256xf32>
    %mul3A_1273 = arith.mulf %mul3A_1272, %select_n3A_1268 : vector<64x256xf32>
    %add3A_1274 = arith.addf %add3A_1271, %mul3A_1273 : vector<64x256xf32>
    %swap3A_1275 = arith.constant 19 : index
    %swap3A_1276 = arith.constant 0 : index
    %swap3A_1277 = arith.constant 0 : index
    %swap3A_1278 = vector.load %arg8[%swap3A_1275, %swap3A_1276, %swap3A_1277] : memref<40x64x256xf32, #tpu.memory_space<vmem>>, vector<1x64x256xf32>
    %swap3A_1279 = vector.shape_cast %swap3A_1278 : vector<1x64x256xf32> to vector<64x256xf32>
    %swap3A_1280 = vector.shape_cast %add3A_1274 : vector<64x256xf32> to vector<1x64x256xf32>
    tpu.vector_store %arg8[%swap3A_1275, %swap3A_1276, %swap3A_1277], %swap3A_1280 {strides = array<i32>} : memref<40x64x256xf32, #tpu.memory_space<vmem>>, vector<1x64x256xf32>,
    %mul3A_1281 = arith.constant 40 : i32
    %mul3A_1282 = arith.muli %arg0, %mul3A_1281 : i32
    %add3A_1283 = arith.constant 20 : i32
    %add3A_1284 = arith.addi %mul3A_1282, %add3A_1283 : i32
    %jit3A_1285 = arith.constant 20 : i32
    %div3A_1286 = arith.divsi %add3A_1284, %jit3A_1285 : i32
    %sign3A_1287 = arith.constant 0 : i32
    %sign3A_1288 = arith.cmpi sgt, %add3A_1284, %sign3A_1287 : i32
    %sign3A_1289 = arith.extui %sign3A_1288 : i1 to i32
    %sign3A_1290 = arith.constant 0 : i32
    %sign3A_1291 = arith.cmpi slt, %add3A_1284, %sign3A_1290 : i32
    %sign3A_1292 = arith.extui %sign3A_1291 : i1 to i32
    %sign3A_1293 = arith.subi %sign3A_1289, %sign3A_1292 : i32
    %sign3A_1294 = arith.constant 0 : i32
    %sign3A_1295 = arith.cmpi sgt, %jit3A_1285, %sign3A_1294 : i32
    %sign3A_1296 = arith.extui %sign3A_1295 : i1 to i32
    %sign3A_1297 = arith.constant 0 : i32
    %sign3A_1298 = arith.cmpi slt, %jit3A_1285, %sign3A_1297 : i32
    %sign3A_1299 = arith.extui %sign3A_1298 : i1 to i32
    %sign3A_1300 = arith.subi %sign3A_1296, %sign3A_1299 : i32
    %ne3A_1301 = arith.cmpi ne, %sign3A_1293, %sign3A_1300 : i32
    %rem3A_1302 = arith.remsi %add3A_1284, %jit3A_1285 : i32
    %ne3A_1303 = arith.constant 0 : i32
    %ne3A_1304 = arith.cmpi ne, %rem3A_1302, %ne3A_1303 : i32
    %and3A_1305 = arith.andi %ne3A_1301, %ne3A_1304 : i1
    %sub3A_1306 = arith.constant 1 : i32
    %sub3A_1307 = arith.subi %div3A_1286, %sub3A_1306 : i32
    %select_n3A_1308 = arith.select %and3A_1305, %sub3A_1307, %div3A_1286 : i32
    %mul3A_1309 = arith.constant 20 : i32
    %mul3A_1310 = arith.muli %select_n3A_1308, %mul3A_1309 : i32
    %sub3A_1311 = arith.subi %add3A_1284, %mul3A_1310 : i32
    %lt3A_1312 = vector.broadcast %select_n3A_1308 : i32 to vector<1x256xi32>
    %lt3A_1313 = arith.cmpi slt, %lt3A_1312, %get3A_30 : vector<1x256xi32>
    %lt3A_1314 = vector.broadcast %sub3A_1311 : i32 to vector<1x256xi32>
    %lt3A_1315 = arith.cmpi slt, %lt3A_1314, %get3A_30 : vector<1x256xi32>
    %and3A_1316 = arith.andi %lt3A_1313, %lt3A_1315 : vector<1x256xi1>
    %get3A_1317 = arith.constant 40 : index
    %get3A_1318 = arith.constant 0 : index
    %get3A_1319 = vector.load %arg3[%get3A_1317, %get3A_1318] : memref<80x256xf32, #tpu.memory_space<vmem>>, vector<1x256xf32>
    %get3A_1320 = arith.constant 41 : index
    %get3A_1321 = arith.constant 0 : index
    %get3A_1322 = vector.load %arg3[%get3A_1320, %get3A_1321] : memref<80x256xf32, #tpu.memory_space<vmem>>, vector<1x256xf32>
    %broadcast_in_dim3A_1323 = vector.shape_cast %and3A_1316 : vector<1x256xi1> to vector<1x256xi1>
    %broadcast_in_dim3A_1324 = vector.broadcast %broadcast_in_dim3A_1323 : vector<1x256xi1> to vector<64x256xi1>
    %select_n3A_1325 = arith.select %broadcast_in_dim3A_1324, %broadcast_in_dim3A_15, %broadcast_in_dim3A_12 : vector<64x256xi1>, vector<64x256xf32>
    %broadcast_in_dim3A_1326 = vector.shape_cast %and3A_1316 : vector<1x256xi1> to vector<1x256xi1>
    %broadcast_in_dim3A_1327 = vector.broadcast %broadcast_in_dim3A_1326 : vector<1x256xi1> to vector<64x256xi1>
    %select_n3A_1328 = arith.select %broadcast_in_dim3A_1327, %broadcast_in_dim3A_21, %broadcast_in_dim3A_18 : vector<64x256xi1>, vector<64x256xf32>
    %broadcast_in_dim3A_1329 = vector.shape_cast %and3A_1316 : vector<1x256xi1> to vector<1x256xi1>
    %broadcast_in_dim3A_1330 = vector.broadcast %broadcast_in_dim3A_1329 : vector<1x256xi1> to vector<64x256xi1>
    %select_n3A_1331 = arith.select %broadcast_in_dim3A_1330, %broadcast_in_dim3A_27, %broadcast_in_dim3A_24 : vector<64x256xi1>, vector<64x256xf32>
    %mul3A_1332 = vector.broadcast %get3A_1319 : vector<1x256xf32> to vector<64x256xf32>
    %mul3A_1333 = arith.mulf %mul3A_1332, %select_n3A_1328 : vector<64x256xf32>
    %add3A_1334 = arith.addf %select_n3A_1325, %mul3A_1333 : vector<64x256xf32>
    %mul3A_1335 = vector.broadcast %get3A_1322 : vector<1x256xf32> to vector<64x256xf32>
    %mul3A_1336 = arith.mulf %mul3A_1335, %select_n3A_1331 : vector<64x256xf32>
    %add3A_1337 = arith.addf %add3A_1334, %mul3A_1336 : vector<64x256xf32>
    %swap3A_1338 = arith.constant 20 : index
    %swap3A_1339 = arith.constant 0 : index
    %swap3A_1340 = arith.constant 0 : index
    %swap3A_1341 = vector.load %arg8[%swap3A_1338, %swap3A_1339, %swap3A_1340] : memref<40x64x256xf32, #tpu.memory_space<vmem>>, vector<1x64x256xf32>
    %swap3A_1342 = vector.shape_cast %swap3A_1341 : vector<1x64x256xf32> to vector<64x256xf32>
    %swap3A_1343 = vector.shape_cast %add3A_1337 : vector<64x256xf32> to vector<1x64x256xf32>
    tpu.vector_store %arg8[%swap3A_1338, %swap3A_1339, %swap3A_1340], %swap3A_1343 {strides = array<i32>} : memref<40x64x256xf32, #tpu.memory_space<vmem>>, vector<1x64x256xf32>,
    %mul3A_1344 = arith.constant 40 : i32
    %mul3A_1345 = arith.muli %arg0, %mul3A_1344 : i32
    %add3A_1346 = arith.constant 21 : i32
    %add3A_1347 = arith.addi %mul3A_1345, %add3A_1346 : i32
    %jit3A_1348 = arith.constant 20 : i32
    %div3A_1349 = arith.divsi %add3A_1347, %jit3A_1348 : i32
    %sign3A_1350 = arith.constant 0 : i32
    %sign3A_1351 = arith.cmpi sgt, %add3A_1347, %sign3A_1350 : i32
    %sign3A_1352 = arith.extui %sign3A_1351 : i1 to i32
    %sign3A_1353 = arith.constant 0 : i32
    %sign3A_1354 = arith.cmpi slt, %add3A_1347, %sign3A_1353 : i32
    %sign3A_1355 = arith.extui %sign3A_1354 : i1 to i32
    %sign3A_1356 = arith.subi %sign3A_1352, %sign3A_1355 : i32
    %sign3A_1357 = arith.constant 0 : i32
    %sign3A_1358 = arith.cmpi sgt, %jit3A_1348, %sign3A_1357 : i32
    %sign3A_1359 = arith.extui %sign3A_1358 : i1 to i32
    %sign3A_1360 = arith.constant 0 : i32
    %sign3A_1361 = arith.cmpi slt, %jit3A_1348, %sign3A_1360 : i32
    %sign3A_1362 = arith.extui %sign3A_1361 : i1 to i32
    %sign3A_1363 = arith.subi %sign3A_1359, %sign3A_1362 : i32
    %ne3A_1364 = arith.cmpi ne, %sign3A_1356, %sign3A_1363 : i32
    %rem3A_1365 = arith.remsi %add3A_1347, %jit3A_1348 : i32
    %ne3A_1366 = arith.constant 0 : i32
    %ne3A_1367 = arith.cmpi ne, %rem3A_1365, %ne3A_1366 : i32
    %and3A_1368 = arith.andi %ne3A_1364, %ne3A_1367 : i1
    %sub3A_1369 = arith.constant 1 : i32
    %sub3A_1370 = arith.subi %div3A_1349, %sub3A_1369 : i32
    %select_n3A_1371 = arith.select %and3A_1368, %sub3A_1370, %div3A_1349 : i32
    %mul3A_1372 = arith.constant 20 : i32
    %mul3A_1373 = arith.muli %select_n3A_1371, %mul3A_1372 : i32
    %sub3A_1374 = arith.subi %add3A_1347, %mul3A_1373 : i32
    %lt3A_1375 = vector.broadcast %select_n3A_1371 : i32 to vector<1x256xi32>
    %lt3A_1376 = arith.cmpi slt, %lt3A_1375, %get3A_30 : vector<1x256xi32>
    %lt3A_1377 = vector.broadcast %sub3A_1374 : i32 to vector<1x256xi32>
    %lt3A_1378 = arith.cmpi slt, %lt3A_1377, %get3A_30 : vector<1x256xi32>
    %and3A_1379 = arith.andi %lt3A_1376, %lt3A_1378 : vector<1x256xi1>
    %get3A_1380 = arith.constant 42 : index
    %get3A_1381 = arith.constant 0 : index
    %get3A_1382 = vector.load %arg3[%get3A_1380, %get3A_1381] : memref<80x256xf32, #tpu.memory_space<vmem>>, vector<1x256xf32>
    %get3A_1383 = arith.constant 43 : index
    %get3A_1384 = arith.constant 0 : index
    %get3A_1385 = vector.load %arg3[%get3A_1383, %get3A_1384] : memref<80x256xf32, #tpu.memory_space<vmem>>, vector<1x256xf32>
    %broadcast_in_dim3A_1386 = vector.shape_cast %and3A_1379 : vector<1x256xi1> to vector<1x256xi1>
    %broadcast_in_dim3A_1387 = vector.broadcast %broadcast_in_dim3A_1386 : vector<1x256xi1> to vector<64x256xi1>
    %select_n3A_1388 = arith.select %broadcast_in_dim3A_1387, %broadcast_in_dim3A_15, %broadcast_in_dim3A_12 : vector<64x256xi1>, vector<64x256xf32>
    %broadcast_in_dim3A_1389 = vector.shape_cast %and3A_1379 : vector<1x256xi1> to vector<1x256xi1>
    %broadcast_in_dim3A_1390 = vector.broadcast %broadcast_in_dim3A_1389 : vector<1x256xi1> to vector<64x256xi1>
    %select_n3A_1391 = arith.select %broadcast_in_dim3A_1390, %broadcast_in_dim3A_21, %broadcast_in_dim3A_18 : vector<64x256xi1>, vector<64x256xf32>
    %broadcast_in_dim3A_1392 = vector.shape_cast %and3A_1379 : vector<1x256xi1> to vector<1x256xi1>
    %broadcast_in_dim3A_1393 = vector.broadcast %broadcast_in_dim3A_1392 : vector<1x256xi1> to vector<64x256xi1>
    %select_n3A_1394 = arith.select %broadcast_in_dim3A_1393, %broadcast_in_dim3A_27, %broadcast_in_dim3A_24 : vector<64x256xi1>, vector<64x256xf32>
    %mul3A_1395 = vector.broadcast %get3A_1382 : vector<1x256xf32> to vector<64x256xf32>
    %mul3A_1396 = arith.mulf %mul3A_1395, %select_n3A_1391 : vector<64x256xf32>
    %add3A_1397 = arith.addf %select_n3A_1388, %mul3A_1396 : vector<64x256xf32>
    %mul3A_1398 = vector.broadcast %get3A_1385 : vector<1x256xf32> to vector<64x256xf32>
    %mul3A_1399 = arith.mulf %mul3A_1398, %select_n3A_1394 : vector<64x256xf32>
    %add3A_1400 = arith.addf %add3A_1397, %mul3A_1399 : vector<64x256xf32>
    %swap3A_1401 = arith.constant 21 : index
    %swap3A_1402 = arith.constant 0 : index
    %swap3A_1403 = arith.constant 0 : index
    %swap3A_1404 = vector.load %arg8[%swap3A_1401, %swap3A_1402, %swap3A_1403] : memref<40x64x256xf32, #tpu.memory_space<vmem>>, vector<1x64x256xf32>
    %swap3A_1405 = vector.shape_cast %swap3A_1404 : vector<1x64x256xf32> to vector<64x256xf32>
    %swap3A_1406 = vector.shape_cast %add3A_1400 : vector<64x256xf32> to vector<1x64x256xf32>
    tpu.vector_store %arg8[%swap3A_1401, %swap3A_1402, %swap3A_1403], %swap3A_1406 {strides = array<i32>} : memref<40x64x256xf32, #tpu.memory_space<vmem>>, vector<1x64x256xf32>,
    %mul3A_1407 = arith.constant 40 : i32
    %mul3A_1408 = arith.muli %arg0, %mul3A_1407 : i32
    %add3A_1409 = arith.constant 22 : i32
    %add3A_1410 = arith.addi %mul3A_1408, %add3A_1409 : i32
    %jit3A_1411 = arith.constant 20 : i32
    %div3A_1412 = arith.divsi %add3A_1410, %jit3A_1411 : i32
    %sign3A_1413 = arith.constant 0 : i32
    %sign3A_1414 = arith.cmpi sgt, %add3A_1410, %sign3A_1413 : i32
    %sign3A_1415 = arith.extui %sign3A_1414 : i1 to i32
    %sign3A_1416 = arith.constant 0 : i32
    %sign3A_1417 = arith.cmpi slt, %add3A_1410, %sign3A_1416 : i32
    %sign3A_1418 = arith.extui %sign3A_1417 : i1 to i32
    %sign3A_1419 = arith.subi %sign3A_1415, %sign3A_1418 : i32
    %sign3A_1420 = arith.constant 0 : i32
    %sign3A_1421 = arith.cmpi sgt, %jit3A_1411, %sign3A_1420 : i32
    %sign3A_1422 = arith.extui %sign3A_1421 : i1 to i32
    %sign3A_1423 = arith.constant 0 : i32
    %sign3A_1424 = arith.cmpi slt, %jit3A_1411, %sign3A_1423 : i32
    %sign3A_1425 = arith.extui %sign3A_1424 : i1 to i32
    %sign3A_1426 = arith.subi %sign3A_1422, %sign3A_1425 : i32
    %ne3A_1427 = arith.cmpi ne, %sign3A_1419, %sign3A_1426 : i32
    %rem3A_1428 = arith.remsi %add3A_1410, %jit3A_1411 : i32
    %ne3A_1429 = arith.constant 0 : i32
    %ne3A_1430 = arith.cmpi ne, %rem3A_1428, %ne3A_1429 : i32
    %and3A_1431 = arith.andi %ne3A_1427, %ne3A_1430 : i1
    %sub3A_1432 = arith.constant 1 : i32
    %sub3A_1433 = arith.subi %div3A_1412, %sub3A_1432 : i32
    %select_n3A_1434 = arith.select %and3A_1431, %sub3A_1433, %div3A_1412 : i32
    %mul3A_1435 = arith.constant 20 : i32
    %mul3A_1436 = arith.muli %select_n3A_1434, %mul3A_1435 : i32
    %sub3A_1437 = arith.subi %add3A_1410, %mul3A_1436 : i32
    %lt3A_1438 = vector.broadcast %select_n3A_1434 : i32 to vector<1x256xi32>
    %lt3A_1439 = arith.cmpi slt, %lt3A_1438, %get3A_30 : vector<1x256xi32>
    %lt3A_1440 = vector.broadcast %sub3A_1437 : i32 to vector<1x256xi32>
    %lt3A_1441 = arith.cmpi slt, %lt3A_1440, %get3A_30 : vector<1x256xi32>
    %and3A_1442 = arith.andi %lt3A_1439, %lt3A_1441 : vector<1x256xi1>
    %get3A_1443 = arith.constant 44 : index
    %get3A_1444 = arith.constant 0 : index
    %get3A_1445 = vector.load %arg3[%get3A_1443, %get3A_1444] : memref<80x256xf32, #tpu.memory_space<vmem>>, vector<1x256xf32>
    %get3A_1446 = arith.constant 45 : index
    %get3A_1447 = arith.constant 0 : index
    %get3A_1448 = vector.load %arg3[%get3A_1446, %get3A_1447] : memref<80x256xf32, #tpu.memory_space<vmem>>, vector<1x256xf32>
    %broadcast_in_dim3A_1449 = vector.shape_cast %and3A_1442 : vector<1x256xi1> to vector<1x256xi1>
    %broadcast_in_dim3A_1450 = vector.broadcast %broadcast_in_dim3A_1449 : vector<1x256xi1> to vector<64x256xi1>
    %select_n3A_1451 = arith.select %broadcast_in_dim3A_1450, %broadcast_in_dim3A_15, %broadcast_in_dim3A_12 : vector<64x256xi1>, vector<64x256xf32>
    %broadcast_in_dim3A_1452 = vector.shape_cast %and3A_1442 : vector<1x256xi1> to vector<1x256xi1>
    %broadcast_in_dim3A_1453 = vector.broadcast %broadcast_in_dim3A_1452 : vector<1x256xi1> to vector<64x256xi1>
    %select_n3A_1454 = arith.select %broadcast_in_dim3A_1453, %broadcast_in_dim3A_21, %broadcast_in_dim3A_18 : vector<64x256xi1>, vector<64x256xf32>
    %broadcast_in_dim3A_1455 = vector.shape_cast %and3A_1442 : vector<1x256xi1> to vector<1x256xi1>
    %broadcast_in_dim3A_1456 = vector.broadcast %broadcast_in_dim3A_1455 : vector<1x256xi1> to vector<64x256xi1>
    %select_n3A_1457 = arith.select %broadcast_in_dim3A_1456, %broadcast_in_dim3A_27, %broadcast_in_dim3A_24 : vector<64x256xi1>, vector<64x256xf32>
    %mul3A_1458 = vector.broadcast %get3A_1445 : vector<1x256xf32> to vector<64x256xf32>
    %mul3A_1459 = arith.mulf %mul3A_1458, %select_n3A_1454 : vector<64x256xf32>
    %add3A_1460 = arith.addf %select_n3A_1451, %mul3A_1459 : vector<64x256xf32>
    %mul3A_1461 = vector.broadcast %get3A_1448 : vector<1x256xf32> to vector<64x256xf32>
    %mul3A_1462 = arith.mulf %mul3A_1461, %select_n3A_1457 : vector<64x256xf32>
    %add3A_1463 = arith.addf %add3A_1460, %mul3A_1462 : vector<64x256xf32>
    %swap3A_1464 = arith.constant 22 : index
    %swap3A_1465 = arith.constant 0 : index
    %swap3A_1466 = arith.constant 0 : index
    %swap3A_1467 = vector.load %arg8[%swap3A_1464, %swap3A_1465, %swap3A_1466] : memref<40x64x256xf32, #tpu.memory_space<vmem>>, vector<1x64x256xf32>
    %swap3A_1468 = vector.shape_cast %swap3A_1467 : vector<1x64x256xf32> to vector<64x256xf32>
    %swap3A_1469 = vector.shape_cast %add3A_1463 : vector<64x256xf32> to vector<1x64x256xf32>
    tpu.vector_store %arg8[%swap3A_1464, %swap3A_1465, %swap3A_1466], %swap3A_1469 {strides = array<i32>} : memref<40x64x256xf32, #tpu.memory_space<vmem>>, vector<1x64x256xf32>,
    %mul3A_1470 = arith.constant 40 : i32
    %mul3A_1471 = arith.muli %arg0, %mul3A_1470 : i32
    %add3A_1472 = arith.constant 23 : i32
    %add3A_1473 = arith.addi %mul3A_1471, %add3A_1472 : i32
    %jit3A_1474 = arith.constant 20 : i32
    %div3A_1475 = arith.divsi %add3A_1473, %jit3A_1474 : i32
    %sign3A_1476 = arith.constant 0 : i32
    %sign3A_1477 = arith.cmpi sgt, %add3A_1473, %sign3A_1476 : i32
    %sign3A_1478 = arith.extui %sign3A_1477 : i1 to i32
    %sign3A_1479 = arith.constant 0 : i32
    %sign3A_1480 = arith.cmpi slt, %add3A_1473, %sign3A_1479 : i32
    %sign3A_1481 = arith.extui %sign3A_1480 : i1 to i32
    %sign3A_1482 = arith.subi %sign3A_1478, %sign3A_1481 : i32
    %sign3A_1483 = arith.constant 0 : i32
    %sign3A_1484 = arith.cmpi sgt, %jit3A_1474, %sign3A_1483 : i32
    %sign3A_1485 = arith.extui %sign3A_1484 : i1 to i32
    %sign3A_1486 = arith.constant 0 : i32
    %sign3A_1487 = arith.cmpi slt, %jit3A_1474, %sign3A_1486 : i32
    %sign3A_1488 = arith.extui %sign3A_1487 : i1 to i32
    %sign3A_1489 = arith.subi %sign3A_1485, %sign3A_1488 : i32
    %ne3A_1490 = arith.cmpi ne, %sign3A_1482, %sign3A_1489 : i32
    %rem3A_1491 = arith.remsi %add3A_1473, %jit3A_1474 : i32
    %ne3A_1492 = arith.constant 0 : i32
    %ne3A_1493 = arith.cmpi ne, %rem3A_1491, %ne3A_1492 : i32
    %and3A_1494 = arith.andi %ne3A_1490, %ne3A_1493 : i1
    %sub3A_1495 = arith.constant 1 : i32
    %sub3A_1496 = arith.subi %div3A_1475, %sub3A_1495 : i32
    %select_n3A_1497 = arith.select %and3A_1494, %sub3A_1496, %div3A_1475 : i32
    %mul3A_1498 = arith.constant 20 : i32
    %mul3A_1499 = arith.muli %select_n3A_1497, %mul3A_1498 : i32
    %sub3A_1500 = arith.subi %add3A_1473, %mul3A_1499 : i32
    %lt3A_1501 = vector.broadcast %select_n3A_1497 : i32 to vector<1x256xi32>
    %lt3A_1502 = arith.cmpi slt, %lt3A_1501, %get3A_30 : vector<1x256xi32>
    %lt3A_1503 = vector.broadcast %sub3A_1500 : i32 to vector<1x256xi32>
    %lt3A_1504 = arith.cmpi slt, %lt3A_1503, %get3A_30 : vector<1x256xi32>
    %and3A_1505 = arith.andi %lt3A_1502, %lt3A_1504 : vector<1x256xi1>
    %get3A_1506 = arith.constant 46 : index
    %get3A_1507 = arith.constant 0 : index
    %get3A_1508 = vector.load %arg3[%get3A_1506, %get3A_1507] : memref<80x256xf32, #tpu.memory_space<vmem>>, vector<1x256xf32>
    %get3A_1509 = arith.constant 47 : index
    %get3A_1510 = arith.constant 0 : index
    %get3A_1511 = vector.load %arg3[%get3A_1509, %get3A_1510] : memref<80x256xf32, #tpu.memory_space<vmem>>, vector<1x256xf32>
    %broadcast_in_dim3A_1512 = vector.shape_cast %and3A_1505 : vector<1x256xi1> to vector<1x256xi1>
    %broadcast_in_dim3A_1513 = vector.broadcast %broadcast_in_dim3A_1512 : vector<1x256xi1> to vector<64x256xi1>
    %select_n3A_1514 = arith.select %broadcast_in_dim3A_1513, %broadcast_in_dim3A_15, %broadcast_in_dim3A_12 : vector<64x256xi1>, vector<64x256xf32>
    %broadcast_in_dim3A_1515 = vector.shape_cast %and3A_1505 : vector<1x256xi1> to vector<1x256xi1>
    %broadcast_in_dim3A_1516 = vector.broadcast %broadcast_in_dim3A_1515 : vector<1x256xi1> to vector<64x256xi1>
    %select_n3A_1517 = arith.select %broadcast_in_dim3A_1516, %broadcast_in_dim3A_21, %broadcast_in_dim3A_18 : vector<64x256xi1>, vector<64x256xf32>
    %broadcast_in_dim3A_1518 = vector.shape_cast %and3A_1505 : vector<1x256xi1> to vector<1x256xi1>
    %broadcast_in_dim3A_1519 = vector.broadcast %broadcast_in_dim3A_1518 : vector<1x256xi1> to vector<64x256xi1>
    %select_n3A_1520 = arith.select %broadcast_in_dim3A_1519, %broadcast_in_dim3A_27, %broadcast_in_dim3A_24 : vector<64x256xi1>, vector<64x256xf32>
    %mul3A_1521 = vector.broadcast %get3A_1508 : vector<1x256xf32> to vector<64x256xf32>
    %mul3A_1522 = arith.mulf %mul3A_1521, %select_n3A_1517 : vector<64x256xf32>
    %add3A_1523 = arith.addf %select_n3A_1514, %mul3A_1522 : vector<64x256xf32>
    %mul3A_1524 = vector.broadcast %get3A_1511 : vector<1x256xf32> to vector<64x256xf32>
    %mul3A_1525 = arith.mulf %mul3A_1524, %select_n3A_1520 : vector<64x256xf32>
    %add3A_1526 = arith.addf %add3A_1523, %mul3A_1525 : vector<64x256xf32>
    %swap3A_1527 = arith.constant 23 : index
    %swap3A_1528 = arith.constant 0 : index
    %swap3A_1529 = arith.constant 0 : index
    %swap3A_1530 = vector.load %arg8[%swap3A_1527, %swap3A_1528, %swap3A_1529] : memref<40x64x256xf32, #tpu.memory_space<vmem>>, vector<1x64x256xf32>
    %swap3A_1531 = vector.shape_cast %swap3A_1530 : vector<1x64x256xf32> to vector<64x256xf32>
    %swap3A_1532 = vector.shape_cast %add3A_1526 : vector<64x256xf32> to vector<1x64x256xf32>
    tpu.vector_store %arg8[%swap3A_1527, %swap3A_1528, %swap3A_1529], %swap3A_1532 {strides = array<i32>} : memref<40x64x256xf32, #tpu.memory_space<vmem>>, vector<1x64x256xf32>,
    %mul3A_1533 = arith.constant 40 : i32
    %mul3A_1534 = arith.muli %arg0, %mul3A_1533 : i32
    %add3A_1535 = arith.constant 24 : i32
    %add3A_1536 = arith.addi %mul3A_1534, %add3A_1535 : i32
    %jit3A_1537 = arith.constant 20 : i32
    %div3A_1538 = arith.divsi %add3A_1536, %jit3A_1537 : i32
    %sign3A_1539 = arith.constant 0 : i32
    %sign3A_1540 = arith.cmpi sgt, %add3A_1536, %sign3A_1539 : i32
    %sign3A_1541 = arith.extui %sign3A_1540 : i1 to i32
    %sign3A_1542 = arith.constant 0 : i32
    %sign3A_1543 = arith.cmpi slt, %add3A_1536, %sign3A_1542 : i32
    %sign3A_1544 = arith.extui %sign3A_1543 : i1 to i32
    %sign3A_1545 = arith.subi %sign3A_1541, %sign3A_1544 : i32
    %sign3A_1546 = arith.constant 0 : i32
    %sign3A_1547 = arith.cmpi sgt, %jit3A_1537, %sign3A_1546 : i32
    %sign3A_1548 = arith.extui %sign3A_1547 : i1 to i32
    %sign3A_1549 = arith.constant 0 : i32
    %sign3A_1550 = arith.cmpi slt, %jit3A_1537, %sign3A_1549 : i32
    %sign3A_1551 = arith.extui %sign3A_1550 : i1 to i32
    %sign3A_1552 = arith.subi %sign3A_1548, %sign3A_1551 : i32
    %ne3A_1553 = arith.cmpi ne, %sign3A_1545, %sign3A_1552 : i32
    %rem3A_1554 = arith.remsi %add3A_1536, %jit3A_1537 : i32
    %ne3A_1555 = arith.constant 0 : i32
    %ne3A_1556 = arith.cmpi ne, %rem3A_1554, %ne3A_1555 : i32
    %and3A_1557 = arith.andi %ne3A_1553, %ne3A_1556 : i1
    %sub3A_1558 = arith.constant 1 : i32
    %sub3A_1559 = arith.subi %div3A_1538, %sub3A_1558 : i32
    %select_n3A_1560 = arith.select %and3A_1557, %sub3A_1559, %div3A_1538 : i32
    %mul3A_1561 = arith.constant 20 : i32
    %mul3A_1562 = arith.muli %select_n3A_1560, %mul3A_1561 : i32
    %sub3A_1563 = arith.subi %add3A_1536, %mul3A_1562 : i32
    %lt3A_1564 = vector.broadcast %select_n3A_1560 : i32 to vector<1x256xi32>
    %lt3A_1565 = arith.cmpi slt, %lt3A_1564, %get3A_30 : vector<1x256xi32>
    %lt3A_1566 = vector.broadcast %sub3A_1563 : i32 to vector<1x256xi32>
    %lt3A_1567 = arith.cmpi slt, %lt3A_1566, %get3A_30 : vector<1x256xi32>
    %and3A_1568 = arith.andi %lt3A_1565, %lt3A_1567 : vector<1x256xi1>
    %get3A_1569 = arith.constant 48 : index
    %get3A_1570 = arith.constant 0 : index
    %get3A_1571 = vector.load %arg3[%get3A_1569, %get3A_1570] : memref<80x256xf32, #tpu.memory_space<vmem>>, vector<1x256xf32>
    %get3A_1572 = arith.constant 49 : index
    %get3A_1573 = arith.constant 0 : index
    %get3A_1574 = vector.load %arg3[%get3A_1572, %get3A_1573] : memref<80x256xf32, #tpu.memory_space<vmem>>, vector<1x256xf32>
    %broadcast_in_dim3A_1575 = vector.shape_cast %and3A_1568 : vector<1x256xi1> to vector<1x256xi1>
    %broadcast_in_dim3A_1576 = vector.broadcast %broadcast_in_dim3A_1575 : vector<1x256xi1> to vector<64x256xi1>
    %select_n3A_1577 = arith.select %broadcast_in_dim3A_1576, %broadcast_in_dim3A_15, %broadcast_in_dim3A_12 : vector<64x256xi1>, vector<64x256xf32>
    %broadcast_in_dim3A_1578 = vector.shape_cast %and3A_1568 : vector<1x256xi1> to vector<1x256xi1>
    %broadcast_in_dim3A_1579 = vector.broadcast %broadcast_in_dim3A_1578 : vector<1x256xi1> to vector<64x256xi1>
    %select_n3A_1580 = arith.select %broadcast_in_dim3A_1579, %broadcast_in_dim3A_21, %broadcast_in_dim3A_18 : vector<64x256xi1>, vector<64x256xf32>
    %broadcast_in_dim3A_1581 = vector.shape_cast %and3A_1568 : vector<1x256xi1> to vector<1x256xi1>
    %broadcast_in_dim3A_1582 = vector.broadcast %broadcast_in_dim3A_1581 : vector<1x256xi1> to vector<64x256xi1>
    %select_n3A_1583 = arith.select %broadcast_in_dim3A_1582, %broadcast_in_dim3A_27, %broadcast_in_dim3A_24 : vector<64x256xi1>, vector<64x256xf32>
    %mul3A_1584 = vector.broadcast %get3A_1571 : vector<1x256xf32> to vector<64x256xf32>
    %mul3A_1585 = arith.mulf %mul3A_1584, %select_n3A_1580 : vector<64x256xf32>
    %add3A_1586 = arith.addf %select_n3A_1577, %mul3A_1585 : vector<64x256xf32>
    %mul3A_1587 = vector.broadcast %get3A_1574 : vector<1x256xf32> to vector<64x256xf32>
    %mul3A_1588 = arith.mulf %mul3A_1587, %select_n3A_1583 : vector<64x256xf32>
    %add3A_1589 = arith.addf %add3A_1586, %mul3A_1588 : vector<64x256xf32>
    %swap3A_1590 = arith.constant 24 : index
    %swap3A_1591 = arith.constant 0 : index
    %swap3A_1592 = arith.constant 0 : index
    %swap3A_1593 = vector.load %arg8[%swap3A_1590, %swap3A_1591, %swap3A_1592] : memref<40x64x256xf32, #tpu.memory_space<vmem>>, vector<1x64x256xf32>
    %swap3A_1594 = vector.shape_cast %swap3A_1593 : vector<1x64x256xf32> to vector<64x256xf32>
    %swap3A_1595 = vector.shape_cast %add3A_1589 : vector<64x256xf32> to vector<1x64x256xf32>
    tpu.vector_store %arg8[%swap3A_1590, %swap3A_1591, %swap3A_1592], %swap3A_1595 {strides = array<i32>} : memref<40x64x256xf32, #tpu.memory_space<vmem>>, vector<1x64x256xf32>,
    %mul3A_1596 = arith.constant 40 : i32
    %mul3A_1597 = arith.muli %arg0, %mul3A_1596 : i32
    %add3A_1598 = arith.constant 25 : i32
    %add3A_1599 = arith.addi %mul3A_1597, %add3A_1598 : i32
    %jit3A_1600 = arith.constant 20 : i32
    %div3A_1601 = arith.divsi %add3A_1599, %jit3A_1600 : i32
    %sign3A_1602 = arith.constant 0 : i32
    %sign3A_1603 = arith.cmpi sgt, %add3A_1599, %sign3A_1602 : i32
    %sign3A_1604 = arith.extui %sign3A_1603 : i1 to i32
    %sign3A_1605 = arith.constant 0 : i32
    %sign3A_1606 = arith.cmpi slt, %add3A_1599, %sign3A_1605 : i32
    %sign3A_1607 = arith.extui %sign3A_1606 : i1 to i32
    %sign3A_1608 = arith.subi %sign3A_1604, %sign3A_1607 : i32
    %sign3A_1609 = arith.constant 0 : i32
    %sign3A_1610 = arith.cmpi sgt, %jit3A_1600, %sign3A_1609 : i32
    %sign3A_1611 = arith.extui %sign3A_1610 : i1 to i32
    %sign3A_1612 = arith.constant 0 : i32
    %sign3A_1613 = arith.cmpi slt, %jit3A_1600, %sign3A_1612 : i32
    %sign3A_1614 = arith.extui %sign3A_1613 : i1 to i32
    %sign3A_1615 = arith.subi %sign3A_1611, %sign3A_1614 : i32
    %ne3A_1616 = arith.cmpi ne, %sign3A_1608, %sign3A_1615 : i32
    %rem3A_1617 = arith.remsi %add3A_1599, %jit3A_1600 : i32
    %ne3A_1618 = arith.constant 0 : i32
    %ne3A_1619 = arith.cmpi ne, %rem3A_1617, %ne3A_1618 : i32
    %and3A_1620 = arith.andi %ne3A_1616, %ne3A_1619 : i1
    %sub3A_1621 = arith.constant 1 : i32
    %sub3A_1622 = arith.subi %div3A_1601, %sub3A_1621 : i32
    %select_n3A_1623 = arith.select %and3A_1620, %sub3A_1622, %div3A_1601 : i32
    %mul3A_1624 = arith.constant 20 : i32
    %mul3A_1625 = arith.muli %select_n3A_1623, %mul3A_1624 : i32
    %sub3A_1626 = arith.subi %add3A_1599, %mul3A_1625 : i32
    %lt3A_1627 = vector.broadcast %select_n3A_1623 : i32 to vector<1x256xi32>
    %lt3A_1628 = arith.cmpi slt, %lt3A_1627, %get3A_30 : vector<1x256xi32>
    %lt3A_1629 = vector.broadcast %sub3A_1626 : i32 to vector<1x256xi32>
    %lt3A_1630 = arith.cmpi slt, %lt3A_1629, %get3A_30 : vector<1x256xi32>
    %and3A_1631 = arith.andi %lt3A_1628, %lt3A_1630 : vector<1x256xi1>
    %get3A_1632 = arith.constant 50 : index
    %get3A_1633 = arith.constant 0 : index
    %get3A_1634 = vector.load %arg3[%get3A_1632, %get3A_1633] : memref<80x256xf32, #tpu.memory_space<vmem>>, vector<1x256xf32>
    %get3A_1635 = arith.constant 51 : index
    %get3A_1636 = arith.constant 0 : index
    %get3A_1637 = vector.load %arg3[%get3A_1635, %get3A_1636] : memref<80x256xf32, #tpu.memory_space<vmem>>, vector<1x256xf32>
    %broadcast_in_dim3A_1638 = vector.shape_cast %and3A_1631 : vector<1x256xi1> to vector<1x256xi1>
    %broadcast_in_dim3A_1639 = vector.broadcast %broadcast_in_dim3A_1638 : vector<1x256xi1> to vector<64x256xi1>
    %select_n3A_1640 = arith.select %broadcast_in_dim3A_1639, %broadcast_in_dim3A_15, %broadcast_in_dim3A_12 : vector<64x256xi1>, vector<64x256xf32>
    %broadcast_in_dim3A_1641 = vector.shape_cast %and3A_1631 : vector<1x256xi1> to vector<1x256xi1>
    %broadcast_in_dim3A_1642 = vector.broadcast %broadcast_in_dim3A_1641 : vector<1x256xi1> to vector<64x256xi1>
    %select_n3A_1643 = arith.select %broadcast_in_dim3A_1642, %broadcast_in_dim3A_21, %broadcast_in_dim3A_18 : vector<64x256xi1>, vector<64x256xf32>
    %broadcast_in_dim3A_1644 = vector.shape_cast %and3A_1631 : vector<1x256xi1> to vector<1x256xi1>
    %broadcast_in_dim3A_1645 = vector.broadcast %broadcast_in_dim3A_1644 : vector<1x256xi1> to vector<64x256xi1>
    %select_n3A_1646 = arith.select %broadcast_in_dim3A_1645, %broadcast_in_dim3A_27, %broadcast_in_dim3A_24 : vector<64x256xi1>, vector<64x256xf32>
    %mul3A_1647 = vector.broadcast %get3A_1634 : vector<1x256xf32> to vector<64x256xf32>
    %mul3A_1648 = arith.mulf %mul3A_1647, %select_n3A_1643 : vector<64x256xf32>
    %add3A_1649 = arith.addf %select_n3A_1640, %mul3A_1648 : vector<64x256xf32>
    %mul3A_1650 = vector.broadcast %get3A_1637 : vector<1x256xf32> to vector<64x256xf32>
    %mul3A_1651 = arith.mulf %mul3A_1650, %select_n3A_1646 : vector<64x256xf32>
    %add3A_1652 = arith.addf %add3A_1649, %mul3A_1651 : vector<64x256xf32>
    %swap3A_1653 = arith.constant 25 : index
    %swap3A_1654 = arith.constant 0 : index
    %swap3A_1655 = arith.constant 0 : index
    %swap3A_1656 = vector.load %arg8[%swap3A_1653, %swap3A_1654, %swap3A_1655] : memref<40x64x256xf32, #tpu.memory_space<vmem>>, vector<1x64x256xf32>
    %swap3A_1657 = vector.shape_cast %swap3A_1656 : vector<1x64x256xf32> to vector<64x256xf32>
    %swap3A_1658 = vector.shape_cast %add3A_1652 : vector<64x256xf32> to vector<1x64x256xf32>
    tpu.vector_store %arg8[%swap3A_1653, %swap3A_1654, %swap3A_1655], %swap3A_1658 {strides = array<i32>} : memref<40x64x256xf32, #tpu.memory_space<vmem>>, vector<1x64x256xf32>,
    %mul3A_1659 = arith.constant 40 : i32
    %mul3A_1660 = arith.muli %arg0, %mul3A_1659 : i32
    %add3A_1661 = arith.constant 26 : i32
    %add3A_1662 = arith.addi %mul3A_1660, %add3A_1661 : i32
    %jit3A_1663 = arith.constant 20 : i32
    %div3A_1664 = arith.divsi %add3A_1662, %jit3A_1663 : i32
    %sign3A_1665 = arith.constant 0 : i32
    %sign3A_1666 = arith.cmpi sgt, %add3A_1662, %sign3A_1665 : i32
    %sign3A_1667 = arith.extui %sign3A_1666 : i1 to i32
    %sign3A_1668 = arith.constant 0 : i32
    %sign3A_1669 = arith.cmpi slt, %add3A_1662, %sign3A_1668 : i32
    %sign3A_1670 = arith.extui %sign3A_1669 : i1 to i32
    %sign3A_1671 = arith.subi %sign3A_1667, %sign3A_1670 : i32
    %sign3A_1672 = arith.constant 0 : i32
    %sign3A_1673 = arith.cmpi sgt, %jit3A_1663, %sign3A_1672 : i32
    %sign3A_1674 = arith.extui %sign3A_1673 : i1 to i32
    %sign3A_1675 = arith.constant 0 : i32
    %sign3A_1676 = arith.cmpi slt, %jit3A_1663, %sign3A_1675 : i32
    %sign3A_1677 = arith.extui %sign3A_1676 : i1 to i32
    %sign3A_1678 = arith.subi %sign3A_1674, %sign3A_1677 : i32
    %ne3A_1679 = arith.cmpi ne, %sign3A_1671, %sign3A_1678 : i32
    %rem3A_1680 = arith.remsi %add3A_1662, %jit3A_1663 : i32
    %ne3A_1681 = arith.constant 0 : i32
    %ne3A_1682 = arith.cmpi ne, %rem3A_1680, %ne3A_1681 : i32
    %and3A_1683 = arith.andi %ne3A_1679, %ne3A_1682 : i1
    %sub3A_1684 = arith.constant 1 : i32
    %sub3A_1685 = arith.subi %div3A_1664, %sub3A_1684 : i32
    %select_n3A_1686 = arith.select %and3A_1683, %sub3A_1685, %div3A_1664 : i32
    %mul3A_1687 = arith.constant 20 : i32
    %mul3A_1688 = arith.muli %select_n3A_1686, %mul3A_1687 : i32
    %sub3A_1689 = arith.subi %add3A_1662, %mul3A_1688 : i32
    %lt3A_1690 = vector.broadcast %select_n3A_1686 : i32 to vector<1x256xi32>
    %lt3A_1691 = arith.cmpi slt, %lt3A_1690, %get3A_30 : vector<1x256xi32>
    %lt3A_1692 = vector.broadcast %sub3A_1689 : i32 to vector<1x256xi32>
    %lt3A_1693 = arith.cmpi slt, %lt3A_1692, %get3A_30 : vector<1x256xi32>
    %and3A_1694 = arith.andi %lt3A_1691, %lt3A_1693 : vector<1x256xi1>
    %get3A_1695 = arith.constant 52 : index
    %get3A_1696 = arith.constant 0 : index
    %get3A_1697 = vector.load %arg3[%get3A_1695, %get3A_1696] : memref<80x256xf32, #tpu.memory_space<vmem>>, vector<1x256xf32>
    %get3A_1698 = arith.constant 53 : index
    %get3A_1699 = arith.constant 0 : index
    %get3A_1700 = vector.load %arg3[%get3A_1698, %get3A_1699] : memref<80x256xf32, #tpu.memory_space<vmem>>, vector<1x256xf32>
    %broadcast_in_dim3A_1701 = vector.shape_cast %and3A_1694 : vector<1x256xi1> to vector<1x256xi1>
    %broadcast_in_dim3A_1702 = vector.broadcast %broadcast_in_dim3A_1701 : vector<1x256xi1> to vector<64x256xi1>
    %select_n3A_1703 = arith.select %broadcast_in_dim3A_1702, %broadcast_in_dim3A_15, %broadcast_in_dim3A_12 : vector<64x256xi1>, vector<64x256xf32>
    %broadcast_in_dim3A_1704 = vector.shape_cast %and3A_1694 : vector<1x256xi1> to vector<1x256xi1>
    %broadcast_in_dim3A_1705 = vector.broadcast %broadcast_in_dim3A_1704 : vector<1x256xi1> to vector<64x256xi1>
    %select_n3A_1706 = arith.select %broadcast_in_dim3A_1705, %broadcast_in_dim3A_21, %broadcast_in_dim3A_18 : vector<64x256xi1>, vector<64x256xf32>
    %broadcast_in_dim3A_1707 = vector.shape_cast %and3A_1694 : vector<1x256xi1> to vector<1x256xi1>
    %broadcast_in_dim3A_1708 = vector.broadcast %broadcast_in_dim3A_1707 : vector<1x256xi1> to vector<64x256xi1>
    %select_n3A_1709 = arith.select %broadcast_in_dim3A_1708, %broadcast_in_dim3A_27, %broadcast_in_dim3A_24 : vector<64x256xi1>, vector<64x256xf32>
    %mul3A_1710 = vector.broadcast %get3A_1697 : vector<1x256xf32> to vector<64x256xf32>
    %mul3A_1711 = arith.mulf %mul3A_1710, %select_n3A_1706 : vector<64x256xf32>
    %add3A_1712 = arith.addf %select_n3A_1703, %mul3A_1711 : vector<64x256xf32>
    %mul3A_1713 = vector.broadcast %get3A_1700 : vector<1x256xf32> to vector<64x256xf32>
    %mul3A_1714 = arith.mulf %mul3A_1713, %select_n3A_1709 : vector<64x256xf32>
    %add3A_1715 = arith.addf %add3A_1712, %mul3A_1714 : vector<64x256xf32>
    %swap3A_1716 = arith.constant 26 : index
    %swap3A_1717 = arith.constant 0 : index
    %swap3A_1718 = arith.constant 0 : index
    %swap3A_1719 = vector.load %arg8[%swap3A_1716, %swap3A_1717, %swap3A_1718] : memref<40x64x256xf32, #tpu.memory_space<vmem>>, vector<1x64x256xf32>
    %swap3A_1720 = vector.shape_cast %swap3A_1719 : vector<1x64x256xf32> to vector<64x256xf32>
    %swap3A_1721 = vector.shape_cast %add3A_1715 : vector<64x256xf32> to vector<1x64x256xf32>
    tpu.vector_store %arg8[%swap3A_1716, %swap3A_1717, %swap3A_1718], %swap3A_1721 {strides = array<i32>} : memref<40x64x256xf32, #tpu.memory_space<vmem>>, vector<1x64x256xf32>,
    %mul3A_1722 = arith.constant 40 : i32
    %mul3A_1723 = arith.muli %arg0, %mul3A_1722 : i32
    %add3A_1724 = arith.constant 27 : i32
    %add3A_1725 = arith.addi %mul3A_1723, %add3A_1724 : i32
    %jit3A_1726 = arith.constant 20 : i32
    %div3A_1727 = arith.divsi %add3A_1725, %jit3A_1726 : i32
    %sign3A_1728 = arith.constant 0 : i32
    %sign3A_1729 = arith.cmpi sgt, %add3A_1725, %sign3A_1728 : i32
    %sign3A_1730 = arith.extui %sign3A_1729 : i1 to i32
    %sign3A_1731 = arith.constant 0 : i32
    %sign3A_1732 = arith.cmpi slt, %add3A_1725, %sign3A_1731 : i32
    %sign3A_1733 = arith.extui %sign3A_1732 : i1 to i32
    %sign3A_1734 = arith.subi %sign3A_1730, %sign3A_1733 : i32
    %sign3A_1735 = arith.constant 0 : i32
    %sign3A_1736 = arith.cmpi sgt, %jit3A_1726, %sign3A_1735 : i32
    %sign3A_1737 = arith.extui %sign3A_1736 : i1 to i32
    %sign3A_1738 = arith.constant 0 : i32
    %sign3A_1739 = arith.cmpi slt, %jit3A_1726, %sign3A_1738 : i32
    %sign3A_1740 = arith.extui %sign3A_1739 : i1 to i32
    %sign3A_1741 = arith.subi %sign3A_1737, %sign3A_1740 : i32
    %ne3A_1742 = arith.cmpi ne, %sign3A_1734, %sign3A_1741 : i32
    %rem3A_1743 = arith.remsi %add3A_1725, %jit3A_1726 : i32
    %ne3A_1744 = arith.constant 0 : i32
    %ne3A_1745 = arith.cmpi ne, %rem3A_1743, %ne3A_1744 : i32
    %and3A_1746 = arith.andi %ne3A_1742, %ne3A_1745 : i1
    %sub3A_1747 = arith.constant 1 : i32
    %sub3A_1748 = arith.subi %div3A_1727, %sub3A_1747 : i32
    %select_n3A_1749 = arith.select %and3A_1746, %sub3A_1748, %div3A_1727 : i32
    %mul3A_1750 = arith.constant 20 : i32
    %mul3A_1751 = arith.muli %select_n3A_1749, %mul3A_1750 : i32
    %sub3A_1752 = arith.subi %add3A_1725, %mul3A_1751 : i32
    %lt3A_1753 = vector.broadcast %select_n3A_1749 : i32 to vector<1x256xi32>
    %lt3A_1754 = arith.cmpi slt, %lt3A_1753, %get3A_30 : vector<1x256xi32>
    %lt3A_1755 = vector.broadcast %sub3A_1752 : i32 to vector<1x256xi32>
    %lt3A_1756 = arith.cmpi slt, %lt3A_1755, %get3A_30 : vector<1x256xi32>
    %and3A_1757 = arith.andi %lt3A_1754, %lt3A_1756 : vector<1x256xi1>
    %get3A_1758 = arith.constant 54 : index
    %get3A_1759 = arith.constant 0 : index
    %get3A_1760 = vector.load %arg3[%get3A_1758, %get3A_1759] : memref<80x256xf32, #tpu.memory_space<vmem>>, vector<1x256xf32>
    %get3A_1761 = arith.constant 55 : index
    %get3A_1762 = arith.constant 0 : index
    %get3A_1763 = vector.load %arg3[%get3A_1761, %get3A_1762] : memref<80x256xf32, #tpu.memory_space<vmem>>, vector<1x256xf32>
    %broadcast_in_dim3A_1764 = vector.shape_cast %and3A_1757 : vector<1x256xi1> to vector<1x256xi1>
    %broadcast_in_dim3A_1765 = vector.broadcast %broadcast_in_dim3A_1764 : vector<1x256xi1> to vector<64x256xi1>
    %select_n3A_1766 = arith.select %broadcast_in_dim3A_1765, %broadcast_in_dim3A_15, %broadcast_in_dim3A_12 : vector<64x256xi1>, vector<64x256xf32>
    %broadcast_in_dim3A_1767 = vector.shape_cast %and3A_1757 : vector<1x256xi1> to vector<1x256xi1>
    %broadcast_in_dim3A_1768 = vector.broadcast %broadcast_in_dim3A_1767 : vector<1x256xi1> to vector<64x256xi1>
    %select_n3A_1769 = arith.select %broadcast_in_dim3A_1768, %broadcast_in_dim3A_21, %broadcast_in_dim3A_18 : vector<64x256xi1>, vector<64x256xf32>
    %broadcast_in_dim3A_1770 = vector.shape_cast %and3A_1757 : vector<1x256xi1> to vector<1x256xi1>
    %broadcast_in_dim3A_1771 = vector.broadcast %broadcast_in_dim3A_1770 : vector<1x256xi1> to vector<64x256xi1>
    %select_n3A_1772 = arith.select %broadcast_in_dim3A_1771, %broadcast_in_dim3A_27, %broadcast_in_dim3A_24 : vector<64x256xi1>, vector<64x256xf32>
    %mul3A_1773 = vector.broadcast %get3A_1760 : vector<1x256xf32> to vector<64x256xf32>
    %mul3A_1774 = arith.mulf %mul3A_1773, %select_n3A_1769 : vector<64x256xf32>
    %add3A_1775 = arith.addf %select_n3A_1766, %mul3A_1774 : vector<64x256xf32>
    %mul3A_1776 = vector.broadcast %get3A_1763 : vector<1x256xf32> to vector<64x256xf32>
    %mul3A_1777 = arith.mulf %mul3A_1776, %select_n3A_1772 : vector<64x256xf32>
    %add3A_1778 = arith.addf %add3A_1775, %mul3A_1777 : vector<64x256xf32>
    %swap3A_1779 = arith.constant 27 : index
    %swap3A_1780 = arith.constant 0 : index
    %swap3A_1781 = arith.constant 0 : index
    %swap3A_1782 = vector.load %arg8[%swap3A_1779, %swap3A_1780, %swap3A_1781] : memref<40x64x256xf32, #tpu.memory_space<vmem>>, vector<1x64x256xf32>
    %swap3A_1783 = vector.shape_cast %swap3A_1782 : vector<1x64x256xf32> to vector<64x256xf32>
    %swap3A_1784 = vector.shape_cast %add3A_1778 : vector<64x256xf32> to vector<1x64x256xf32>
    tpu.vector_store %arg8[%swap3A_1779, %swap3A_1780, %swap3A_1781], %swap3A_1784 {strides = array<i32>} : memref<40x64x256xf32, #tpu.memory_space<vmem>>, vector<1x64x256xf32>,
    %mul3A_1785 = arith.constant 40 : i32
    %mul3A_1786 = arith.muli %arg0, %mul3A_1785 : i32
    %add3A_1787 = arith.constant 28 : i32
    %add3A_1788 = arith.addi %mul3A_1786, %add3A_1787 : i32
    %jit3A_1789 = arith.constant 20 : i32
    %div3A_1790 = arith.divsi %add3A_1788, %jit3A_1789 : i32
    %sign3A_1791 = arith.constant 0 : i32
    %sign3A_1792 = arith.cmpi sgt, %add3A_1788, %sign3A_1791 : i32
    %sign3A_1793 = arith.extui %sign3A_1792 : i1 to i32
    %sign3A_1794 = arith.constant 0 : i32
    %sign3A_1795 = arith.cmpi slt, %add3A_1788, %sign3A_1794 : i32
    %sign3A_1796 = arith.extui %sign3A_1795 : i1 to i32
    %sign3A_1797 = arith.subi %sign3A_1793, %sign3A_1796 : i32
    %sign3A_1798 = arith.constant 0 : i32
    %sign3A_1799 = arith.cmpi sgt, %jit3A_1789, %sign3A_1798 : i32
    %sign3A_1800 = arith.extui %sign3A_1799 : i1 to i32
    %sign3A_1801 = arith.constant 0 : i32
    %sign3A_1802 = arith.cmpi slt, %jit3A_1789, %sign3A_1801 : i32
    %sign3A_1803 = arith.extui %sign3A_1802 : i1 to i32
    %sign3A_1804 = arith.subi %sign3A_1800, %sign3A_1803 : i32
    %ne3A_1805 = arith.cmpi ne, %sign3A_1797, %sign3A_1804 : i32
    %rem3A_1806 = arith.remsi %add3A_1788, %jit3A_1789 : i32
    %ne3A_1807 = arith.constant 0 : i32
    %ne3A_1808 = arith.cmpi ne, %rem3A_1806, %ne3A_1807 : i32
    %and3A_1809 = arith.andi %ne3A_1805, %ne3A_1808 : i1
    %sub3A_1810 = arith.constant 1 : i32
    %sub3A_1811 = arith.subi %div3A_1790, %sub3A_1810 : i32
    %select_n3A_1812 = arith.select %and3A_1809, %sub3A_1811, %div3A_1790 : i32
    %mul3A_1813 = arith.constant 20 : i32
    %mul3A_1814 = arith.muli %select_n3A_1812, %mul3A_1813 : i32
    %sub3A_1815 = arith.subi %add3A_1788, %mul3A_1814 : i32
    %lt3A_1816 = vector.broadcast %select_n3A_1812 : i32 to vector<1x256xi32>
    %lt3A_1817 = arith.cmpi slt, %lt3A_1816, %get3A_30 : vector<1x256xi32>
    %lt3A_1818 = vector.broadcast %sub3A_1815 : i32 to vector<1x256xi32>
    %lt3A_1819 = arith.cmpi slt, %lt3A_1818, %get3A_30 : vector<1x256xi32>
    %and3A_1820 = arith.andi %lt3A_1817, %lt3A_1819 : vector<1x256xi1>
    %get3A_1821 = arith.constant 56 : index
    %get3A_1822 = arith.constant 0 : index
    %get3A_1823 = vector.load %arg3[%get3A_1821, %get3A_1822] : memref<80x256xf32, #tpu.memory_space<vmem>>, vector<1x256xf32>
    %get3A_1824 = arith.constant 57 : index
    %get3A_1825 = arith.constant 0 : index
    %get3A_1826 = vector.load %arg3[%get3A_1824, %get3A_1825] : memref<80x256xf32, #tpu.memory_space<vmem>>, vector<1x256xf32>
    %broadcast_in_dim3A_1827 = vector.shape_cast %and3A_1820 : vector<1x256xi1> to vector<1x256xi1>
    %broadcast_in_dim3A_1828 = vector.broadcast %broadcast_in_dim3A_1827 : vector<1x256xi1> to vector<64x256xi1>
    %select_n3A_1829 = arith.select %broadcast_in_dim3A_1828, %broadcast_in_dim3A_15, %broadcast_in_dim3A_12 : vector<64x256xi1>, vector<64x256xf32>
    %broadcast_in_dim3A_1830 = vector.shape_cast %and3A_1820 : vector<1x256xi1> to vector<1x256xi1>
    %broadcast_in_dim3A_1831 = vector.broadcast %broadcast_in_dim3A_1830 : vector<1x256xi1> to vector<64x256xi1>
    %select_n3A_1832 = arith.select %broadcast_in_dim3A_1831, %broadcast_in_dim3A_21, %broadcast_in_dim3A_18 : vector<64x256xi1>, vector<64x256xf32>
    %broadcast_in_dim3A_1833 = vector.shape_cast %and3A_1820 : vector<1x256xi1> to vector<1x256xi1>
    %broadcast_in_dim3A_1834 = vector.broadcast %broadcast_in_dim3A_1833 : vector<1x256xi1> to vector<64x256xi1>
    %select_n3A_1835 = arith.select %broadcast_in_dim3A_1834, %broadcast_in_dim3A_27, %broadcast_in_dim3A_24 : vector<64x256xi1>, vector<64x256xf32>
    %mul3A_1836 = vector.broadcast %get3A_1823 : vector<1x256xf32> to vector<64x256xf32>
    %mul3A_1837 = arith.mulf %mul3A_1836, %select_n3A_1832 : vector<64x256xf32>
    %add3A_1838 = arith.addf %select_n3A_1829, %mul3A_1837 : vector<64x256xf32>
    %mul3A_1839 = vector.broadcast %get3A_1826 : vector<1x256xf32> to vector<64x256xf32>
    %mul3A_1840 = arith.mulf %mul3A_1839, %select_n3A_1835 : vector<64x256xf32>
    %add3A_1841 = arith.addf %add3A_1838, %mul3A_1840 : vector<64x256xf32>
    %swap3A_1842 = arith.constant 28 : index
    %swap3A_1843 = arith.constant 0 : index
    %swap3A_1844 = arith.constant 0 : index
    %swap3A_1845 = vector.load %arg8[%swap3A_1842, %swap3A_1843, %swap3A_1844] : memref<40x64x256xf32, #tpu.memory_space<vmem>>, vector<1x64x256xf32>
    %swap3A_1846 = vector.shape_cast %swap3A_1845 : vector<1x64x256xf32> to vector<64x256xf32>
    %swap3A_1847 = vector.shape_cast %add3A_1841 : vector<64x256xf32> to vector<1x64x256xf32>
    tpu.vector_store %arg8[%swap3A_1842, %swap3A_1843, %swap3A_1844], %swap3A_1847 {strides = array<i32>} : memref<40x64x256xf32, #tpu.memory_space<vmem>>, vector<1x64x256xf32>,
    %mul3A_1848 = arith.constant 40 : i32
    %mul3A_1849 = arith.muli %arg0, %mul3A_1848 : i32
    %add3A_1850 = arith.constant 29 : i32
    %add3A_1851 = arith.addi %mul3A_1849, %add3A_1850 : i32
    %jit3A_1852 = arith.constant 20 : i32
    %div3A_1853 = arith.divsi %add3A_1851, %jit3A_1852 : i32
    %sign3A_1854 = arith.constant 0 : i32
    %sign3A_1855 = arith.cmpi sgt, %add3A_1851, %sign3A_1854 : i32
    %sign3A_1856 = arith.extui %sign3A_1855 : i1 to i32
    %sign3A_1857 = arith.constant 0 : i32
    %sign3A_1858 = arith.cmpi slt, %add3A_1851, %sign3A_1857 : i32
    %sign3A_1859 = arith.extui %sign3A_1858 : i1 to i32
    %sign3A_1860 = arith.subi %sign3A_1856, %sign3A_1859 : i32
    %sign3A_1861 = arith.constant 0 : i32
    %sign3A_1862 = arith.cmpi sgt, %jit3A_1852, %sign3A_1861 : i32
    %sign3A_1863 = arith.extui %sign3A_1862 : i1 to i32
    %sign3A_1864 = arith.constant 0 : i32
    %sign3A_1865 = arith.cmpi slt, %jit3A_1852, %sign3A_1864 : i32
    %sign3A_1866 = arith.extui %sign3A_1865 : i1 to i32
    %sign3A_1867 = arith.subi %sign3A_1863, %sign3A_1866 : i32
    %ne3A_1868 = arith.cmpi ne, %sign3A_1860, %sign3A_1867 : i32
    %rem3A_1869 = arith.remsi %add3A_1851, %jit3A_1852 : i32
    %ne3A_1870 = arith.constant 0 : i32
    %ne3A_1871 = arith.cmpi ne, %rem3A_1869, %ne3A_1870 : i32
    %and3A_1872 = arith.andi %ne3A_1868, %ne3A_1871 : i1
    %sub3A_1873 = arith.constant 1 : i32
    %sub3A_1874 = arith.subi %div3A_1853, %sub3A_1873 : i32
    %select_n3A_1875 = arith.select %and3A_1872, %sub3A_1874, %div3A_1853 : i32
    %mul3A_1876 = arith.constant 20 : i32
    %mul3A_1877 = arith.muli %select_n3A_1875, %mul3A_1876 : i32
    %sub3A_1878 = arith.subi %add3A_1851, %mul3A_1877 : i32
    %lt3A_1879 = vector.broadcast %select_n3A_1875 : i32 to vector<1x256xi32>
    %lt3A_1880 = arith.cmpi slt, %lt3A_1879, %get3A_30 : vector<1x256xi32>
    %lt3A_1881 = vector.broadcast %sub3A_1878 : i32 to vector<1x256xi32>
    %lt3A_1882 = arith.cmpi slt, %lt3A_1881, %get3A_30 : vector<1x256xi32>
    %and3A_1883 = arith.andi %lt3A_1880, %lt3A_1882 : vector<1x256xi1>
    %get3A_1884 = arith.constant 58 : index
    %get3A_1885 = arith.constant 0 : index
    %get3A_1886 = vector.load %arg3[%get3A_1884, %get3A_1885] : memref<80x256xf32, #tpu.memory_space<vmem>>, vector<1x256xf32>
    %get3A_1887 = arith.constant 59 : index
    %get3A_1888 = arith.constant 0 : index
    %get3A_1889 = vector.load %arg3[%get3A_1887, %get3A_1888] : memref<80x256xf32, #tpu.memory_space<vmem>>, vector<1x256xf32>
    %broadcast_in_dim3A_1890 = vector.shape_cast %and3A_1883 : vector<1x256xi1> to vector<1x256xi1>
    %broadcast_in_dim3A_1891 = vector.broadcast %broadcast_in_dim3A_1890 : vector<1x256xi1> to vector<64x256xi1>
    %select_n3A_1892 = arith.select %broadcast_in_dim3A_1891, %broadcast_in_dim3A_15, %broadcast_in_dim3A_12 : vector<64x256xi1>, vector<64x256xf32>
    %broadcast_in_dim3A_1893 = vector.shape_cast %and3A_1883 : vector<1x256xi1> to vector<1x256xi1>
    %broadcast_in_dim3A_1894 = vector.broadcast %broadcast_in_dim3A_1893 : vector<1x256xi1> to vector<64x256xi1>
    %select_n3A_1895 = arith.select %broadcast_in_dim3A_1894, %broadcast_in_dim3A_21, %broadcast_in_dim3A_18 : vector<64x256xi1>, vector<64x256xf32>
    %broadcast_in_dim3A_1896 = vector.shape_cast %and3A_1883 : vector<1x256xi1> to vector<1x256xi1>
    %broadcast_in_dim3A_1897 = vector.broadcast %broadcast_in_dim3A_1896 : vector<1x256xi1> to vector<64x256xi1>
    %select_n3A_1898 = arith.select %broadcast_in_dim3A_1897, %broadcast_in_dim3A_27, %broadcast_in_dim3A_24 : vector<64x256xi1>, vector<64x256xf32>
    %mul3A_1899 = vector.broadcast %get3A_1886 : vector<1x256xf32> to vector<64x256xf32>
    %mul3A_1900 = arith.mulf %mul3A_1899, %select_n3A_1895 : vector<64x256xf32>
    %add3A_1901 = arith.addf %select_n3A_1892, %mul3A_1900 : vector<64x256xf32>
    %mul3A_1902 = vector.broadcast %get3A_1889 : vector<1x256xf32> to vector<64x256xf32>
    %mul3A_1903 = arith.mulf %mul3A_1902, %select_n3A_1898 : vector<64x256xf32>
    %add3A_1904 = arith.addf %add3A_1901, %mul3A_1903 : vector<64x256xf32>
    %swap3A_1905 = arith.constant 29 : index
    %swap3A_1906 = arith.constant 0 : index
    %swap3A_1907 = arith.constant 0 : index
    %swap3A_1908 = vector.load %arg8[%swap3A_1905, %swap3A_1906, %swap3A_1907] : memref<40x64x256xf32, #tpu.memory_space<vmem>>, vector<1x64x256xf32>
    %swap3A_1909 = vector.shape_cast %swap3A_1908 : vector<1x64x256xf32> to vector<64x256xf32>
    %swap3A_1910 = vector.shape_cast %add3A_1904 : vector<64x256xf32> to vector<1x64x256xf32>
    tpu.vector_store %arg8[%swap3A_1905, %swap3A_1906, %swap3A_1907], %swap3A_1910 {strides = array<i32>} : memref<40x64x256xf32, #tpu.memory_space<vmem>>, vector<1x64x256xf32>,
    %mul3A_1911 = arith.constant 40 : i32
    %mul3A_1912 = arith.muli %arg0, %mul3A_1911 : i32
    %add3A_1913 = arith.constant 30 : i32
    %add3A_1914 = arith.addi %mul3A_1912, %add3A_1913 : i32
    %jit3A_1915 = arith.constant 20 : i32
    %div3A_1916 = arith.divsi %add3A_1914, %jit3A_1915 : i32
    %sign3A_1917 = arith.constant 0 : i32
    %sign3A_1918 = arith.cmpi sgt, %add3A_1914, %sign3A_1917 : i32
    %sign3A_1919 = arith.extui %sign3A_1918 : i1 to i32
    %sign3A_1920 = arith.constant 0 : i32
    %sign3A_1921 = arith.cmpi slt, %add3A_1914, %sign3A_1920 : i32
    %sign3A_1922 = arith.extui %sign3A_1921 : i1 to i32
    %sign3A_1923 = arith.subi %sign3A_1919, %sign3A_1922 : i32
    %sign3A_1924 = arith.constant 0 : i32
    %sign3A_1925 = arith.cmpi sgt, %jit3A_1915, %sign3A_1924 : i32
    %sign3A_1926 = arith.extui %sign3A_1925 : i1 to i32
    %sign3A_1927 = arith.constant 0 : i32
    %sign3A_1928 = arith.cmpi slt, %jit3A_1915, %sign3A_1927 : i32
    %sign3A_1929 = arith.extui %sign3A_1928 : i1 to i32
    %sign3A_1930 = arith.subi %sign3A_1926, %sign3A_1929 : i32
    %ne3A_1931 = arith.cmpi ne, %sign3A_1923, %sign3A_1930 : i32
    %rem3A_1932 = arith.remsi %add3A_1914, %jit3A_1915 : i32
    %ne3A_1933 = arith.constant 0 : i32
    %ne3A_1934 = arith.cmpi ne, %rem3A_1932, %ne3A_1933 : i32
    %and3A_1935 = arith.andi %ne3A_1931, %ne3A_1934 : i1
    %sub3A_1936 = arith.constant 1 : i32
    %sub3A_1937 = arith.subi %div3A_1916, %sub3A_1936 : i32
    %select_n3A_1938 = arith.select %and3A_1935, %sub3A_1937, %div3A_1916 : i32
    %mul3A_1939 = arith.constant 20 : i32
    %mul3A_1940 = arith.muli %select_n3A_1938, %mul3A_1939 : i32
    %sub3A_1941 = arith.subi %add3A_1914, %mul3A_1940 : i32
    %lt3A_1942 = vector.broadcast %select_n3A_1938 : i32 to vector<1x256xi32>
    %lt3A_1943 = arith.cmpi slt, %lt3A_1942, %get3A_30 : vector<1x256xi32>
    %lt3A_1944 = vector.broadcast %sub3A_1941 : i32 to vector<1x256xi32>
    %lt3A_1945 = arith.cmpi slt, %lt3A_1944, %get3A_30 : vector<1x256xi32>
    %and3A_1946 = arith.andi %lt3A_1943, %lt3A_1945 : vector<1x256xi1>
    %get3A_1947 = arith.constant 60 : index
    %get3A_1948 = arith.constant 0 : index
    %get3A_1949 = vector.load %arg3[%get3A_1947, %get3A_1948] : memref<80x256xf32, #tpu.memory_space<vmem>>, vector<1x256xf32>
    %get3A_1950 = arith.constant 61 : index
    %get3A_1951 = arith.constant 0 : index
    %get3A_1952 = vector.load %arg3[%get3A_1950, %get3A_1951] : memref<80x256xf32, #tpu.memory_space<vmem>>, vector<1x256xf32>
    %broadcast_in_dim3A_1953 = vector.shape_cast %and3A_1946 : vector<1x256xi1> to vector<1x256xi1>
    %broadcast_in_dim3A_1954 = vector.broadcast %broadcast_in_dim3A_1953 : vector<1x256xi1> to vector<64x256xi1>
    %select_n3A_1955 = arith.select %broadcast_in_dim3A_1954, %broadcast_in_dim3A_15, %broadcast_in_dim3A_12 : vector<64x256xi1>, vector<64x256xf32>
    %broadcast_in_dim3A_1956 = vector.shape_cast %and3A_1946 : vector<1x256xi1> to vector<1x256xi1>
    %broadcast_in_dim3A_1957 = vector.broadcast %broadcast_in_dim3A_1956 : vector<1x256xi1> to vector<64x256xi1>
    %select_n3A_1958 = arith.select %broadcast_in_dim3A_1957, %broadcast_in_dim3A_21, %broadcast_in_dim3A_18 : vector<64x256xi1>, vector<64x256xf32>
    %broadcast_in_dim3A_1959 = vector.shape_cast %and3A_1946 : vector<1x256xi1> to vector<1x256xi1>
    %broadcast_in_dim3A_1960 = vector.broadcast %broadcast_in_dim3A_1959 : vector<1x256xi1> to vector<64x256xi1>
    %select_n3A_1961 = arith.select %broadcast_in_dim3A_1960, %broadcast_in_dim3A_27, %broadcast_in_dim3A_24 : vector<64x256xi1>, vector<64x256xf32>
    %mul3A_1962 = vector.broadcast %get3A_1949 : vector<1x256xf32> to vector<64x256xf32>
    %mul3A_1963 = arith.mulf %mul3A_1962, %select_n3A_1958 : vector<64x256xf32>
    %add3A_1964 = arith.addf %select_n3A_1955, %mul3A_1963 : vector<64x256xf32>
    %mul3A_1965 = vector.broadcast %get3A_1952 : vector<1x256xf32> to vector<64x256xf32>
    %mul3A_1966 = arith.mulf %mul3A_1965, %select_n3A_1961 : vector<64x256xf32>
    %add3A_1967 = arith.addf %add3A_1964, %mul3A_1966 : vector<64x256xf32>
    %swap3A_1968 = arith.constant 30 : index
    %swap3A_1969 = arith.constant 0 : index
    %swap3A_1970 = arith.constant 0 : index
    %swap3A_1971 = vector.load %arg8[%swap3A_1968, %swap3A_1969, %swap3A_1970] : memref<40x64x256xf32, #tpu.memory_space<vmem>>, vector<1x64x256xf32>
    %swap3A_1972 = vector.shape_cast %swap3A_1971 : vector<1x64x256xf32> to vector<64x256xf32>
    %swap3A_1973 = vector.shape_cast %add3A_1967 : vector<64x256xf32> to vector<1x64x256xf32>
    tpu.vector_store %arg8[%swap3A_1968, %swap3A_1969, %swap3A_1970], %swap3A_1973 {strides = array<i32>} : memref<40x64x256xf32, #tpu.memory_space<vmem>>, vector<1x64x256xf32>,
    %mul3A_1974 = arith.constant 40 : i32
    %mul3A_1975 = arith.muli %arg0, %mul3A_1974 : i32
    %add3A_1976 = arith.constant 31 : i32
    %add3A_1977 = arith.addi %mul3A_1975, %add3A_1976 : i32
    %jit3A_1978 = arith.constant 20 : i32
    %div3A_1979 = arith.divsi %add3A_1977, %jit3A_1978 : i32
    %sign3A_1980 = arith.constant 0 : i32
    %sign3A_1981 = arith.cmpi sgt, %add3A_1977, %sign3A_1980 : i32
    %sign3A_1982 = arith.extui %sign3A_1981 : i1 to i32
    %sign3A_1983 = arith.constant 0 : i32
    %sign3A_1984 = arith.cmpi slt, %add3A_1977, %sign3A_1983 : i32
    %sign3A_1985 = arith.extui %sign3A_1984 : i1 to i32
    %sign3A_1986 = arith.subi %sign3A_1982, %sign3A_1985 : i32
    %sign3A_1987 = arith.constant 0 : i32
    %sign3A_1988 = arith.cmpi sgt, %jit3A_1978, %sign3A_1987 : i32
    %sign3A_1989 = arith.extui %sign3A_1988 : i1 to i32
    %sign3A_1990 = arith.constant 0 : i32
    %sign3A_1991 = arith.cmpi slt, %jit3A_1978, %sign3A_1990 : i32
    %sign3A_1992 = arith.extui %sign3A_1991 : i1 to i32
    %sign3A_1993 = arith.subi %sign3A_1989, %sign3A_1992 : i32
    %ne3A_1994 = arith.cmpi ne, %sign3A_1986, %sign3A_1993 : i32
    %rem3A_1995 = arith.remsi %add3A_1977, %jit3A_1978 : i32
    %ne3A_1996 = arith.constant 0 : i32
    %ne3A_1997 = arith.cmpi ne, %rem3A_1995, %ne3A_1996 : i32
    %and3A_1998 = arith.andi %ne3A_1994, %ne3A_1997 : i1
    %sub3A_1999 = arith.constant 1 : i32
    %sub3A_2000 = arith.subi %div3A_1979, %sub3A_1999 : i32
    %select_n3A_2001 = arith.select %and3A_1998, %sub3A_2000, %div3A_1979 : i32
    %mul3A_2002 = arith.constant 20 : i32
    %mul3A_2003 = arith.muli %select_n3A_2001, %mul3A_2002 : i32
    %sub3A_2004 = arith.subi %add3A_1977, %mul3A_2003 : i32
    %lt3A_2005 = vector.broadcast %select_n3A_2001 : i32 to vector<1x256xi32>
    %lt3A_2006 = arith.cmpi slt, %lt3A_2005, %get3A_30 : vector<1x256xi32>
    %lt3A_2007 = vector.broadcast %sub3A_2004 : i32 to vector<1x256xi32>
    %lt3A_2008 = arith.cmpi slt, %lt3A_2007, %get3A_30 : vector<1x256xi32>
    %and3A_2009 = arith.andi %lt3A_2006, %lt3A_2008 : vector<1x256xi1>
    %get3A_2010 = arith.constant 62 : index
    %get3A_2011 = arith.constant 0 : index
    %get3A_2012 = vector.load %arg3[%get3A_2010, %get3A_2011] : memref<80x256xf32, #tpu.memory_space<vmem>>, vector<1x256xf32>
    %get3A_2013 = arith.constant 63 : index
    %get3A_2014 = arith.constant 0 : index
    %get3A_2015 = vector.load %arg3[%get3A_2013, %get3A_2014] : memref<80x256xf32, #tpu.memory_space<vmem>>, vector<1x256xf32>
    %broadcast_in_dim3A_2016 = vector.shape_cast %and3A_2009 : vector<1x256xi1> to vector<1x256xi1>
    %broadcast_in_dim3A_2017 = vector.broadcast %broadcast_in_dim3A_2016 : vector<1x256xi1> to vector<64x256xi1>
    %select_n3A_2018 = arith.select %broadcast_in_dim3A_2017, %broadcast_in_dim3A_15, %broadcast_in_dim3A_12 : vector<64x256xi1>, vector<64x256xf32>
    %broadcast_in_dim3A_2019 = vector.shape_cast %and3A_2009 : vector<1x256xi1> to vector<1x256xi1>
    %broadcast_in_dim3A_2020 = vector.broadcast %broadcast_in_dim3A_2019 : vector<1x256xi1> to vector<64x256xi1>
    %select_n3A_2021 = arith.select %broadcast_in_dim3A_2020, %broadcast_in_dim3A_21, %broadcast_in_dim3A_18 : vector<64x256xi1>, vector<64x256xf32>
    %broadcast_in_dim3A_2022 = vector.shape_cast %and3A_2009 : vector<1x256xi1> to vector<1x256xi1>
    %broadcast_in_dim3A_2023 = vector.broadcast %broadcast_in_dim3A_2022 : vector<1x256xi1> to vector<64x256xi1>
    %select_n3A_2024 = arith.select %broadcast_in_dim3A_2023, %broadcast_in_dim3A_27, %broadcast_in_dim3A_24 : vector<64x256xi1>, vector<64x256xf32>
    %mul3A_2025 = vector.broadcast %get3A_2012 : vector<1x256xf32> to vector<64x256xf32>
    %mul3A_2026 = arith.mulf %mul3A_2025, %select_n3A_2021 : vector<64x256xf32>
    %add3A_2027 = arith.addf %select_n3A_2018, %mul3A_2026 : vector<64x256xf32>
    %mul3A_2028 = vector.broadcast %get3A_2015 : vector<1x256xf32> to vector<64x256xf32>
    %mul3A_2029 = arith.mulf %mul3A_2028, %select_n3A_2024 : vector<64x256xf32>
    %add3A_2030 = arith.addf %add3A_2027, %mul3A_2029 : vector<64x256xf32>
    %swap3A_2031 = arith.constant 31 : index
    %swap3A_2032 = arith.constant 0 : index
    %swap3A_2033 = arith.constant 0 : index
    %swap3A_2034 = vector.load %arg8[%swap3A_2031, %swap3A_2032, %swap3A_2033] : memref<40x64x256xf32, #tpu.memory_space<vmem>>, vector<1x64x256xf32>
    %swap3A_2035 = vector.shape_cast %swap3A_2034 : vector<1x64x256xf32> to vector<64x256xf32>
    %swap3A_2036 = vector.shape_cast %add3A_2030 : vector<64x256xf32> to vector<1x64x256xf32>
    tpu.vector_store %arg8[%swap3A_2031, %swap3A_2032, %swap3A_2033], %swap3A_2036 {strides = array<i32>} : memref<40x64x256xf32, #tpu.memory_space<vmem>>, vector<1x64x256xf32>,
    %mul3A_2037 = arith.constant 40 : i32
    %mul3A_2038 = arith.muli %arg0, %mul3A_2037 : i32
    %add3A_2039 = arith.constant 32 : i32
    %add3A_2040 = arith.addi %mul3A_2038, %add3A_2039 : i32
    %jit3A_2041 = arith.constant 20 : i32
    %div3A_2042 = arith.divsi %add3A_2040, %jit3A_2041 : i32
    %sign3A_2043 = arith.constant 0 : i32
    %sign3A_2044 = arith.cmpi sgt, %add3A_2040, %sign3A_2043 : i32
    %sign3A_2045 = arith.extui %sign3A_2044 : i1 to i32
    %sign3A_2046 = arith.constant 0 : i32
    %sign3A_2047 = arith.cmpi slt, %add3A_2040, %sign3A_2046 : i32
    %sign3A_2048 = arith.extui %sign3A_2047 : i1 to i32
    %sign3A_2049 = arith.subi %sign3A_2045, %sign3A_2048 : i32
    %sign3A_2050 = arith.constant 0 : i32
    %sign3A_2051 = arith.cmpi sgt, %jit3A_2041, %sign3A_2050 : i32
    %sign3A_2052 = arith.extui %sign3A_2051 : i1 to i32
    %sign3A_2053 = arith.constant 0 : i32
    %sign3A_2054 = arith.cmpi slt, %jit3A_2041, %sign3A_2053 : i32
    %sign3A_2055 = arith.extui %sign3A_2054 : i1 to i32
    %sign3A_2056 = arith.subi %sign3A_2052, %sign3A_2055 : i32
    %ne3A_2057 = arith.cmpi ne, %sign3A_2049, %sign3A_2056 : i32
    %rem3A_2058 = arith.remsi %add3A_2040, %jit3A_2041 : i32
    %ne3A_2059 = arith.constant 0 : i32
    %ne3A_2060 = arith.cmpi ne, %rem3A_2058, %ne3A_2059 : i32
    %and3A_2061 = arith.andi %ne3A_2057, %ne3A_2060 : i1
    %sub3A_2062 = arith.constant 1 : i32
    %sub3A_2063 = arith.subi %div3A_2042, %sub3A_2062 : i32
    %select_n3A_2064 = arith.select %and3A_2061, %sub3A_2063, %div3A_2042 : i32
    %mul3A_2065 = arith.constant 20 : i32
    %mul3A_2066 = arith.muli %select_n3A_2064, %mul3A_2065 : i32
    %sub3A_2067 = arith.subi %add3A_2040, %mul3A_2066 : i32
    %lt3A_2068 = vector.broadcast %select_n3A_2064 : i32 to vector<1x256xi32>
    %lt3A_2069 = arith.cmpi slt, %lt3A_2068, %get3A_30 : vector<1x256xi32>
    %lt3A_2070 = vector.broadcast %sub3A_2067 : i32 to vector<1x256xi32>
    %lt3A_2071 = arith.cmpi slt, %lt3A_2070, %get3A_30 : vector<1x256xi32>
    %and3A_2072 = arith.andi %lt3A_2069, %lt3A_2071 : vector<1x256xi1>
    %get3A_2073 = arith.constant 64 : index
    %get3A_2074 = arith.constant 0 : index
    %get3A_2075 = vector.load %arg3[%get3A_2073, %get3A_2074] : memref<80x256xf32, #tpu.memory_space<vmem>>, vector<1x256xf32>
    %get3A_2076 = arith.constant 65 : index
    %get3A_2077 = arith.constant 0 : index
    %get3A_2078 = vector.load %arg3[%get3A_2076, %get3A_2077] : memref<80x256xf32, #tpu.memory_space<vmem>>, vector<1x256xf32>
    %broadcast_in_dim3A_2079 = vector.shape_cast %and3A_2072 : vector<1x256xi1> to vector<1x256xi1>
    %broadcast_in_dim3A_2080 = vector.broadcast %broadcast_in_dim3A_2079 : vector<1x256xi1> to vector<64x256xi1>
    %select_n3A_2081 = arith.select %broadcast_in_dim3A_2080, %broadcast_in_dim3A_15, %broadcast_in_dim3A_12 : vector<64x256xi1>, vector<64x256xf32>
    %broadcast_in_dim3A_2082 = vector.shape_cast %and3A_2072 : vector<1x256xi1> to vector<1x256xi1>
    %broadcast_in_dim3A_2083 = vector.broadcast %broadcast_in_dim3A_2082 : vector<1x256xi1> to vector<64x256xi1>
    %select_n3A_2084 = arith.select %broadcast_in_dim3A_2083, %broadcast_in_dim3A_21, %broadcast_in_dim3A_18 : vector<64x256xi1>, vector<64x256xf32>
    %broadcast_in_dim3A_2085 = vector.shape_cast %and3A_2072 : vector<1x256xi1> to vector<1x256xi1>
    %broadcast_in_dim3A_2086 = vector.broadcast %broadcast_in_dim3A_2085 : vector<1x256xi1> to vector<64x256xi1>
    %select_n3A_2087 = arith.select %broadcast_in_dim3A_2086, %broadcast_in_dim3A_27, %broadcast_in_dim3A_24 : vector<64x256xi1>, vector<64x256xf32>
    %mul3A_2088 = vector.broadcast %get3A_2075 : vector<1x256xf32> to vector<64x256xf32>
    %mul3A_2089 = arith.mulf %mul3A_2088, %select_n3A_2084 : vector<64x256xf32>
    %add3A_2090 = arith.addf %select_n3A_2081, %mul3A_2089 : vector<64x256xf32>
    %mul3A_2091 = vector.broadcast %get3A_2078 : vector<1x256xf32> to vector<64x256xf32>
    %mul3A_2092 = arith.mulf %mul3A_2091, %select_n3A_2087 : vector<64x256xf32>
    %add3A_2093 = arith.addf %add3A_2090, %mul3A_2092 : vector<64x256xf32>
    %swap3A_2094 = arith.constant 32 : index
    %swap3A_2095 = arith.constant 0 : index
    %swap3A_2096 = arith.constant 0 : index
    %swap3A_2097 = vector.load %arg8[%swap3A_2094, %swap3A_2095, %swap3A_2096] : memref<40x64x256xf32, #tpu.memory_space<vmem>>, vector<1x64x256xf32>
    %swap3A_2098 = vector.shape_cast %swap3A_2097 : vector<1x64x256xf32> to vector<64x256xf32>
    %swap3A_2099 = vector.shape_cast %add3A_2093 : vector<64x256xf32> to vector<1x64x256xf32>
    tpu.vector_store %arg8[%swap3A_2094, %swap3A_2095, %swap3A_2096], %swap3A_2099 {strides = array<i32>} : memref<40x64x256xf32, #tpu.memory_space<vmem>>, vector<1x64x256xf32>,
    %mul3A_2100 = arith.constant 40 : i32
    %mul3A_2101 = arith.muli %arg0, %mul3A_2100 : i32
    %add3A_2102 = arith.constant 33 : i32
    %add3A_2103 = arith.addi %mul3A_2101, %add3A_2102 : i32
    %jit3A_2104 = arith.constant 20 : i32
    %div3A_2105 = arith.divsi %add3A_2103, %jit3A_2104 : i32
    %sign3A_2106 = arith.constant 0 : i32
    %sign3A_2107 = arith.cmpi sgt, %add3A_2103, %sign3A_2106 : i32
    %sign3A_2108 = arith.extui %sign3A_2107 : i1 to i32
    %sign3A_2109 = arith.constant 0 : i32
    %sign3A_2110 = arith.cmpi slt, %add3A_2103, %sign3A_2109 : i32
    %sign3A_2111 = arith.extui %sign3A_2110 : i1 to i32
    %sign3A_2112 = arith.subi %sign3A_2108, %sign3A_2111 : i32
    %sign3A_2113 = arith.constant 0 : i32
    %sign3A_2114 = arith.cmpi sgt, %jit3A_2104, %sign3A_2113 : i32
    %sign3A_2115 = arith.extui %sign3A_2114 : i1 to i32
    %sign3A_2116 = arith.constant 0 : i32
    %sign3A_2117 = arith.cmpi slt, %jit3A_2104, %sign3A_2116 : i32
    %sign3A_2118 = arith.extui %sign3A_2117 : i1 to i32
    %sign3A_2119 = arith.subi %sign3A_2115, %sign3A_2118 : i32
    %ne3A_2120 = arith.cmpi ne, %sign3A_2112, %sign3A_2119 : i32
    %rem3A_2121 = arith.remsi %add3A_2103, %jit3A_2104 : i32
    %ne3A_2122 = arith.constant 0 : i32
    %ne3A_2123 = arith.cmpi ne, %rem3A_2121, %ne3A_2122 : i32
    %and3A_2124 = arith.andi %ne3A_2120, %ne3A_2123 : i1
    %sub3A_2125 = arith.constant 1 : i32
    %sub3A_2126 = arith.subi %div3A_2105, %sub3A_2125 : i32
    %select_n3A_2127 = arith.select %and3A_2124, %sub3A_2126, %div3A_2105 : i32
    %mul3A_2128 = arith.constant 20 : i32
    %mul3A_2129 = arith.muli %select_n3A_2127, %mul3A_2128 : i32
    %sub3A_2130 = arith.subi %add3A_2103, %mul3A_2129 : i32
    %lt3A_2131 = vector.broadcast %select_n3A_2127 : i32 to vector<1x256xi32>
    %lt3A_2132 = arith.cmpi slt, %lt3A_2131, %get3A_30 : vector<1x256xi32>
    %lt3A_2133 = vector.broadcast %sub3A_2130 : i32 to vector<1x256xi32>
    %lt3A_2134 = arith.cmpi slt, %lt3A_2133, %get3A_30 : vector<1x256xi32>
    %and3A_2135 = arith.andi %lt3A_2132, %lt3A_2134 : vector<1x256xi1>
    %get3A_2136 = arith.constant 66 : index
    %get3A_2137 = arith.constant 0 : index
    %get3A_2138 = vector.load %arg3[%get3A_2136, %get3A_2137] : memref<80x256xf32, #tpu.memory_space<vmem>>, vector<1x256xf32>
    %get3A_2139 = arith.constant 67 : index
    %get3A_2140 = arith.constant 0 : index
    %get3A_2141 = vector.load %arg3[%get3A_2139, %get3A_2140] : memref<80x256xf32, #tpu.memory_space<vmem>>, vector<1x256xf32>
    %broadcast_in_dim3A_2142 = vector.shape_cast %and3A_2135 : vector<1x256xi1> to vector<1x256xi1>
    %broadcast_in_dim3A_2143 = vector.broadcast %broadcast_in_dim3A_2142 : vector<1x256xi1> to vector<64x256xi1>
    %select_n3A_2144 = arith.select %broadcast_in_dim3A_2143, %broadcast_in_dim3A_15, %broadcast_in_dim3A_12 : vector<64x256xi1>, vector<64x256xf32>
    %broadcast_in_dim3A_2145 = vector.shape_cast %and3A_2135 : vector<1x256xi1> to vector<1x256xi1>
    %broadcast_in_dim3A_2146 = vector.broadcast %broadcast_in_dim3A_2145 : vector<1x256xi1> to vector<64x256xi1>
    %select_n3A_2147 = arith.select %broadcast_in_dim3A_2146, %broadcast_in_dim3A_21, %broadcast_in_dim3A_18 : vector<64x256xi1>, vector<64x256xf32>
    %broadcast_in_dim3A_2148 = vector.shape_cast %and3A_2135 : vector<1x256xi1> to vector<1x256xi1>
    %broadcast_in_dim3A_2149 = vector.broadcast %broadcast_in_dim3A_2148 : vector<1x256xi1> to vector<64x256xi1>
    %select_n3A_2150 = arith.select %broadcast_in_dim3A_2149, %broadcast_in_dim3A_27, %broadcast_in_dim3A_24 : vector<64x256xi1>, vector<64x256xf32>
    %mul3A_2151 = vector.broadcast %get3A_2138 : vector<1x256xf32> to vector<64x256xf32>
    %mul3A_2152 = arith.mulf %mul3A_2151, %select_n3A_2147 : vector<64x256xf32>
    %add3A_2153 = arith.addf %select_n3A_2144, %mul3A_2152 : vector<64x256xf32>
    %mul3A_2154 = vector.broadcast %get3A_2141 : vector<1x256xf32> to vector<64x256xf32>
    %mul3A_2155 = arith.mulf %mul3A_2154, %select_n3A_2150 : vector<64x256xf32>
    %add3A_2156 = arith.addf %add3A_2153, %mul3A_2155 : vector<64x256xf32>
    %swap3A_2157 = arith.constant 33 : index
    %swap3A_2158 = arith.constant 0 : index
    %swap3A_2159 = arith.constant 0 : index
    %swap3A_2160 = vector.load %arg8[%swap3A_2157, %swap3A_2158, %swap3A_2159] : memref<40x64x256xf32, #tpu.memory_space<vmem>>, vector<1x64x256xf32>
    %swap3A_2161 = vector.shape_cast %swap3A_2160 : vector<1x64x256xf32> to vector<64x256xf32>
    %swap3A_2162 = vector.shape_cast %add3A_2156 : vector<64x256xf32> to vector<1x64x256xf32>
    tpu.vector_store %arg8[%swap3A_2157, %swap3A_2158, %swap3A_2159], %swap3A_2162 {strides = array<i32>} : memref<40x64x256xf32, #tpu.memory_space<vmem>>, vector<1x64x256xf32>,
    %mul3A_2163 = arith.constant 40 : i32
    %mul3A_2164 = arith.muli %arg0, %mul3A_2163 : i32
    %add3A_2165 = arith.constant 34 : i32
    %add3A_2166 = arith.addi %mul3A_2164, %add3A_2165 : i32
    %jit3A_2167 = arith.constant 20 : i32
    %div3A_2168 = arith.divsi %add3A_2166, %jit3A_2167 : i32
    %sign3A_2169 = arith.constant 0 : i32
    %sign3A_2170 = arith.cmpi sgt, %add3A_2166, %sign3A_2169 : i32
    %sign3A_2171 = arith.extui %sign3A_2170 : i1 to i32
    %sign3A_2172 = arith.constant 0 : i32
    %sign3A_2173 = arith.cmpi slt, %add3A_2166, %sign3A_2172 : i32
    %sign3A_2174 = arith.extui %sign3A_2173 : i1 to i32
    %sign3A_2175 = arith.subi %sign3A_2171, %sign3A_2174 : i32
    %sign3A_2176 = arith.constant 0 : i32
    %sign3A_2177 = arith.cmpi sgt, %jit3A_2167, %sign3A_2176 : i32
    %sign3A_2178 = arith.extui %sign3A_2177 : i1 to i32
    %sign3A_2179 = arith.constant 0 : i32
    %sign3A_2180 = arith.cmpi slt, %jit3A_2167, %sign3A_2179 : i32
    %sign3A_2181 = arith.extui %sign3A_2180 : i1 to i32
    %sign3A_2182 = arith.subi %sign3A_2178, %sign3A_2181 : i32
    %ne3A_2183 = arith.cmpi ne, %sign3A_2175, %sign3A_2182 : i32
    %rem3A_2184 = arith.remsi %add3A_2166, %jit3A_2167 : i32
    %ne3A_2185 = arith.constant 0 : i32
    %ne3A_2186 = arith.cmpi ne, %rem3A_2184, %ne3A_2185 : i32
    %and3A_2187 = arith.andi %ne3A_2183, %ne3A_2186 : i1
    %sub3A_2188 = arith.constant 1 : i32
    %sub3A_2189 = arith.subi %div3A_2168, %sub3A_2188 : i32
    %select_n3A_2190 = arith.select %and3A_2187, %sub3A_2189, %div3A_2168 : i32
    %mul3A_2191 = arith.constant 20 : i32
    %mul3A_2192 = arith.muli %select_n3A_2190, %mul3A_2191 : i32
    %sub3A_2193 = arith.subi %add3A_2166, %mul3A_2192 : i32
    %lt3A_2194 = vector.broadcast %select_n3A_2190 : i32 to vector<1x256xi32>
    %lt3A_2195 = arith.cmpi slt, %lt3A_2194, %get3A_30 : vector<1x256xi32>
    %lt3A_2196 = vector.broadcast %sub3A_2193 : i32 to vector<1x256xi32>
    %lt3A_2197 = arith.cmpi slt, %lt3A_2196, %get3A_30 : vector<1x256xi32>
    %and3A_2198 = arith.andi %lt3A_2195, %lt3A_2197 : vector<1x256xi1>
    %get3A_2199 = arith.constant 68 : index
    %get3A_2200 = arith.constant 0 : index
    %get3A_2201 = vector.load %arg3[%get3A_2199, %get3A_2200] : memref<80x256xf32, #tpu.memory_space<vmem>>, vector<1x256xf32>
    %get3A_2202 = arith.constant 69 : index
    %get3A_2203 = arith.constant 0 : index
    %get3A_2204 = vector.load %arg3[%get3A_2202, %get3A_2203] : memref<80x256xf32, #tpu.memory_space<vmem>>, vector<1x256xf32>
    %broadcast_in_dim3A_2205 = vector.shape_cast %and3A_2198 : vector<1x256xi1> to vector<1x256xi1>
    %broadcast_in_dim3A_2206 = vector.broadcast %broadcast_in_dim3A_2205 : vector<1x256xi1> to vector<64x256xi1>
    %select_n3A_2207 = arith.select %broadcast_in_dim3A_2206, %broadcast_in_dim3A_15, %broadcast_in_dim3A_12 : vector<64x256xi1>, vector<64x256xf32>
    %broadcast_in_dim3A_2208 = vector.shape_cast %and3A_2198 : vector<1x256xi1> to vector<1x256xi1>
    %broadcast_in_dim3A_2209 = vector.broadcast %broadcast_in_dim3A_2208 : vector<1x256xi1> to vector<64x256xi1>
    %select_n3A_2210 = arith.select %broadcast_in_dim3A_2209, %broadcast_in_dim3A_21, %broadcast_in_dim3A_18 : vector<64x256xi1>, vector<64x256xf32>
    %broadcast_in_dim3A_2211 = vector.shape_cast %and3A_2198 : vector<1x256xi1> to vector<1x256xi1>
    %broadcast_in_dim3A_2212 = vector.broadcast %broadcast_in_dim3A_2211 : vector<1x256xi1> to vector<64x256xi1>
    %select_n3A_2213 = arith.select %broadcast_in_dim3A_2212, %broadcast_in_dim3A_27, %broadcast_in_dim3A_24 : vector<64x256xi1>, vector<64x256xf32>
    %mul3A_2214 = vector.broadcast %get3A_2201 : vector<1x256xf32> to vector<64x256xf32>
    %mul3A_2215 = arith.mulf %mul3A_2214, %select_n3A_2210 : vector<64x256xf32>
    %add3A_2216 = arith.addf %select_n3A_2207, %mul3A_2215 : vector<64x256xf32>
    %mul3A_2217 = vector.broadcast %get3A_2204 : vector<1x256xf32> to vector<64x256xf32>
    %mul3A_2218 = arith.mulf %mul3A_2217, %select_n3A_2213 : vector<64x256xf32>
    %add3A_2219 = arith.addf %add3A_2216, %mul3A_2218 : vector<64x256xf32>
    %swap3A_2220 = arith.constant 34 : index
    %swap3A_2221 = arith.constant 0 : index
    %swap3A_2222 = arith.constant 0 : index
    %swap3A_2223 = vector.load %arg8[%swap3A_2220, %swap3A_2221, %swap3A_2222] : memref<40x64x256xf32, #tpu.memory_space<vmem>>, vector<1x64x256xf32>
    %swap3A_2224 = vector.shape_cast %swap3A_2223 : vector<1x64x256xf32> to vector<64x256xf32>
    %swap3A_2225 = vector.shape_cast %add3A_2219 : vector<64x256xf32> to vector<1x64x256xf32>
    tpu.vector_store %arg8[%swap3A_2220, %swap3A_2221, %swap3A_2222], %swap3A_2225 {strides = array<i32>} : memref<40x64x256xf32, #tpu.memory_space<vmem>>, vector<1x64x256xf32>,
    %mul3A_2226 = arith.constant 40 : i32
    %mul3A_2227 = arith.muli %arg0, %mul3A_2226 : i32
    %add3A_2228 = arith.constant 35 : i32
    %add3A_2229 = arith.addi %mul3A_2227, %add3A_2228 : i32
    %jit3A_2230 = arith.constant 20 : i32
    %div3A_2231 = arith.divsi %add3A_2229, %jit3A_2230 : i32
    %sign3A_2232 = arith.constant 0 : i32
    %sign3A_2233 = arith.cmpi sgt, %add3A_2229, %sign3A_2232 : i32
    %sign3A_2234 = arith.extui %sign3A_2233 : i1 to i32
    %sign3A_2235 = arith.constant 0 : i32
    %sign3A_2236 = arith.cmpi slt, %add3A_2229, %sign3A_2235 : i32
    %sign3A_2237 = arith.extui %sign3A_2236 : i1 to i32
    %sign3A_2238 = arith.subi %sign3A_2234, %sign3A_2237 : i32
    %sign3A_2239 = arith.constant 0 : i32
    %sign3A_2240 = arith.cmpi sgt, %jit3A_2230, %sign3A_2239 : i32
    %sign3A_2241 = arith.extui %sign3A_2240 : i1 to i32
    %sign3A_2242 = arith.constant 0 : i32
    %sign3A_2243 = arith.cmpi slt, %jit3A_2230, %sign3A_2242 : i32
    %sign3A_2244 = arith.extui %sign3A_2243 : i1 to i32
    %sign3A_2245 = arith.subi %sign3A_2241, %sign3A_2244 : i32
    %ne3A_2246 = arith.cmpi ne, %sign3A_2238, %sign3A_2245 : i32
    %rem3A_2247 = arith.remsi %add3A_2229, %jit3A_2230 : i32
    %ne3A_2248 = arith.constant 0 : i32
    %ne3A_2249 = arith.cmpi ne, %rem3A_2247, %ne3A_2248 : i32
    %and3A_2250 = arith.andi %ne3A_2246, %ne3A_2249 : i1
    %sub3A_2251 = arith.constant 1 : i32
    %sub3A_2252 = arith.subi %div3A_2231, %sub3A_2251 : i32
    %select_n3A_2253 = arith.select %and3A_2250, %sub3A_2252, %div3A_2231 : i32
    %mul3A_2254 = arith.constant 20 : i32
    %mul3A_2255 = arith.muli %select_n3A_2253, %mul3A_2254 : i32
    %sub3A_2256 = arith.subi %add3A_2229, %mul3A_2255 : i32
    %lt3A_2257 = vector.broadcast %select_n3A_2253 : i32 to vector<1x256xi32>
    %lt3A_2258 = arith.cmpi slt, %lt3A_2257, %get3A_30 : vector<1x256xi32>
    %lt3A_2259 = vector.broadcast %sub3A_2256 : i32 to vector<1x256xi32>
    %lt3A_2260 = arith.cmpi slt, %lt3A_2259, %get3A_30 : vector<1x256xi32>
    %and3A_2261 = arith.andi %lt3A_2258, %lt3A_2260 : vector<1x256xi1>
    %get3A_2262 = arith.constant 70 : index
    %get3A_2263 = arith.constant 0 : index
    %get3A_2264 = vector.load %arg3[%get3A_2262, %get3A_2263] : memref<80x256xf32, #tpu.memory_space<vmem>>, vector<1x256xf32>
    %get3A_2265 = arith.constant 71 : index
    %get3A_2266 = arith.constant 0 : index
    %get3A_2267 = vector.load %arg3[%get3A_2265, %get3A_2266] : memref<80x256xf32, #tpu.memory_space<vmem>>, vector<1x256xf32>
    %broadcast_in_dim3A_2268 = vector.shape_cast %and3A_2261 : vector<1x256xi1> to vector<1x256xi1>
    %broadcast_in_dim3A_2269 = vector.broadcast %broadcast_in_dim3A_2268 : vector<1x256xi1> to vector<64x256xi1>
    %select_n3A_2270 = arith.select %broadcast_in_dim3A_2269, %broadcast_in_dim3A_15, %broadcast_in_dim3A_12 : vector<64x256xi1>, vector<64x256xf32>
    %broadcast_in_dim3A_2271 = vector.shape_cast %and3A_2261 : vector<1x256xi1> to vector<1x256xi1>
    %broadcast_in_dim3A_2272 = vector.broadcast %broadcast_in_dim3A_2271 : vector<1x256xi1> to vector<64x256xi1>
    %select_n3A_2273 = arith.select %broadcast_in_dim3A_2272, %broadcast_in_dim3A_21, %broadcast_in_dim3A_18 : vector<64x256xi1>, vector<64x256xf32>
    %broadcast_in_dim3A_2274 = vector.shape_cast %and3A_2261 : vector<1x256xi1> to vector<1x256xi1>
    %broadcast_in_dim3A_2275 = vector.broadcast %broadcast_in_dim3A_2274 : vector<1x256xi1> to vector<64x256xi1>
    %select_n3A_2276 = arith.select %broadcast_in_dim3A_2275, %broadcast_in_dim3A_27, %broadcast_in_dim3A_24 : vector<64x256xi1>, vector<64x256xf32>
    %mul3A_2277 = vector.broadcast %get3A_2264 : vector<1x256xf32> to vector<64x256xf32>
    %mul3A_2278 = arith.mulf %mul3A_2277, %select_n3A_2273 : vector<64x256xf32>
    %add3A_2279 = arith.addf %select_n3A_2270, %mul3A_2278 : vector<64x256xf32>
    %mul3A_2280 = vector.broadcast %get3A_2267 : vector<1x256xf32> to vector<64x256xf32>
    %mul3A_2281 = arith.mulf %mul3A_2280, %select_n3A_2276 : vector<64x256xf32>
    %add3A_2282 = arith.addf %add3A_2279, %mul3A_2281 : vector<64x256xf32>
    %swap3A_2283 = arith.constant 35 : index
    %swap3A_2284 = arith.constant 0 : index
    %swap3A_2285 = arith.constant 0 : index
    %swap3A_2286 = vector.load %arg8[%swap3A_2283, %swap3A_2284, %swap3A_2285] : memref<40x64x256xf32, #tpu.memory_space<vmem>>, vector<1x64x256xf32>
    %swap3A_2287 = vector.shape_cast %swap3A_2286 : vector<1x64x256xf32> to vector<64x256xf32>
    %swap3A_2288 = vector.shape_cast %add3A_2282 : vector<64x256xf32> to vector<1x64x256xf32>
    tpu.vector_store %arg8[%swap3A_2283, %swap3A_2284, %swap3A_2285], %swap3A_2288 {strides = array<i32>} : memref<40x64x256xf32, #tpu.memory_space<vmem>>, vector<1x64x256xf32>,
    %mul3A_2289 = arith.constant 40 : i32
    %mul3A_2290 = arith.muli %arg0, %mul3A_2289 : i32
    %add3A_2291 = arith.constant 36 : i32
    %add3A_2292 = arith.addi %mul3A_2290, %add3A_2291 : i32
    %jit3A_2293 = arith.constant 20 : i32
    %div3A_2294 = arith.divsi %add3A_2292, %jit3A_2293 : i32
    %sign3A_2295 = arith.constant 0 : i32
    %sign3A_2296 = arith.cmpi sgt, %add3A_2292, %sign3A_2295 : i32
    %sign3A_2297 = arith.extui %sign3A_2296 : i1 to i32
    %sign3A_2298 = arith.constant 0 : i32
    %sign3A_2299 = arith.cmpi slt, %add3A_2292, %sign3A_2298 : i32
    %sign3A_2300 = arith.extui %sign3A_2299 : i1 to i32
    %sign3A_2301 = arith.subi %sign3A_2297, %sign3A_2300 : i32
    %sign3A_2302 = arith.constant 0 : i32
    %sign3A_2303 = arith.cmpi sgt, %jit3A_2293, %sign3A_2302 : i32
    %sign3A_2304 = arith.extui %sign3A_2303 : i1 to i32
    %sign3A_2305 = arith.constant 0 : i32
    %sign3A_2306 = arith.cmpi slt, %jit3A_2293, %sign3A_2305 : i32
    %sign3A_2307 = arith.extui %sign3A_2306 : i1 to i32
    %sign3A_2308 = arith.subi %sign3A_2304, %sign3A_2307 : i32
    %ne3A_2309 = arith.cmpi ne, %sign3A_2301, %sign3A_2308 : i32
    %rem3A_2310 = arith.remsi %add3A_2292, %jit3A_2293 : i32
    %ne3A_2311 = arith.constant 0 : i32
    %ne3A_2312 = arith.cmpi ne, %rem3A_2310, %ne3A_2311 : i32
    %and3A_2313 = arith.andi %ne3A_2309, %ne3A_2312 : i1
    %sub3A_2314 = arith.constant 1 : i32
    %sub3A_2315 = arith.subi %div3A_2294, %sub3A_2314 : i32
    %select_n3A_2316 = arith.select %and3A_2313, %sub3A_2315, %div3A_2294 : i32
    %mul3A_2317 = arith.constant 20 : i32
    %mul3A_2318 = arith.muli %select_n3A_2316, %mul3A_2317 : i32
    %sub3A_2319 = arith.subi %add3A_2292, %mul3A_2318 : i32
    %lt3A_2320 = vector.broadcast %select_n3A_2316 : i32 to vector<1x256xi32>
    %lt3A_2321 = arith.cmpi slt, %lt3A_2320, %get3A_30 : vector<1x256xi32>
    %lt3A_2322 = vector.broadcast %sub3A_2319 : i32 to vector<1x256xi32>
    %lt3A_2323 = arith.cmpi slt, %lt3A_2322, %get3A_30 : vector<1x256xi32>
    %and3A_2324 = arith.andi %lt3A_2321, %lt3A_2323 : vector<1x256xi1>
    %get3A_2325 = arith.constant 72 : index
    %get3A_2326 = arith.constant 0 : index
    %get3A_2327 = vector.load %arg3[%get3A_2325, %get3A_2326] : memref<80x256xf32, #tpu.memory_space<vmem>>, vector<1x256xf32>
    %get3A_2328 = arith.constant 73 : index
    %get3A_2329 = arith.constant 0 : index
    %get3A_2330 = vector.load %arg3[%get3A_2328, %get3A_2329] : memref<80x256xf32, #tpu.memory_space<vmem>>, vector<1x256xf32>
    %broadcast_in_dim3A_2331 = vector.shape_cast %and3A_2324 : vector<1x256xi1> to vector<1x256xi1>
    %broadcast_in_dim3A_2332 = vector.broadcast %broadcast_in_dim3A_2331 : vector<1x256xi1> to vector<64x256xi1>
    %select_n3A_2333 = arith.select %broadcast_in_dim3A_2332, %broadcast_in_dim3A_15, %broadcast_in_dim3A_12 : vector<64x256xi1>, vector<64x256xf32>
    %broadcast_in_dim3A_2334 = vector.shape_cast %and3A_2324 : vector<1x256xi1> to vector<1x256xi1>
    %broadcast_in_dim3A_2335 = vector.broadcast %broadcast_in_dim3A_2334 : vector<1x256xi1> to vector<64x256xi1>
    %select_n3A_2336 = arith.select %broadcast_in_dim3A_2335, %broadcast_in_dim3A_21, %broadcast_in_dim3A_18 : vector<64x256xi1>, vector<64x256xf32>
    %broadcast_in_dim3A_2337 = vector.shape_cast %and3A_2324 : vector<1x256xi1> to vector<1x256xi1>
    %broadcast_in_dim3A_2338 = vector.broadcast %broadcast_in_dim3A_2337 : vector<1x256xi1> to vector<64x256xi1>
    %select_n3A_2339 = arith.select %broadcast_in_dim3A_2338, %broadcast_in_dim3A_27, %broadcast_in_dim3A_24 : vector<64x256xi1>, vector<64x256xf32>
    %mul3A_2340 = vector.broadcast %get3A_2327 : vector<1x256xf32> to vector<64x256xf32>
    %mul3A_2341 = arith.mulf %mul3A_2340, %select_n3A_2336 : vector<64x256xf32>
    %add3A_2342 = arith.addf %select_n3A_2333, %mul3A_2341 : vector<64x256xf32>
    %mul3A_2343 = vector.broadcast %get3A_2330 : vector<1x256xf32> to vector<64x256xf32>
    %mul3A_2344 = arith.mulf %mul3A_2343, %select_n3A_2339 : vector<64x256xf32>
    %add3A_2345 = arith.addf %add3A_2342, %mul3A_2344 : vector<64x256xf32>
    %swap3A_2346 = arith.constant 36 : index
    %swap3A_2347 = arith.constant 0 : index
    %swap3A_2348 = arith.constant 0 : index
    %swap3A_2349 = vector.load %arg8[%swap3A_2346, %swap3A_2347, %swap3A_2348] : memref<40x64x256xf32, #tpu.memory_space<vmem>>, vector<1x64x256xf32>
    %swap3A_2350 = vector.shape_cast %swap3A_2349 : vector<1x64x256xf32> to vector<64x256xf32>
    %swap3A_2351 = vector.shape_cast %add3A_2345 : vector<64x256xf32> to vector<1x64x256xf32>
    tpu.vector_store %arg8[%swap3A_2346, %swap3A_2347, %swap3A_2348], %swap3A_2351 {strides = array<i32>} : memref<40x64x256xf32, #tpu.memory_space<vmem>>, vector<1x64x256xf32>,
    %mul3A_2352 = arith.constant 40 : i32
    %mul3A_2353 = arith.muli %arg0, %mul3A_2352 : i32
    %add3A_2354 = arith.constant 37 : i32
    %add3A_2355 = arith.addi %mul3A_2353, %add3A_2354 : i32
    %jit3A_2356 = arith.constant 20 : i32
    %div3A_2357 = arith.divsi %add3A_2355, %jit3A_2356 : i32
    %sign3A_2358 = arith.constant 0 : i32
    %sign3A_2359 = arith.cmpi sgt, %add3A_2355, %sign3A_2358 : i32
    %sign3A_2360 = arith.extui %sign3A_2359 : i1 to i32
    %sign3A_2361 = arith.constant 0 : i32
    %sign3A_2362 = arith.cmpi slt, %add3A_2355, %sign3A_2361 : i32
    %sign3A_2363 = arith.extui %sign3A_2362 : i1 to i32
    %sign3A_2364 = arith.subi %sign3A_2360, %sign3A_2363 : i32
    %sign3A_2365 = arith.constant 0 : i32
    %sign3A_2366 = arith.cmpi sgt, %jit3A_2356, %sign3A_2365 : i32
    %sign3A_2367 = arith.extui %sign3A_2366 : i1 to i32
    %sign3A_2368 = arith.constant 0 : i32
    %sign3A_2369 = arith.cmpi slt, %jit3A_2356, %sign3A_2368 : i32
    %sign3A_2370 = arith.extui %sign3A_2369 : i1 to i32
    %sign3A_2371 = arith.subi %sign3A_2367, %sign3A_2370 : i32
    %ne3A_2372 = arith.cmpi ne, %sign3A_2364, %sign3A_2371 : i32
    %rem3A_2373 = arith.remsi %add3A_2355, %jit3A_2356 : i32
    %ne3A_2374 = arith.constant 0 : i32
    %ne3A_2375 = arith.cmpi ne, %rem3A_2373, %ne3A_2374 : i32
    %and3A_2376 = arith.andi %ne3A_2372, %ne3A_2375 : i1
    %sub3A_2377 = arith.constant 1 : i32
    %sub3A_2378 = arith.subi %div3A_2357, %sub3A_2377 : i32
    %select_n3A_2379 = arith.select %and3A_2376, %sub3A_2378, %div3A_2357 : i32
    %mul3A_2380 = arith.constant 20 : i32
    %mul3A_2381 = arith.muli %select_n3A_2379, %mul3A_2380 : i32
    %sub3A_2382 = arith.subi %add3A_2355, %mul3A_2381 : i32
    %lt3A_2383 = vector.broadcast %select_n3A_2379 : i32 to vector<1x256xi32>
    %lt3A_2384 = arith.cmpi slt, %lt3A_2383, %get3A_30 : vector<1x256xi32>
    %lt3A_2385 = vector.broadcast %sub3A_2382 : i32 to vector<1x256xi32>
    %lt3A_2386 = arith.cmpi slt, %lt3A_2385, %get3A_30 : vector<1x256xi32>
    %and3A_2387 = arith.andi %lt3A_2384, %lt3A_2386 : vector<1x256xi1>
    %get3A_2388 = arith.constant 74 : index
    %get3A_2389 = arith.constant 0 : index
    %get3A_2390 = vector.load %arg3[%get3A_2388, %get3A_2389] : memref<80x256xf32, #tpu.memory_space<vmem>>, vector<1x256xf32>
    %get3A_2391 = arith.constant 75 : index
    %get3A_2392 = arith.constant 0 : index
    %get3A_2393 = vector.load %arg3[%get3A_2391, %get3A_2392] : memref<80x256xf32, #tpu.memory_space<vmem>>, vector<1x256xf32>
    %broadcast_in_dim3A_2394 = vector.shape_cast %and3A_2387 : vector<1x256xi1> to vector<1x256xi1>
    %broadcast_in_dim3A_2395 = vector.broadcast %broadcast_in_dim3A_2394 : vector<1x256xi1> to vector<64x256xi1>
    %select_n3A_2396 = arith.select %broadcast_in_dim3A_2395, %broadcast_in_dim3A_15, %broadcast_in_dim3A_12 : vector<64x256xi1>, vector<64x256xf32>
    %broadcast_in_dim3A_2397 = vector.shape_cast %and3A_2387 : vector<1x256xi1> to vector<1x256xi1>
    %broadcast_in_dim3A_2398 = vector.broadcast %broadcast_in_dim3A_2397 : vector<1x256xi1> to vector<64x256xi1>
    %select_n3A_2399 = arith.select %broadcast_in_dim3A_2398, %broadcast_in_dim3A_21, %broadcast_in_dim3A_18 : vector<64x256xi1>, vector<64x256xf32>
    %broadcast_in_dim3A_2400 = vector.shape_cast %and3A_2387 : vector<1x256xi1> to vector<1x256xi1>
    %broadcast_in_dim3A_2401 = vector.broadcast %broadcast_in_dim3A_2400 : vector<1x256xi1> to vector<64x256xi1>
    %select_n3A_2402 = arith.select %broadcast_in_dim3A_2401, %broadcast_in_dim3A_27, %broadcast_in_dim3A_24 : vector<64x256xi1>, vector<64x256xf32>
    %mul3A_2403 = vector.broadcast %get3A_2390 : vector<1x256xf32> to vector<64x256xf32>
    %mul3A_2404 = arith.mulf %mul3A_2403, %select_n3A_2399 : vector<64x256xf32>
    %add3A_2405 = arith.addf %select_n3A_2396, %mul3A_2404 : vector<64x256xf32>
    %mul3A_2406 = vector.broadcast %get3A_2393 : vector<1x256xf32> to vector<64x256xf32>
    %mul3A_2407 = arith.mulf %mul3A_2406, %select_n3A_2402 : vector<64x256xf32>
    %add3A_2408 = arith.addf %add3A_2405, %mul3A_2407 : vector<64x256xf32>
    %swap3A_2409 = arith.constant 37 : index
    %swap3A_2410 = arith.constant 0 : index
    %swap3A_2411 = arith.constant 0 : index
    %swap3A_2412 = vector.load %arg8[%swap3A_2409, %swap3A_2410, %swap3A_2411] : memref<40x64x256xf32, #tpu.memory_space<vmem>>, vector<1x64x256xf32>
    %swap3A_2413 = vector.shape_cast %swap3A_2412 : vector<1x64x256xf32> to vector<64x256xf32>
    %swap3A_2414 = vector.shape_cast %add3A_2408 : vector<64x256xf32> to vector<1x64x256xf32>
    tpu.vector_store %arg8[%swap3A_2409, %swap3A_2410, %swap3A_2411], %swap3A_2414 {strides = array<i32>} : memref<40x64x256xf32, #tpu.memory_space<vmem>>, vector<1x64x256xf32>,
    %mul3A_2415 = arith.constant 40 : i32
    %mul3A_2416 = arith.muli %arg0, %mul3A_2415 : i32
    %add3A_2417 = arith.constant 38 : i32
    %add3A_2418 = arith.addi %mul3A_2416, %add3A_2417 : i32
    %jit3A_2419 = arith.constant 20 : i32
    %div3A_2420 = arith.divsi %add3A_2418, %jit3A_2419 : i32
    %sign3A_2421 = arith.constant 0 : i32
    %sign3A_2422 = arith.cmpi sgt, %add3A_2418, %sign3A_2421 : i32
    %sign3A_2423 = arith.extui %sign3A_2422 : i1 to i32
    %sign3A_2424 = arith.constant 0 : i32
    %sign3A_2425 = arith.cmpi slt, %add3A_2418, %sign3A_2424 : i32
    %sign3A_2426 = arith.extui %sign3A_2425 : i1 to i32
    %sign3A_2427 = arith.subi %sign3A_2423, %sign3A_2426 : i32
    %sign3A_2428 = arith.constant 0 : i32
    %sign3A_2429 = arith.cmpi sgt, %jit3A_2419, %sign3A_2428 : i32
    %sign3A_2430 = arith.extui %sign3A_2429 : i1 to i32
    %sign3A_2431 = arith.constant 0 : i32
    %sign3A_2432 = arith.cmpi slt, %jit3A_2419, %sign3A_2431 : i32
    %sign3A_2433 = arith.extui %sign3A_2432 : i1 to i32
    %sign3A_2434 = arith.subi %sign3A_2430, %sign3A_2433 : i32
    %ne3A_2435 = arith.cmpi ne, %sign3A_2427, %sign3A_2434 : i32
    %rem3A_2436 = arith.remsi %add3A_2418, %jit3A_2419 : i32
    %ne3A_2437 = arith.constant 0 : i32
    %ne3A_2438 = arith.cmpi ne, %rem3A_2436, %ne3A_2437 : i32
    %and3A_2439 = arith.andi %ne3A_2435, %ne3A_2438 : i1
    %sub3A_2440 = arith.constant 1 : i32
    %sub3A_2441 = arith.subi %div3A_2420, %sub3A_2440 : i32
    %select_n3A_2442 = arith.select %and3A_2439, %sub3A_2441, %div3A_2420 : i32
    %mul3A_2443 = arith.constant 20 : i32
    %mul3A_2444 = arith.muli %select_n3A_2442, %mul3A_2443 : i32
    %sub3A_2445 = arith.subi %add3A_2418, %mul3A_2444 : i32
    %lt3A_2446 = vector.broadcast %select_n3A_2442 : i32 to vector<1x256xi32>
    %lt3A_2447 = arith.cmpi slt, %lt3A_2446, %get3A_30 : vector<1x256xi32>
    %lt3A_2448 = vector.broadcast %sub3A_2445 : i32 to vector<1x256xi32>
    %lt3A_2449 = arith.cmpi slt, %lt3A_2448, %get3A_30 : vector<1x256xi32>
    %and3A_2450 = arith.andi %lt3A_2447, %lt3A_2449 : vector<1x256xi1>
    %get3A_2451 = arith.constant 76 : index
    %get3A_2452 = arith.constant 0 : index
    %get3A_2453 = vector.load %arg3[%get3A_2451, %get3A_2452] : memref<80x256xf32, #tpu.memory_space<vmem>>, vector<1x256xf32>
    %get3A_2454 = arith.constant 77 : index
    %get3A_2455 = arith.constant 0 : index
    %get3A_2456 = vector.load %arg3[%get3A_2454, %get3A_2455] : memref<80x256xf32, #tpu.memory_space<vmem>>, vector<1x256xf32>
    %broadcast_in_dim3A_2457 = vector.shape_cast %and3A_2450 : vector<1x256xi1> to vector<1x256xi1>
    %broadcast_in_dim3A_2458 = vector.broadcast %broadcast_in_dim3A_2457 : vector<1x256xi1> to vector<64x256xi1>
    %select_n3A_2459 = arith.select %broadcast_in_dim3A_2458, %broadcast_in_dim3A_15, %broadcast_in_dim3A_12 : vector<64x256xi1>, vector<64x256xf32>
    %broadcast_in_dim3A_2460 = vector.shape_cast %and3A_2450 : vector<1x256xi1> to vector<1x256xi1>
    %broadcast_in_dim3A_2461 = vector.broadcast %broadcast_in_dim3A_2460 : vector<1x256xi1> to vector<64x256xi1>
    %select_n3A_2462 = arith.select %broadcast_in_dim3A_2461, %broadcast_in_dim3A_21, %broadcast_in_dim3A_18 : vector<64x256xi1>, vector<64x256xf32>
    %broadcast_in_dim3A_2463 = vector.shape_cast %and3A_2450 : vector<1x256xi1> to vector<1x256xi1>
    %broadcast_in_dim3A_2464 = vector.broadcast %broadcast_in_dim3A_2463 : vector<1x256xi1> to vector<64x256xi1>
    %select_n3A_2465 = arith.select %broadcast_in_dim3A_2464, %broadcast_in_dim3A_27, %broadcast_in_dim3A_24 : vector<64x256xi1>, vector<64x256xf32>
    %mul3A_2466 = vector.broadcast %get3A_2453 : vector<1x256xf32> to vector<64x256xf32>
    %mul3A_2467 = arith.mulf %mul3A_2466, %select_n3A_2462 : vector<64x256xf32>
    %add3A_2468 = arith.addf %select_n3A_2459, %mul3A_2467 : vector<64x256xf32>
    %mul3A_2469 = vector.broadcast %get3A_2456 : vector<1x256xf32> to vector<64x256xf32>
    %mul3A_2470 = arith.mulf %mul3A_2469, %select_n3A_2465 : vector<64x256xf32>
    %add3A_2471 = arith.addf %add3A_2468, %mul3A_2470 : vector<64x256xf32>
    %swap3A_2472 = arith.constant 38 : index
    %swap3A_2473 = arith.constant 0 : index
    %swap3A_2474 = arith.constant 0 : index
    %swap3A_2475 = vector.load %arg8[%swap3A_2472, %swap3A_2473, %swap3A_2474] : memref<40x64x256xf32, #tpu.memory_space<vmem>>, vector<1x64x256xf32>
    %swap3A_2476 = vector.shape_cast %swap3A_2475 : vector<1x64x256xf32> to vector<64x256xf32>
    %swap3A_2477 = vector.shape_cast %add3A_2471 : vector<64x256xf32> to vector<1x64x256xf32>
    tpu.vector_store %arg8[%swap3A_2472, %swap3A_2473, %swap3A_2474], %swap3A_2477 {strides = array<i32>} : memref<40x64x256xf32, #tpu.memory_space<vmem>>, vector<1x64x256xf32>,
    %mul3A_2478 = arith.constant 40 : i32
    %mul3A_2479 = arith.muli %arg0, %mul3A_2478 : i32
    %add3A_2480 = arith.constant 39 : i32
    %add3A_2481 = arith.addi %mul3A_2479, %add3A_2480 : i32
    %jit3A_2482 = arith.constant 20 : i32
    %div3A_2483 = arith.divsi %add3A_2481, %jit3A_2482 : i32
    %sign3A_2484 = arith.constant 0 : i32
    %sign3A_2485 = arith.cmpi sgt, %add3A_2481, %sign3A_2484 : i32
    %sign3A_2486 = arith.extui %sign3A_2485 : i1 to i32
    %sign3A_2487 = arith.constant 0 : i32
    %sign3A_2488 = arith.cmpi slt, %add3A_2481, %sign3A_2487 : i32
    %sign3A_2489 = arith.extui %sign3A_2488 : i1 to i32
    %sign3A_2490 = arith.subi %sign3A_2486, %sign3A_2489 : i32
    %sign3A_2491 = arith.constant 0 : i32
    %sign3A_2492 = arith.cmpi sgt, %jit3A_2482, %sign3A_2491 : i32
    %sign3A_2493 = arith.extui %sign3A_2492 : i1 to i32
    %sign3A_2494 = arith.constant 0 : i32
    %sign3A_2495 = arith.cmpi slt, %jit3A_2482, %sign3A_2494 : i32
    %sign3A_2496 = arith.extui %sign3A_2495 : i1 to i32
    %sign3A_2497 = arith.subi %sign3A_2493, %sign3A_2496 : i32
    %ne3A_2498 = arith.cmpi ne, %sign3A_2490, %sign3A_2497 : i32
    %rem3A_2499 = arith.remsi %add3A_2481, %jit3A_2482 : i32
    %ne3A_2500 = arith.constant 0 : i32
    %ne3A_2501 = arith.cmpi ne, %rem3A_2499, %ne3A_2500 : i32
    %and3A_2502 = arith.andi %ne3A_2498, %ne3A_2501 : i1
    %sub3A_2503 = arith.constant 1 : i32
    %sub3A_2504 = arith.subi %div3A_2483, %sub3A_2503 : i32
    %select_n3A_2505 = arith.select %and3A_2502, %sub3A_2504, %div3A_2483 : i32
    %mul3A_2506 = arith.constant 20 : i32
    %mul3A_2507 = arith.muli %select_n3A_2505, %mul3A_2506 : i32
    %sub3A_2508 = arith.subi %add3A_2481, %mul3A_2507 : i32
    %lt3A_2509 = vector.broadcast %select_n3A_2505 : i32 to vector<1x256xi32>
    %lt3A_2510 = arith.cmpi slt, %lt3A_2509, %get3A_30 : vector<1x256xi32>
    %lt3A_2511 = vector.broadcast %sub3A_2508 : i32 to vector<1x256xi32>
    %lt3A_2512 = arith.cmpi slt, %lt3A_2511, %get3A_30 : vector<1x256xi32>
    %and3A_2513 = arith.andi %lt3A_2510, %lt3A_2512 : vector<1x256xi1>
    %get3A_2514 = arith.constant 78 : index
    %get3A_2515 = arith.constant 0 : index
    %get3A_2516 = vector.load %arg3[%get3A_2514, %get3A_2515] : memref<80x256xf32, #tpu.memory_space<vmem>>, vector<1x256xf32>
    %get3A_2517 = arith.constant 79 : index
    %get3A_2518 = arith.constant 0 : index
    %get3A_2519 = vector.load %arg3[%get3A_2517, %get3A_2518] : memref<80x256xf32, #tpu.memory_space<vmem>>, vector<1x256xf32>
    %broadcast_in_dim3A_2520 = vector.shape_cast %and3A_2513 : vector<1x256xi1> to vector<1x256xi1>
    %broadcast_in_dim3A_2521 = vector.broadcast %broadcast_in_dim3A_2520 : vector<1x256xi1> to vector<64x256xi1>
    %select_n3A_2522 = arith.select %broadcast_in_dim3A_2521, %broadcast_in_dim3A_15, %broadcast_in_dim3A_12 : vector<64x256xi1>, vector<64x256xf32>
    %broadcast_in_dim3A_2523 = vector.shape_cast %and3A_2513 : vector<1x256xi1> to vector<1x256xi1>
    %broadcast_in_dim3A_2524 = vector.broadcast %broadcast_in_dim3A_2523 : vector<1x256xi1> to vector<64x256xi1>
    %select_n3A_2525 = arith.select %broadcast_in_dim3A_2524, %broadcast_in_dim3A_21, %broadcast_in_dim3A_18 : vector<64x256xi1>, vector<64x256xf32>
    %broadcast_in_dim3A_2526 = vector.shape_cast %and3A_2513 : vector<1x256xi1> to vector<1x256xi1>
    %broadcast_in_dim3A_2527 = vector.broadcast %broadcast_in_dim3A_2526 : vector<1x256xi1> to vector<64x256xi1>
    %select_n3A_2528 = arith.select %broadcast_in_dim3A_2527, %broadcast_in_dim3A_27, %broadcast_in_dim3A_24 : vector<64x256xi1>, vector<64x256xf32>
    %mul3A_2529 = vector.broadcast %get3A_2516 : vector<1x256xf32> to vector<64x256xf32>
    %mul3A_2530 = arith.mulf %mul3A_2529, %select_n3A_2525 : vector<64x256xf32>
    %add3A_2531 = arith.addf %select_n3A_2522, %mul3A_2530 : vector<64x256xf32>
    %mul3A_2532 = vector.broadcast %get3A_2519 : vector<1x256xf32> to vector<64x256xf32>
    %mul3A_2533 = arith.mulf %mul3A_2532, %select_n3A_2528 : vector<64x256xf32>
    %add3A_2534 = arith.addf %add3A_2531, %mul3A_2533 : vector<64x256xf32>
    %swap3A_2535 = arith.constant 39 : index
    %swap3A_2536 = arith.constant 0 : index
    %swap3A_2537 = arith.constant 0 : index
    %swap3A_2538 = vector.load %arg8[%swap3A_2535, %swap3A_2536, %swap3A_2537] : memref<40x64x256xf32, #tpu.memory_space<vmem>>, vector<1x64x256xf32>
    %swap3A_2539 = vector.shape_cast %swap3A_2538 : vector<1x64x256xf32> to vector<64x256xf32>
    %swap3A_2540 = vector.shape_cast %add3A_2534 : vector<64x256xf32> to vector<1x64x256xf32>
    tpu.vector_store %arg8[%swap3A_2535, %swap3A_2536, %swap3A_2537], %swap3A_2540 {strides = array<i32>} : memref<40x64x256xf32, #tpu.memory_space<vmem>>, vector<1x64x256xf32>,
    return
  }
  func.func @transform_0(%arg0: i32, %arg1: i32) -> (i32, i32) {
    %c0_i32 = arith.constant 0 : i32
    %c0_i32_0 = arith.constant 0 : i32
    return %c0_i32, %arg1 : i32, i32
  }
  func.func @transform_1(%arg0: i32, %arg1: i32) -> (i32, i32) {
    %c0_i32 = arith.constant 0 : i32
    return %arg0, %arg1 : i32, i32
  }
  func.func @transform_2(%arg0: i32, %arg1: i32) -> (i32, i32) {
    %c0_i32 = arith.constant 0 : i32
    %c0_i32_0 = arith.constant 0 : i32
    %c0_i32_1 = arith.constant 0 : i32
    return %c0_i32, %c0_i32_0 : i32, i32
  }
  func.func @transform_3(%arg0: i32, %arg1: i32) -> (i32, i32) {
    %c0_i32 = arith.constant 0 : i32
    %c0_i32_0 = arith.constant 0 : i32
    %c0_i32_1 = arith.constant 0 : i32
    return %c0_i32, %c0_i32_0 : i32, i32
  }
  func.func @transform_4(%arg0: i32, %arg1: i32) -> (i32, i32) {
    %c0_i32 = arith.constant 0 : i32
    %c0_i32_0 = arith.constant 0 : i32
    %c0_i32_1 = arith.constant 0 : i32
    return %c0_i32, %c0_i32_0 : i32, i32
  }
  func.func @transform_5(%arg0: i32, %arg1: i32) -> (i32, i32) {
    %c0_i32 = arith.constant 0 : i32
    %c0_i32_0 = arith.constant 0 : i32
    %c0_i32_1 = arith.constant 0 : i32
    return %c0_i32, %c0_i32_0 : i32, i32
  }
  func.func @transform_6(%arg0: i32, %arg1: i32) -> (i32, i32, i32) {
    %c0_i32 = arith.constant 0 : i32
    %c0_i32_0 = arith.constant 0 : i32
    return %arg0, %c0_i32, %arg1 : i32, i32, i32
  }
}

</mosaic_0001>

<sc_bundles>
// kernel: kernel.4.cloned.1.call-start
scs
__scs_entry_jumppad:
0x0: {  	(pc) =	sbr.rel $0x88, $3  }
0x1: {  	(tag) =	ssettag $0x0;
	lr =	simm.s32 $0x1  }
0x2: {  	[smem:$0x3F97] =	sst lr;
	_ =	strace $0xD0000000  }
0x3: {  	_ = 	snop  }
0x4: {  	_ = 	snop  }
0x5: {  	_ = 	snop  }
0x6: {  	_ = 	snop  }
0x7: {  	_ = 	snop  }
__scs_overlays_trampoline_lowered:
0x8: {  	[smem:$0x3FA6] =	sst s0  }
0x9: {  	[smem:$0x3FA7] =	sst s1  }
0xa: {  	[smem:$0x3FA8] =	sst s2  }
0xb: {  	[smem:$0x3FA9] =	sst s3  }
0xc: {  	[smem:$0x3FAA] =	sst s4  }
0xd: {  	[smem:$0x3FAB] =	sst s5  }
0xe: {  	[smem:$0x3FAC] =	sst s6  }
0xf: {  	[smem:$0x3FAD] =	sst s7  }
0x10: {  	[smem:$0x3FAE] =	sst s8  }
0x11: {  	[smem:$0x3FAF] =	sst s9;
	s0 =	simm.s32 @!p0 $0x0  }
0x12: {  	s1 =	sld [smem:$0x3F95];
	s0 =	simm.s32 @p0 $0x1  }
0x13: {  	[smem:$0x3FB0] =	sst s0;
	s0 =	simm.s32 @!p1 $0x0  }
0x14: {  	s2 =	sld [smem:$0x3F94];
	s0 =	simm.s32 @p1 $0x1  }
0x15: {  	[smem:$0x3FB1] =	sst s0;
	s0 =	simm.s32 @!p2 $0x0  }
0x16: {  	s3 =	sld [smem:$0x3FDB];
	s0 =	simm.s32 @p2 $0x1  }
0x17: {  	s4 =	simm.s32 $0x1BF5;
	[smem:$0x3FB3] =	sst s0  }
0x18: {  	s0 =	sld [smem:$0x3F96];
	_ =	swait.ge [sflag:s4], $0x0  }
0x19: {  	s7 =	sld [smem:$0x3F97]  }
0x1a: {  	s8 =	sadd.s32 $0xFFFFE003, lr  }
0x1b: {  	s9 =	sadd.s32 $0xFFFFFEF7, lr;
	s5 =	simm.s32 $0xFFFFFFFF;
	p2 =	slt.u32 s8, $0xFFFFF086  }
0x1c: {  	p1 =	slt.u32 s9, $0xF7A;
	s5 =	simm.s32 @!p2 $0x0  }
0x1d: {  	s5 =	simm.s32 @p1 $0x1;
	p0 =	seq.s32 s7, s2  }
0x1e: {  	s7 =	smul.u32 @!p0 $0xF7A, s2;
	p2 =	seq.s32 @!p0 s5, $0x0  }
0x1f: {  	s9 =	smul.u32 $0xF7A, s1;
	s8 =	simm.s32 @!p0 $0x1BF5;
	p2 =	por !p2, p0  }
0x20: {  	[sflag:s8] =	ssyncset.s32 @!p0 $0xFFFFF086;
	s6 =	sadd.s32 @!p0 s3, s7;
	s7 =	simm.s32 @!p0 $0x108  }
0x21: {  	s3 =	sadd.s32 s3, s9;
	s6 =	sadd.s32 @!p0 $0x88, s6;
	s7 =	simm.s32 @p2 $0x1082  }
0x22: {  	[simem:s7], [sflag:s8] =	dma.local @!p0 [hbm:s6], $0xF7A  }
0x23: {  	s9 =	sor.u32 $0xD0000000, s2;
	s6 =	simm.s32 $0x108;
	_ =	swait.ge @!p0 [sflag:s8], $0x0  }
0x24: {  	s3 =	sadd.s32 $0x88, s3;
	s6 =	simm.s32 @!p1 $0x1082;
	[sflag:s4] =	ssyncset.s32 $0xFFFFF086  }
0x25: {  	[simem:s6], [sflag:s4] =	dma.local [hbm:s3], $0xF7A  }
0x26: {  	[smem:$0x3F97] =	sst s1;
	(tag) =	ssettag s2;
	_ =	strace s9  }
0x27: {  	s1 =	sld [smem:$0x3FA7]  }
0x28: {  	s2 =	sld [smem:$0x3FA8]  }
0x29: {  	s4 =	sld [smem:$0x3FAA]  }
0x2a: {  	p0 =	seq.s32 s5, $0x0;
	s5 =	sld [smem:$0x3FAB]  }
0x2b: {  	s6 =	sld [smem:$0x3FAC]  }
0x2c: {  	s7 =	sld [smem:$0x3FAD]  }
0x2d: {  	s3 =	simm.s32 $0x108;
	s8 =	sld [smem:$0x3FAE]  }
0x2e: {  	s3 =	simm.s32 @!p0 $0x1082;
	s9 =	sld [smem:$0x3FAF]  }
0x2f: {  	lr =	sadd.s32 s0, s3;
	s0 =	sld [smem:$0x3FA6]  }
0x30: {  	s3 =	sld [smem:$0x3FA9]  }
0x31: {  	[smem:$0x3FB2] =	sst s10  }
0x32: {  	s10 =	sld [smem:$0x3FB0];
	_ =	sdelay $0x3  }
0x33: {  	p0 =	seq.s32 s10, $0x1;
	s10 =	sld [smem:$0x3FB2];
	_ =	sdelay $0x3  }
0x34: {  	[smem:$0x3FB2] =	sst s10  }
0x35: {  	s10 =	sld [smem:$0x3FB1];
	_ =	sdelay $0x3  }
0x36: {  	p1 =	seq.s32 s10, $0x1;
	s10 =	sld [smem:$0x3FB2];
	_ =	sdelay $0x3  }
0x37: {  	[smem:$0x3FB2] =	sst s10  }
0x38: {  	s10 =	sld [smem:$0x3FB3]  }
0x39: {  	_ = 	snop;
	(pc) =	sbr.ind lr, $3  }
0x3a: {  	_ = 	snop  }
0x3b: {  	_ = 	snop  }
0x3c: {  	p2 =	seq.s32 s10, $0x1;
	s10 =	sld [smem:$0x3FB2]  }
0x3d: {  	_ =	shalt  }
0x3e: {  	_ =	shalt  }
0x3f: {  	_ =	shalt  }
0x40: {  	_ =	shalt  }
0x41: {  	_ =	shalt  }
0x42: {  	_ =	shalt  }
0x43: {  	_ =	shalt  }
0x44: {  	_ =	shalt  }
0x45: {  	_ =	shalt  }
0x46: {  	_ =	shalt  }
0x47: {  	_ =	shalt  }
0x48: {  	_ =	shalt  }
0x49: {  	_ =	shalt  }
0x4a: {  	_ =	shalt  }
0x4b: {  	_ =	shalt  }
0x4c: {  	_ =	shalt  }
0x4d: {  	_ =	shalt  }
0x4e: {  	_ =	shalt  }
0x4f: {  	_ =	shalt  }
0x50: {  	_ =	shalt  }
0x51: {  	_ =	shalt  }
0x52: {  	_ =	shalt  }
0x53: {  	_ =	shalt  }
0x54: {  	_ =	shalt  }
0x55: {  	_ =	shalt  }
0x56: {  	_ =	shalt  }
0x57: {  	_ =	shalt  }
0x58: {  	_ =	shalt  }
0x59: {  	_ =	shalt  }
0x5a: {  	_ =	shalt  }
0x5b: {  	_ =	shalt  }
0x5c: {  	_ =	shalt  }
0x5d: {  	_ =	shalt  }
0x5e: {  	_ =	shalt  }
0x5f: {  	_ =	shalt  }
0x60: {  	_ =	shalt  }
0x61: {  	_ =	shalt  }
0x62: {  	_ =	shalt  }
0x63: {  	_ =	shalt  }
0x64: {  	_ =	shalt  }
0x65: {  	_ =	shalt  }
0x66: {  	_ =	shalt  }
0x67: {  	_ =	shalt  }
0x68: {  	_ =	shalt  }
0x69: {  	_ =	shalt  }
0x6a: {  	_ =	shalt  }
0x6b: {  	_ =	shalt  }
0x6c: {  	_ =	shalt  }
0x6d: {  	_ =	shalt  }
0x6e: {  	_ =	shalt  }
0x6f: {  	_ =	shalt  }
0x70: {  	_ =	shalt  }
0x71: {  	_ =	shalt  }
0x72: {  	_ =	shalt  }
0x73: {  	_ =	shalt  }
0x74: {  	_ =	shalt  }
0x75: {  	_ =	shalt  }
0x76: {  	_ =	shalt  }
0x77: {  	_ =	shalt  }
0x78: {  	_ =	shalt  }
0x79: {  	_ =	shalt  }
0x7a: {  	_ =	shalt  }
0x7b: {  	_ =	shalt  }
0x7c: {  	_ =	shalt  }
0x7d: {  	_ =	shalt  }
0x7e: {  	_ =	shalt  }
0x7f: {  	_ =	shalt  }
0x80: {  	_ =	shalt  }
0x81: {  	_ =	shalt  }
0x82: {  	_ =	shalt  }
0x83: {  	_ =	shalt  }
0x84: {  	_ =	shalt  }
0x85: {  	_ =	shalt  }
0x86: {  	_ =	shalt  }
0x87: {  	_ =	shalt  }
.Lfunc_end0:
.L_simem_size_0:
called_computation_lowered:
.L_overlay_start_0:
0x88: {  	s2 =	sld [smem:$0x3FD9]  }
0x89: {  	s3 =	sld [smem:$0x3FFE];
	_ =	sdelay $0x1  }
0x8a: {  	s1 =	srdreg.scid  }
0x8b: {  	s0 =	sand.u32 $0x1, s1  }
0x8c: {  	s14 =	sshll.u32 s0, $0xA;
	s2 =	sadd.s32 s3, s2  }
0x8d: {  	s2 =	sadd.s32 s2, s14  }
0x8e: {  	[smem:$0x3FBE] =	sst s2  }
0x8f: {  	_ = 	snop  }
0x90: {  	s2 =	sld [smem:$0x3FD0];
	_ =	sdelay $0x2  }
0x91: {  	s15 =	simm.s32 $0xA;
	s4 =	simm.s32 $0x10  }
0x92: {  	[smem:s4], [sflag:s15] =	dma.local [hbm:s2], $0x1  }
0x93: {  	_ =	swait.eq [sflag:s15], $0x1  }
0x94: {  	[sflag:s15] =	ssyncset.done $0x0  }
0x95: {  	[sflag:s15] =	ssyncadd.s32 $0xFFFFFFFF  }
0x96: {  	s16 =	sld [smem:$0x10];
	(tm) =	ssettm $0x1  }
0x97: {  	s17 =	sld [smem:$0x3FFB];
	_ =	sdelay $0x3  }
0x98: {  	_ =	strace s17  }
0x99: {  	s3 =	sld [smem:$0x3FFC];
	_ =	sdelay $0x3  }
0x9a: {  	_ =	strace s3  }
0x9b: {  	s3 =	sld [smem:$0x3FFD];
	_ =	sdelay $0x3  }
0x9c: {  	_ =	strace s3  }
0x9d: {  	_ =	strace $0x8FFFFFFF  }
0x9e: {  	s18 =	sld [smem:$0x3FDB];
	_ =	sdelay $0x1  }
0x9f: {  	s19 =	simm.s32 $_scs_section_size  }
0xa0: {  	s5 =	simm.s32 $_size__tile_overlayer_lowered;
	s6 =	simm.s32 $_tile_overlayer_lowered  }
0xa1: {  	s22 =	simm.s32 $0x1BFF;
	s21 =	sshll.u32 s6, $0x1;
	s3 =	sadd.s32 s19, s18  }
0xa2: {  	s7 =	simm.s32 $0x0;
	s20 =	sshll.u32 s5, $0x1;
	s5 =	sadd.s32 s21, s3  }
0xa3: {  	[timem:s7], [sflag:s22] =	dma.local [hbm:s5], s20  }
0xa4: {  	_ =	swait.ge [sflag:s22], s20  }
0xa5: {  	s4 =	ssub.s32 $0x0, s20;
	[sflag:s22] =	ssyncset.done $0x0  }
0xa6: {  	[sflag:s22] =	ssyncadd.s32 s4;
	_ =	sdelay $0x1  }
0xa7: {  	s23 =	simm.s32 $0x1B8B  }
0xa8: {  	_ =	swait.ge [sflag:s23], $0x1  }
0xa9: {  	[sflag:s23] =	ssyncset.done $0x0  }
0xaa: {  	s25 =	simm.s32 $0x1B8E;
	s24 =	sld [smem:$0x3FFE];
	[sflag:s23] =	ssyncadd.s32 $0xFFFFFFFF  }
0xab: {  	s26 =	simm.s32 $execute0_lowered;
	[smem:$0x3FD2] =	sst s25  }
0xac: {  	s5 =	sshll.u32 s26, $0x1;
	_ =	strace $0x80000046;
	[dreg:$0x1] =	wrdreg $0xFFFFFFFF  }
0xad: {  	s28 =	simm.s32 $_size_execute0_lowered;
	s3 =	sadd.s32 s3, s5;
	[dreg:$0x0] =	wrdreg $0x0  }
0xae: {  	s5 =	sshll.u32 s28, $0x1;
	[dreg:$0x2] =	wrdreg s3  }
0xaf: {  	[dreg:$0x3] =	wrdreg s5  }
0xb0: {  	[dreg:$0x4] =	wrdreg $0xC0  }
0xb1: {  	_ =	task [dreg:s7], $0x5FFFF  }
0xb2: {  	[dreg:$0x1] =	wrdreg $0xFFFFFFFF  }
0xb3: {  	[dreg:$0x0] =	wrdreg $0x60  }
0xb4: {  	[dreg:$0x2] =	wrdreg s24  }
0xb5: {  	[dreg:$0x3] =	wrdreg s16  }
0xb6: {  	[dreg:$0x4] =	wrdreg $0x9  }
0xb7: {  	_ =	task.clear_ibuf [dreg:s7], $0x5FFFF;
	_ =	strace $0x90000046  }
0xb8: {  	s29 =	simm.s32 $0x9;
	_ =	strace $0x80000048  }
0xb9: {  	_ =	swait.ge [sflag:s29], $0x1  }
0xba: {  	[sflag:s29] =	ssyncadd.s32 $0xFFFFFFFF  }
0xbb: {  	_ =	strace $0x90000048  }
0xbc: {  	_ =	sfence  }
0xbd: {  	s30 =	sld [smem:$0x0];
	_ =	sdelay $0x2  }
0xbe: {  	s31 =	sshll.u32 s1, $0xD;
	s1 =	sshrl.u32 s1, $0x2  }
0xbf: {  	s3 =	sand.u32 $0x4000, s31;
	s1 =	sadd.s32 s1, s30  }
0xc0: {  	s0 =	sor.u32 s3, s0;
	s1 =	sshll.u32 s1, $0x11  }
0xc1: {  	s0 =	sor.u32 s1, s0  }
0xc2: {  	s0 =	sadd.s32 $0x8F2B, s0  }
0xc3: {  	[sflag:s0] =	ssyncadd.remote.s32 $0x1  }
0xc4: {  	_ =	sfence.sel $0xFFFF  }
0xc5: {  	[dreg:$0x0] =	wrdreg $0xFFFFFFFF;
	(pc) =	sbr.abs _section_cstart, $3  }
0xc6: {  	[dreg:$0x1] =	wrdreg $0xFFFFFFFF  }
0xc7: {  	_ =	task.clear_ibuf [dreg:s7], $0x2FFFF;
	_ =	strace $0x9FFFFFFF  }
0xc8: {  	(tm) =	ssettm $0x7FFFFFFF  }
0xc9: {  	_ =	shalt  }
tec
execute0_lowered:
.L_overlay_start_1:
0x0: {  	(tag) =	ssettag $0x1  }
0x1: {  	v1 =	vimm.s32 $0xDAFC9EB8  }
0x2: {  	s0 =	rddreg [dreg:$0x0];
	vm0 =	vcmask $0xB08;
	vm1 =	vcmask $0x1310;
	v4 =	vimm.s32 $0xECA86420  }
0x3: {  	s1 =	rddreg [dreg:$0x1];
	vm2 =	vcmask $0x1B18;
	vm3 =	vcmask $0x300;
	vm4 =	vcmask $0x2320  }
0x4: {  	s3 =	srdreg.scid;
	s2 =	stileid.u32;
	s4 =	simm.s32 $0x0;
	vm5 =	vcmask $0x2B28;
	vm6 =	vcmask $0x3330;
	vm7 =	vcmask $0x3B38  }
0x5: {  	vm8 =	vcmask $0x704;
	vm9 =	vcmask $0xF0C;
	vm10 =	vcmask $0x1714;
	s5 =	sand.u32 $0x1, s3;
	s24 =	sshll.u32 s2, $0x1;
	[smem:$0x7FF] =	sst s4  }
0x6: {  	v5 =	vlaneseq.u32;
	v6 =	vimm.s32 $0x52741630;
	v7 =	vimm.s32 $0x63052741;
	s25 =	sadd.s32 $0x2C00, s0;
	s26 =	sadd.s32 $0x5000, s0;
	s6 =	sor.u32 s5, s24  }
0x7: {  	vm11 =	vcmask $0x1F1C;
	vm12 =	vmmov $0xff;
	vm13 =	vcmask $0x2724;
	_ =	strace $0x80000047;
	[dreg:$0x3] =	wrdreg s25;
	s7 =	smul.u32 $0xF0, s6  }
0x8: {  	v8 =	vimm.s32 $0x74163052;
	vm14 =	vcmask $0x2F2C;
	vm15 =	vcmask $0x3734;
	s28 =	sadd.s32 $0xC8600, s0;
	[dreg:$0x4] =	wrdreg s26;
	s6 =	smul.u32 $0x1400, s6  }
0x9: {  	v0 =	vmul.u32 $0x3, v5;
	v1 =	vunpack.c.l.s4.s8 v1;
	v4 =	vunpack.c.l.s4.s8 v4;
	s8 =	ssub.s32 $0x2, s5;
	[dreg:$0x5] =	wrdreg s28  }
0xa: {  	v5 =	vmul.u32 $0x2, v5;
	v9 =	vunpack.c.l.s4.s8 v6;
	v10 =	vunpack.c.l.s4.s8 v7;
	s29 =	sshrl.u32 s8, $0x1;
	s0 =	sadd.s32 s7, s0;
	s30 =	sadd.s32 s1, s6  }
0xb: {  	v11 =	vunpack.c.l.s4.s8 v8;
	v6 =	vimm.s32 $0x1;
	v1 =	vunpack.c.0.s8.s32 v1;
	s7 =	ssub.s32 s8, s29;
	s0 =	sadd.s32 $0x3200, s0;
	[dreg:$0x7] =	wrdreg s30  }
0xc: {  	v2 =	vadd.s32 $0x1, v0;
	v3 =	vadd.s32 $0x2, v0;
	v4 =	vunpack.c.0.s8.s32 v4;
	s31 =	smax.u32 s7, $0x1;
	[dreg:$0x6] =	wrdreg s0  }
0xd: {  	s2 =	simm.s32 $0x0;
	v7 =	vunpack.c.0.s8.s32 v9;
	v8 =	vunpack.c.0.s8.s32 v10;
	v9 =	vunpack.c.0.s8.s32 v11;
	s1 =	simm.s32 $0x2;
	[dreg:$0x8] =	wrdreg s31  }
.LBB2_1:
0xe: {  	[dreg:$0x9] =	wrdreg s2  }
0xf: {  	s0 =	rddreg [dreg:$0x6]  }
0x10: {  	[tilespmem:s4], [sflag:$0x2] =	stream.linear.gather [hbm4b:s0+s4], $0x780, $0x38;
	[tilespmem:$0x14F00] =	vst v63  }
0x11: {  	s2 =	simm.s32 $0xA20;
	_ =	swait.ge [sflag:s1], $0x780  }
0x12: {  	s20 =	simm.s32 $0xCA0;
	s21 =	simm.s32 $0x0;
	[sflag:s1] =	ssyncset.done $0x0  }
0x13: {  	s0 =	simm.s32 $0xFFFFFFFC;
	[sflag:s1] =	ssyncadd.s32 $0xFFFFF880;
	s1 =	simm.s32 $0x7A0  }
.LBB2_2:
0x14: {  	v10 =	vor.u32 s21, v0  }
0x15: {  	v10 =	vand.u32 v1, v10;
	_ =	sdelay $0x3  }
0x16: {  	s19 =	simm.s32 $0x0  }
0x17: {  	v10 =	vld.idx.msk [tilespmem:v10+s19+$0x0], $0xffff  }
0x18: {  	v11 =	vor.u32 s21, v2;
	_ =	sdelay $0x3  }
0x19: {  	[tilespmem:s1+$0xFFFFFFE0] =	vst v10  }
0x1a: {  	v10 =	vld.idx.msk [tilespmem:v11+s19+$0x0], $0xffff  }
0x1b: {  	v11 =	vor.u32 s21, v3;
	_ =	sdelay $0x3  }
0x1c: {  	[tilespmem:s2+$0xFFFFFFE0] =	vst v10  }
0x1d: {  	v10 =	vld.idx.msk [tilespmem:v11+s19+$0x0], $0xffff;
	_ =	sdelay $0x4  }
0x1e: {  	v10 =	vadd.s32 $0xA7, v10  }
0x1f: {  	(v2sf) =	vpush v10, $0xD;
	_ =	sdelay $0x1  }
0x20: {  	(v2sf) =	vpush v10, $0xC;
	_ =	sdelay $0x1  }
0x21: {  	(v2sf) =	vpush v10, $0xE;
	_ =	sdelay $0x1  }
0x22: {  	(v2sf) =	vpush v10, $0xF;
	_ =	sdelay $0x1  }
0x23: {  	(v2sf) =	vpush v10, $0x9;
	_ =	sdelay $0x1  }
0x24: {  	(v2sf) =	vpush v10, $0x8;
	_ =	sdelay $0x1  }
0x25: {  	(v2sf) =	vpush v10, $0xA;
	_ =	sdelay $0x1  }
0x26: {  	(v2sf) =	vpush v10, $0xB  }
0x27: {  	s28 =	spop (v2sf)  }
0x28: {  	[dreg:$0xb] =	wrdreg s1;
	(v2sf) =	vpush v10, $0x0;
	s6 =	smulhi.u32 $0x30C30C31, s28;
	s1 =	sshra.s32 s28, $0x1F  }
0x29: {  	s7 =	spop (v2sf);
	(v2sf) =	vpush v10, $0x1;
	s1 =	smul.u32 $0x30C30C31, s1  }
0x2a: {  	s8 =	smulhi.u32 $0x30C30C31, s7;
	s7 =	sshra.s32 s7, $0x1F;
	(v2sf) =	vpush v10, $0x2  }
0x2b: {  	s11 =	spop (v2sf);
	s7 =	smul.u32 $0x30C30C31, s7;
	(v2sf) =	vpush v10, $0x3  }
0x2c: {  	[dreg:$0xc] =	wrdreg s2;
	s13 =	smulhi.u32 $0x30C30C31, s11;
	s11 =	sshra.s32 s11, $0x1F;
	(v2sf) =	vpush v10, $0x4  }
0x2d: {  	s12 =	spop (v2sf);
	s11 =	smul.u32 $0x30C30C31, s11;
	(v2sf) =	vpush v10, $0x5  }
0x2e: {  	[dreg:$0xa] =	wrdreg s0;
	s29 =	smulhi.u32 $0x30C30C31, s12;
	s30 =	sshra.s32 s12, $0x1F;
	(v2sf) =	vpush v10, $0x6  }
0x2f: {  	s23 =	sadd.s32 s1, s6;
	s14 =	spop (v2sf);
	s6 =	smul.u32 $0x30C30C31, s30;
	(v2sf) =	vpush v10, $0x7  }
0x30: {  	s12 =	sshrl.u32 s23, $0x1F;
	s15 =	smulhi.u32 $0x30C30C31, s14;
	s31 =	sshra.s32 s14, $0x1F  }
0x31: {  	s30 =	sadd.s32 s7, s8;
	s0 =	spop (v2sf);
	s14 =	smul.u32 $0x30C30C31, s31  }
0x32: {  	s22 =	sshrl.u32 s30, $0x1F;
	s2 =	smulhi.u32 $0x30C30C31, s0;
	s3 =	sshra.s32 s0, $0x1F  }
0x33: {  	s25 =	sadd.s32 s11, s13;
	s5 =	spop (v2sf);
	s4 =	smul.u32 $0x30C30C31, s3  }
0x34: {  	s28 =	sadd.s32 s6, s29;
	s24 =	smulhi.u32 $0x30C30C31, s5;
	s6 =	sshra.s32 s5, $0x1F  }
0x35: {  	s7 =	sshrl.u32 s25, $0x1F;
	s9 =	spop (v2sf);
	s26 =	smul.u32 $0x30C30C31, s6  }
0x36: {  	s8 =	sshrl.u32 s28, $0x1F;
	s29 =	smulhi.u32 $0x30C30C31, s9;
	s10 =	sshra.s32 s9, $0x1F  }
0x37: {  	s1 =	sadd.s32 s14, s15;
	s31 =	smul.u32 $0x30C30C31, s10;
	s15 =	spop (v2sf)  }
0x38: {  	s9 =	smulhi.u32 $0x30C30C31, s15;
	s16 =	sshra.s32 s15, $0x1F;
	s3 =	spop (v2sf)  }
0x39: {  	s14 =	sadd.s32 s4, s2;
	s13 =	smul.u32 $0x30C30C31, s16;
	s17 =	spop (v2sf)  }
0x3a: {  	s4 =	smulhi.u32 $0x30C30C31, s3;
	s3 =	sshra.s32 s3, $0x1F;
	s5 =	spop (v2sf)  }
0x3b: {  	s6 =	sshrl.u32 s1, $0x1F;
	s3 =	smul.u32 $0x30C30C31, s3;
	s10 =	spop (v2sf)  }
0x3c: {  	s0 =	smulhi.u32 $0x30C30C31, s17;
	s11 =	sshra.s32 s17, $0x1F;
	s2 =	spop (v2sf)  }
0x3d: {  	s15 =	sadd.s32 s26, s24;
	s24 =	smul.u32 $0x30C30C31, s11;
	s26 =	spop (v2sf)  }
0x3e: {  	s11 =	sadd.s32 s31, s29;
	s29 =	smulhi.u32 $0x30C30C31, s5;
	s18 =	spop (v2sf)  }
0x3f: {  	s9 =	sadd.s32 s13, s9;
	s13 =	smulhi.u32 $0x30C30C31, s18;
	s31 =	sshra.s32 s18, $0x1F  }
0x40: {  	s1 =	sshra.s32 s1, $0x5;
	s17 =	sshra.s32 s5, $0x1F;
	s18 =	smul.u32 $0x30C30C31, s31  }
0x41: {  	s16 =	sshrl.u32 s14, $0x1F;
	s3 =	sadd.s32 s3, s4;
	s4 =	smul.u32 $0x30C30C31, s17  }
0x42: {  	s5 =	sshrl.u32 s9, $0x1F;
	s0 =	sadd.s32 s24, s0;
	s13 =	sadd.s32 s18, s13  }
0x43: {  	v13 =	vmov s5;
	s5 =	smulhi.u32 $0x30C30C31, s2;
	s2 =	sshra.s32 s2, $0x1F;
	s17 =	sshra.s32 s13, $0x1F  }
0x44: {  	s4 =	sadd.s32 s4, s29;
	s29 =	smulhi.u32 $0x30C30C31, s10;
	s18 =	sshra.s32 s9, $0x5;
	v11 =	vmov s17  }
0x45: {  	v12 =	vmov s22;
	s10 =	sshra.s32 s10, $0x1F;
	s2 =	smul.u32 $0x30C30C31, s2;
	s9 =	sshra.s32 s9, $0x1F;
	v11 =	vsel vm3, s18, v11  }
0x46: {  	v12 =	vsel vm0, s12, v12;
	s24 =	sshrl.u32 s11, $0x1F;
	s22 =	sshra.s32 s3, $0x5;
	s10 =	smul.u32 $0x30C30C31, s10;
	v11 =	vsel vm8, s9, v11  }
0x47: {  	v12 =	vsel vm1, s7, v12;
	v13 =	vnsel vm3, $0x0, v13;
	s17 =	sshrl.u32 s3, $0x1F;
	s3 =	sshra.s32 s3, $0x1F;
	s18 =	sshrl.u32 s0, $0x1F;
	v11 =	vsel vm0, s22, v11  }
0x48: {  	v14 =	vmov s16;
	v13 =	vsel vm0, s17, v13;
	s17 =	smulhi.u32 $0x30C30C31, s26;
	s22 =	sshra.s32 s26, $0x1F;
	s26 =	sshra.s32 s0, $0x5;
	v11 =	vsel vm9, s3, v11  }
0x49: {  	v14 =	vsel vm0, s6, v14;
	s12 =	sshrl.u32 s4, $0x1F;
	s31 =	sshrl.u32 s15, $0x1F;
	v13 =	vsel vm1, s18, v13;
	s0 =	sshra.s32 s0, $0x1F;
	v11 =	vsel vm1, s26, v11  }
0x4a: {  	s2 =	sadd.s32 s2, s5;
	s10 =	sadd.s32 s10, s29;
	v14 =	vsel vm1, s31, v14;
	v13 =	vsel vm2, s12, v13;
	s12 =	sshra.s32 s4, $0x5;
	v11 =	vsel vm10, s0, v11  }
0x4b: {  	v12 =	vsel vm2, s8, v12;
	s16 =	sshrl.u32 s2, $0x1F;
	s29 =	sshra.s32 s14, $0x5;
	v14 =	vsel vm2, s24, v14;
	s18 =	sshra.s32 s4, $0x1F;
	v11 =	vsel vm2, s12, v11  }
0x4c: {  	s7 =	sshrl.u32 s10, $0x1F;
	s24 =	sshra.s32 s10, $0x5;
	v15 =	vmov s29;
	v12 =	vcombine.low v14, v12;
	s9 =	smul.u32 $0x30C30C31, s22;
	v11 =	vsel vm11, s18, v11  }
0x4d: {  	s31 =	sshra.s32 s23, $0x5;
	v15 =	vsel vm0, s1, v15;
	v13 =	vsel vm4, s7, v13;
	s26 =	sshra.s32 s30, $0x5;
	s30 =	sshra.s32 s10, $0x1F;
	v11 =	vsel vm4, s24, v11  }
0x4e: {  	s7 =	sshra.s32 s2, $0x5;
	v13 =	vsel vm5, s16, v13;
	s17 =	sadd.s32 s9, s17;
	v42 =	vmov s26;
	s9 =	sshra.s32 s15, $0x5;
	v11 =	vsel vm13, s30, v11  }
0x4f: {  	s8 =	sshra.s32 s25, $0x5;
	s10 =	sshra.s32 s2, $0x1F;
	s22 =	sshrl.u32 s17, $0x1F;
	v14 =	vsel vm0, s31, v42;
	v15 =	vsel vm1, s9, v15;
	v11 =	vsel vm5, s7, v11  }
0x50: {  	s14 =	sshra.s32 s11, $0x5;
	s12 =	sshra.s32 s28, $0x5;
	s15 =	sshra.s32 s17, $0x5;
	v13 =	vsel vm6, s22, v13;
	v14 =	vsel vm1, s8, v14;
	v11 =	vsel vm14, s10, v11  }
0x51: {  	s16 =	sshrl.u32 s13, $0x1F;
	s17 =	sshra.s32 s17, $0x1F;
	v15 =	vsel vm2, s14, v15;
	v14 =	vsel vm2, s12, v14;
	v11 =	vsel vm6, s15, v11  }
0x52: {  	s18 =	sshra.s32 s13, $0x5;
	v13 =	vsel vm7, s16, v13;
	v14 =	vcombine.low v15, v14;
	v11 =	vsel vm15, s17, v11  }
0x53: {  	v12 =	vperm.xlane v12, v4;
	v13 =	vperm.xlane v13, v5;
	v11 =	vsel vm7, s18, v11  }
0x54: {  	v14 =	vperm.xlane v14, v4;
	v11 =	vperm.xlane v11, v5;
	_ =	sdelay $0x1  }
0x55: {  	v12 =	vsel vm12, v13, v12;
	v11 =	vsel vm12, v11, v14  }
0x56: {  	s22 =	sadd.s32 $0x30, s21;
	v11 =	vadd.s32 v12, v11  }
0x57: {  	v43 =	vadd.s32 s22, v0;
	vm15 =	vmmov vm14;
	v11 =	vmul.u32 $0xA8, v11  }
0x58: {  	vm14 =	vmmov vm13;
	vm13 =	vmmov vm11;
	v12 =	vand.u32 $0x1FF8, v43  }
0x59: {  	vm11 =	vmmov vm10;
	v10 =	vsub.s32 v10, v11;
	v11 =	vor.u32 v7, v12  }
0x5a: {  	vm10 =	vmmov vm9;
	vm9 =	vmmov vm8;
	vm8 =	vlt.s32 v10, $0x0  }
0x5b: {  	v44 =	vsel vm8, $0xA9, v6  }
0x5c: {  	v10 =	vadd.s32 v10, v44  }
0x5d: {  	[tilespmem:s20+$0xFFFFFFE0] =	vst v10;
	v10 =	vadd.s32 s22, v2  }
0x5e: {  	v11 =	vld.idx.msk [tilespmem:v11+s19+$0x0], $0xffff;
	v10 =	vand.u32 $0x1FF8, v10  }
0x5f: {  	v10 =	vor.u32 v8, v10;
	_ =	sdelay $0x2  }
0x60: {  	s23 =	rddreg [dreg:$0xb]  }
0x61: {  	[tilespmem:s23+$0xFFFFFFF0] =	vst v11;
	v11 =	vadd.s32 s22, v3  }
0x62: {  	v10 =	vld.idx.msk [tilespmem:v10+s19+$0x0], $0xffff;
	v11 =	vand.u32 $0x1FF8, v11  }
0x63: {  	v11 =	vor.u32 v9, v11;
	_ =	sdelay $0x2  }
0x64: {  	s24 =	rddreg [dreg:$0xc]  }
0x65: {  	[tilespmem:s24+$0xFFFFFFF0] =	vst v10  }
0x66: {  	v10 =	vld.idx.msk [tilespmem:v11+s19+$0x0], $0xffff;
	_ =	sdelay $0x4  }
0x67: {  	v10 =	vadd.s32 $0xA7, v10  }
0x68: {  	(v2sf) =	vpush v10, $0xD;
	_ =	sdelay $0x1  }
0x69: {  	(v2sf) =	vpush v10, $0xC;
	_ =	sdelay $0x1  }
0x6a: {  	(v2sf) =	vpush v10, $0xE;
	_ =	sdelay $0x1  }
0x6b: {  	(v2sf) =	vpush v10, $0xF;
	_ =	sdelay $0x1  }
0x6c: {  	(v2sf) =	vpush v10, $0x9;
	_ =	sdelay $0x1  }
0x6d: {  	(v2sf) =	vpush v10, $0x8;
	_ =	sdelay $0x1  }
0x6e: {  	(v2sf) =	vpush v10, $0xA;
	_ =	sdelay $0x1  }
0x6f: {  	(v2sf) =	vpush v10, $0xB  }
0x70: {  	s25 =	spop (v2sf)  }
0x71: {  	(v2sf) =	vpush v10, $0x0;
	s26 =	smulhi.u32 $0x30C30C31, s25;
	s0 =	sshra.s32 s25, $0x1F  }
0x72: {  	(v2sf) =	vpush v10, $0x1;
	s28 =	spop (v2sf);
	s0 =	smul.u32 $0x30C30C31, s0  }
0x73: {  	(v2sf) =	vpush v10, $0x2;
	s29 =	smulhi.u32 $0x30C30C31, s28;
	s2 =	sshra.s32 s28, $0x1F  }
0x74: {  	(v2sf) =	vpush v10, $0x3;
	s30 =	spop (v2sf);
	s2 =	smul.u32 $0x30C30C31, s2  }
0x75: {  	(v2sf) =	vpush v10, $0x4;
	s31 =	smulhi.u32 $0x30C30C31, s30;
	s4 =	sshra.s32 s30, $0x1F  }
0x76: {  	(v2sf) =	vpush v10, $0x5;
	s7 =	spop (v2sf);
	s4 =	smul.u32 $0x30C30C31, s4  }
0x77: {  	(v2sf) =	vpush v10, $0x6;
	s8 =	smulhi.u32 $0x30C30C31, s7;
	s9 =	sshra.s32 s7, $0x1F  }
0x78: {  	s23 =	sadd.s32 s0, s26;
	s10 =	spop (v2sf);
	(v2sf) =	vpush v10, $0x7;
	s1 =	smul.u32 $0x30C30C31, s9  }
0x79: {  	s12 =	sshrl.u32 s23, $0x1F;
	s11 =	smulhi.u32 $0x30C30C31, s10;
	s13 =	sshra.s32 s10, $0x1F  }
0x7a: {  	s30 =	sadd.s32 s2, s29;
	s14 =	spop (v2sf);
	s3 =	smul.u32 $0x30C30C31, s13  }
0x7b: {  	s9 =	sshrl.u32 s30, $0x1F;
	s15 =	smulhi.u32 $0x30C30C31, s14;
	s16 =	sshra.s32 s14, $0x1F  }
0x7c: {  	s25 =	sadd.s32 s4, s31;
	s17 =	spop (v2sf);
	s5 =	smul.u32 $0x30C30C31, s16  }
0x7d: {  	s7 =	sshrl.u32 s25, $0x1F;
	s0 =	smulhi.u32 $0x30C30C31, s17;
	s18 =	sshra.s32 s17, $0x1F  }
0x7e: {  	s28 =	sadd.s32 s1, s8;
	s22 =	spop (v2sf);
	s10 =	smul.u32 $0x30C30C31, s18  }
0x7f: {  	s8 =	sshrl.u32 s28, $0x1F;
	s2 =	smulhi.u32 $0x30C30C31, s22;
	s24 =	sshra.s32 s22, $0x1F  }
0x80: {  	s1 =	sadd.s32 s3, s11;
	s26 =	spop (v2sf);
	s3 =	smul.u32 $0x30C30C31, s24  }
0x81: {  	s13 =	smulhi.u32 $0x30C30C31, s26;
	s11 =	sshra.s32 s26, $0x1F;
	s29 =	spop (v2sf)  }
0x82: {  	s6 =	sshrl.u32 s1, $0x1F;
	s4 =	smul.u32 $0x30C30C31, s11;
	s31 =	spop (v2sf)  }
0x83: {  	s16 =	smulhi.u32 $0x30C30C31, s29;
	s29 =	sshra.s32 s29, $0x1F;
	s17 =	spop (v2sf)  }
0x84: {  	s14 =	sadd.s32 s5, s15;
	s22 =	smul.u32 $0x30C30C31, s29;
	s24 =	spop (v2sf)  }
0x85: {  	s26 =	smulhi.u32 $0x30C30C31, s31;
	s5 =	sshra.s32 s31, $0x1F;
	s29 =	spop (v2sf)  }
0x86: {  	s15 =	sadd.s32 s10, s0;
	s0 =	smul.u32 $0x30C30C31, s5;
	s5 =	spop (v2sf)  }
0x87: {  	s11 =	sadd.s32 s3, s2;
	s2 =	smulhi.u32 $0x30C30C31, s17;
	s31 =	spop (v2sf)  }
0x88: {  	s18 =	sshrl.u32 s14, $0x1F;
	s10 =	smulhi.u32 $0x30C30C31, s31;
	s3 =	sshra.s32 s31, $0x1F  }
0x89: {  	s16 =	sadd.s32 s22, s16;
	s22 =	sshra.s32 s17, $0x1F;
	s3 =	smul.u32 $0x30C30C31, s3  }
0x8a: {  	v47 =	vmov s18;
	s4 =	sadd.s32 s4, s13;
	s0 =	sadd.s32 s0, s26;
	s31 =	smul.u32 $0x30C30C31, s22  }
0x8b: {  	v14 =	vsel vm0, s6, v47;
	s26 =	sshrl.u32 s11, $0x1F;
	s17 =	sshrl.u32 s15, $0x1F;
	s13 =	sadd.s32 s3, s10  }
0x8c: {  	v14 =	vsel vm1, s17, v14;
	s22 =	sshra.s32 s24, $0x1F;
	s2 =	sadd.s32 s31, s2;
	s31 =	sshra.s32 s13, $0x1F  }
0x8d: {  	v45 =	vmov s9;
	v14 =	vsel vm2, s26, v14;
	s26 =	sshra.s32 s30, $0x5;
	s9 =	smul.u32 $0x30C30C31, s22;
	v11 =	vmov s31;
	s31 =	sshra.s32 s4, $0x5  }
0x8e: {  	s22 =	sshrl.u32 s0, $0x1F;
	s3 =	sshrl.u32 s4, $0x1F;
	s4 =	sshra.s32 s4, $0x1F;
	v11 =	vsel vm3, s31, v11  }
0x8f: {  	s10 =	smulhi.u32 $0x30C30C31, s24;
	s24 =	sshrl.u32 s16, $0x1F;
	s31 =	sshra.s32 s16, $0x5;
	v11 =	vsel vm9, s4, v11  }
0x90: {  	v12 =	vsel vm0, s12, v45;
	v46 =	vmov s3;
	s3 =	smulhi.u32 $0x30C30C31, s29;
	s29 =	sshra.s32 s29, $0x1F;
	s16 =	sshra.s32 s16, $0x1F;
	v11 =	vsel vm0, s31, v11  }
0x91: {  	v12 =	vsel vm1, s7, v12;
	s7 =	sshrl.u32 s2, $0x1F;
	s12 =	smul.u32 $0x30C30C31, s29;
	s31 =	sshra.s32 s0, $0x5;
	v11 =	vsel vm10, s16, v11  }
0x92: {  	vm8 =	vcmask $0x3734;
	v13 =	vnsel vm3, $0x0, v46;
	s29 =	smulhi.u32 $0x30C30C31, s5;
	s5 =	sshra.s32 s5, $0x1F;
	s0 =	sshra.s32 s0, $0x1F;
	v11 =	vsel vm1, s31, v11  }
0x93: {  	v12 =	vsel vm2, s8, v12;
	s9 =	sadd.s32 s9, s10;
	v13 =	vsel vm0, s24, v13;
	s5 =	smul.u32 $0x30C30C31, s5;
	s16 =	sshra.s32 s2, $0x5;
	v11 =	vsel vm11, s0, v11  }
0x94: {  	v12 =	vcombine.low v14, v12;
	s18 =	sshra.s32 s2, $0x1F;
	s10 =	sshrl.u32 s9, $0x1F;
	s24 =	sshra.s32 s9, $0x5;
	v13 =	vsel vm1, s22, v13;
	v11 =	vsel vm2, s16, v11  }
0x95: {  	v48 =	vmov s26;
	s3 =	sadd.s32 s12, s3;
	v13 =	vsel vm2, s7, v13;
	s5 =	sadd.s32 s5, s29;
	s29 =	sshra.s32 s14, $0x5;
	v11 =	vsel vm13, s18, v11  }
0x96: {  	s1 =	sshra.s32 s1, $0x5;
	s30 =	sshra.s32 s9, $0x1F;
	s17 =	sshrl.u32 s3, $0x1F;
	v13 =	vsel vm4, s10, v13;
	v49 =	vmov s29;
	v11 =	vsel vm4, s24, v11  }
0x97: {  	s7 =	sshra.s32 s3, $0x5;
	s22 =	sshrl.u32 s5, $0x1F;
	v13 =	vsel vm5, s17, v13;
	s31 =	sshra.s32 s23, $0x5;
	v15 =	vsel vm0, s1, v49;
	v11 =	vsel vm14, s30, v11  }
0x98: {  	s8 =	sshra.s32 s25, $0x5;
	s9 =	sshra.s32 s15, $0x5;
	s10 =	sshra.s32 s3, $0x1F;
	v13 =	vsel vm6, s22, v13;
	v14 =	vsel vm0, s31, v48;
	v11 =	vsel vm5, s7, v11  }
0x99: {  	s12 =	sshra.s32 s28, $0x5;
	s14 =	sshra.s32 s11, $0x5;
	s15 =	sshra.s32 s5, $0x5;
	v15 =	vsel vm1, s9, v15;
	v14 =	vsel vm1, s8, v14;
	v11 =	vsel vm15, s10, v11  }
0x9a: {  	s17 =	sshra.s32 s5, $0x1F;
	s16 =	sshrl.u32 s13, $0x1F;
	v15 =	vsel vm2, s14, v15;
	v14 =	vsel vm2, s12, v14;
	v11 =	vsel vm6, s15, v11  }
0x9b: {  	v13 =	vsel vm7, s16, v13;
	s18 =	sshra.s32 s13, $0x5;
	v14 =	vcombine.low v15, v14;
	v11 =	vsel vm8, s17, v11  }
0x9c: {  	v12 =	vperm.xlane v12, v4;
	v13 =	vperm.xlane v13, v5;
	v11 =	vsel vm7, s18, v11  }
0x9d: {  	v14 =	vperm.xlane v14, v4;
	v11 =	vperm.xlane v11, v5;
	_ =	sdelay $0x1  }
0x9e: {  	v12 =	vsel vm12, v13, v12;
	v11 =	vsel vm12, v11, v14  }
0x9f: {  	s22 =	sadd.s32 $0x60, s21;
	v11 =	vadd.s32 v12, v11  }
0xa0: {  	v50 =	vadd.s32 s22, v0;
	v11 =	vmul.u32 $0xA8, v11  }
0xa1: {  	v12 =	vand.u32 $0x1FF8, v50  }
0xa2: {  	v10 =	vsub.s32 v10, v11;
	v11 =	vor.u32 v7, v12  }
0xa3: {  	vm8 =	vlt.s32 v10, $0x0  }
0xa4: {  	v51 =	vsel vm8, $0xA9, v6  }
0xa5: {  	v10 =	vadd.s32 v10, v51  }
0xa6: {  	[tilespmem:s20+$0xFFFFFFF0] =	vst v10;
	v10 =	vadd.s32 s22, v2  }
0xa7: {  	v11 =	vld.idx.msk [tilespmem:v11+s19+$0x0], $0xffff;
	v10 =	vand.u32 $0x1FF8, v10  }
0xa8: {  	v10 =	vor.u32 v8, v10;
	_ =	sdelay $0x2  }
0xa9: {  	s23 =	rddreg [dreg:$0xb]  }
0xaa: {  	[tilespmem:s23+$0x0] =	vst v11;
	v11 =	vadd.s32 s22, v3  }
0xab: {  	v10 =	vld.idx.msk [tilespmem:v10+s19+$0x0], $0xffff;
	v11 =	vand.u32 $0x1FF8, v11  }
0xac: {  	v11 =	vor.u32 v9, v11;
	_ =	sdelay $0x2  }
0xad: {  	s24 =	rddreg [dreg:$0xc]  }
0xae: {  	[tilespmem:s24+$0x0] =	vst v10  }
0xaf: {  	v10 =	vld.idx.msk [tilespmem:v11+s19+$0x0], $0xffff;
	_ =	sdelay $0x4  }
0xb0: {  	v10 =	vadd.s32 $0xA7, v10  }
0xb1: {  	(v2sf) =	vpush v10, $0xD;
	_ =	sdelay $0x1  }
0xb2: {  	(v2sf) =	vpush v10, $0xC;
	_ =	sdelay $0x1  }
0xb3: {  	(v2sf) =	vpush v10, $0xE;
	_ =	sdelay $0x1  }
0xb4: {  	(v2sf) =	vpush v10, $0xF;
	_ =	sdelay $0x1  }
0xb5: {  	(v2sf) =	vpush v10, $0x9;
	_ =	sdelay $0x1  }
0xb6: {  	(v2sf) =	vpush v10, $0x8;
	_ =	sdelay $0x1  }
0xb7: {  	(v2sf) =	vpush v10, $0xA;
	_ =	sdelay $0x1  }
0xb8: {  	(v2sf) =	vpush v10, $0xB  }
0xb9: {  	s25 =	spop (v2sf)  }
0xba: {  	(v2sf) =	vpush v10, $0x0;
	s26 =	smulhi.u32 $0x30C30C31, s25;
	s0 =	sshra.s32 s25, $0x1F  }
0xbb: {  	(v2sf) =	vpush v10, $0x1;
	s28 =	spop (v2sf);
	s0 =	smul.u32 $0x30C30C31, s0  }
0xbc: {  	(v2sf) =	vpush v10, $0x2;
	s29 =	smulhi.u32 $0x30C30C31, s28;
	s2 =	sshra.s32 s28, $0x1F  }
0xbd: {  	(v2sf) =	vpush v10, $0x3;
	s30 =	spop (v2sf);
	s2 =	smul.u32 $0x30C30C31, s2  }
0xbe: {  	(v2sf) =	vpush v10, $0x4;
	s31 =	smulhi.u32 $0x30C30C31, s30;
	s4 =	sshra.s32 s30, $0x1F  }
0xbf: {  	s7 =	spop (v2sf);
	(v2sf) =	vpush v10, $0x5;
	s4 =	smul.u32 $0x30C30C31, s4  }
0xc0: {  	s8 =	smulhi.u32 $0x30C30C31, s7;
	s9 =	sshra.s32 s7, $0x1F;
	(v2sf) =	vpush v10, $0x6  }
0xc1: {  	s23 =	sadd.s32 s0, s26;
	s10 =	spop (v2sf);
	s1 =	smul.u32 $0x30C30C31, s9;
	(v2sf) =	vpush v10, $0x7  }
0xc2: {  	s12 =	sshrl.u32 s23, $0x1F;
	s11 =	smulhi.u32 $0x30C30C31, s10;
	s13 =	sshra.s32 s10, $0x1F  }
0xc3: {  	s30 =	sadd.s32 s2, s29;
	s14 =	spop (v2sf);
	s3 =	smul.u32 $0x30C30C31, s13  }
0xc4: {  	s9 =	sshrl.u32 s30, $0x1F;
	s15 =	smulhi.u32 $0x30C30C31, s14;
	s16 =	sshra.s32 s14, $0x1F  }
0xc5: {  	s25 =	sadd.s32 s4, s31;
	s17 =	spop (v2sf);
	s5 =	smul.u32 $0x30C30C31, s16  }
0xc6: {  	s7 =	sshrl.u32 s25, $0x1F;
	s0 =	smulhi.u32 $0x30C30C31, s17;
	s18 =	sshra.s32 s17, $0x1F  }
0xc7: {  	s28 =	sadd.s32 s1, s8;
	s22 =	spop (v2sf);
	s10 =	smul.u32 $0x30C30C31, s18  }
0xc8: {  	s8 =	sshrl.u32 s28, $0x1F;
	s2 =	smulhi.u32 $0x30C30C31, s22;
	s24 =	sshra.s32 s22, $0x1F  }
0xc9: {  	s1 =	sadd.s32 s3, s11;
	s26 =	spop (v2sf);
	s3 =	smul.u32 $0x30C30C31, s24  }
0xca: {  	s13 =	smulhi.u32 $0x30C30C31, s26;
	s11 =	sshra.s32 s26, $0x1F;
	s29 =	spop (v2sf)  }
0xcb: {  	s6 =	sshrl.u32 s1, $0x1F;
	s4 =	smul.u32 $0x30C30C31, s11;
	s31 =	spop (v2sf)  }
0xcc: {  	s16 =	smulhi.u32 $0x30C30C31, s29;
	s29 =	sshra.s32 s29, $0x1F;
	s17 =	spop (v2sf)  }
0xcd: {  	s14 =	sadd.s32 s5, s15;
	s22 =	smul.u32 $0x30C30C31, s29;
	s24 =	spop (v2sf)  }
0xce: {  	s26 =	smulhi.u32 $0x30C30C31, s31;
	s5 =	sshra.s32 s31, $0x1F;
	s29 =	spop (v2sf)  }
0xcf: {  	s15 =	sadd.s32 s10, s0;
	s0 =	smul.u32 $0x30C30C31, s5;
	s5 =	spop (v2sf)  }
0xd0: {  	s11 =	sadd.s32 s3, s2;
	s2 =	smulhi.u32 $0x30C30C31, s17;
	s31 =	spop (v2sf)  }
0xd1: {  	v52 =	vmov s9;
	s18 =	sshrl.u32 s14, $0x1F;
	s10 =	smulhi.u32 $0x30C30C31, s31;
	s3 =	sshra.s32 s31, $0x1F  }
0xd2: {  	v12 =	vsel vm0, s12, v52;
	s16 =	sadd.s32 s22, s16;
	s22 =	sshra.s32 s17, $0x1F;
	s3 =	smul.u32 $0x30C30C31, s3  }
0xd3: {  	v12 =	vsel vm1, s7, v12;
	s4 =	sadd.s32 s4, s13;
	s17 =	sshrl.u32 s15, $0x1F;
	s31 =	smul.u32 $0x30C30C31, s22  }
0xd4: {  	v12 =	vsel vm2, s8, v12;
	s0 =	sadd.s32 s0, s26;
	s8 =	smulhi.u32 $0x30C30C31, s5;
	s13 =	sadd.s32 s3, s10  }
0xd5: {  	s5 =	sshra.s32 s5, $0x1F;
	s2 =	sadd.s32 s31, s2;
	s31 =	sshra.s32 s13, $0x1F  }
0xd6: {  	s22 =	sshra.s32 s24, $0x1F;
	s5 =	smul.u32 $0x30C30C31, s5;
	v11 =	vmov s31;
	s31 =	sshra.s32 s4, $0x5  }
0xd7: {  	s9 =	smul.u32 $0x30C30C31, s22;
	s3 =	sshrl.u32 s4, $0x1F;
	s4 =	sshra.s32 s4, $0x1F;
	v11 =	vsel vm3, s31, v11  }
0xd8: {  	s26 =	sshrl.u32 s11, $0x1F;
	s10 =	smulhi.u32 $0x30C30C31, s24;
	s31 =	sshra.s32 s16, $0x5;
	v11 =	vsel vm9, s4, v11  }
0xd9: {  	v54 =	vmov s18;
	v53 =	vmov s3;
	s3 =	smulhi.u32 $0x30C30C31, s29;
	s29 =	sshra.s32 s29, $0x1F;
	v11 =	vsel vm0, s31, v11;
	s31 =	sshra.s32 s16, $0x1F  }
0xda: {  	vm8 =	vcmask $0x3734;
	v14 =	vsel vm0, s6, v54;
	s24 =	sshrl.u32 s16, $0x1F;
	s29 =	smul.u32 $0x30C30C31, s29;
	s16 =	sshra.s32 s0, $0x5;
	v11 =	vsel vm10, s31, v11  }
0xdb: {  	v14 =	vsel vm1, s17, v14;
	s22 =	sshrl.u32 s0, $0x1F;
	s5 =	sadd.s32 s5, s8;
	v13 =	vnsel vm3, $0x0, v53;
	s0 =	sshra.s32 s0, $0x1F;
	v11 =	vsel vm1, s16, v11  }
0xdc: {  	v14 =	vsel vm2, s26, v14;
	s8 =	sshra.s32 s30, $0x5;
	v13 =	vsel vm0, s24, v13;
	s3 =	sadd.s32 s29, s3;
	s29 =	sshra.s32 s2, $0x5;
	v11 =	vsel vm11, s0, v11  }
0xdd: {  	v12 =	vcombine.low v14, v12;
	s7 =	sshrl.u32 s2, $0x1F;
	s9 =	sadd.s32 s9, s10;
	v13 =	vsel vm1, s22, v13;
	s2 =	sshra.s32 s2, $0x1F;
	v11 =	vsel vm2, s29, v11  }
0xde: {  	v55 =	vmov s8;
	s10 =	sshra.s32 s14, $0x5;
	s14 =	sshra.s32 s23, $0x5;
	v13 =	vsel vm2, s7, v13;
	s7 =	sshra.s32 s9, $0x5;
	v11 =	vsel vm13, s2, v11  }
0xdf: {  	s1 =	sshra.s32 s1, $0x5;
	s17 =	sshra.s32 s25, $0x5;
	s12 =	sshra.s32 s9, $0x1F;
	v56 =	vmov s10;
	v14 =	vsel vm0, s14, v55;
	v11 =	vsel vm4, s7, v11  }
0xe0: {  	s18 =	sshra.s32 s15, $0x5;
	s24 =	sshrl.u32 s9, $0x1F;
	v15 =	vsel vm0, s1, v56;
	v14 =	vsel vm1, s17, v14;
	s16 =	sshra.s32 s3, $0x5;
	v11 =	vsel vm14, s12, v11  }
0xe1: {  	s23 =	sshra.s32 s28, $0x5;
	s22 =	sshra.s32 s3, $0x1F;
	v15 =	vsel vm1, s18, v15;
	v13 =	vsel vm4, s24, v13;
	s31 =	sshrl.u32 s3, $0x1F;
	v11 =	vsel vm5, s16, v11  }
0xe2: {  	s6 =	sshrl.u32 s5, $0x1F;
	s25 =	sshra.s32 s5, $0x5;
	v14 =	vsel vm2, s23, v14;
	s24 =	sshra.s32 s11, $0x5;
	v13 =	vsel vm5, s31, v13;
	v11 =	vsel vm15, s22, v11  }
0xe3: {  	s26 =	sshrl.u32 s13, $0x1F;
	s28 =	sshra.s32 s5, $0x1F;
	v15 =	vsel vm2, s24, v15;
	v13 =	vsel vm6, s6, v13;
	v11 =	vsel vm6, s25, v11  }
0xe4: {  	v14 =	vcombine.low v15, v14;
	v13 =	vsel vm7, s26, v13;
	s29 =	sshra.s32 s13, $0x5;
	v11 =	vsel vm8, s28, v11  }
0xe5: {  	v12 =	vperm.xlane v12, v4;
	v13 =	vperm.xlane v13, v5;
	v11 =	vsel vm7, s29, v11  }
0xe6: {  	v14 =	vperm.xlane v14, v4;
	v11 =	vperm.xlane v11, v5;
	_ =	sdelay $0x1  }
0xe7: {  	v12 =	vsel vm12, v13, v12;
	v11 =	vsel vm12, v11, v14  }
0xe8: {  	s30 =	sadd.s32 $0x90, s21;
	v11 =	vadd.s32 v12, v11  }
0xe9: {  	v57 =	vadd.s32 s30, v0;
	v11 =	vmul.u32 $0xA8, v11  }
0xea: {  	v12 =	vand.u32 $0x1FF8, v57  }
0xeb: {  	v10 =	vsub.s32 v10, v11;
	v11 =	vor.u32 v7, v12  }
0xec: {  	vm8 =	vlt.s32 v10, $0x0  }
0xed: {  	v58 =	vsel vm8, $0xA9, v6  }
0xee: {  	v10 =	vadd.s32 v10, v58  }
0xef: {  	[tilespmem:s20+$0x0] =	vst v10;
	v10 =	vadd.s32 s30, v2  }
0xf0: {  	v11 =	vld.idx.msk [tilespmem:v11+s19+$0x0], $0xffff;
	v10 =	vand.u32 $0x1FF8, v10  }
0xf1: {  	v10 =	vor.u32 v8, v10;
	_ =	sdelay $0x2  }
0xf2: {  	s31 =	rddreg [dreg:$0xb]  }
0xf3: {  	[tilespmem:s31+$0x10] =	vst v11;
	v11 =	vadd.s32 s30, v3  }
0xf4: {  	v10 =	vld.idx.msk [tilespmem:v10+s19+$0x0], $0xffff;
	v11 =	vand.u32 $0x1FF8, v11  }
0xf5: {  	v11 =	vor.u32 v9, v11;
	_ =	sdelay $0x2  }
0xf6: {  	s1 =	rddreg [dreg:$0xc]  }
0xf7: {  	[tilespmem:s1+$0x10] =	vst v10  }
0xf8: {  	v10 =	vld.idx.msk [tilespmem:v11+s19+$0x0], $0xffff;
	_ =	sdelay $0x4  }
0xf9: {  	v10 =	vadd.s32 $0xA7, v10  }
0xfa: {  	(v2sf) =	vpush v10, $0xD;
	_ =	sdelay $0x1  }
0xfb: {  	(v2sf) =	vpush v10, $0xC;
	_ =	sdelay $0x1  }
0xfc: {  	(v2sf) =	vpush v10, $0xE;
	_ =	sdelay $0x1  }
0xfd: {  	(v2sf) =	vpush v10, $0xF;
	_ =	sdelay $0x1  }
0xfe: {  	(v2sf) =	vpush v10, $0x9;
	_ =	sdelay $0x1  }
0xff: {  	(v2sf) =	vpush v10, $0x8;
	_ =	sdelay $0x1  }
0x100: {  	(v2sf) =	vpush v10, $0xA;
	_ =	sdelay $0x1  }
0x101: {  	(v2sf) =	vpush v10, $0xB  }
0x102: {  	s2 =	spop (v2sf)  }
0x103: {  	(v2sf) =	vpush v10, $0x0;
	s3 =	smulhi.u32 $0x30C30C31, s2;
	s0 =	sshra.s32 s2, $0x1F  }
0x104: {  	(v2sf) =	vpush v10, $0x1;
	s6 =	spop (v2sf);
	s0 =	smul.u32 $0x30C30C31, s0  }
0x105: {  	s7 =	smulhi.u32 $0x30C30C31, s6;
	s2 =	sshra.s32 s6, $0x1F  }
0x106: {  	(v2sf) =	vpush v10, $0x2;
	s23 =	spop (v2sf);
	s2 =	smul.u32 $0x30C30C31, s2  }
0x107: {  	(v2sf) =	vpush v10, $0x3;
	s25 =	smulhi.u32 $0x30C30C31, s23;
	s4 =	sshra.s32 s23, $0x1F  }
0x108: {  	(v2sf) =	vpush v10, $0x4;
	s24 =	spop (v2sf);
	s4 =	smul.u32 $0x30C30C31, s4  }
0x109: {  	(v2sf) =	vpush v10, $0x5;
	s9 =	smulhi.u32 $0x30C30C31, s24;
	s5 =	sshra.s32 s24, $0x1F  }
0x10a: {  	(v2sf) =	vpush v10, $0x6;
	s8 =	spop (v2sf);
	s5 =	smul.u32 $0x30C30C31, s5  }
0x10b: {  	(v2sf) =	vpush v10, $0x7;
	s11 =	smulhi.u32 $0x30C30C31, s8;
	s6 =	sshra.s32 s8, $0x1F  }
0x10c: {  	s10 =	spop (v2sf);
	s14 =	smul.u32 $0x30C30C31, s6  }
0x10d: {  	s23 =	sadd.s32 s0, s3;
	s16 =	smulhi.u32 $0x30C30C31, s10;
	s8 =	sshra.s32 s10, $0x1F  }
0x10e: {  	s28 =	sadd.s32 s2, s7;
	s12 =	spop (v2sf);
	s30 =	smul.u32 $0x30C30C31, s8  }
0x10f: {  	s3 =	sshrl.u32 s23, $0x1F;
	s22 =	smulhi.u32 $0x30C30C31, s12;
	s31 =	sshra.s32 s12, $0x1F  }
0x110: {  	s25 =	sadd.s32 s4, s25;
	s13 =	spop (v2sf);
	s24 =	smul.u32 $0x30C30C31, s31  }
0x111: {  	s1 =	sadd.s32 s5, s9;
	s29 =	smulhi.u32 $0x30C30C31, s13;
	s12 =	sshra.s32 s13, $0x1F  }
0x112: {  	s15 =	spop (v2sf);
	s9 =	sshrl.u32 s1, $0x1F;
	s0 =	smul.u32 $0x30C30C31, s12  }
0x113: {  	s19 =	spop (v2sf);
	s2 =	smulhi.u32 $0x30C30C31, s15;
	s13 =	sshra.s32 s15, $0x1F  }
0x114: {  	s12 =	sshrl.u32 s28, $0x1F;
	s30 =	sadd.s32 s30, s16;
	s31 =	smul.u32 $0x30C30C31, s13  }
0x115: {  	s17 =	spop (v2sf);
	s4 =	smulhi.u32 $0x30C30C31, s19;
	s15 =	sshra.s32 s19, $0x1F  }
0x116: {  	s13 =	sadd.s32 s24, s22;
	s18 =	spop (v2sf);
	s5 =	smul.u32 $0x30C30C31, s15  }
0x117: {  	s7 =	smulhi.u32 $0x30C30C31, s17;
	s8 =	sshra.s32 s17, $0x1F;
	s10 =	spop (v2sf)  }
0x118: {  	s15 =	sadd.s32 s14, s11;
	s8 =	smul.u32 $0x30C30C31, s8;
	s26 =	spop (v2sf)  }
0x119: {  	s16 =	smulhi.u32 $0x30C30C31, s18;
	s18 =	sshra.s32 s18, $0x1F;
	s6 =	spop (v2sf)  }
0x11a: {  	s11 =	sadd.s32 s0, s29;
	s0 =	smul.u32 $0x30C30C31, s18;
	s22 =	spop (v2sf)  }
0x11b: {  	s19 =	sshrl.u32 s25, $0x1F;
	s24 =	smulhi.u32 $0x30C30C31, s22;
	s14 =	sshra.s32 s22, $0x1F  }
0x11c: {  	s2 =	sadd.s32 s31, s2;
	s18 =	sshrl.u32 s15, $0x1F;
	s29 =	smul.u32 $0x30C30C31, s14  }
0x11d: {  	s4 =	sadd.s32 s5, s4;
	s31 =	smulhi.u32 $0x30C30C31, s10;
	s10 =	sshra.s32 s10, $0x1F  }
0x11e: {  	s5 =	sshrl.u32 s13, $0x1F;
	s7 =	sadd.s32 s8, s7;
	s14 =	sadd.s32 s29, s24  }
0x11f: {  	v59 =	vmov s12;
	s10 =	smul.u32 $0x30C30C31, s10;
	s17 =	sshrl.u32 s4, $0x1F;
	s24 =	sshra.s32 s14, $0x1F  }
0x120: {  	v12 =	vsel vm0, s3, v59;
	s0 =	sadd.s32 s0, s16;
	s16 =	sshra.s32 s7, $0x5;
	s29 =	sshra.s32 s2, $0x5;
	v11 =	vmov s24  }
0x121: {  	v12 =	vsel vm1, s19, v12;
	s8 =	sadd.s32 s10, s31;
	s31 =	sshrl.u32 s2, $0x1F;
	s2 =	sshra.s32 s2, $0x1F;
	v11 =	vsel vm3, s29, v11  }
0x122: {  	v12 =	vsel vm2, s9, v12;
	s10 =	sshrl.u32 s11, $0x1F;
	s9 =	smulhi.u32 $0x30C30C31, s6;
	s29 =	sshra.s32 s4, $0x5;
	v11 =	vsel vm9, s2, v11  }
0x123: {  	vm8 =	vcmask $0x3734;
	s6 =	sshra.s32 s6, $0x1F;
	s22 =	sshrl.u32 s30, $0x1F;
	v60 =	vmov s31;
	s4 =	sshra.s32 s4, $0x1F;
	v11 =	vsel vm0, s29, v11  }
0x124: {  	s31 =	sshrl.u32 s7, $0x1F;
	s19 =	smul.u32 $0x30C30C31, s6;
	v13 =	vnsel vm3, $0x0, v60;
	v61 =	vmov s22;
	s22 =	sshra.s32 s7, $0x1F;
	v11 =	vsel vm10, s4, v11  }
0x125: {  	s7 =	sshra.s32 s28, $0x5;
	v13 =	vsel vm0, s17, v13;
	v14 =	vsel vm0, s18, v61;
	s24 =	smulhi.u32 $0x30C30C31, s26;
	s26 =	sshra.s32 s26, $0x1F;
	v11 =	vsel vm1, s16, v11  }
0x126: {  	s6 =	sshra.s32 s8, $0x5;
	v62 =	vmov s7;
	v14 =	vsel vm1, s5, v14;
	s12 =	smul.u32 $0x30C30C31, s26;
	s29 =	sshra.s32 s0, $0x5;
	v11 =	vsel vm11, s22, v11  }
0x127: {  	s17 =	sshrl.u32 s0, $0x1F;
	v13 =	vsel vm1, s31, v13;
	v14 =	vsel vm2, s10, v14;
	s10 =	sshra.s32 s8, $0x1F;
	s0 =	sshra.s32 s0, $0x1F;
	v11 =	vsel vm2, s29, v11  }
0x128: {  	v13 =	vsel vm2, s17, v13;
	v12 =	vcombine.low v14, v12;
	s26 =	sshrl.u32 s8, $0x1F;
	s24 =	sadd.s32 s12, s24;
	s12 =	sshra.s32 s23, $0x5;
	v11 =	vsel vm13, s0, v11  }
0x129: {  	v13 =	vsel vm4, s26, v13;
	s31 =	sshrl.u32 s24, $0x1F;
	s4 =	sadd.s32 s19, s9;
	s9 =	sshra.s32 s30, $0x5;
	v14 =	vsel vm0, s12, v62;
	v11 =	vsel vm4, s6, v11  }
0x12a: {  	s18 =	sshra.s32 s25, $0x5;
	s17 =	sshra.s32 s24, $0x5;
	v13 =	vsel vm5, s31, v13;
	s16 =	sshra.s32 s15, $0x5;
	v63 =	vmov s9;
	v11 =	vsel vm14, s10, v11  }
0x12b: {  	s19 =	sshra.s32 s13, $0x5;
	s5 =	sshrl.u32 s4, $0x1F;
	v14 =	vsel vm1, s18, v14;
	v15 =	vsel vm0, s16, v63;
	s22 =	sshra.s32 s24, $0x1F;
	v11 =	vsel vm5, s17, v11  }
0x12c: {  	s1 =	sshra.s32 s1, $0x5;
	s23 =	sshra.s32 s11, $0x5;
	v13 =	vsel vm6, s5, v13;
	s24 =	sshra.s32 s4, $0x5;
	v15 =	vsel vm1, s19, v15;
	v11 =	vsel vm15, s22, v11  }
0x12d: {  	s25 =	sshrl.u32 s14, $0x1F;
	v14 =	vsel vm2, s1, v14;
	s29 =	sshra.s32 s4, $0x1F;
	v15 =	vsel vm2, s23, v15;
	v11 =	vsel vm6, s24, v11  }
0x12e: {  	s30 =	sshra.s32 s14, $0x5;
	v13 =	vsel vm7, s25, v13;
	v14 =	vcombine.low v15, v14;
	v11 =	vsel vm8, s29, v11  }
0x12f: {  	v12 =	vperm.xlane v12, v4;
	v13 =	vperm.xlane v13, v5;
	v11 =	vsel vm7, s30, v11  }
0x130: {  	v14 =	vperm.xlane v14, v4;
	v11 =	vperm.xlane v11, v5;
	_ =	sdelay $0x1  }
0x131: {  	v12 =	vsel vm12, v13, v12;
	v11 =	vsel vm12, v11, v14  }
0x132: {  	s31 =	rddreg [dreg:$0xa];
	v11 =	vadd.s32 v12, v11  }
0x133: {  	s0 =	sadd.s32 $0x4, s31;
	v11 =	vmul.u32 $0xA8, v11  }
0x134: {  	p0 =	slt.u32 s0, $0x24  }
.Ltmp0:
0x135: {  	v10 =	vsub.s32 v10, v11;
	(pc) =	sbr.rel @p0 .LBB2_2-.Ltmp0, $4  }
0x136: {  	vm8 =	vlt.s32 v10, $0x0  }
0x137: {  	s28 =	rddreg [dreg:$0xc];
	v11 =	vsel vm8, $0xA9, v6;
	vm8 =	vmmov vm9;
	vm9 =	vmmov vm10  }
0x138: {  	s21 =	sadd.s32 $0xC0, s21;
	s26 =	rddreg [dreg:$0xb];
	vm10 =	vmmov vm11;
	vm11 =	vmmov vm13;
	v10 =	vadd.s32 v10, v11  }
0x139: {  	s2 =	sadd.s32 $0x40, s28;
	s1 =	sadd.s32 $0x40, s26;
	vm13 =	vmmov vm14;
	vm14 =	vmmov vm15;
	vm15 =	vcmask $0x3734;
	[tilespmem:s20+$0x10] =	vst v10;
	s20 =	sadd.s32 $0x40, s20  }
0x13a: {  	s0 =	rddreg [dreg:$0x5]  }
0x13b: {  	s1 =	simm.s32 $0x80;
	s2 =	simm.s32 $0x780;
	s3 =	simm.s32 $0xF00  }
0x13c: {  	[tilespmem:s3], [sflag:$0x1] =	stream.indirect.gather [hbm4b:s0+s1], $0x40, s2, s1, $0xb8;
	[tilespmem:$0x14F00] =	vst v63  }
0x13d: {  	s17 =	simm.s32 $0x800;
	s4 =	simm.s32 $0x2F00  }
0x13e: {  	[tilespmem:s4], [sflag:$0x1] =	stream.indirect.gather [hbm4b:s0+s1], $0x40, s17, s1, $0xb8;
	[tilespmem:$0x14F00] =	vst v63  }
0x13f: {  	s18 =	simm.s32 $0x880;
	s19 =	simm.s32 $0x4F00  }
0x140: {  	[tilespmem:s19], [sflag:$0x1] =	stream.indirect.gather [hbm4b:s0+s1], $0x40, s18, s1, $0xb8;
	[tilespmem:$0x14F00] =	vst v63  }
0x141: {  	s20 =	simm.s32 $0x900;
	s21 =	simm.s32 $0x6F00  }
0x142: {  	[tilespmem:s21], [sflag:$0x1] =	stream.indirect.gather [hbm4b:s0+s1], $0x40, s20, s1, $0xb8;
	[tilespmem:$0x14F00] =	vst v63  }
0x143: {  	s22 =	simm.s32 $0x980;
	s23 =	simm.s32 $0x8F00  }
0x144: {  	[tilespmem:s23], [sflag:$0x1] =	stream.indirect.gather [hbm4b:s0+s1], $0x40, s22, s1, $0xb8;
	[tilespmem:$0x14F00] =	vst v63  }
0x145: {  	s24 =	rddreg [dreg:$0x4];
	s25 =	simm.s32 $0xA00;
	s26 =	simm.s32 $0xAF00  }
0x146: {  	[tilespmem:s26], [sflag:$0x1] =	stream.indirect.gather [hbm4b:s24+s1], $0x40, s25, s1, $0xb8;
	[tilespmem:$0x14F00] =	vst v63  }
0x147: {  	s28 =	simm.s32 $0xA80;
	s5 =	simm.s32 $0xCF00  }
0x148: {  	[tilespmem:s5], [sflag:$0x1] =	stream.indirect.gather [hbm4b:s24+s1], $0x40, s28, s1, $0xb8;
	[tilespmem:$0x14F00] =	vst v63  }
0x149: {  	s29 =	simm.s32 $0xB00;
	s6 =	simm.s32 $0xEF00  }
0x14a: {  	[tilespmem:s6], [sflag:$0x1] =	stream.indirect.gather [hbm4b:s24+s1], $0x40, s29, s1, $0xb8;
	[tilespmem:$0x14F00] =	vst v63  }
0x14b: {  	s30 =	simm.s32 $0xB80;
	s7 =	simm.s32 $0x10F00  }
0x14c: {  	[tilespmem:s7], [sflag:$0x1] =	stream.indirect.gather [hbm4b:s24+s1], $0x40, s30, s1, $0xb8;
	[tilespmem:$0x14F00] =	vst v63  }
0x14d: {  	s31 =	simm.s32 $0xC00;
	s8 =	simm.s32 $0x12F00;
	s4 =	simm.s32 $0x1  }
0x14e: {  	[tilespmem:s8], [sflag:$0x1] =	stream.indirect.gather [hbm4b:s24+s1], $0x40, s31, s1, $0xb8;
	[tilespmem:$0x14F00] =	vst v63  }
0x14f: {  	_ =	swait.ge [sflag:s4], $0x2000  }
0x150: {  	[sflag:s4] =	ssyncset.done $0x0  }
0x151: {  	[sflag:s4] =	ssyncadd.s32 $0xFFFFE000  }
0x152: {  	_ =	swait.ge [sflag:s4], $0x2000  }
0x153: {  	[sflag:s4] =	ssyncset.done $0x0  }
0x154: {  	[sflag:s4] =	ssyncadd.s32 $0xFFFFE000  }
0x155: {  	_ =	swait.ge [sflag:s4], $0x2000  }
0x156: {  	[sflag:s4] =	ssyncset.done $0x0  }
0x157: {  	[sflag:s4] =	ssyncadd.s32 $0xFFFFE000  }
0x158: {  	_ =	swait.ge [sflag:s4], $0x2000  }
0x159: {  	[sflag:s4] =	ssyncset.done $0x0  }
0x15a: {  	[sflag:s4] =	ssyncadd.s32 $0xFFFFE000  }
0x15b: {  	_ =	swait.ge [sflag:s4], $0x2000  }
0x15c: {  	[sflag:s4] =	ssyncset.done $0x0  }
0x15d: {  	[sflag:s4] =	ssyncadd.s32 $0xFFFFE000  }
0x15e: {  	_ =	swait.ge [sflag:s4], $0x2000  }
0x15f: {  	[sflag:s4] =	ssyncset.done $0x0  }
0x160: {  	[sflag:s4] =	ssyncadd.s32 $0xFFFFE000  }
0x161: {  	_ =	swait.ge [sflag:s4], $0x2000  }
0x162: {  	[sflag:s4] =	ssyncset.done $0x0  }
0x163: {  	[sflag:s4] =	ssyncadd.s32 $0xFFFFE000  }
0x164: {  	_ =	swait.ge [sflag:s4], $0x2000  }
0x165: {  	[sflag:s4] =	ssyncset.done $0x0  }
0x166: {  	[sflag:s4] =	ssyncadd.s32 $0xFFFFE000  }
0x167: {  	_ =	swait.ge [sflag:s4], $0x2000  }
0x168: {  	[sflag:s4] =	ssyncset.done $0x0  }
0x169: {  	[sflag:s4] =	ssyncadd.s32 $0xFFFFE000  }
0x16a: {  	_ =	swait.ge [sflag:s4], $0x2000  }
0x16b: {  	[sflag:s4] =	ssyncset.done $0x0  }
0x16c: {  	s17 =	simm.s32 $0xF80;
	[sflag:s4] =	ssyncadd.s32 $0xFFFFE000  }
0x16d: {  	s18 =	simm.s32 $0xAF80;
	v10 =	vld [tilespmem:s17+$0xFFFFFF80]  }
0x16e: {  	v11 =	vld [tilespmem:s18+$0xFFFFFF80];
	_ =	sdelay $0x4  }
0x16f: {  	v10 =	vadd.f32 v11, v10;
	_ =	sdelay $0x1  }
0x170: {  	[tilespmem:s17+$0xFFFFFF80] =	vst v10;
	v10 =	vld [tilespmem:s17+$0xFFFFFF90]  }
0x171: {  	v11 =	vld [tilespmem:s18+$0xFFFFFF90];
	_ =	sdelay $0x4  }
0x172: {  	v10 =	vadd.f32 v11, v10;
	_ =	sdelay $0x1  }
0x173: {  	[tilespmem:s17+$0xFFFFFF90] =	vst v10;
	v10 =	vld [tilespmem:s17+$0xFFFFFFA0]  }
0x174: {  	v11 =	vld [tilespmem:s18+$0xFFFFFFA0];
	_ =	sdelay $0x4  }
0x175: {  	v10 =	vadd.f32 v11, v10;
	_ =	sdelay $0x1  }
0x176: {  	[tilespmem:s17+$0xFFFFFFA0] =	vst v10;
	v10 =	vld [tilespmem:s17+$0xFFFFFFB0]  }
0x177: {  	v11 =	vld [tilespmem:s18+$0xFFFFFFB0];
	_ =	sdelay $0x4  }
0x178: {  	v10 =	vadd.f32 v11, v10;
	_ =	sdelay $0x1  }
0x179: {  	[tilespmem:s17+$0xFFFFFFB0] =	vst v10;
	v10 =	vld [tilespmem:s17+$0xFFFFFFC0]  }
0x17a: {  	v11 =	vld [tilespmem:s18+$0xFFFFFFC0];
	_ =	sdelay $0x4  }
0x17b: {  	v10 =	vadd.f32 v11, v10;
	_ =	sdelay $0x1  }
0x17c: {  	[tilespmem:s17+$0xFFFFFFC0] =	vst v10;
	v10 =	vld [tilespmem:s17+$0xFFFFFFD0]  }
0x17d: {  	v11 =	vld [tilespmem:s18+$0xFFFFFFD0];
	_ =	sdelay $0x4  }
0x17e: {  	v10 =	vadd.f32 v11, v10;
	_ =	sdelay $0x1  }
0x17f: {  	[tilespmem:s17+$0xFFFFFFD0] =	vst v10;
	v10 =	vld [tilespmem:s17+$0xFFFFFFE0]  }
0x180: {  	v11 =	vld [tilespmem:s18+$0xFFFFFFE0];
	_ =	sdelay $0x4  }
0x181: {  	v10 =	vadd.f32 v11, v10;
	_ =	sdelay $0x1  }
0x182: {  	[tilespmem:s17+$0xFFFFFFE0] =	vst v10;
	v10 =	vld [tilespmem:s17+$0xFFFFFFF0]  }
0x183: {  	v11 =	vld [tilespmem:s18+$0xFFFFFFF0];
	_ =	sdelay $0x4  }
0x184: {  	v10 =	vadd.f32 v11, v10;
	_ =	sdelay $0x1  }
0x185: {  	[tilespmem:s17+$0xFFFFFFF0] =	vst v10;
	v10 =	vld [tilespmem:s17+$0x0]  }
0x186: {  	v11 =	vld [tilespmem:s18+$0x0];
	_ =	sdelay $0x4  }
0x187: {  	v10 =	vadd.f32 v11, v10;
	_ =	sdelay $0x1  }
0x188: {  	[tilespmem:s17+$0x0] =	vst v10;
	v10 =	vld [tilespmem:s17+$0x10]  }
0x189: {  	v11 =	vld [tilespmem:s18+$0x10];
	_ =	sdelay $0x4  }
0x18a: {  	v10 =	vadd.f32 v11, v10;
	_ =	sdelay $0x1  }
0x18b: {  	[tilespmem:s17+$0x10] =	vst v10;
	v10 =	vld [tilespmem:s17+$0x20]  }
0x18c: {  	v11 =	vld [tilespmem:s18+$0x20];
	_ =	sdelay $0x4  }
0x18d: {  	v10 =	vadd.f32 v11, v10;
	_ =	sdelay $0x1  }
0x18e: {  	[tilespmem:s17+$0x20] =	vst v10;
	v10 =	vld [tilespmem:s17+$0x30]  }
0x18f: {  	v11 =	vld [tilespmem:s18+$0x30];
	_ =	sdelay $0x4  }
0x190: {  	v10 =	vadd.f32 v11, v10;
	_ =	sdelay $0x1  }
0x191: {  	[tilespmem:s17+$0x30] =	vst v10;
	v10 =	vld [tilespmem:s17+$0x40]  }
0x192: {  	v11 =	vld [tilespmem:s18+$0x40];
	_ =	sdelay $0x4  }
0x193: {  	v10 =	vadd.f32 v11, v10;
	_ =	sdelay $0x1  }
0x194: {  	[tilespmem:s17+$0x40] =	vst v10;
	v10 =	vld [tilespmem:s17+$0x50]  }
0x195: {  	v11 =	vld [tilespmem:s18+$0x50];
	_ =	sdelay $0x4  }
0x196: {  	v10 =	vadd.f32 v11, v10;
	_ =	sdelay $0x1  }
0x197: {  	[tilespmem:s17+$0x50] =	vst v10;
	v10 =	vld [tilespmem:s17+$0x60]  }
0x198: {  	v11 =	vld [tilespmem:s18+$0x60];
	_ =	sdelay $0x4  }
0x199: {  	v10 =	vadd.f32 v11, v10;
	_ =	sdelay $0x1  }
0x19a: {  	[tilespmem:s17+$0x60] =	vst v10;
	v10 =	vld [tilespmem:s17+$0x70]  }
0x19b: {  	v11 =	vld [tilespmem:s18+$0x70];
	_ =	sdelay $0x4  }
0x19c: {  	s2 =	simm.s32 $0xF00;
	v10 =	vadd.f32 v11, v10  }
0x19d: {  	s3 =	simm.s32 $0xAF00;
	s19 =	simm.s32 $0x0;
	s20 =	simm.s32 $0x1080  }
.LBB2_4:
0x19e: {  	v11 =	vld [tilespmem:s20+$0xFFFFFF80];
	[tilespmem:s17+$0x70] =	vst v10;
	s18 =	sadd.s32 $0x100, s18;
	s17 =	smov.u32 s20  }
0x19f: {  	s19 =	sadd.s32 $0x4, s19;
	v10 =	vld [tilespmem:s18+$0xFFFFFF80]  }
0x1a0: {  	p0 =	slt.u32 s19, $0x27C;
	_ =	sdelay $0x3  }
0x1a1: {  	v10 =	vadd.f32 v10, v11;
	_ =	sdelay $0x1  }
0x1a2: {  	[tilespmem:s20+$0xFFFFFF80] =	vst v10;
	v10 =	vld [tilespmem:s20+$0xFFFFFF90]  }
0x1a3: {  	v11 =	vld [tilespmem:s18+$0xFFFFFF90];
	_ =	sdelay $0x4  }
0x1a4: {  	v10 =	vadd.f32 v11, v10;
	_ =	sdelay $0x1  }
0x1a5: {  	[tilespmem:s20+$0xFFFFFF90] =	vst v10;
	v10 =	vld [tilespmem:s20+$0xFFFFFFA0]  }
0x1a6: {  	v11 =	vld [tilespmem:s18+$0xFFFFFFA0];
	_ =	sdelay $0x4  }
0x1a7: {  	v10 =	vadd.f32 v11, v10;
	_ =	sdelay $0x1  }
0x1a8: {  	[tilespmem:s20+$0xFFFFFFA0] =	vst v10;
	v10 =	vld [tilespmem:s20+$0xFFFFFFB0]  }
0x1a9: {  	v11 =	vld [tilespmem:s18+$0xFFFFFFB0];
	_ =	sdelay $0x4  }
0x1aa: {  	v10 =	vadd.f32 v11, v10;
	_ =	sdelay $0x1  }
0x1ab: {  	[tilespmem:s20+$0xFFFFFFB0] =	vst v10;
	v10 =	vld [tilespmem:s20+$0xFFFFFFC0]  }
0x1ac: {  	v11 =	vld [tilespmem:s18+$0xFFFFFFC0];
	_ =	sdelay $0x4  }
0x1ad: {  	v10 =	vadd.f32 v11, v10;
	_ =	sdelay $0x1  }
0x1ae: {  	[tilespmem:s20+$0xFFFFFFC0] =	vst v10;
	v10 =	vld [tilespmem:s20+$0xFFFFFFD0]  }
0x1af: {  	v11 =	vld [tilespmem:s18+$0xFFFFFFD0];
	_ =	sdelay $0x4  }
0x1b0: {  	v10 =	vadd.f32 v11, v10;
	_ =	sdelay $0x1  }
0x1b1: {  	[tilespmem:s20+$0xFFFFFFD0] =	vst v10;
	v10 =	vld [tilespmem:s20+$0xFFFFFFE0]  }
0x1b2: {  	v11 =	vld [tilespmem:s18+$0xFFFFFFE0];
	_ =	sdelay $0x4  }
0x1b3: {  	v10 =	vadd.f32 v11, v10;
	_ =	sdelay $0x1  }
0x1b4: {  	[tilespmem:s20+$0xFFFFFFE0] =	vst v10;
	v10 =	vld [tilespmem:s20+$0xFFFFFFF0]  }
0x1b5: {  	v11 =	vld [tilespmem:s18+$0xFFFFFFF0];
	_ =	sdelay $0x4  }
0x1b6: {  	v10 =	vadd.f32 v11, v10;
	_ =	sdelay $0x1  }
0x1b7: {  	[tilespmem:s20+$0xFFFFFFF0] =	vst v10;
	v10 =	vld [tilespmem:s20+$0x0]  }
0x1b8: {  	v11 =	vld [tilespmem:s18+$0x0];
	_ =	sdelay $0x4  }
0x1b9: {  	v10 =	vadd.f32 v11, v10;
	_ =	sdelay $0x1  }
0x1ba: {  	[tilespmem:s20+$0x0] =	vst v10;
	v10 =	vld [tilespmem:s20+$0x10]  }
0x1bb: {  	v11 =	vld [tilespmem:s18+$0x10];
	_ =	sdelay $0x4  }
0x1bc: {  	v10 =	vadd.f32 v11, v10;
	_ =	sdelay $0x1  }
0x1bd: {  	[tilespmem:s20+$0x10] =	vst v10;
	v10 =	vld [tilespmem:s20+$0x20]  }
0x1be: {  	v11 =	vld [tilespmem:s18+$0x20];
	_ =	sdelay $0x4  }
0x1bf: {  	v10 =	vadd.f32 v11, v10;
	_ =	sdelay $0x1  }
0x1c0: {  	[tilespmem:s20+$0x20] =	vst v10;
	v10 =	vld [tilespmem:s20+$0x30]  }
0x1c1: {  	v11 =	vld [tilespmem:s18+$0x30];
	_ =	sdelay $0x4  }
0x1c2: {  	v10 =	vadd.f32 v11, v10;
	_ =	sdelay $0x1  }
0x1c3: {  	[tilespmem:s20+$0x30] =	vst v10;
	v10 =	vld [tilespmem:s20+$0x40]  }
0x1c4: {  	v11 =	vld [tilespmem:s18+$0x40];
	_ =	sdelay $0x4  }
0x1c5: {  	v10 =	vadd.f32 v11, v10;
	_ =	sdelay $0x1  }
0x1c6: {  	[tilespmem:s20+$0x40] =	vst v10;
	v10 =	vld [tilespmem:s20+$0x50]  }
0x1c7: {  	v11 =	vld [tilespmem:s18+$0x50];
	_ =	sdelay $0x4  }
0x1c8: {  	v10 =	vadd.f32 v11, v10;
	_ =	sdelay $0x1  }
0x1c9: {  	[tilespmem:s20+$0x50] =	vst v10;
	v10 =	vld [tilespmem:s20+$0x60]  }
0x1ca: {  	v11 =	vld [tilespmem:s18+$0x60];
	_ =	sdelay $0x4  }
0x1cb: {  	v10 =	vadd.f32 v11, v10;
	_ =	sdelay $0x1  }
0x1cc: {  	[tilespmem:s20+$0x60] =	vst v10;
	v10 =	vld [tilespmem:s20+$0x70]  }
0x1cd: {  	v11 =	vld [tilespmem:s18+$0x70];
	_ =	sdelay $0x1  }
.Ltmp1:
0x1ce: {  	(pc) =	sbr.rel @p0 .LBB2_4-.Ltmp1, $3  }
0x1cf: {  	_ =	sdelay $0x1  }
0x1d0: {  	v10 =	vadd.f32 v11, v10  }
0x1d1: {  	s20 =	sadd.s32 $0x100, s20  }
0x1d2: {  	[tilespmem:s17+$0x70] =	vst v10;
	s0 =	rddreg [dreg:$0x3];
	s9 =	simm.s32 $0xC80  }
0x1d3: {  	[tilespmem:s3], [sflag:$0x1] =	stream.indirect.gather [hbm4b:s0+s1], $0x40, s9, s1, $0xb8;
	[tilespmem:$0x14F00] =	vst v63  }
0x1d4: {  	s28 =	simm.s32 $0xD00  }
0x1d5: {  	[tilespmem:s5], [sflag:$0x1] =	stream.indirect.gather [hbm4b:s0+s1], $0x40, s28, s1, $0xb8;
	[tilespmem:$0x14F00] =	vst v63  }
0x1d6: {  	s29 =	simm.s32 $0xD80  }
0x1d7: {  	[tilespmem:s6], [sflag:$0x1] =	stream.indirect.gather [hbm4b:s0+s1], $0x40, s29, s1, $0xb8;
	[tilespmem:$0x14F00] =	vst v63  }
0x1d8: {  	s30 =	simm.s32 $0xE00  }
0x1d9: {  	[tilespmem:s7], [sflag:$0x1] =	stream.indirect.gather [hbm4b:s0+s1], $0x40, s30, s1, $0xb8;
	[tilespmem:$0x14F00] =	vst v63  }
0x1da: {  	s31 =	simm.s32 $0xE80  }
0x1db: {  	[tilespmem:s8], [sflag:$0x1] =	stream.indirect.gather [hbm4b:s0+s1], $0x40, s31, s1, $0xb8;
	[tilespmem:$0x14F00] =	vst v63  }
0x1dc: {  	_ =	swait.ge [sflag:s4], $0x2000  }
0x1dd: {  	[sflag:s4] =	ssyncset.done $0x0  }
0x1de: {  	[sflag:s4] =	ssyncadd.s32 $0xFFFFE000  }
0x1df: {  	_ =	swait.ge [sflag:s4], $0x2000  }
0x1e0: {  	[sflag:s4] =	ssyncset.done $0x0  }
0x1e1: {  	[sflag:s4] =	ssyncadd.s32 $0xFFFFE000  }
0x1e2: {  	_ =	swait.ge [sflag:s4], $0x2000  }
0x1e3: {  	[sflag:s4] =	ssyncset.done $0x0  }
0x1e4: {  	[sflag:s4] =	ssyncadd.s32 $0xFFFFE000  }
0x1e5: {  	_ =	swait.ge [sflag:s4], $0x2000  }
0x1e6: {  	[sflag:s4] =	ssyncset.done $0x0  }
0x1e7: {  	[sflag:s4] =	ssyncadd.s32 $0xFFFFE000  }
0x1e8: {  	_ =	swait.ge [sflag:s4], $0x2000  }
0x1e9: {  	[sflag:s4] =	ssyncset.done $0x0  }
0x1ea: {  	s17 =	simm.s32 $0xF80;
	[sflag:s4] =	ssyncadd.s32 $0xFFFFE000  }
0x1eb: {  	s18 =	simm.s32 $0xAF80;
	v10 =	vld [tilespmem:s17+$0xFFFFFF80]  }
0x1ec: {  	v11 =	vld [tilespmem:s18+$0xFFFFFF80];
	_ =	sdelay $0x4  }
0x1ed: {  	v10 =	vadd.f32 v11, v10;
	_ =	sdelay $0x1  }
0x1ee: {  	[tilespmem:s17+$0xFFFFFF80] =	vst v10;
	v10 =	vld [tilespmem:s17+$0xFFFFFF90]  }
0x1ef: {  	v11 =	vld [tilespmem:s18+$0xFFFFFF90];
	_ =	sdelay $0x4  }
0x1f0: {  	v10 =	vadd.f32 v11, v10;
	_ =	sdelay $0x1  }
0x1f1: {  	[tilespmem:s17+$0xFFFFFF90] =	vst v10;
	v10 =	vld [tilespmem:s17+$0xFFFFFFA0]  }
0x1f2: {  	v11 =	vld [tilespmem:s18+$0xFFFFFFA0];
	_ =	sdelay $0x4  }
0x1f3: {  	v10 =	vadd.f32 v11, v10;
	_ =	sdelay $0x1  }
0x1f4: {  	[tilespmem:s17+$0xFFFFFFA0] =	vst v10;
	v10 =	vld [tilespmem:s17+$0xFFFFFFB0]  }
0x1f5: {  	v11 =	vld [tilespmem:s18+$0xFFFFFFB0];
	_ =	sdelay $0x4  }
0x1f6: {  	v10 =	vadd.f32 v11, v10;
	_ =	sdelay $0x1  }
0x1f7: {  	[tilespmem:s17+$0xFFFFFFB0] =	vst v10;
	v10 =	vld [tilespmem:s17+$0xFFFFFFC0]  }
0x1f8: {  	v11 =	vld [tilespmem:s18+$0xFFFFFFC0];
	_ =	sdelay $0x4  }
0x1f9: {  	v10 =	vadd.f32 v11, v10;
	_ =	sdelay $0x1  }
0x1fa: {  	[tilespmem:s17+$0xFFFFFFC0] =	vst v10;
	v10 =	vld [tilespmem:s17+$0xFFFFFFD0]  }
0x1fb: {  	v11 =	vld [tilespmem:s18+$0xFFFFFFD0];
	_ =	sdelay $0x4  }
0x1fc: {  	v10 =	vadd.f32 v11, v10;
	_ =	sdelay $0x1  }
0x1fd: {  	[tilespmem:s17+$0xFFFFFFD0] =	vst v10;
	v10 =	vld [tilespmem:s17+$0xFFFFFFE0]  }
0x1fe: {  	v11 =	vld [tilespmem:s18+$0xFFFFFFE0];
	_ =	sdelay $0x4  }
0x1ff: {  	v10 =	vadd.f32 v11, v10;
	_ =	sdelay $0x1  }
0x200: {  	[tilespmem:s17+$0xFFFFFFE0] =	vst v10;
	v10 =	vld [tilespmem:s17+$0xFFFFFFF0]  }
0x201: {  	v11 =	vld [tilespmem:s18+$0xFFFFFFF0];
	_ =	sdelay $0x4  }
0x202: {  	v10 =	vadd.f32 v11, v10;
	_ =	sdelay $0x1  }
0x203: {  	[tilespmem:s17+$0xFFFFFFF0] =	vst v10;
	v10 =	vld [tilespmem:s17+$0x0]  }
0x204: {  	v11 =	vld [tilespmem:s18+$0x0];
	_ =	sdelay $0x4  }
0x205: {  	v10 =	vadd.f32 v11, v10;
	_ =	sdelay $0x1  }
0x206: {  	[tilespmem:s17+$0x0] =	vst v10;
	v10 =	vld [tilespmem:s17+$0x10]  }
0x207: {  	v11 =	vld [tilespmem:s18+$0x10];
	_ =	sdelay $0x4  }
0x208: {  	v10 =	vadd.f32 v11, v10;
	_ =	sdelay $0x1  }
0x209: {  	[tilespmem:s17+$0x10] =	vst v10;
	v10 =	vld [tilespmem:s17+$0x20]  }
0x20a: {  	v11 =	vld [tilespmem:s18+$0x20];
	_ =	sdelay $0x4  }
0x20b: {  	v10 =	vadd.f32 v11, v10;
	_ =	sdelay $0x1  }
0x20c: {  	[tilespmem:s17+$0x20] =	vst v10;
	v10 =	vld [tilespmem:s17+$0x30]  }
0x20d: {  	v11 =	vld [tilespmem:s18+$0x30];
	_ =	sdelay $0x4  }
0x20e: {  	v10 =	vadd.f32 v11, v10;
	_ =	sdelay $0x1  }
0x20f: {  	[tilespmem:s17+$0x30] =	vst v10;
	v10 =	vld [tilespmem:s17+$0x40]  }
0x210: {  	v11 =	vld [tilespmem:s18+$0x40];
	_ =	sdelay $0x4  }
0x211: {  	v10 =	vadd.f32 v11, v10;
	_ =	sdelay $0x1  }
0x212: {  	[tilespmem:s17+$0x40] =	vst v10;
	v10 =	vld [tilespmem:s17+$0x50]  }
0x213: {  	v11 =	vld [tilespmem:s18+$0x50];
	_ =	sdelay $0x4  }
0x214: {  	v10 =	vadd.f32 v11, v10;
	_ =	sdelay $0x1  }
0x215: {  	[tilespmem:s17+$0x50] =	vst v10;
	v10 =	vld [tilespmem:s17+$0x60]  }
0x216: {  	v11 =	vld [tilespmem:s18+$0x60];
	_ =	sdelay $0x4  }
0x217: {  	v10 =	vadd.f32 v11, v10;
	_ =	sdelay $0x1  }
0x218: {  	[tilespmem:s17+$0x60] =	vst v10;
	v10 =	vld [tilespmem:s17+$0x70]  }
0x219: {  	v11 =	vld [tilespmem:s18+$0x70];
	_ =	sdelay $0x4  }
0x21a: {  	v10 =	vadd.f32 v11, v10  }
0x21b: {  	s19 =	simm.s32 $0x0;
	s20 =	simm.s32 $0x1080;
	s1 =	simm.s32 $0x2  }
.LBB2_6:
0x21c: {  	v11 =	vld [tilespmem:s20+$0xFFFFFF80];
	[tilespmem:s17+$0x70] =	vst v10;
	s18 =	sadd.s32 $0x100, s18;
	s17 =	smov.u32 s20  }
0x21d: {  	s19 =	sadd.s32 $0x4, s19;
	v10 =	vld [tilespmem:s18+$0xFFFFFF80]  }
0x21e: {  	p0 =	slt.u32 s19, $0x27C;
	_ =	sdelay $0x3  }
0x21f: {  	v10 =	vadd.f32 v10, v11;
	_ =	sdelay $0x1  }
0x220: {  	[tilespmem:s20+$0xFFFFFF80] =	vst v10;
	v10 =	vld [tilespmem:s20+$0xFFFFFF90]  }
0x221: {  	v11 =	vld [tilespmem:s18+$0xFFFFFF90];
	_ =	sdelay $0x4  }
0x222: {  	v10 =	vadd.f32 v11, v10;
	_ =	sdelay $0x1  }
0x223: {  	[tilespmem:s20+$0xFFFFFF90] =	vst v10;
	v10 =	vld [tilespmem:s20+$0xFFFFFFA0]  }
0x224: {  	v11 =	vld [tilespmem:s18+$0xFFFFFFA0];
	_ =	sdelay $0x4  }
0x225: {  	v10 =	vadd.f32 v11, v10;
	_ =	sdelay $0x1  }
0x226: {  	[tilespmem:s20+$0xFFFFFFA0] =	vst v10;
	v10 =	vld [tilespmem:s20+$0xFFFFFFB0]  }
0x227: {  	v11 =	vld [tilespmem:s18+$0xFFFFFFB0];
	_ =	sdelay $0x4  }
0x228: {  	v10 =	vadd.f32 v11, v10;
	_ =	sdelay $0x1  }
0x229: {  	[tilespmem:s20+$0xFFFFFFB0] =	vst v10;
	v10 =	vld [tilespmem:s20+$0xFFFFFFC0]  }
0x22a: {  	v11 =	vld [tilespmem:s18+$0xFFFFFFC0];
	_ =	sdelay $0x4  }
0x22b: {  	v10 =	vadd.f32 v11, v10;
	_ =	sdelay $0x1  }
0x22c: {  	[tilespmem:s20+$0xFFFFFFC0] =	vst v10;
	v10 =	vld [tilespmem:s20+$0xFFFFFFD0]  }
0x22d: {  	v11 =	vld [tilespmem:s18+$0xFFFFFFD0];
	_ =	sdelay $0x4  }
0x22e: {  	v10 =	vadd.f32 v11, v10;
	_ =	sdelay $0x1  }
0x22f: {  	[tilespmem:s20+$0xFFFFFFD0] =	vst v10;
	v10 =	vld [tilespmem:s20+$0xFFFFFFE0]  }
0x230: {  	v11 =	vld [tilespmem:s18+$0xFFFFFFE0];
	_ =	sdelay $0x4  }
0x231: {  	v10 =	vadd.f32 v11, v10;
	_ =	sdelay $0x1  }
0x232: {  	[tilespmem:s20+$0xFFFFFFE0] =	vst v10;
	v10 =	vld [tilespmem:s20+$0xFFFFFFF0]  }
0x233: {  	v11 =	vld [tilespmem:s18+$0xFFFFFFF0];
	_ =	sdelay $0x4  }
0x234: {  	v10 =	vadd.f32 v11, v10;
	_ =	sdelay $0x1  }
0x235: {  	[tilespmem:s20+$0xFFFFFFF0] =	vst v10;
	v10 =	vld [tilespmem:s20+$0x0]  }
0x236: {  	v11 =	vld [tilespmem:s18+$0x0];
	_ =	sdelay $0x4  }
0x237: {  	v10 =	vadd.f32 v11, v10;
	_ =	sdelay $0x1  }
0x238: {  	[tilespmem:s20+$0x0] =	vst v10;
	v10 =	vld [tilespmem:s20+$0x10]  }
0x239: {  	v11 =	vld [tilespmem:s18+$0x10];
	_ =	sdelay $0x4  }
0x23a: {  	v10 =	vadd.f32 v11, v10;
	_ =	sdelay $0x1  }
0x23b: {  	[tilespmem:s20+$0x10] =	vst v10;
	v10 =	vld [tilespmem:s20+$0x20]  }
0x23c: {  	v11 =	vld [tilespmem:s18+$0x20];
	_ =	sdelay $0x4  }
0x23d: {  	v10 =	vadd.f32 v11, v10;
	_ =	sdelay $0x1  }
0x23e: {  	[tilespmem:s20+$0x20] =	vst v10;
	v10 =	vld [tilespmem:s20+$0x30]  }
0x23f: {  	v11 =	vld [tilespmem:s18+$0x30];
	_ =	sdelay $0x4  }
0x240: {  	v10 =	vadd.f32 v11, v10;
	_ =	sdelay $0x1  }
0x241: {  	[tilespmem:s20+$0x30] =	vst v10;
	v10 =	vld [tilespmem:s20+$0x40]  }
0x242: {  	v11 =	vld [tilespmem:s18+$0x40];
	_ =	sdelay $0x4  }
0x243: {  	v10 =	vadd.f32 v11, v10;
	_ =	sdelay $0x1  }
0x244: {  	[tilespmem:s20+$0x40] =	vst v10;
	v10 =	vld [tilespmem:s20+$0x50]  }
0x245: {  	v11 =	vld [tilespmem:s18+$0x50];
	_ =	sdelay $0x4  }
0x246: {  	v10 =	vadd.f32 v11, v10;
	_ =	sdelay $0x1  }
0x247: {  	[tilespmem:s20+$0x50] =	vst v10;
	v10 =	vld [tilespmem:s20+$0x60]  }
0x248: {  	v11 =	vld [tilespmem:s18+$0x60];
	_ =	sdelay $0x4  }
0x249: {  	v10 =	vadd.f32 v11, v10;
	_ =	sdelay $0x1  }
0x24a: {  	[tilespmem:s20+$0x60] =	vst v10;
	v10 =	vld [tilespmem:s20+$0x70]  }
0x24b: {  	v11 =	vld [tilespmem:s18+$0x70];
	_ =	sdelay $0x1  }
.Ltmp2:
0x24c: {  	(pc) =	sbr.rel @p0 .LBB2_6-.Ltmp2, $3  }
0x24d: {  	_ =	sdelay $0x1  }
0x24e: {  	v10 =	vadd.f32 v11, v10  }
0x24f: {  	s20 =	sadd.s32 $0x100, s20  }
0x250: {  	[tilespmem:s17+$0x70] =	vst v10;
	s4 =	simm.s32 $0x0;
	s0 =	rddreg [dreg:$0x7]  }
0x251: {  	[hbm4b:s0+s4] =	stream.linear.scatter [tilespmem:s2], [sflag:$0x2], $0xA000, $0x38;
	[tilespmem:$0x14F00] =	vst v63  }
0x252: {  	_ =	swait.ge [sflag:s1], $0xA000  }
0x253: {  	s30 =	rddreg [dreg:$0x9]  }
0x254: {  	s31 =	rddreg [dreg:$0x8];
	s2 =	sadd.s32 $0x1, s30  }
0x255: {  	p0 =	sne.s32 s2, s31  }
.Ltmp3:
0x256: {  	_ = 	snop;
	(pc) =	sbr.rel @p0 .LBB2_1-.Ltmp3, $3  }
0x257: {  	_ =	sdelay $0x1  }
0x258: {  	[sflag:s1] =	ssyncset.done $0x0  }
0x259: {  	[sflag:s1] =	ssyncadd.s32 $0xFFFF6000  }
0x25a: {  	_ =	sfence.sel $0x180000  }
0x25b: {  	[bflag:$0x0] =	sbarrier.arrive $0xFFFF  }
0x25c: {  	_ =	strace $0x90000047  }
0x25d: {  	s0 =	stileid.u32;
	[bflag:$0x2] =	sbarrier.arrive $0xFFFF  }
0x25e: {  	p0 =	sne.s32 s0, $0x0;
	s0 =	rddreg [dreg:$0x2]  }
0x25f: {  	s0 =	sadd.s32 @!p0 $0x100000, s0  }
0x260: {  	[sflag:s0] =	ssyncadd.tile.s32 @!p0 $0x1;
	_ =	shalt  }
.Lfunc_end2:
_tile_overlayer_lowered:
.L_overlay_start_2:
0x261: {  	(tag) =	ssettag $0x2  }
0x262: {  	s0 =	rddreg [dreg:$0x0];
	s2 =	stileid.u32  }
0x263: {  	s1 =	rddreg [dreg:$0x1];
	p0 =	sne.s32 s2, $0x0  }
0x264: {  	s3 =	rddreg [dreg:$0x2];
	[bflag:$0x3] =	sbarrier.arrive $0xFFFF;
	s2 =	simm.s32 @!p0 $0x1C02  }
0x265: {  	[timem:s3], [sflag:s2] =	dma.local @!p0 [hbm:s0], s1  }
0x266: {  	s0 =	simm.s32 @!p0 $0x2  }
0x267: {  	_ =	swait.ge @!p0 [sflag:s0], s1  }
0x268: {  	s1 =	ssub.s32 @!p0 $0x0, s1;
	[sflag:s0] =	ssyncset.done @!p0 $0x0  }
0x269: {  	[sflag:s0] =	ssyncadd.s32 @!p0 s1  }
0x26a: {  	[bflag:$0x3] =	sbarrier.arrive $0xFFFF  }
0x26b: {  	_ =	shalt  }

</sc_bundles>
